<compile_context>
chip_gen: v7x
topology: tpu7x:2x2x1
jax: 0.10.2.dev20260603
libtpu: 0.0.44.dev20260713+nightly
codegen_flags: <defaults>
</compile_context>

<pallas_src>
import functools

import jax
import jax.numpy as jnp
import numpy as np
from jax import lax
from jax.experimental import pallas as pl
from jax.experimental.pallas import tpu as pltpu
from jax.experimental.pallas import tpu_sc as plsc

B, M, NV, DV = 4, 1024, 20, 9
D, H, LNUM = 128, 8, 2
DH = D // H
KNN = 32
MAXD = 50.0
DFF = 512

TQ = 128
TILES = M // TQ
NT = B * TILES
ET = KNN * TQ
NE = B * M * KNN
BM = B * M
KV = 2 * D

_NC, _NS = 2, 16
NW = _NC * _NS
ROWS_W = NE // NW
CHUNK = 128
NCHUNK = ROWS_W // CHUNK


def _layer_norm(x, g, b):
    m = x.mean(-1, keepdims=True)
    v = ((x - m) ** 2).mean(-1, keepdims=True)
    return (x - m) / jnp.sqrt(v + 1e-5) * g + b


def _pointnet_kernel(mf_ref, w1, b1, w2, b2, w3, b3, wk, wv, x_ref, kv_ref):
    w1v = w1[...]
    b1v = b1[...]
    h = []
    for j in range(NV):
        f = mf_ref[0, j]
        h.append(jax.nn.relu(jnp.dot(f, w1v) + b1v))
    pooled = h[0]
    for j in range(1, NV):
        pooled = jnp.maximum(pooled, h[j])
    w2a = w2[0:64, :]
    w2b = w2[64:128, :]
    b2v = b2[...]
    pb = jnp.dot(pooled, w2b) + b2v
    g = None
    for j in range(NV):
        gj = jax.nn.relu(jnp.dot(h[j], w2a) + pb)
        g = gj if g is None else jnp.maximum(g, gj)
    x = jnp.dot(g, w3[...]) + b3[...]
    x_ref[...] = x
    kv_ref[:, 0:D] = jnp.dot(x, wk[...])
    kv_ref[:, D:KV] = jnp.dot(x, wv[...])


def _knn_kernel(posq_ref, headq_ref, poskt_ref, headk_ref, attrs_ref,
                idx_ref, rel_ref):
    b = pl.program_id(0)
    qx = posq_ref[0, :, 0:1]
    qy = posq_ref[0, :, 1:2]
    qh = headq_ref[0]
    kx = poskt_ref[0, 0:1, :]
    ky = poskt_ref[0, 1:2, :]
    attrs = attrs_ref[0]
    dxx = kx - qx
    dyy = ky - qy
    s2 = dxx * dxx + dyy * dyy + 1e-9
    d = jnp.where(s2 < MAXD * MAXD, s2, 1e9)
    iota = lax.broadcasted_iota(jnp.int32, (TQ, M), 1)
    cq = jnp.cos(qh)
    sq = jnp.sin(qh)
    base = b * M
    two_pi = 2.0 * np.pi
    for j in range(KNN):
        m = jnp.min(d, axis=1, keepdims=True)
        match = d == m
        idxsel = jnp.min(jnp.where(match, iota, M), axis=1, keepdims=True)
        onehot = iota == idxsel
        ohf = jnp.where(onehot, 1.0, 0.0)
        sel = jnp.dot(ohf, attrs)
        d = jnp.where(onehot, 2e9, d)
        dxs = sel[:, 0:1] - qx
        dys = sel[:, 1:2] - qy
        lxj = dxs * cq + dys * sq
        lyj = -dxs * sq + dys * cq
        w = sel[:, 2:3] - qh + np.pi
        dhj = w - jnp.floor(w / two_pi) * two_pi - np.pi
        r0 = j * TQ
        idx_ref[pl.ds(r0, TQ), :] = base + idxsel
        rel_ref[pl.ds(r0, TQ), :] = jnp.concatenate(
            [lxj, lyj, dhj, jnp.sqrt(m)], axis=1)


def _sc_gather(table, idx):
    mesh = plsc.VectorSubcoreMesh(core_axis_name="c", subcore_axis_name="s")

    @functools.partial(
        pl.kernel,
        mesh=mesh,
        out_type=jax.ShapeDtypeStruct((NE, KV), jnp.float32),
        scratch_types=[
            pltpu.VMEM((CHUNK,), jnp.int32),
            pltpu.VMEM((CHUNK, KV), jnp.float32),
            pltpu.SemaphoreType.DMA,
        ],
    )
    def gather_kernel(table_hbm, idx_hbm, out_hbm, idx_v, rows_v, sem):
        wid = lax.axis_index("s") * _NC + lax.axis_index("c")
        base = wid * ROWS_W

        def body(ci, carry):
            off = base + ci * CHUNK
            pltpu.sync_copy(idx_hbm.at[pl.ds(off, CHUNK)], idx_v)
            pltpu.async_copy(table_hbm.at[idx_v], rows_v, sem).wait()
            pltpu.sync_copy(rows_v, out_hbm.at[pl.ds(off, CHUNK)])
            return carry

        lax.fori_loop(0, NCHUNK, body, 0)

    return gather_kernel(table, idx)


def _attn_kernel(x_ref, kvn_ref, rel_ref, wq, wo, l1g, l1b, fw1, fb1, fw2,
                 fb2, l2g, l2b, rw1, rb1, rw2, rb2, wk2, wv2, bd_ref,
                 bdt_ref, xn_ref, kv_ref):
    x = x_ref[...]
    q = jnp.dot(x, wq[...])
    relv = rel_ref[...]
    ef = jnp.dot(jax.nn.relu(jnp.dot(relv, rw1[...]) + rb1[...]),
                 rw2[...]) + rb2[...]
    bd = bd_ref[...]
    bdt = bdt_ref[...]
    kvn = kvn_ref[...]
    s_list = []
    mx = None
    for j in range(KNN):
        r0 = j * TQ
        kn_j = kvn[r0:r0 + TQ, 0:D]
        ef_j = ef[r0:r0 + TQ, :]
        s_j = jnp.dot((kn_j + ef_j) * q, bd) * 0.25
        valid_j = relv[r0:r0 + TQ, 3:4] < MAXD
        s_j = jnp.where(valid_j, s_j, -1e9)
        s_list.append(s_j)
        mx = s_j if mx is None else jnp.maximum(mx, s_j)
    den = None
    o = None
    for j in range(KNN):
        r0 = j * TQ
        p_j = jnp.exp(s_list[j] - mx)
        den = p_j if den is None else den + p_j
        vn_j = kvn[r0:r0 + TQ, D:KV]
        o_j = jnp.dot(p_j, bdt) * vn_j
        o = o_j if o is None else o + o_j
    den_lanes = jnp.dot(den, bdt)
    o = jnp.dot(o / den_lanes, wo[...])
    x1 = _layer_norm(x + o, l1g[...], l1b[...])
    f = jnp.dot(jax.nn.relu(jnp.dot(x1, fw1[...]) + fb1[...]),
                fw2[...]) + fb2[...]
    x2 = _layer_norm(x1 + f, l2g[...], l2b[...])
    xn_ref[...] = x2
    kv_ref[:, 0:D] = jnp.dot(x2, wk2[...])
    kv_ref[:, D:KV] = jnp.dot(x2, wv2[...])


def _final_kernel(x_ref, g_ref, b_ref, w_ref, wb_ref, o_ref):
    y = _layer_norm(x_ref[...], g_ref[...], b_ref[...])
    o_ref[...] = jnp.dot(y, w_ref[...]) + wb_ref[...]


def _full(arr):
    nd = arr.ndim
    return pl.BlockSpec(arr.shape, lambda *_: (0,) * nd)


def kernel(map_feature, map_position, map_heading, map_feature_valid_mask,
           map_valid_mask, params):
    p = params
    l0 = p['layers'][0]
    r2 = lambda a: a.reshape(1, -1)

    mf_t = map_feature.transpose(0, 2, 1, 3)
    pos = map_position
    pos_t = map_position.transpose(0, 2, 1)
    headq = map_heading[..., None]
    headk = map_heading[:, None, :]

    bd = np.zeros((D, H), np.float32)
    for dd in range(D):
        bd[dd, dd // DH] = 1.0
    bd = jnp.asarray(bd)
    bdt = bd.T

    pe_w1, pe_b1 = p['pe_w1'], r2(p['pe_b1'])
    pe_w2, pe_b2 = p['pe_w2'], r2(p['pe_b2'])
    pe_w3, pe_b3 = p['pe_w3'], r2(p['pe_b3'])

    x0, kv0 = pl.pallas_call(
        _pointnet_kernel,
        grid=(B, TILES),
        compiler_params=pltpu.CompilerParams(
            dimension_semantics=("parallel", "parallel")),
        in_specs=[
            pl.BlockSpec((1, NV, TQ, DV), lambda b, t: (b, 0, t, 0)),
            _full(pe_w1), _full(pe_b1), _full(pe_w2), _full(pe_b2),
            _full(pe_w3), _full(pe_b3), _full(l0['wk']), _full(l0['wv']),
        ],
        out_specs=[
            pl.BlockSpec((TQ, D), lambda b, t: (b * TILES + t, 0)),
            pl.BlockSpec((TQ, KV), lambda b, t: (b * TILES + t, 0)),
        ],
        out_shape=[
            jax.ShapeDtypeStruct((BM, D), jnp.float32),
            jax.ShapeDtypeStruct((BM, KV), jnp.float32),
        ],
    )(mf_t, pe_w1, pe_b1, pe_w2, pe_b2, pe_w3, pe_b3, l0['wk'], l0['wv'])

    attrs = jnp.concatenate(
        [map_position, map_heading[..., None],
         jnp.zeros((B, M, 1), jnp.float32)], axis=-1)
    idxg, relv = pl.pallas_call(
        _knn_kernel,
        grid=(B, TILES),
        compiler_params=pltpu.CompilerParams(
            dimension_semantics=("parallel", "parallel")),
        in_specs=[
            pl.BlockSpec((1, TQ, 2), lambda b, t: (b, t, 0)),
            pl.BlockSpec((1, TQ, 1), lambda b, t: (b, t, 0)),
            pl.BlockSpec((1, 2, M), lambda b, t: (b, 0, 0)),
            pl.BlockSpec((1, 1, M), lambda b, t: (b, 0, 0)),
            pl.BlockSpec((1, M, 4), lambda b, t: (b, 0, 0)),
        ],
        out_specs=[
            pl.BlockSpec((ET, 1), lambda b, t: (b * TILES + t, 0)),
            pl.BlockSpec((ET, 4), lambda b, t: (b * TILES + t, 0)),
        ],
        out_shape=[
            jax.ShapeDtypeStruct((NE, 1), jnp.int32),
            jax.ShapeDtypeStruct((NE, 4), jnp.float32),
        ],
    )(pos, headq, pos_t, headk, attrs)
    idx_flat = idxg.reshape(NE)

    x, kv = x0, kv0
    for li in range(LNUM):
        lp = p['layers'][li]
        ln_next = p['layers'][li + 1] if li + 1 < LNUM else lp
        kvn = _sc_gather(kv, idx_flat)
        args = (x, kvn, relv, lp['wq'], lp['wo'], r2(lp['ln1_g']),
                r2(lp['ln1_b']), lp['ffn_w1'], r2(lp['ffn_b1']),
                lp['ffn_w2'], r2(lp['ffn_b2']), r2(lp['ln2_g']),
                r2(lp['ln2_b']), p['rel_w1'], r2(p['rel_b1']), p['rel_w2'],
                r2(p['rel_b2']), ln_next['wk'], ln_next['wv'], bd, bdt)
        x, kv = pl.pallas_call(
            _attn_kernel,
            grid=(NT,),
            compiler_params=pltpu.CompilerParams(
                dimension_semantics=("parallel",)),
            in_specs=[
                pl.BlockSpec((TQ, D), lambda i: (i, 0)),
                pl.BlockSpec((ET, KV), lambda i: (i, 0)),
                pl.BlockSpec((ET, 4), lambda i: (i, 0)),
            ] + [_full(a) for a in args[3:]],
            out_specs=[
                pl.BlockSpec((TQ, D), lambda i: (i, 0)),
                pl.BlockSpec((TQ, KV), lambda i: (i, 0)),
            ],
            out_shape=[
                jax.ShapeDtypeStruct((BM, D), jnp.float32),
                jax.ShapeDtypeStruct((BM, KV), jnp.float32),
            ],
        )(*args)

    y = pl.pallas_call(
        _final_kernel,
        out_shape=jax.ShapeDtypeStruct((BM, D), jnp.float32),
    )(x, r2(p['out_ln_g']), r2(p['out_ln_b']), p['out_w'], r2(p['out_b']))
    return y.reshape(B, M, D)

# --- scband reference (transcript-rebuilt; emitter-appended) ---
"""Pipeline reference for scband-scene-encoder-gpt-2671469658508 (READ-ONLY COPY).

The authoritative reference and input builder live on the scoring server;
editing this copy changes nothing except your own understanding.
"""

import jax, jax.numpy as jnp
import numpy as np

B, M, NV, DV = 4, 1024, 20, 9
D, H, L = 128, 8, 2
DH = D // H
KNN = 32
MAXD = 50.0
DFF = 512

def _nrm(key, shape, s=0.02):
    return jax.random.normal(key, shape, jnp.float32) * s

def _init_params():
    keys = jax.random.split(jax.random.key(1), 80)
    it = iter(keys)
    p = {
        'pe_w1': _nrm(next(it), (DV, 64)), 'pe_b1': jnp.zeros((64,), jnp.float32),
        'pe_w2': _nrm(next(it), (128, 64)), 'pe_b2': jnp.zeros((64,), jnp.float32),
        'pe_w3': _nrm(next(it), (64, D)), 'pe_b3': jnp.zeros((D,), jnp.float32),
        'rel_w1': _nrm(next(it), (4, D)), 'rel_b1': jnp.zeros((D,), jnp.float32),
        'rel_w2': _nrm(next(it), (D, D)), 'rel_b2': jnp.zeros((D,), jnp.float32),
        'out_ln_g': jnp.ones((D,), jnp.float32), 'out_ln_b': jnp.zeros((D,), jnp.float32),
        'out_w': _nrm(next(it), (D, D)), 'out_b': jnp.zeros((D,), jnp.float32),
    }
    layers = []
    for _ in range(L):
        layers.append({
            'wq': _nrm(next(it), (D, D)), 'wk': _nrm(next(it), (D, D)),
            'wv': _nrm(next(it), (D, D)), 'wo': _nrm(next(it), (D, D)),
            'ln1_g': jnp.ones((D,), jnp.float32), 'ln1_b': jnp.zeros((D,), jnp.float32),
            'ffn_w1': _nrm(next(it), (D, DFF)), 'ffn_b1': jnp.zeros((DFF,), jnp.float32),
            'ffn_w2': _nrm(next(it), (DFF, D)), 'ffn_b2': jnp.zeros((D,), jnp.float32),
            'ln2_g': jnp.ones((D,), jnp.float32), 'ln2_b': jnp.zeros((D,), jnp.float32),
        })
    p['layers'] = layers
    return p

def _ln(x, g, b):
    m = x.mean(-1, keepdims=True)
    v = ((x - m) ** 2).mean(-1, keepdims=True)
    return (x - m) / jnp.sqrt(v + 1e-5) * g + b

def setup_inputs(seed: int = 0):
    key = jax.random.key(seed)
    k1, k2, k3 = jax.random.split(key, 3)
    return {
        'map_feature': jax.random.normal(k1, (B, M, NV, DV), jnp.float32),
        'map_position': jax.random.normal(k2, (B, M, 2), jnp.float32) * 30.0,
        'map_heading': jax.random.uniform(k3, (B, M), jnp.float32, -np.pi, np.pi),
        'map_feature_valid_mask': jnp.ones((B, M, NV), jnp.bool_),
        'map_valid_mask': jnp.ones((B, M), jnp.bool_),
        'params': _init_params(),
    }

def _forward(map_feature, map_position, map_heading, params, pt_mask, tok_mask):
    # PointNet polyline encoder (pre-layer, pool-concat, layer, pool, out)
    h = jax.nn.relu(map_feature @ params['pe_w1'] + params['pe_b1'])
    hm = jnp.where(pt_mask[..., None], h, -1e9)
    pooled = hm.max(axis=2, keepdims=True)
    h = jnp.concatenate([h, jnp.broadcast_to(pooled, h.shape)], axis=-1)
    h = jax.nn.relu(h @ params['pe_w2'] + params['pe_b2'])
    h = jnp.where(pt_mask[..., None], h, -1e9).max(axis=2)
    x = h @ params['pe_w3'] + params['pe_b3']  # [B,M,D]
    # pairwise relation in query frame: dx[b,q,k] = pos[b,k]-pos[b,q]
    dx = map_position[:, None, :, :] - map_position[:, :, None, :]
    cq = jnp.cos(map_heading)[:, :, None]
    sq = jnp.sin(map_heading)[:, :, None]
    lx = dx[..., 0] * cq + dx[..., 1] * sq
    ly = -dx[..., 0] * sq + dx[..., 1] * cq
    dist = jnp.sqrt(lx ** 2 + ly ** 2 + 1e-9)
    dh = map_heading[:, None, :] - map_heading[:, :, None]
    dh = (dh + np.pi) % (2 * np.pi) - np.pi
    rel = jnp.stack([lx, ly, dh, dist], axis=-1)  # [B,M,M,4]
    pair_valid = tok_mask[:, :, None] & tok_mask[:, None, :] & (dist < MAXD)
    neg = jnp.where(pair_valid, -dist, -1e9)
    vals, nbr = jax.lax.top_k(neg, KNN)  # kNN sparsification -> edge_index
    edge_valid = vals > -1e8
    edge_rel = jnp.take_along_axis(rel, nbr[..., None], axis=2)  # [B,M,KNN,4]
    # relation_embed MLP -> edge_features
    ef = jax.nn.relu(edge_rel @ params['rel_w1'] + params['rel_b1']) @ params['rel_w2'] + params['rel_b2']
    ef = ef.reshape(B, M, KNN, H, DH)
    gather = jax.vmap(lambda t, i: t[i])
    for lp in params['layers']:
        q = (x @ lp['wq']).reshape(B, M, H, DH)
        k = x @ lp['wk']
        v = x @ lp['wv']
        kn = gather(k, nbr).reshape(B, M, KNN, H, DH)
        vn = gather(v, nbr).reshape(B, M, KNN, H, DH)
        scores = ((kn + ef) * q[:, :, None]).sum(-1) / np.sqrt(DH)
        scores = jnp.where(edge_valid[..., None], scores, -1e9)
        attn = jax.nn.softmax(scores, axis=2)
        o = (attn[..., None] * vn).sum(axis=2).reshape(B, M, D) @ lp['wo']
        x = _ln(x + o, lp['ln1_g'], lp['ln1_b'])
        f = jax.nn.relu(x @ lp['ffn_w1'] + lp['ffn_b1']) @ lp['ffn_w2'] + lp['ffn_b2']
        x = _ln(x + f, lp['ln2_g'], lp['ln2_b'])
    y = _ln(x, params['out_ln_g'], params['out_ln_b'])
    y = y @ params['out_w'] + params['out_b']
    return jnp.where(tok_mask[..., None], y, 0.0)

def reference(map_feature, map_position, map_heading, map_feature_valid_mask, map_valid_mask, params):
    return _forward(map_feature, map_position, map_heading, params, map_feature_valid_mask, map_valid_mask)

if __name__ == "__main__":
    import jax
    _d = setup_inputs()
    print(jax.jit(kernel)(*tuple(_d.values())))

</pallas_src>

<mosaic_0001>
#map = affine_map<(d0, d1) -> (0, 0)>
#map1 = affine_map<(d0, d1) -> (0)>
module attributes {stable_mosaic.version = 14 : i64} {
  func.func @gather_kernel(%arg0: i32, %arg1: i32, %arg2: memref<4096x256xf32, #tpu.memory_space<hbm>>, %arg3: memref<131072xi32, #tpu.memory_space<hbm>>, %arg4: memref<131072x256xf32, #tpu.memory_space<hbm>>, %arg5: memref<128xi32, #tpu.memory_space<vmem>>, %arg6: memref<128x256xf32, #tpu.memory_space<vmem>>, %arg7: memref<!tpu.dma_semaphore, #tpu.memory_space<semaphore_mem>>) attributes {dimension_semantics = [#tpu.dimension_semantics<core_parallel>, #tpu.dimension_semantics<subcore_parallel>], iteration_bounds = array<i64: 2, 16>, scalar_prefetch = 0 : i64, scratch_operands = 3 : i64, tpu.core_type = #tpu.core_type<sc_vector_subcore>, window_params = [{transform_indices = #map}, {transform_indices = #map1}, {transform_indices = #map}]} {
    %mul3A = arith.constant 2 : i32
    %mul3A_0 = arith.muli %arg1, %mul3A : i32
    %add3A = arith.addi %mul3A_0, %arg0 : i32
    %mul3A_1 = arith.constant 4096 : i32
    %mul3A_2 = arith.muli %add3A, %mul3A_1 : i32
    %scan3A = arith.constant 0 : i32
    %scan3A_3 = arith.constant 0 : i32
    %scan3A_4 = arith.constant 32 : i32
    %scan3A_5 = arith.addi %scan3A_3, %scan3A_4 : i32
    %scan3A_6 = arith.constant 1 : i32
    scf.for %scan3A_8 = %scan3A_3 to %scan3A_5 step %scan3A_6  : i32 {
      %mul3A_9 = arith.constant 128 : i32
      %mul3A_10 = arith.muli %scan3A_8, %mul3A_9 : i32
      %add3A_11 = arith.addi %mul3A_2, %mul3A_10 : i32
      "tpu.region"() ({
        %run_scoped3A = tpu.sem_alloc : memref<!tpu.dma_semaphore, #tpu.memory_space<semaphore_mem>>
        %dma_start3A_16 = tpu.memref_slice %arg3[%add3A_11] : memref<131072xi32, #tpu.memory_space<hbm>> -> memref<128xi32, #tpu.memory_space<hbm>>
        %dma_start3A_17 = tpu.memref_slice %arg3[%add3A_11] : memref<131072xi32, #tpu.memory_space<hbm>> -> memref<128xi32, #tpu.memory_space<hbm>>
        tpu.enqueue_dma source(%dma_start3A_17 : memref<128xi32, #tpu.memory_space<hbm>>) target(%arg5 : memref<128xi32, #tpu.memory_space<vmem>>) target_semaphore(%run_scoped3A : memref<!tpu.dma_semaphore, #tpu.memory_space<semaphore_mem>>)
        %dma_wait3A_18 = tpu.memref_slice %arg3[%add3A_11] : memref<131072xi32, #tpu.memory_space<hbm>> -> memref<128xi32, #tpu.memory_space<hbm>>
        %dma_wait3A_19 = tpu.memref_slice %arg3[%add3A_11] : memref<131072xi32, #tpu.memory_space<hbm>> -> memref<128xi32, #tpu.memory_space<hbm>>
        tpu.wait_dma2 semaphore(%run_scoped3A : memref<!tpu.dma_semaphore, #tpu.memory_space<semaphore_mem>>) src(%dma_wait3A_19 : memref<128xi32, #tpu.memory_space<hbm>>) dst(%arg5 : memref<128xi32, #tpu.memory_space<vmem>>)
        tpu.yield
      }) : () -> ()
      %dma_start3A = arith.constant 0 : i32
      %dma_start3A_12 = arith.constant 0 : i32
      %dma_start3A_13 = tpu.memref_slice %arg2[%dma_start3A, %dma_start3A_12] : memref<4096x256xf32, #tpu.memory_space<hbm>> -> memref<4096x256xf32, #tpu.memory_space<hbm>>
      tpu.enqueue_indirect_dma source(%dma_start3A_13 : memref<4096x256xf32, #tpu.memory_space<hbm>>) target(%arg6 : memref<128x256xf32, #tpu.memory_space<vmem>>) offsets(%arg5 : memref<128xi32, #tpu.memory_space<vmem>>) semaphore(%arg7 : memref<!tpu.dma_semaphore, #tpu.memory_space<semaphore_mem>>)
      %dma_wait3A = arith.constant 0 : i32
      %dma_wait3A_14 = arith.constant 0 : i32
      %dma_wait3A_15 = tpu.memref_slice %arg2[%dma_wait3A, %dma_wait3A_14] : memref<4096x256xf32, #tpu.memory_space<hbm>> -> memref<4096x256xf32, #tpu.memory_space<hbm>>
      tpu.wait_indirect_dma semaphore(%arg7 : memref<!tpu.dma_semaphore, #tpu.memory_space<semaphore_mem>>) src(%dma_wait3A_15 : memref<4096x256xf32, #tpu.memory_space<hbm>>) dst(%arg6 : memref<128x256xf32, #tpu.memory_space<vmem>>)
      "tpu.region"() ({
        %run_scoped3A = tpu.sem_alloc : memref<!tpu.dma_semaphore, #tpu.memory_space<semaphore_mem>>
        %dma_start3A_16 = arith.constant 0 : i32
        %dma_start3A_17 = tpu.memref_slice %arg4[%add3A_11, %dma_start3A_16] : memref<131072x256xf32, #tpu.memory_space<hbm>> -> memref<128x256xf32, #tpu.memory_space<hbm>>
        %dma_start3A_18 = arith.constant 0 : i32
        %dma_start3A_19 = tpu.memref_slice %arg4[%add3A_11, %dma_start3A_18] : memref<131072x256xf32, #tpu.memory_space<hbm>> -> memref<128x256xf32, #tpu.memory_space<hbm>>
        tpu.enqueue_dma source(%arg6 : memref<128x256xf32, #tpu.memory_space<vmem>>) target(%dma_start3A_19 : memref<128x256xf32, #tpu.memory_space<hbm>>) target_semaphore(%run_scoped3A : memref<!tpu.dma_semaphore, #tpu.memory_space<semaphore_mem>>)
        %dma_wait3A_20 = arith.constant 0 : i32
        %dma_wait3A_21 = tpu.memref_slice %arg4[%add3A_11, %dma_wait3A_20] : memref<131072x256xf32, #tpu.memory_space<hbm>> -> memref<128x256xf32, #tpu.memory_space<hbm>>
        %dma_wait3A_22 = arith.constant 0 : i32
        %dma_wait3A_23 = tpu.memref_slice %arg4[%add3A_11, %dma_wait3A_22] : memref<131072x256xf32, #tpu.memory_space<hbm>> -> memref<128x256xf32, #tpu.memory_space<hbm>>
        tpu.wait_dma2 semaphore(%run_scoped3A : memref<!tpu.dma_semaphore, #tpu.memory_space<semaphore_mem>>) src(%arg6 : memref<128x256xf32, #tpu.memory_space<vmem>>) dst(%dma_wait3A_23 : memref<128x256xf32, #tpu.memory_space<hbm>>)
        tpu.yield
      }) : () -> ()
    }
    %scan3A_7 = arith.constant 32 : i32
    return
  }
}

#map = affine_map<(d0, d1) -> (0, 0)>
#map1 = affine_map<(d0, d1) -> (0)>
module attributes {stable_mosaic.version = 14 : i64} {
  func.func @gather_kernel(%arg0: i32, %arg1: i32, %arg2: memref<4096x256xf32, #tpu.memory_space<hbm>>, %arg3: memref<131072xi32, #tpu.memory_space<hbm>>, %arg4: memref<131072x256xf32, #tpu.memory_space<hbm>>, %arg5: memref<128xi32, #tpu.memory_space<vmem>>, %arg6: memref<128x256xf32, #tpu.memory_space<vmem>>, %arg7: memref<!tpu.dma_semaphore, #tpu.memory_space<semaphore_mem>>) attributes {dimension_semantics = [#tpu.dimension_semantics<core_parallel>, #tpu.dimension_semantics<subcore_parallel>], iteration_bounds = array<i64: 2, 16>, scalar_prefetch = 0 : i64, scratch_operands = 3 : i64, tpu.core_type = #tpu.core_type<sc_vector_subcore>, window_params = [{transform_indices = #map}, {transform_indices = #map1}, {transform_indices = #map}]} {
    %mul3A = arith.constant 2 : i32
    %mul3A_0 = arith.muli %arg1, %mul3A : i32
    %add3A = arith.addi %mul3A_0, %arg0 : i32
    %mul3A_1 = arith.constant 4096 : i32
    %mul3A_2 = arith.muli %add3A, %mul3A_1 : i32
    %scan3A = arith.constant 0 : i32
    %scan3A_3 = arith.constant 0 : i32
    %scan3A_4 = arith.constant 32 : i32
    %scan3A_5 = arith.addi %scan3A_3, %scan3A_4 : i32
    %scan3A_6 = arith.constant 1 : i32
    scf.for %scan3A_8 = %scan3A_3 to %scan3A_5 step %scan3A_6  : i32 {
      %mul3A_9 = arith.constant 128 : i32
      %mul3A_10 = arith.muli %scan3A_8, %mul3A_9 : i32
      %add3A_11 = arith.addi %mul3A_2, %mul3A_10 : i32
      "tpu.region"() ({
        %run_scoped3A = tpu.sem_alloc : memref<!tpu.dma_semaphore, #tpu.memory_space<semaphore_mem>>
        %dma_start3A_16 = tpu.memref_slice %arg3[%add3A_11] : memref<131072xi32, #tpu.memory_space<hbm>> -> memref<128xi32, #tpu.memory_space<hbm>>
        %dma_start3A_17 = tpu.memref_slice %arg3[%add3A_11] : memref<131072xi32, #tpu.memory_space<hbm>> -> memref<128xi32, #tpu.memory_space<hbm>>
        tpu.enqueue_dma source(%dma_start3A_17 : memref<128xi32, #tpu.memory_space<hbm>>) target(%arg5 : memref<128xi32, #tpu.memory_space<vmem>>) target_semaphore(%run_scoped3A : memref<!tpu.dma_semaphore, #tpu.memory_space<semaphore_mem>>)
        %dma_wait3A_18 = tpu.memref_slice %arg3[%add3A_11] : memref<131072xi32, #tpu.memory_space<hbm>> -> memref<128xi32, #tpu.memory_space<hbm>>
        %dma_wait3A_19 = tpu.memref_slice %arg3[%add3A_11] : memref<131072xi32, #tpu.memory_space<hbm>> -> memref<128xi32, #tpu.memory_space<hbm>>
        tpu.wait_dma2 semaphore(%run_scoped3A : memref<!tpu.dma_semaphore, #tpu.memory_space<semaphore_mem>>) src(%dma_wait3A_19 : memref<128xi32, #tpu.memory_space<hbm>>) dst(%arg5 : memref<128xi32, #tpu.memory_space<vmem>>)
        tpu.yield
      }) : () -> ()
      %dma_start3A = arith.constant 0 : i32
      %dma_start3A_12 = arith.constant 0 : i32
      %dma_start3A_13 = tpu.memref_slice %arg2[%dma_start3A, %dma_start3A_12] : memref<4096x256xf32, #tpu.memory_space<hbm>> -> memref<4096x256xf32, #tpu.memory_space<hbm>>
      tpu.enqueue_indirect_dma source(%dma_start3A_13 : memref<4096x256xf32, #tpu.memory_space<hbm>>) target(%arg6 : memref<128x256xf32, #tpu.memory_space<vmem>>) offsets(%arg5 : memref<128xi32, #tpu.memory_space<vmem>>) semaphore(%arg7 : memref<!tpu.dma_semaphore, #tpu.memory_space<semaphore_mem>>)
      %dma_wait3A = arith.constant 0 : i32
      %dma_wait3A_14 = arith.constant 0 : i32
      %dma_wait3A_15 = tpu.memref_slice %arg2[%dma_wait3A, %dma_wait3A_14] : memref<4096x256xf32, #tpu.memory_space<hbm>> -> memref<4096x256xf32, #tpu.memory_space<hbm>>
      tpu.wait_indirect_dma semaphore(%arg7 : memref<!tpu.dma_semaphore, #tpu.memory_space<semaphore_mem>>) src(%dma_wait3A_15 : memref<4096x256xf32, #tpu.memory_space<hbm>>) dst(%arg6 : memref<128x256xf32, #tpu.memory_space<vmem>>)
      "tpu.region"() ({
        %run_scoped3A = tpu.sem_alloc : memref<!tpu.dma_semaphore, #tpu.memory_space<semaphore_mem>>
        %dma_start3A_16 = arith.constant 0 : i32
        %dma_start3A_17 = tpu.memref_slice %arg4[%add3A_11, %dma_start3A_16] : memref<131072x256xf32, #tpu.memory_space<hbm>> -> memref<128x256xf32, #tpu.memory_space<hbm>>
        %dma_start3A_18 = arith.constant 0 : i32
        %dma_start3A_19 = tpu.memref_slice %arg4[%add3A_11, %dma_start3A_18] : memref<131072x256xf32, #tpu.memory_space<hbm>> -> memref<128x256xf32, #tpu.memory_space<hbm>>
        tpu.enqueue_dma source(%arg6 : memref<128x256xf32, #tpu.memory_space<vmem>>) target(%dma_start3A_19 : memref<128x256xf32, #tpu.memory_space<hbm>>) target_semaphore(%run_scoped3A : memref<!tpu.dma_semaphore, #tpu.memory_space<semaphore_mem>>)
        %dma_wait3A_20 = arith.constant 0 : i32
        %dma_wait3A_21 = tpu.memref_slice %arg4[%add3A_11, %dma_wait3A_20] : memref<131072x256xf32, #tpu.memory_space<hbm>> -> memref<128x256xf32, #tpu.memory_space<hbm>>
        %dma_wait3A_22 = arith.constant 0 : i32
        %dma_wait3A_23 = tpu.memref_slice %arg4[%add3A_11, %dma_wait3A_22] : memref<131072x256xf32, #tpu.memory_space<hbm>> -> memref<128x256xf32, #tpu.memory_space<hbm>>
        tpu.wait_dma2 semaphore(%run_scoped3A : memref<!tpu.dma_semaphore, #tpu.memory_space<semaphore_mem>>) src(%arg6 : memref<128x256xf32, #tpu.memory_space<vmem>>) dst(%dma_wait3A_23 : memref<128x256xf32, #tpu.memory_space<hbm>>)
        tpu.yield
      }) : () -> ()
    }
    %scan3A_7 = arith.constant 32 : i32
    return
  }
}

module attributes {stable_mosaic.version = 14 : i64} {
  func.func @_knn_kernel(%arg0: i32, %arg1: i32, %arg2: memref<1x128x2xf32, #tpu.memory_space<vmem>>, %arg3: memref<1x128x1xf32, #tpu.memory_space<vmem>>, %arg4: memref<1x2x1024xf32, #tpu.memory_space<vmem>>, %arg5: memref<1x1x1024xf32, #tpu.memory_space<vmem>>, %arg6: memref<1x1024x4xf32, #tpu.memory_space<vmem>>, %arg7: memref<4096x1xi32, #tpu.memory_space<vmem>>, %arg8: memref<4096x4xf32, #tpu.memory_space<vmem>>) attributes {dimension_semantics = [#tpu.dimension_semantics<parallel>, #tpu.dimension_semantics<parallel>], iteration_bounds = array<i64: 4, 8>, scalar_prefetch = 0 : i64, scratch_operands = 0 : i64, tpu.core_type = #tpu.core_type<tc>, window_params = [{transform_indices = @transform_0, window_bounds = array<i64: 1, 128, 2>}, {transform_indices = @transform_1, window_bounds = array<i64: 1, 128, 1>}, {transform_indices = @transform_2, window_bounds = array<i64: 1, 2, 1024>}, {transform_indices = @transform_3, window_bounds = array<i64: 1, 1, 1024>}, {transform_indices = @transform_4, window_bounds = array<i64: 1, 1024, 4>}, {transform_indices = @transform_5, window_bounds = array<i64: 4096, 1>}, {transform_indices = @transform_6, window_bounds = array<i64: 4096, 4>}]} {
    %get3A = arith.constant 0 : index
    %get3A_0 = arith.constant 0 : index
    %get3A_1 = arith.constant 0 : index
    %get3A_2 = vector.load %arg2[%get3A, %get3A_0, %get3A_1] : memref<1x128x2xf32, #tpu.memory_space<vmem>>, vector<1x128x1xf32>
    %get3A_3 = vector.shape_cast %get3A_2 : vector<1x128x1xf32> to vector<128x1xf32>
    %get3A_4 = arith.constant 0 : index
    %get3A_5 = arith.constant 0 : index
    %get3A_6 = arith.constant 1 : index
    %get3A_7 = vector.load %arg2[%get3A_4, %get3A_5, %get3A_6] : memref<1x128x2xf32, #tpu.memory_space<vmem>>, vector<1x128x1xf32>
    %get3A_8 = vector.shape_cast %get3A_7 : vector<1x128x1xf32> to vector<128x1xf32>
    %get3A_9 = arith.constant 0 : index
    %get3A_10 = arith.constant 0 : index
    %get3A_11 = arith.constant 0 : index
    %get3A_12 = vector.load %arg3[%get3A_9, %get3A_10, %get3A_11] : memref<1x128x1xf32, #tpu.memory_space<vmem>>, vector<1x128x1xf32>
    %get3A_13 = vector.shape_cast %get3A_12 : vector<1x128x1xf32> to vector<128x1xf32>
    %get3A_14 = arith.constant 0 : index
    %get3A_15 = arith.constant 0 : index
    %get3A_16 = arith.constant 0 : index
    %get3A_17 = vector.load %arg4[%get3A_14, %get3A_15, %get3A_16] : memref<1x2x1024xf32, #tpu.memory_space<vmem>>, vector<1x1x1024xf32>
    %get3A_18 = vector.shape_cast %get3A_17 : vector<1x1x1024xf32> to vector<1x1024xf32>
    %get3A_19 = arith.constant 0 : index
    %get3A_20 = arith.constant 1 : index
    %get3A_21 = arith.constant 0 : index
    %get3A_22 = vector.load %arg4[%get3A_19, %get3A_20, %get3A_21] : memref<1x2x1024xf32, #tpu.memory_space<vmem>>, vector<1x1x1024xf32>
    %get3A_23 = vector.shape_cast %get3A_22 : vector<1x1x1024xf32> to vector<1x1024xf32>
    %get3A_24 = arith.constant 0 : index
    %get3A_25 = arith.constant 0 : index
    %get3A_26 = arith.constant 0 : index
    %get3A_27 = vector.load %arg6[%get3A_24, %get3A_25, %get3A_26] : memref<1x1024x4xf32, #tpu.memory_space<vmem>>, vector<1x1024x4xf32>
    %get3A_28 = vector.shape_cast %get3A_27 : vector<1x1024x4xf32> to vector<1024x4xf32>
    %sub3A = vector.broadcast %get3A_18 : vector<1x1024xf32> to vector<128x1024xf32>
    %sub3A_29 = vector.broadcast %get3A_3 : vector<128x1xf32> to vector<128x1024xf32>
    %sub3A_30 = arith.subf %sub3A, %sub3A_29 : vector<128x1024xf32>
    %sub3A_31 = vector.broadcast %get3A_23 : vector<1x1024xf32> to vector<128x1024xf32>
    %sub3A_32 = vector.broadcast %get3A_8 : vector<128x1xf32> to vector<128x1024xf32>
    %sub3A_33 = arith.subf %sub3A_31, %sub3A_32 : vector<128x1024xf32>
    %mul3A = arith.mulf %sub3A_30, %sub3A_30 : vector<128x1024xf32>
    %mul3A_34 = arith.mulf %sub3A_33, %sub3A_33 : vector<128x1024xf32>
    %add3A = arith.addf %mul3A, %mul3A_34 : vector<128x1024xf32>
    %add3A_35 = arith.constant 9.99999971E-10 : f32
    %add3A_36 = vector.broadcast %add3A_35 : f32 to vector<128x1024xf32>
    %add3A_37 = arith.addf %add3A, %add3A_36 : vector<128x1024xf32>
    %lt3A = arith.constant 2.500000e+03 : f32
    %lt3A_38 = vector.broadcast %lt3A : f32 to vector<128x1024xf32>
    %lt3A_39 = arith.cmpf olt, %add3A_37, %lt3A_38 : vector<128x1024xf32>
    %jit3A = arith.constant 1.000000e+09 : f32
    %broadcast_in_dim3A = vector.broadcast %jit3A : f32 to vector<128x1024xf32>
    %select_n3A = arith.select %lt3A_39, %add3A_37, %broadcast_in_dim3A : vector<128x1024xi1>, vector<128x1024xf32>
    %iota3A = tpu.iota {dimensions = array<i32: 1>} : vector<128x1024xi32>
    %cos3A = math.cos %get3A_13 : vector<128x1xf32>
    %sin3A = math.sin %get3A_13 : vector<128x1xf32>
    %mul3A_40 = arith.constant 1024 : i32
    %mul3A_41 = arith.muli %arg0, %mul3A_40 : i32
    %reduce_min3A = arith.constant dense<0x7F800000> : vector<128xf32>
    %reduce_min3A_42 = vector.multi_reduction <minimumf>, %select_n3A, %reduce_min3A [1] : vector<128x1024xf32> to vector<128xf32>
    %broadcast_in_dim3A_43 = vector.shape_cast %reduce_min3A_42 : vector<128xf32> to vector<128x1xf32>
    %eq3A = vector.broadcast %broadcast_in_dim3A_43 : vector<128x1xf32> to vector<128x1024xf32>
    %eq3A_44 = arith.cmpf oeq, %select_n3A, %eq3A : vector<128x1024xf32>
    %jit3A_45 = arith.constant 1024 : i32
    %broadcast_in_dim3A_46 = vector.broadcast %jit3A_45 : i32 to vector<128x1024xi32>
    %select_n3A_47 = arith.select %eq3A_44, %iota3A, %broadcast_in_dim3A_46 : vector<128x1024xi1>, vector<128x1024xi32>
    %reduce_min3A_48 = arith.constant dense<2147483647> : vector<128xi32>
    %reduce_min3A_49 = vector.multi_reduction <minsi>, %select_n3A_47, %reduce_min3A_48 [1] : vector<128x1024xi32> to vector<128xi32>
    %broadcast_in_dim3A_50 = vector.shape_cast %reduce_min3A_49 : vector<128xi32> to vector<128x1xi32>
    %eq3A_51 = vector.broadcast %broadcast_in_dim3A_50 : vector<128x1xi32> to vector<128x1024xi32>
    %eq3A_52 = arith.cmpi eq, %iota3A, %eq3A_51 : vector<128x1024xi32>
    %jit3A_53 = arith.constant 1.000000e+00 : f32
    %jit3A_54 = arith.constant 0.000000e+00 : f32
    %broadcast_in_dim3A_55 = vector.broadcast %jit3A_53 : f32 to vector<128x1024xf32>
    %broadcast_in_dim3A_56 = vector.broadcast %jit3A_54 : f32 to vector<128x1024xf32>
    %select_n3A_57 = arith.select %eq3A_52, %broadcast_in_dim3A_55, %broadcast_in_dim3A_56 : vector<128x1024xi1>, vector<128x1024xf32>
    %dot_general3A = arith.constant dense<0.000000e+00> : vector<128x4xf32>
    %dot_general3A_58 = tpu.matmul %select_n3A_57, %get3A_28, %dot_general3A {dimension_numbers = #tpu.dot_dimension_numbers<[1], [0], [0], [1], [0, 0, 1, 1], [], []>, transpose_lhs_hint = false} : vector<128x1024xf32>, vector<1024x4xf32>, vector<128x4xf32> -> vector<128x4xf32>
    %jit3A_59 = arith.constant 2.000000e+09 : f32
    %broadcast_in_dim3A_60 = vector.broadcast %jit3A_59 : f32 to vector<128x1024xf32>
    %select_n3A_61 = arith.select %eq3A_52, %broadcast_in_dim3A_60, %select_n3A : vector<128x1024xi1>, vector<128x1024xf32>
    %slice3A = vector.extract_strided_slice %dot_general3A_58 {offsets = [0, 0], sizes = [128, 1], strides = [1, 1]} : vector<128x4xf32> to vector<128x1xf32>
    %sub3A_62 = arith.subf %slice3A, %get3A_3 : vector<128x1xf32>
    %slice3A_63 = vector.extract_strided_slice %dot_general3A_58 {offsets = [0, 1], sizes = [128, 1], strides = [1, 1]} : vector<128x4xf32> to vector<128x1xf32>
    %sub3A_64 = arith.subf %slice3A_63, %get3A_8 : vector<128x1xf32>
    %mul3A_65 = arith.mulf %sub3A_62, %cos3A : vector<128x1xf32>
    %mul3A_66 = arith.mulf %sub3A_64, %sin3A : vector<128x1xf32>
    %add3A_67 = arith.addf %mul3A_65, %mul3A_66 : vector<128x1xf32>
    %neg3A = arith.constant 0.000000e+00 : f32
    %neg3A_68 = vector.broadcast %neg3A : f32 to vector<128x1xf32>
    %neg3A_69 = arith.subf %neg3A_68, %sub3A_62 : vector<128x1xf32>
    %mul3A_70 = arith.mulf %neg3A_69, %sin3A : vector<128x1xf32>
    %mul3A_71 = arith.mulf %sub3A_64, %cos3A : vector<128x1xf32>
    %add3A_72 = arith.addf %mul3A_70, %mul3A_71 : vector<128x1xf32>
    %slice3A_73 = vector.extract_strided_slice %dot_general3A_58 {offsets = [0, 2], sizes = [128, 1], strides = [1, 1]} : vector<128x4xf32> to vector<128x1xf32>
    %sub3A_74 = arith.subf %slice3A_73, %get3A_13 : vector<128x1xf32>
    %add3A_75 = arith.constant 3.14159274 : f32
    %add3A_76 = vector.broadcast %add3A_75 : f32 to vector<128x1xf32>
    %add3A_77 = arith.addf %sub3A_74, %add3A_76 : vector<128x1xf32>
    %div3A = arith.constant 6.28318548 : f32
    %div3A_78 = vector.broadcast %div3A : f32 to vector<128x1xf32>
    %div3A_79 = arith.divf %add3A_77, %div3A_78 : vector<128x1xf32>
    %floor3A = math.floor %div3A_79 : vector<128x1xf32>
    %mul3A_80 = arith.constant 6.28318548 : f32
    %mul3A_81 = vector.broadcast %mul3A_80 : f32 to vector<128x1xf32>
    %mul3A_82 = arith.mulf %floor3A, %mul3A_81 : vector<128x1xf32>
    %sub3A_83 = arith.subf %add3A_77, %mul3A_82 : vector<128x1xf32>
    %sub3A_84 = arith.constant 3.14159274 : f32
    %sub3A_85 = vector.broadcast %sub3A_84 : f32 to vector<128x1xf32>
    %sub3A_86 = arith.subf %sub3A_83, %sub3A_85 : vector<128x1xf32>
    %add3A_87 = vector.broadcast %mul3A_41 : i32 to vector<128x1xi32>
    %add3A_88 = arith.addi %add3A_87, %broadcast_in_dim3A_50 : vector<128x1xi32>
    %swap3A = arith.constant 0 : index
    %swap3A_89 = arith.constant 0 : index
    %swap3A_90 = vector.load %arg7[%swap3A, %swap3A_89] : memref<4096x1xi32, #tpu.memory_space<vmem>>, vector<128x1xi32>
    tpu.vector_store %arg7[%swap3A, %swap3A_89], %add3A_88 {strides = array<i32>} : memref<4096x1xi32, #tpu.memory_space<vmem>>, vector<128x1xi32>,
    %sqrt3A = math.sqrt %broadcast_in_dim3A_43 : vector<128x1xf32>
    %concatenate3A = tpu.concatenate %add3A_67, %add3A_72, %sub3A_86, %sqrt3A in 1 : vector<128x1xf32>, vector<128x1xf32>, vector<128x1xf32>, vector<128x1xf32> -> vector<128x4xf32>
    %swap3A_91 = arith.constant 0 : index
    %swap3A_92 = arith.constant 0 : index
    %swap3A_93 = vector.load %arg8[%swap3A_91, %swap3A_92] : memref<4096x4xf32, #tpu.memory_space<vmem>>, vector<128x4xf32>
    tpu.vector_store %arg8[%swap3A_91, %swap3A_92], %concatenate3A {strides = array<i32>} : memref<4096x4xf32, #tpu.memory_space<vmem>>, vector<128x4xf32>,
    %reduce_min3A_94 = arith.constant dense<0x7F800000> : vector<128xf32>
    %reduce_min3A_95 = vector.multi_reduction <minimumf>, %select_n3A_61, %reduce_min3A_94 [1] : vector<128x1024xf32> to vector<128xf32>
    %broadcast_in_dim3A_96 = vector.shape_cast %reduce_min3A_95 : vector<128xf32> to vector<128x1xf32>
    %eq3A_97 = vector.broadcast %broadcast_in_dim3A_96 : vector<128x1xf32> to vector<128x1024xf32>
    %eq3A_98 = arith.cmpf oeq, %select_n3A_61, %eq3A_97 : vector<128x1024xf32>
    %jit3A_99 = arith.constant 1024 : i32
    %broadcast_in_dim3A_100 = vector.broadcast %jit3A_99 : i32 to vector<128x1024xi32>
    %select_n3A_101 = arith.select %eq3A_98, %iota3A, %broadcast_in_dim3A_100 : vector<128x1024xi1>, vector<128x1024xi32>
    %reduce_min3A_102 = arith.constant dense<2147483647> : vector<128xi32>
    %reduce_min3A_103 = vector.multi_reduction <minsi>, %select_n3A_101, %reduce_min3A_102 [1] : vector<128x1024xi32> to vector<128xi32>
    %broadcast_in_dim3A_104 = vector.shape_cast %reduce_min3A_103 : vector<128xi32> to vector<128x1xi32>
    %eq3A_105 = vector.broadcast %broadcast_in_dim3A_104 : vector<128x1xi32> to vector<128x1024xi32>
    %eq3A_106 = arith.cmpi eq, %iota3A, %eq3A_105 : vector<128x1024xi32>
    %jit3A_107 = arith.constant 1.000000e+00 : f32
    %jit3A_108 = arith.constant 0.000000e+00 : f32
    %broadcast_in_dim3A_109 = vector.broadcast %jit3A_107 : f32 to vector<128x1024xf32>
    %broadcast_in_dim3A_110 = vector.broadcast %jit3A_108 : f32 to vector<128x1024xf32>
    %select_n3A_111 = arith.select %eq3A_106, %broadcast_in_dim3A_109, %broadcast_in_dim3A_110 : vector<128x1024xi1>, vector<128x1024xf32>
    %dot_general3A_112 = arith.constant dense<0.000000e+00> : vector<128x4xf32>
    %dot_general3A_113 = tpu.matmul %select_n3A_111, %get3A_28, %dot_general3A_112 {dimension_numbers = #tpu.dot_dimension_numbers<[1], [0], [0], [1], [0, 0, 1, 1], [], []>, transpose_lhs_hint = false} : vector<128x1024xf32>, vector<1024x4xf32>, vector<128x4xf32> -> vector<128x4xf32>
    %jit3A_114 = arith.constant 2.000000e+09 : f32
    %broadcast_in_dim3A_115 = vector.broadcast %jit3A_114 : f32 to vector<128x1024xf32>
    %select_n3A_116 = arith.select %eq3A_106, %broadcast_in_dim3A_115, %select_n3A_61 : vector<128x1024xi1>, vector<128x1024xf32>
    %slice3A_117 = vector.extract_strided_slice %dot_general3A_113 {offsets = [0, 0], sizes = [128, 1], strides = [1, 1]} : vector<128x4xf32> to vector<128x1xf32>
    %sub3A_118 = arith.subf %slice3A_117, %get3A_3 : vector<128x1xf32>
    %slice3A_119 = vector.extract_strided_slice %dot_general3A_113 {offsets = [0, 1], sizes = [128, 1], strides = [1, 1]} : vector<128x4xf32> to vector<128x1xf32>
    %sub3A_120 = arith.subf %slice3A_119, %get3A_8 : vector<128x1xf32>
    %mul3A_121 = arith.mulf %sub3A_118, %cos3A : vector<128x1xf32>
    %mul3A_122 = arith.mulf %sub3A_120, %sin3A : vector<128x1xf32>
    %add3A_123 = arith.addf %mul3A_121, %mul3A_122 : vector<128x1xf32>
    %neg3A_124 = arith.constant 0.000000e+00 : f32
    %neg3A_125 = vector.broadcast %neg3A_124 : f32 to vector<128x1xf32>
    %neg3A_126 = arith.subf %neg3A_125, %sub3A_118 : vector<128x1xf32>
    %mul3A_127 = arith.mulf %neg3A_126, %sin3A : vector<128x1xf32>
    %mul3A_128 = arith.mulf %sub3A_120, %cos3A : vector<128x1xf32>
    %add3A_129 = arith.addf %mul3A_127, %mul3A_128 : vector<128x1xf32>
    %slice3A_130 = vector.extract_strided_slice %dot_general3A_113 {offsets = [0, 2], sizes = [128, 1], strides = [1, 1]} : vector<128x4xf32> to vector<128x1xf32>
    %sub3A_131 = arith.subf %slice3A_130, %get3A_13 : vector<128x1xf32>
    %add3A_132 = arith.constant 3.14159274 : f32
    %add3A_133 = vector.broadcast %add3A_132 : f32 to vector<128x1xf32>
    %add3A_134 = arith.addf %sub3A_131, %add3A_133 : vector<128x1xf32>
    %div3A_135 = arith.constant 6.28318548 : f32
    %div3A_136 = vector.broadcast %div3A_135 : f32 to vector<128x1xf32>
    %div3A_137 = arith.divf %add3A_134, %div3A_136 : vector<128x1xf32>
    %floor3A_138 = math.floor %div3A_137 : vector<128x1xf32>
    %mul3A_139 = arith.constant 6.28318548 : f32
    %mul3A_140 = vector.broadcast %mul3A_139 : f32 to vector<128x1xf32>
    %mul3A_141 = arith.mulf %floor3A_138, %mul3A_140 : vector<128x1xf32>
    %sub3A_142 = arith.subf %add3A_134, %mul3A_141 : vector<128x1xf32>
    %sub3A_143 = arith.constant 3.14159274 : f32
    %sub3A_144 = vector.broadcast %sub3A_143 : f32 to vector<128x1xf32>
    %sub3A_145 = arith.subf %sub3A_142, %sub3A_144 : vector<128x1xf32>
    %add3A_146 = vector.broadcast %mul3A_41 : i32 to vector<128x1xi32>
    %add3A_147 = arith.addi %add3A_146, %broadcast_in_dim3A_104 : vector<128x1xi32>
    %swap3A_148 = arith.constant 128 : index
    %swap3A_149 = arith.constant 0 : index
    %swap3A_150 = vector.load %arg7[%swap3A_148, %swap3A_149] : memref<4096x1xi32, #tpu.memory_space<vmem>>, vector<128x1xi32>
    tpu.vector_store %arg7[%swap3A_148, %swap3A_149], %add3A_147 {strides = array<i32>} : memref<4096x1xi32, #tpu.memory_space<vmem>>, vector<128x1xi32>,
    %sqrt3A_151 = math.sqrt %broadcast_in_dim3A_96 : vector<128x1xf32>
    %concatenate3A_152 = tpu.concatenate %add3A_123, %add3A_129, %sub3A_145, %sqrt3A_151 in 1 : vector<128x1xf32>, vector<128x1xf32>, vector<128x1xf32>, vector<128x1xf32> -> vector<128x4xf32>
    %swap3A_153 = arith.constant 128 : index
    %swap3A_154 = arith.constant 0 : index
    %swap3A_155 = vector.load %arg8[%swap3A_153, %swap3A_154] : memref<4096x4xf32, #tpu.memory_space<vmem>>, vector<128x4xf32>
    tpu.vector_store %arg8[%swap3A_153, %swap3A_154], %concatenate3A_152 {strides = array<i32>} : memref<4096x4xf32, #tpu.memory_space<vmem>>, vector<128x4xf32>,
    %reduce_min3A_156 = arith.constant dense<0x7F800000> : vector<128xf32>
    %reduce_min3A_157 = vector.multi_reduction <minimumf>, %select_n3A_116, %reduce_min3A_156 [1] : vector<128x1024xf32> to vector<128xf32>
    %broadcast_in_dim3A_158 = vector.shape_cast %reduce_min3A_157 : vector<128xf32> to vector<128x1xf32>
    %eq3A_159 = vector.broadcast %broadcast_in_dim3A_158 : vector<128x1xf32> to vector<128x1024xf32>
    %eq3A_160 = arith.cmpf oeq, %select_n3A_116, %eq3A_159 : vector<128x1024xf32>
    %jit3A_161 = arith.constant 1024 : i32
    %broadcast_in_dim3A_162 = vector.broadcast %jit3A_161 : i32 to vector<128x1024xi32>
    %select_n3A_163 = arith.select %eq3A_160, %iota3A, %broadcast_in_dim3A_162 : vector<128x1024xi1>, vector<128x1024xi32>
    %reduce_min3A_164 = arith.constant dense<2147483647> : vector<128xi32>
    %reduce_min3A_165 = vector.multi_reduction <minsi>, %select_n3A_163, %reduce_min3A_164 [1] : vector<128x1024xi32> to vector<128xi32>
    %broadcast_in_dim3A_166 = vector.shape_cast %reduce_min3A_165 : vector<128xi32> to vector<128x1xi32>
    %eq3A_167 = vector.broadcast %broadcast_in_dim3A_166 : vector<128x1xi32> to vector<128x1024xi32>
    %eq3A_168 = arith.cmpi eq, %iota3A, %eq3A_167 : vector<128x1024xi32>
    %jit3A_169 = arith.constant 1.000000e+00 : f32
    %jit3A_170 = arith.constant 0.000000e+00 : f32
    %broadcast_in_dim3A_171 = vector.broadcast %jit3A_169 : f32 to vector<128x1024xf32>
    %broadcast_in_dim3A_172 = vector.broadcast %jit3A_170 : f32 to vector<128x1024xf32>
    %select_n3A_173 = arith.select %eq3A_168, %broadcast_in_dim3A_171, %broadcast_in_dim3A_172 : vector<128x1024xi1>, vector<128x1024xf32>
    %dot_general3A_174 = arith.constant dense<0.000000e+00> : vector<128x4xf32>
    %dot_general3A_175 = tpu.matmul %select_n3A_173, %get3A_28, %dot_general3A_174 {dimension_numbers = #tpu.dot_dimension_numbers<[1], [0], [0], [1], [0, 0, 1, 1], [], []>, transpose_lhs_hint = false} : vector<128x1024xf32>, vector<1024x4xf32>, vector<128x4xf32> -> vector<128x4xf32>
    %jit3A_176 = arith.constant 2.000000e+09 : f32
    %broadcast_in_dim3A_177 = vector.broadcast %jit3A_176 : f32 to vector<128x1024xf32>
    %select_n3A_178 = arith.select %eq3A_168, %broadcast_in_dim3A_177, %select_n3A_116 : vector<128x1024xi1>, vector<128x1024xf32>
    %slice3A_179 = vector.extract_strided_slice %dot_general3A_175 {offsets = [0, 0], sizes = [128, 1], strides = [1, 1]} : vector<128x4xf32> to vector<128x1xf32>
    %sub3A_180 = arith.subf %slice3A_179, %get3A_3 : vector<128x1xf32>
    %slice3A_181 = vector.extract_strided_slice %dot_general3A_175 {offsets = [0, 1], sizes = [128, 1], strides = [1, 1]} : vector<128x4xf32> to vector<128x1xf32>
    %sub3A_182 = arith.subf %slice3A_181, %get3A_8 : vector<128x1xf32>
    %mul3A_183 = arith.mulf %sub3A_180, %cos3A : vector<128x1xf32>
    %mul3A_184 = arith.mulf %sub3A_182, %sin3A : vector<128x1xf32>
    %add3A_185 = arith.addf %mul3A_183, %mul3A_184 : vector<128x1xf32>
    %neg3A_186 = arith.constant 0.000000e+00 : f32
    %neg3A_187 = vector.broadcast %neg3A_186 : f32 to vector<128x1xf32>
    %neg3A_188 = arith.subf %neg3A_187, %sub3A_180 : vector<128x1xf32>
    %mul3A_189 = arith.mulf %neg3A_188, %sin3A : vector<128x1xf32>
    %mul3A_190 = arith.mulf %sub3A_182, %cos3A : vector<128x1xf32>
    %add3A_191 = arith.addf %mul3A_189, %mul3A_190 : vector<128x1xf32>
    %slice3A_192 = vector.extract_strided_slice %dot_general3A_175 {offsets = [0, 2], sizes = [128, 1], strides = [1, 1]} : vector<128x4xf32> to vector<128x1xf32>
    %sub3A_193 = arith.subf %slice3A_192, %get3A_13 : vector<128x1xf32>
    %add3A_194 = arith.constant 3.14159274 : f32
    %add3A_195 = vector.broadcast %add3A_194 : f32 to vector<128x1xf32>
    %add3A_196 = arith.addf %sub3A_193, %add3A_195 : vector<128x1xf32>
    %div3A_197 = arith.constant 6.28318548 : f32
    %div3A_198 = vector.broadcast %div3A_197 : f32 to vector<128x1xf32>
    %div3A_199 = arith.divf %add3A_196, %div3A_198 : vector<128x1xf32>
    %floor3A_200 = math.floor %div3A_199 : vector<128x1xf32>
    %mul3A_201 = arith.constant 6.28318548 : f32
    %mul3A_202 = vector.broadcast %mul3A_201 : f32 to vector<128x1xf32>
    %mul3A_203 = arith.mulf %floor3A_200, %mul3A_202 : vector<128x1xf32>
    %sub3A_204 = arith.subf %add3A_196, %mul3A_203 : vector<128x1xf32>
    %sub3A_205 = arith.constant 3.14159274 : f32
    %sub3A_206 = vector.broadcast %sub3A_205 : f32 to vector<128x1xf32>
    %sub3A_207 = arith.subf %sub3A_204, %sub3A_206 : vector<128x1xf32>
    %add3A_208 = vector.broadcast %mul3A_41 : i32 to vector<128x1xi32>
    %add3A_209 = arith.addi %add3A_208, %broadcast_in_dim3A_166 : vector<128x1xi32>
    %swap3A_210 = arith.constant 256 : index
    %swap3A_211 = arith.constant 0 : index
    %swap3A_212 = vector.load %arg7[%swap3A_210, %swap3A_211] : memref<4096x1xi32, #tpu.memory_space<vmem>>, vector<128x1xi32>
    tpu.vector_store %arg7[%swap3A_210, %swap3A_211], %add3A_209 {strides = array<i32>} : memref<4096x1xi32, #tpu.memory_space<vmem>>, vector<128x1xi32>,
    %sqrt3A_213 = math.sqrt %broadcast_in_dim3A_158 : vector<128x1xf32>
    %concatenate3A_214 = tpu.concatenate %add3A_185, %add3A_191, %sub3A_207, %sqrt3A_213 in 1 : vector<128x1xf32>, vector<128x1xf32>, vector<128x1xf32>, vector<128x1xf32> -> vector<128x4xf32>
    %swap3A_215 = arith.constant 256 : index
    %swap3A_216 = arith.constant 0 : index
    %swap3A_217 = vector.load %arg8[%swap3A_215, %swap3A_216] : memref<4096x4xf32, #tpu.memory_space<vmem>>, vector<128x4xf32>
    tpu.vector_store %arg8[%swap3A_215, %swap3A_216], %concatenate3A_214 {strides = array<i32>} : memref<4096x4xf32, #tpu.memory_space<vmem>>, vector<128x4xf32>,
    %reduce_min3A_218 = arith.constant dense<0x7F800000> : vector<128xf32>
    %reduce_min3A_219 = vector.multi_reduction <minimumf>, %select_n3A_178, %reduce_min3A_218 [1] : vector<128x1024xf32> to vector<128xf32>
    %broadcast_in_dim3A_220 = vector.shape_cast %reduce_min3A_219 : vector<128xf32> to vector<128x1xf32>
    %eq3A_221 = vector.broadcast %broadcast_in_dim3A_220 : vector<128x1xf32> to vector<128x1024xf32>
    %eq3A_222 = arith.cmpf oeq, %select_n3A_178, %eq3A_221 : vector<128x1024xf32>
    %jit3A_223 = arith.constant 1024 : i32
    %broadcast_in_dim3A_224 = vector.broadcast %jit3A_223 : i32 to vector<128x1024xi32>
    %select_n3A_225 = arith.select %eq3A_222, %iota3A, %broadcast_in_dim3A_224 : vector<128x1024xi1>, vector<128x1024xi32>
    %reduce_min3A_226 = arith.constant dense<2147483647> : vector<128xi32>
    %reduce_min3A_227 = vector.multi_reduction <minsi>, %select_n3A_225, %reduce_min3A_226 [1] : vector<128x1024xi32> to vector<128xi32>
    %broadcast_in_dim3A_228 = vector.shape_cast %reduce_min3A_227 : vector<128xi32> to vector<128x1xi32>
    %eq3A_229 = vector.broadcast %broadcast_in_dim3A_228 : vector<128x1xi32> to vector<128x1024xi32>
    %eq3A_230 = arith.cmpi eq, %iota3A, %eq3A_229 : vector<128x1024xi32>
    %jit3A_231 = arith.constant 1.000000e+00 : f32
    %jit3A_232 = arith.constant 0.000000e+00 : f32
    %broadcast_in_dim3A_233 = vector.broadcast %jit3A_231 : f32 to vector<128x1024xf32>
    %broadcast_in_dim3A_234 = vector.broadcast %jit3A_232 : f32 to vector<128x1024xf32>
    %select_n3A_235 = arith.select %eq3A_230, %broadcast_in_dim3A_233, %broadcast_in_dim3A_234 : vector<128x1024xi1>, vector<128x1024xf32>
    %dot_general3A_236 = arith.constant dense<0.000000e+00> : vector<128x4xf32>
    %dot_general3A_237 = tpu.matmul %select_n3A_235, %get3A_28, %dot_general3A_236 {dimension_numbers = #tpu.dot_dimension_numbers<[1], [0], [0], [1], [0, 0, 1, 1], [], []>, transpose_lhs_hint = false} : vector<128x1024xf32>, vector<1024x4xf32>, vector<128x4xf32> -> vector<128x4xf32>
    %jit3A_238 = arith.constant 2.000000e+09 : f32
    %broadcast_in_dim3A_239 = vector.broadcast %jit3A_238 : f32 to vector<128x1024xf32>
    %select_n3A_240 = arith.select %eq3A_230, %broadcast_in_dim3A_239, %select_n3A_178 : vector<128x1024xi1>, vector<128x1024xf32>
    %slice3A_241 = vector.extract_strided_slice %dot_general3A_237 {offsets = [0, 0], sizes = [128, 1], strides = [1, 1]} : vector<128x4xf32> to vector<128x1xf32>
    %sub3A_242 = arith.subf %slice3A_241, %get3A_3 : vector<128x1xf32>
    %slice3A_243 = vector.extract_strided_slice %dot_general3A_237 {offsets = [0, 1], sizes = [128, 1], strides = [1, 1]} : vector<128x4xf32> to vector<128x1xf32>
    %sub3A_244 = arith.subf %slice3A_243, %get3A_8 : vector<128x1xf32>
    %mul3A_245 = arith.mulf %sub3A_242, %cos3A : vector<128x1xf32>
    %mul3A_246 = arith.mulf %sub3A_244, %sin3A : vector<128x1xf32>
    %add3A_247 = arith.addf %mul3A_245, %mul3A_246 : vector<128x1xf32>
    %neg3A_248 = arith.constant 0.000000e+00 : f32
    %neg3A_249 = vector.broadcast %neg3A_248 : f32 to vector<128x1xf32>
    %neg3A_250 = arith.subf %neg3A_249, %sub3A_242 : vector<128x1xf32>
    %mul3A_251 = arith.mulf %neg3A_250, %sin3A : vector<128x1xf32>
    %mul3A_252 = arith.mulf %sub3A_244, %cos3A : vector<128x1xf32>
    %add3A_253 = arith.addf %mul3A_251, %mul3A_252 : vector<128x1xf32>
    %slice3A_254 = vector.extract_strided_slice %dot_general3A_237 {offsets = [0, 2], sizes = [128, 1], strides = [1, 1]} : vector<128x4xf32> to vector<128x1xf32>
    %sub3A_255 = arith.subf %slice3A_254, %get3A_13 : vector<128x1xf32>
    %add3A_256 = arith.constant 3.14159274 : f32
    %add3A_257 = vector.broadcast %add3A_256 : f32 to vector<128x1xf32>
    %add3A_258 = arith.addf %sub3A_255, %add3A_257 : vector<128x1xf32>
    %div3A_259 = arith.constant 6.28318548 : f32
    %div3A_260 = vector.broadcast %div3A_259 : f32 to vector<128x1xf32>
    %div3A_261 = arith.divf %add3A_258, %div3A_260 : vector<128x1xf32>
    %floor3A_262 = math.floor %div3A_261 : vector<128x1xf32>
    %mul3A_263 = arith.constant 6.28318548 : f32
    %mul3A_264 = vector.broadcast %mul3A_263 : f32 to vector<128x1xf32>
    %mul3A_265 = arith.mulf %floor3A_262, %mul3A_264 : vector<128x1xf32>
    %sub3A_266 = arith.subf %add3A_258, %mul3A_265 : vector<128x1xf32>
    %sub3A_267 = arith.constant 3.14159274 : f32
    %sub3A_268 = vector.broadcast %sub3A_267 : f32 to vector<128x1xf32>
    %sub3A_269 = arith.subf %sub3A_266, %sub3A_268 : vector<128x1xf32>
    %add3A_270 = vector.broadcast %mul3A_41 : i32 to vector<128x1xi32>
    %add3A_271 = arith.addi %add3A_270, %broadcast_in_dim3A_228 : vector<128x1xi32>
    %swap3A_272 = arith.constant 384 : index
    %swap3A_273 = arith.constant 0 : index
    %swap3A_274 = vector.load %arg7[%swap3A_272, %swap3A_273] : memref<4096x1xi32, #tpu.memory_space<vmem>>, vector<128x1xi32>
    tpu.vector_store %arg7[%swap3A_272, %swap3A_273], %add3A_271 {strides = array<i32>} : memref<4096x1xi32, #tpu.memory_space<vmem>>, vector<128x1xi32>,
    %sqrt3A_275 = math.sqrt %broadcast_in_dim3A_220 : vector<128x1xf32>
    %concatenate3A_276 = tpu.concatenate %add3A_247, %add3A_253, %sub3A_269, %sqrt3A_275 in 1 : vector<128x1xf32>, vector<128x1xf32>, vector<128x1xf32>, vector<128x1xf32> -> vector<128x4xf32>
    %swap3A_277 = arith.constant 384 : index
    %swap3A_278 = arith.constant 0 : index
    %swap3A_279 = vector.load %arg8[%swap3A_277, %swap3A_278] : memref<4096x4xf32, #tpu.memory_space<vmem>>, vector<128x4xf32>
    tpu.vector_store %arg8[%swap3A_277, %swap3A_278], %concatenate3A_276 {strides = array<i32>} : memref<4096x4xf32, #tpu.memory_space<vmem>>, vector<128x4xf32>,
    %reduce_min3A_280 = arith.constant dense<0x7F800000> : vector<128xf32>
    %reduce_min3A_281 = vector.multi_reduction <minimumf>, %select_n3A_240, %reduce_min3A_280 [1] : vector<128x1024xf32> to vector<128xf32>
    %broadcast_in_dim3A_282 = vector.shape_cast %reduce_min3A_281 : vector<128xf32> to vector<128x1xf32>
    %eq3A_283 = vector.broadcast %broadcast_in_dim3A_282 : vector<128x1xf32> to vector<128x1024xf32>
    %eq3A_284 = arith.cmpf oeq, %select_n3A_240, %eq3A_283 : vector<128x1024xf32>
    %jit3A_285 = arith.constant 1024 : i32
    %broadcast_in_dim3A_286 = vector.broadcast %jit3A_285 : i32 to vector<128x1024xi32>
    %select_n3A_287 = arith.select %eq3A_284, %iota3A, %broadcast_in_dim3A_286 : vector<128x1024xi1>, vector<128x1024xi32>
    %reduce_min3A_288 = arith.constant dense<2147483647> : vector<128xi32>
    %reduce_min3A_289 = vector.multi_reduction <minsi>, %select_n3A_287, %reduce_min3A_288 [1] : vector<128x1024xi32> to vector<128xi32>
    %broadcast_in_dim3A_290 = vector.shape_cast %reduce_min3A_289 : vector<128xi32> to vector<128x1xi32>
    %eq3A_291 = vector.broadcast %broadcast_in_dim3A_290 : vector<128x1xi32> to vector<128x1024xi32>
    %eq3A_292 = arith.cmpi eq, %iota3A, %eq3A_291 : vector<128x1024xi32>
    %jit3A_293 = arith.constant 1.000000e+00 : f32
    %jit3A_294 = arith.constant 0.000000e+00 : f32
    %broadcast_in_dim3A_295 = vector.broadcast %jit3A_293 : f32 to vector<128x1024xf32>
    %broadcast_in_dim3A_296 = vector.broadcast %jit3A_294 : f32 to vector<128x1024xf32>
    %select_n3A_297 = arith.select %eq3A_292, %broadcast_in_dim3A_295, %broadcast_in_dim3A_296 : vector<128x1024xi1>, vector<128x1024xf32>
    %dot_general3A_298 = arith.constant dense<0.000000e+00> : vector<128x4xf32>
    %dot_general3A_299 = tpu.matmul %select_n3A_297, %get3A_28, %dot_general3A_298 {dimension_numbers = #tpu.dot_dimension_numbers<[1], [0], [0], [1], [0, 0, 1, 1], [], []>, transpose_lhs_hint = false} : vector<128x1024xf32>, vector<1024x4xf32>, vector<128x4xf32> -> vector<128x4xf32>
    %jit3A_300 = arith.constant 2.000000e+09 : f32
    %broadcast_in_dim3A_301 = vector.broadcast %jit3A_300 : f32 to vector<128x1024xf32>
    %select_n3A_302 = arith.select %eq3A_292, %broadcast_in_dim3A_301, %select_n3A_240 : vector<128x1024xi1>, vector<128x1024xf32>
    %slice3A_303 = vector.extract_strided_slice %dot_general3A_299 {offsets = [0, 0], sizes = [128, 1], strides = [1, 1]} : vector<128x4xf32> to vector<128x1xf32>
    %sub3A_304 = arith.subf %slice3A_303, %get3A_3 : vector<128x1xf32>
    %slice3A_305 = vector.extract_strided_slice %dot_general3A_299 {offsets = [0, 1], sizes = [128, 1], strides = [1, 1]} : vector<128x4xf32> to vector<128x1xf32>
    %sub3A_306 = arith.subf %slice3A_305, %get3A_8 : vector<128x1xf32>
    %mul3A_307 = arith.mulf %sub3A_304, %cos3A : vector<128x1xf32>
    %mul3A_308 = arith.mulf %sub3A_306, %sin3A : vector<128x1xf32>
    %add3A_309 = arith.addf %mul3A_307, %mul3A_308 : vector<128x1xf32>
    %neg3A_310 = arith.constant 0.000000e+00 : f32
    %neg3A_311 = vector.broadcast %neg3A_310 : f32 to vector<128x1xf32>
    %neg3A_312 = arith.subf %neg3A_311, %sub3A_304 : vector<128x1xf32>
    %mul3A_313 = arith.mulf %neg3A_312, %sin3A : vector<128x1xf32>
    %mul3A_314 = arith.mulf %sub3A_306, %cos3A : vector<128x1xf32>
    %add3A_315 = arith.addf %mul3A_313, %mul3A_314 : vector<128x1xf32>
    %slice3A_316 = vector.extract_strided_slice %dot_general3A_299 {offsets = [0, 2], sizes = [128, 1], strides = [1, 1]} : vector<128x4xf32> to vector<128x1xf32>
    %sub3A_317 = arith.subf %slice3A_316, %get3A_13 : vector<128x1xf32>
    %add3A_318 = arith.constant 3.14159274 : f32
    %add3A_319 = vector.broadcast %add3A_318 : f32 to vector<128x1xf32>
    %add3A_320 = arith.addf %sub3A_317, %add3A_319 : vector<128x1xf32>
    %div3A_321 = arith.constant 6.28318548 : f32
    %div3A_322 = vector.broadcast %div3A_321 : f32 to vector<128x1xf32>
    %div3A_323 = arith.divf %add3A_320, %div3A_322 : vector<128x1xf32>
    %floor3A_324 = math.floor %div3A_323 : vector<128x1xf32>
    %mul3A_325 = arith.constant 6.28318548 : f32
    %mul3A_326 = vector.broadcast %mul3A_325 : f32 to vector<128x1xf32>
    %mul3A_327 = arith.mulf %floor3A_324, %mul3A_326 : vector<128x1xf32>
    %sub3A_328 = arith.subf %add3A_320, %mul3A_327 : vector<128x1xf32>
    %sub3A_329 = arith.constant 3.14159274 : f32
    %sub3A_330 = vector.broadcast %sub3A_329 : f32 to vector<128x1xf32>
    %sub3A_331 = arith.subf %sub3A_328, %sub3A_330 : vector<128x1xf32>
    %add3A_332 = vector.broadcast %mul3A_41 : i32 to vector<128x1xi32>
    %add3A_333 = arith.addi %add3A_332, %broadcast_in_dim3A_290 : vector<128x1xi32>
    %swap3A_334 = arith.constant 512 : index
    %swap3A_335 = arith.constant 0 : index
    %swap3A_336 = vector.load %arg7[%swap3A_334, %swap3A_335] : memref<4096x1xi32, #tpu.memory_space<vmem>>, vector<128x1xi32>
    tpu.vector_store %arg7[%swap3A_334, %swap3A_335], %add3A_333 {strides = array<i32>} : memref<4096x1xi32, #tpu.memory_space<vmem>>, vector<128x1xi32>,
    %sqrt3A_337 = math.sqrt %broadcast_in_dim3A_282 : vector<128x1xf32>
    %concatenate3A_338 = tpu.concatenate %add3A_309, %add3A_315, %sub3A_331, %sqrt3A_337 in 1 : vector<128x1xf32>, vector<128x1xf32>, vector<128x1xf32>, vector<128x1xf32> -> vector<128x4xf32>
    %swap3A_339 = arith.constant 512 : index
    %swap3A_340 = arith.constant 0 : index
    %swap3A_341 = vector.load %arg8[%swap3A_339, %swap3A_340] : memref<4096x4xf32, #tpu.memory_space<vmem>>, vector<128x4xf32>
    tpu.vector_store %arg8[%swap3A_339, %swap3A_340], %concatenate3A_338 {strides = array<i32>} : memref<4096x4xf32, #tpu.memory_space<vmem>>, vector<128x4xf32>,
    %reduce_min3A_342 = arith.constant dense<0x7F800000> : vector<128xf32>
    %reduce_min3A_343 = vector.multi_reduction <minimumf>, %select_n3A_302, %reduce_min3A_342 [1] : vector<128x1024xf32> to vector<128xf32>
    %broadcast_in_dim3A_344 = vector.shape_cast %reduce_min3A_343 : vector<128xf32> to vector<128x1xf32>
    %eq3A_345 = vector.broadcast %broadcast_in_dim3A_344 : vector<128x1xf32> to vector<128x1024xf32>
    %eq3A_346 = arith.cmpf oeq, %select_n3A_302, %eq3A_345 : vector<128x1024xf32>
    %jit3A_347 = arith.constant 1024 : i32
    %broadcast_in_dim3A_348 = vector.broadcast %jit3A_347 : i32 to vector<128x1024xi32>
    %select_n3A_349 = arith.select %eq3A_346, %iota3A, %broadcast_in_dim3A_348 : vector<128x1024xi1>, vector<128x1024xi32>
    %reduce_min3A_350 = arith.constant dense<2147483647> : vector<128xi32>
    %reduce_min3A_351 = vector.multi_reduction <minsi>, %select_n3A_349, %reduce_min3A_350 [1] : vector<128x1024xi32> to vector<128xi32>
    %broadcast_in_dim3A_352 = vector.shape_cast %reduce_min3A_351 : vector<128xi32> to vector<128x1xi32>
    %eq3A_353 = vector.broadcast %broadcast_in_dim3A_352 : vector<128x1xi32> to vector<128x1024xi32>
    %eq3A_354 = arith.cmpi eq, %iota3A, %eq3A_353 : vector<128x1024xi32>
    %jit3A_355 = arith.constant 1.000000e+00 : f32
    %jit3A_356 = arith.constant 0.000000e+00 : f32
    %broadcast_in_dim3A_357 = vector.broadcast %jit3A_355 : f32 to vector<128x1024xf32>
    %broadcast_in_dim3A_358 = vector.broadcast %jit3A_356 : f32 to vector<128x1024xf32>
    %select_n3A_359 = arith.select %eq3A_354, %broadcast_in_dim3A_357, %broadcast_in_dim3A_358 : vector<128x1024xi1>, vector<128x1024xf32>
    %dot_general3A_360 = arith.constant dense<0.000000e+00> : vector<128x4xf32>
    %dot_general3A_361 = tpu.matmul %select_n3A_359, %get3A_28, %dot_general3A_360 {dimension_numbers = #tpu.dot_dimension_numbers<[1], [0], [0], [1], [0, 0, 1, 1], [], []>, transpose_lhs_hint = false} : vector<128x1024xf32>, vector<1024x4xf32>, vector<128x4xf32> -> vector<128x4xf32>
    %jit3A_362 = arith.constant 2.000000e+09 : f32
    %broadcast_in_dim3A_363 = vector.broadcast %jit3A_362 : f32 to vector<128x1024xf32>
    %select_n3A_364 = arith.select %eq3A_354, %broadcast_in_dim3A_363, %select_n3A_302 : vector<128x1024xi1>, vector<128x1024xf32>
    %slice3A_365 = vector.extract_strided_slice %dot_general3A_361 {offsets = [0, 0], sizes = [128, 1], strides = [1, 1]} : vector<128x4xf32> to vector<128x1xf32>
    %sub3A_366 = arith.subf %slice3A_365, %get3A_3 : vector<128x1xf32>
    %slice3A_367 = vector.extract_strided_slice %dot_general3A_361 {offsets = [0, 1], sizes = [128, 1], strides = [1, 1]} : vector<128x4xf32> to vector<128x1xf32>
    %sub3A_368 = arith.subf %slice3A_367, %get3A_8 : vector<128x1xf32>
    %mul3A_369 = arith.mulf %sub3A_366, %cos3A : vector<128x1xf32>
    %mul3A_370 = arith.mulf %sub3A_368, %sin3A : vector<128x1xf32>
    %add3A_371 = arith.addf %mul3A_369, %mul3A_370 : vector<128x1xf32>
    %neg3A_372 = arith.constant 0.000000e+00 : f32
    %neg3A_373 = vector.broadcast %neg3A_372 : f32 to vector<128x1xf32>
    %neg3A_374 = arith.subf %neg3A_373, %sub3A_366 : vector<128x1xf32>
    %mul3A_375 = arith.mulf %neg3A_374, %sin3A : vector<128x1xf32>
    %mul3A_376 = arith.mulf %sub3A_368, %cos3A : vector<128x1xf32>
    %add3A_377 = arith.addf %mul3A_375, %mul3A_376 : vector<128x1xf32>
    %slice3A_378 = vector.extract_strided_slice %dot_general3A_361 {offsets = [0, 2], sizes = [128, 1], strides = [1, 1]} : vector<128x4xf32> to vector<128x1xf32>
    %sub3A_379 = arith.subf %slice3A_378, %get3A_13 : vector<128x1xf32>
    %add3A_380 = arith.constant 3.14159274 : f32
    %add3A_381 = vector.broadcast %add3A_380 : f32 to vector<128x1xf32>
    %add3A_382 = arith.addf %sub3A_379, %add3A_381 : vector<128x1xf32>
    %div3A_383 = arith.constant 6.28318548 : f32
    %div3A_384 = vector.broadcast %div3A_383 : f32 to vector<128x1xf32>
    %div3A_385 = arith.divf %add3A_382, %div3A_384 : vector<128x1xf32>
    %floor3A_386 = math.floor %div3A_385 : vector<128x1xf32>
    %mul3A_387 = arith.constant 6.28318548 : f32
    %mul3A_388 = vector.broadcast %mul3A_387 : f32 to vector<128x1xf32>
    %mul3A_389 = arith.mulf %floor3A_386, %mul3A_388 : vector<128x1xf32>
    %sub3A_390 = arith.subf %add3A_382, %mul3A_389 : vector<128x1xf32>
    %sub3A_391 = arith.constant 3.14159274 : f32
    %sub3A_392 = vector.broadcast %sub3A_391 : f32 to vector<128x1xf32>
    %sub3A_393 = arith.subf %sub3A_390, %sub3A_392 : vector<128x1xf32>
    %add3A_394 = vector.broadcast %mul3A_41 : i32 to vector<128x1xi32>
    %add3A_395 = arith.addi %add3A_394, %broadcast_in_dim3A_352 : vector<128x1xi32>
    %swap3A_396 = arith.constant 640 : index
    %swap3A_397 = arith.constant 0 : index
    %swap3A_398 = vector.load %arg7[%swap3A_396, %swap3A_397] : memref<4096x1xi32, #tpu.memory_space<vmem>>, vector<128x1xi32>
    tpu.vector_store %arg7[%swap3A_396, %swap3A_397], %add3A_395 {strides = array<i32>} : memref<4096x1xi32, #tpu.memory_space<vmem>>, vector<128x1xi32>,
    %sqrt3A_399 = math.sqrt %broadcast_in_dim3A_344 : vector<128x1xf32>
    %concatenate3A_400 = tpu.concatenate %add3A_371, %add3A_377, %sub3A_393, %sqrt3A_399 in 1 : vector<128x1xf32>, vector<128x1xf32>, vector<128x1xf32>, vector<128x1xf32> -> vector<128x4xf32>
    %swap3A_401 = arith.constant 640 : index
    %swap3A_402 = arith.constant 0 : index
    %swap3A_403 = vector.load %arg8[%swap3A_401, %swap3A_402] : memref<4096x4xf32, #tpu.memory_space<vmem>>, vector<128x4xf32>
    tpu.vector_store %arg8[%swap3A_401, %swap3A_402], %concatenate3A_400 {strides = array<i32>} : memref<4096x4xf32, #tpu.memory_space<vmem>>, vector<128x4xf32>,
    %reduce_min3A_404 = arith.constant dense<0x7F800000> : vector<128xf32>
    %reduce_min3A_405 = vector.multi_reduction <minimumf>, %select_n3A_364, %reduce_min3A_404 [1] : vector<128x1024xf32> to vector<128xf32>
    %broadcast_in_dim3A_406 = vector.shape_cast %reduce_min3A_405 : vector<128xf32> to vector<128x1xf32>
    %eq3A_407 = vector.broadcast %broadcast_in_dim3A_406 : vector<128x1xf32> to vector<128x1024xf32>
    %eq3A_408 = arith.cmpf oeq, %select_n3A_364, %eq3A_407 : vector<128x1024xf32>
    %jit3A_409 = arith.constant 1024 : i32
    %broadcast_in_dim3A_410 = vector.broadcast %jit3A_409 : i32 to vector<128x1024xi32>
    %select_n3A_411 = arith.select %eq3A_408, %iota3A, %broadcast_in_dim3A_410 : vector<128x1024xi1>, vector<128x1024xi32>
    %reduce_min3A_412 = arith.constant dense<2147483647> : vector<128xi32>
    %reduce_min3A_413 = vector.multi_reduction <minsi>, %select_n3A_411, %reduce_min3A_412 [1] : vector<128x1024xi32> to vector<128xi32>
    %broadcast_in_dim3A_414 = vector.shape_cast %reduce_min3A_413 : vector<128xi32> to vector<128x1xi32>
    %eq3A_415 = vector.broadcast %broadcast_in_dim3A_414 : vector<128x1xi32> to vector<128x1024xi32>
    %eq3A_416 = arith.cmpi eq, %iota3A, %eq3A_415 : vector<128x1024xi32>
    %jit3A_417 = arith.constant 1.000000e+00 : f32
    %jit3A_418 = arith.constant 0.000000e+00 : f32
    %broadcast_in_dim3A_419 = vector.broadcast %jit3A_417 : f32 to vector<128x1024xf32>
    %broadcast_in_dim3A_420 = vector.broadcast %jit3A_418 : f32 to vector<128x1024xf32>
    %select_n3A_421 = arith.select %eq3A_416, %broadcast_in_dim3A_419, %broadcast_in_dim3A_420 : vector<128x1024xi1>, vector<128x1024xf32>
    %dot_general3A_422 = arith.constant dense<0.000000e+00> : vector<128x4xf32>
    %dot_general3A_423 = tpu.matmul %select_n3A_421, %get3A_28, %dot_general3A_422 {dimension_numbers = #tpu.dot_dimension_numbers<[1], [0], [0], [1], [0, 0, 1, 1], [], []>, transpose_lhs_hint = false} : vector<128x1024xf32>, vector<1024x4xf32>, vector<128x4xf32> -> vector<128x4xf32>
    %jit3A_424 = arith.constant 2.000000e+09 : f32
    %broadcast_in_dim3A_425 = vector.broadcast %jit3A_424 : f32 to vector<128x1024xf32>
    %select_n3A_426 = arith.select %eq3A_416, %broadcast_in_dim3A_425, %select_n3A_364 : vector<128x1024xi1>, vector<128x1024xf32>
    %slice3A_427 = vector.extract_strided_slice %dot_general3A_423 {offsets = [0, 0], sizes = [128, 1], strides = [1, 1]} : vector<128x4xf32> to vector<128x1xf32>
    %sub3A_428 = arith.subf %slice3A_427, %get3A_3 : vector<128x1xf32>
    %slice3A_429 = vector.extract_strided_slice %dot_general3A_423 {offsets = [0, 1], sizes = [128, 1], strides = [1, 1]} : vector<128x4xf32> to vector<128x1xf32>
    %sub3A_430 = arith.subf %slice3A_429, %get3A_8 : vector<128x1xf32>
    %mul3A_431 = arith.mulf %sub3A_428, %cos3A : vector<128x1xf32>
    %mul3A_432 = arith.mulf %sub3A_430, %sin3A : vector<128x1xf32>
    %add3A_433 = arith.addf %mul3A_431, %mul3A_432 : vector<128x1xf32>
    %neg3A_434 = arith.constant 0.000000e+00 : f32
    %neg3A_435 = vector.broadcast %neg3A_434 : f32 to vector<128x1xf32>
    %neg3A_436 = arith.subf %neg3A_435, %sub3A_428 : vector<128x1xf32>
    %mul3A_437 = arith.mulf %neg3A_436, %sin3A : vector<128x1xf32>
    %mul3A_438 = arith.mulf %sub3A_430, %cos3A : vector<128x1xf32>
    %add3A_439 = arith.addf %mul3A_437, %mul3A_438 : vector<128x1xf32>
    %slice3A_440 = vector.extract_strided_slice %dot_general3A_423 {offsets = [0, 2], sizes = [128, 1], strides = [1, 1]} : vector<128x4xf32> to vector<128x1xf32>
    %sub3A_441 = arith.subf %slice3A_440, %get3A_13 : vector<128x1xf32>
    %add3A_442 = arith.constant 3.14159274 : f32
    %add3A_443 = vector.broadcast %add3A_442 : f32 to vector<128x1xf32>
    %add3A_444 = arith.addf %sub3A_441, %add3A_443 : vector<128x1xf32>
    %div3A_445 = arith.constant 6.28318548 : f32
    %div3A_446 = vector.broadcast %div3A_445 : f32 to vector<128x1xf32>
    %div3A_447 = arith.divf %add3A_444, %div3A_446 : vector<128x1xf32>
    %floor3A_448 = math.floor %div3A_447 : vector<128x1xf32>
    %mul3A_449 = arith.constant 6.28318548 : f32
    %mul3A_450 = vector.broadcast %mul3A_449 : f32 to vector<128x1xf32>
    %mul3A_451 = arith.mulf %floor3A_448, %mul3A_450 : vector<128x1xf32>
    %sub3A_452 = arith.subf %add3A_444, %mul3A_451 : vector<128x1xf32>
    %sub3A_453 = arith.constant 3.14159274 : f32
    %sub3A_454 = vector.broadcast %sub3A_453 : f32 to vector<128x1xf32>
    %sub3A_455 = arith.subf %sub3A_452, %sub3A_454 : vector<128x1xf32>
    %add3A_456 = vector.broadcast %mul3A_41 : i32 to vector<128x1xi32>
    %add3A_457 = arith.addi %add3A_456, %broadcast_in_dim3A_414 : vector<128x1xi32>
    %swap3A_458 = arith.constant 768 : index
    %swap3A_459 = arith.constant 0 : index
    %swap3A_460 = vector.load %arg7[%swap3A_458, %swap3A_459] : memref<4096x1xi32, #tpu.memory_space<vmem>>, vector<128x1xi32>
    tpu.vector_store %arg7[%swap3A_458, %swap3A_459], %add3A_457 {strides = array<i32>} : memref<4096x1xi32, #tpu.memory_space<vmem>>, vector<128x1xi32>,
    %sqrt3A_461 = math.sqrt %broadcast_in_dim3A_406 : vector<128x1xf32>
    %concatenate3A_462 = tpu.concatenate %add3A_433, %add3A_439, %sub3A_455, %sqrt3A_461 in 1 : vector<128x1xf32>, vector<128x1xf32>, vector<128x1xf32>, vector<128x1xf32> -> vector<128x4xf32>
    %swap3A_463 = arith.constant 768 : index
    %swap3A_464 = arith.constant 0 : index
    %swap3A_465 = vector.load %arg8[%swap3A_463, %swap3A_464] : memref<4096x4xf32, #tpu.memory_space<vmem>>, vector<128x4xf32>
    tpu.vector_store %arg8[%swap3A_463, %swap3A_464], %concatenate3A_462 {strides = array<i32>} : memref<4096x4xf32, #tpu.memory_space<vmem>>, vector<128x4xf32>,
    %reduce_min3A_466 = arith.constant dense<0x7F800000> : vector<128xf32>
    %reduce_min3A_467 = vector.multi_reduction <minimumf>, %select_n3A_426, %reduce_min3A_466 [1] : vector<128x1024xf32> to vector<128xf32>
    %broadcast_in_dim3A_468 = vector.shape_cast %reduce_min3A_467 : vector<128xf32> to vector<128x1xf32>
    %eq3A_469 = vector.broadcast %broadcast_in_dim3A_468 : vector<128x1xf32> to vector<128x1024xf32>
    %eq3A_470 = arith.cmpf oeq, %select_n3A_426, %eq3A_469 : vector<128x1024xf32>
    %jit3A_471 = arith.constant 1024 : i32
    %broadcast_in_dim3A_472 = vector.broadcast %jit3A_471 : i32 to vector<128x1024xi32>
    %select_n3A_473 = arith.select %eq3A_470, %iota3A, %broadcast_in_dim3A_472 : vector<128x1024xi1>, vector<128x1024xi32>
    %reduce_min3A_474 = arith.constant dense<2147483647> : vector<128xi32>
    %reduce_min3A_475 = vector.multi_reduction <minsi>, %select_n3A_473, %reduce_min3A_474 [1] : vector<128x1024xi32> to vector<128xi32>
    %broadcast_in_dim3A_476 = vector.shape_cast %reduce_min3A_475 : vector<128xi32> to vector<128x1xi32>
    %eq3A_477 = vector.broadcast %broadcast_in_dim3A_476 : vector<128x1xi32> to vector<128x1024xi32>
    %eq3A_478 = arith.cmpi eq, %iota3A, %eq3A_477 : vector<128x1024xi32>
    %jit3A_479 = arith.constant 1.000000e+00 : f32
    %jit3A_480 = arith.constant 0.000000e+00 : f32
    %broadcast_in_dim3A_481 = vector.broadcast %jit3A_479 : f32 to vector<128x1024xf32>
    %broadcast_in_dim3A_482 = vector.broadcast %jit3A_480 : f32 to vector<128x1024xf32>
    %select_n3A_483 = arith.select %eq3A_478, %broadcast_in_dim3A_481, %broadcast_in_dim3A_482 : vector<128x1024xi1>, vector<128x1024xf32>
    %dot_general3A_484 = arith.constant dense<0.000000e+00> : vector<128x4xf32>
    %dot_general3A_485 = tpu.matmul %select_n3A_483, %get3A_28, %dot_general3A_484 {dimension_numbers = #tpu.dot_dimension_numbers<[1], [0], [0], [1], [0, 0, 1, 1], [], []>, transpose_lhs_hint = false} : vector<128x1024xf32>, vector<1024x4xf32>, vector<128x4xf32> -> vector<128x4xf32>
    %jit3A_486 = arith.constant 2.000000e+09 : f32
    %broadcast_in_dim3A_487 = vector.broadcast %jit3A_486 : f32 to vector<128x1024xf32>
    %select_n3A_488 = arith.select %eq3A_478, %broadcast_in_dim3A_487, %select_n3A_426 : vector<128x1024xi1>, vector<128x1024xf32>
    %slice3A_489 = vector.extract_strided_slice %dot_general3A_485 {offsets = [0, 0], sizes = [128, 1], strides = [1, 1]} : vector<128x4xf32> to vector<128x1xf32>
    %sub3A_490 = arith.subf %slice3A_489, %get3A_3 : vector<128x1xf32>
    %slice3A_491 = vector.extract_strided_slice %dot_general3A_485 {offsets = [0, 1], sizes = [128, 1], strides = [1, 1]} : vector<128x4xf32> to vector<128x1xf32>
    %sub3A_492 = arith.subf %slice3A_491, %get3A_8 : vector<128x1xf32>
    %mul3A_493 = arith.mulf %sub3A_490, %cos3A : vector<128x1xf32>
    %mul3A_494 = arith.mulf %sub3A_492, %sin3A : vector<128x1xf32>
    %add3A_495 = arith.addf %mul3A_493, %mul3A_494 : vector<128x1xf32>
    %neg3A_496 = arith.constant 0.000000e+00 : f32
    %neg3A_497 = vector.broadcast %neg3A_496 : f32 to vector<128x1xf32>
    %neg3A_498 = arith.subf %neg3A_497, %sub3A_490 : vector<128x1xf32>
    %mul3A_499 = arith.mulf %neg3A_498, %sin3A : vector<128x1xf32>
    %mul3A_500 = arith.mulf %sub3A_492, %cos3A : vector<128x1xf32>
    %add3A_501 = arith.addf %mul3A_499, %mul3A_500 : vector<128x1xf32>
    %slice3A_502 = vector.extract_strided_slice %dot_general3A_485 {offsets = [0, 2], sizes = [128, 1], strides = [1, 1]} : vector<128x4xf32> to vector<128x1xf32>
    %sub3A_503 = arith.subf %slice3A_502, %get3A_13 : vector<128x1xf32>
    %add3A_504 = arith.constant 3.14159274 : f32
    %add3A_505 = vector.broadcast %add3A_504 : f32 to vector<128x1xf32>
    %add3A_506 = arith.addf %sub3A_503, %add3A_505 : vector<128x1xf32>
    %div3A_507 = arith.constant 6.28318548 : f32
    %div3A_508 = vector.broadcast %div3A_507 : f32 to vector<128x1xf32>
    %div3A_509 = arith.divf %add3A_506, %div3A_508 : vector<128x1xf32>
    %floor3A_510 = math.floor %div3A_509 : vector<128x1xf32>
    %mul3A_511 = arith.constant 6.28318548 : f32
    %mul3A_512 = vector.broadcast %mul3A_511 : f32 to vector<128x1xf32>
    %mul3A_513 = arith.mulf %floor3A_510, %mul3A_512 : vector<128x1xf32>
    %sub3A_514 = arith.subf %add3A_506, %mul3A_513 : vector<128x1xf32>
    %sub3A_515 = arith.constant 3.14159274 : f32
    %sub3A_516 = vector.broadcast %sub3A_515 : f32 to vector<128x1xf32>
    %sub3A_517 = arith.subf %sub3A_514, %sub3A_516 : vector<128x1xf32>
    %add3A_518 = vector.broadcast %mul3A_41 : i32 to vector<128x1xi32>
    %add3A_519 = arith.addi %add3A_518, %broadcast_in_dim3A_476 : vector<128x1xi32>
    %swap3A_520 = arith.constant 896 : index
    %swap3A_521 = arith.constant 0 : index
    %swap3A_522 = vector.load %arg7[%swap3A_520, %swap3A_521] : memref<4096x1xi32, #tpu.memory_space<vmem>>, vector<128x1xi32>
    tpu.vector_store %arg7[%swap3A_520, %swap3A_521], %add3A_519 {strides = array<i32>} : memref<4096x1xi32, #tpu.memory_space<vmem>>, vector<128x1xi32>,
    %sqrt3A_523 = math.sqrt %broadcast_in_dim3A_468 : vector<128x1xf32>
    %concatenate3A_524 = tpu.concatenate %add3A_495, %add3A_501, %sub3A_517, %sqrt3A_523 in 1 : vector<128x1xf32>, vector<128x1xf32>, vector<128x1xf32>, vector<128x1xf32> -> vector<128x4xf32>
    %swap3A_525 = arith.constant 896 : index
    %swap3A_526 = arith.constant 0 : index
    %swap3A_527 = vector.load %arg8[%swap3A_525, %swap3A_526] : memref<4096x4xf32, #tpu.memory_space<vmem>>, vector<128x4xf32>
    tpu.vector_store %arg8[%swap3A_525, %swap3A_526], %concatenate3A_524 {strides = array<i32>} : memref<4096x4xf32, #tpu.memory_space<vmem>>, vector<128x4xf32>,
    %reduce_min3A_528 = arith.constant dense<0x7F800000> : vector<128xf32>
    %reduce_min3A_529 = vector.multi_reduction <minimumf>, %select_n3A_488, %reduce_min3A_528 [1] : vector<128x1024xf32> to vector<128xf32>
    %broadcast_in_dim3A_530 = vector.shape_cast %reduce_min3A_529 : vector<128xf32> to vector<128x1xf32>
    %eq3A_531 = vector.broadcast %broadcast_in_dim3A_530 : vector<128x1xf32> to vector<128x1024xf32>
    %eq3A_532 = arith.cmpf oeq, %select_n3A_488, %eq3A_531 : vector<128x1024xf32>
    %jit3A_533 = arith.constant 1024 : i32
    %broadcast_in_dim3A_534 = vector.broadcast %jit3A_533 : i32 to vector<128x1024xi32>
    %select_n3A_535 = arith.select %eq3A_532, %iota3A, %broadcast_in_dim3A_534 : vector<128x1024xi1>, vector<128x1024xi32>
    %reduce_min3A_536 = arith.constant dense<2147483647> : vector<128xi32>
    %reduce_min3A_537 = vector.multi_reduction <minsi>, %select_n3A_535, %reduce_min3A_536 [1] : vector<128x1024xi32> to vector<128xi32>
    %broadcast_in_dim3A_538 = vector.shape_cast %reduce_min3A_537 : vector<128xi32> to vector<128x1xi32>
    %eq3A_539 = vector.broadcast %broadcast_in_dim3A_538 : vector<128x1xi32> to vector<128x1024xi32>
    %eq3A_540 = arith.cmpi eq, %iota3A, %eq3A_539 : vector<128x1024xi32>
    %jit3A_541 = arith.constant 1.000000e+00 : f32
    %jit3A_542 = arith.constant 0.000000e+00 : f32
    %broadcast_in_dim3A_543 = vector.broadcast %jit3A_541 : f32 to vector<128x1024xf32>
    %broadcast_in_dim3A_544 = vector.broadcast %jit3A_542 : f32 to vector<128x1024xf32>
    %select_n3A_545 = arith.select %eq3A_540, %broadcast_in_dim3A_543, %broadcast_in_dim3A_544 : vector<128x1024xi1>, vector<128x1024xf32>
    %dot_general3A_546 = arith.constant dense<0.000000e+00> : vector<128x4xf32>
    %dot_general3A_547 = tpu.matmul %select_n3A_545, %get3A_28, %dot_general3A_546 {dimension_numbers = #tpu.dot_dimension_numbers<[1], [0], [0], [1], [0, 0, 1, 1], [], []>, transpose_lhs_hint = false} : vector<128x1024xf32>, vector<1024x4xf32>, vector<128x4xf32> -> vector<128x4xf32>
    %jit3A_548 = arith.constant 2.000000e+09 : f32
    %broadcast_in_dim3A_549 = vector.broadcast %jit3A_548 : f32 to vector<128x1024xf32>
    %select_n3A_550 = arith.select %eq3A_540, %broadcast_in_dim3A_549, %select_n3A_488 : vector<128x1024xi1>, vector<128x1024xf32>
    %slice3A_551 = vector.extract_strided_slice %dot_general3A_547 {offsets = [0, 0], sizes = [128, 1], strides = [1, 1]} : vector<128x4xf32> to vector<128x1xf32>
    %sub3A_552 = arith.subf %slice3A_551, %get3A_3 : vector<128x1xf32>
    %slice3A_553 = vector.extract_strided_slice %dot_general3A_547 {offsets = [0, 1], sizes = [128, 1], strides = [1, 1]} : vector<128x4xf32> to vector<128x1xf32>
    %sub3A_554 = arith.subf %slice3A_553, %get3A_8 : vector<128x1xf32>
    %mul3A_555 = arith.mulf %sub3A_552, %cos3A : vector<128x1xf32>
    %mul3A_556 = arith.mulf %sub3A_554, %sin3A : vector<128x1xf32>
    %add3A_557 = arith.addf %mul3A_555, %mul3A_556 : vector<128x1xf32>
    %neg3A_558 = arith.constant 0.000000e+00 : f32
    %neg3A_559 = vector.broadcast %neg3A_558 : f32 to vector<128x1xf32>
    %neg3A_560 = arith.subf %neg3A_559, %sub3A_552 : vector<128x1xf32>
    %mul3A_561 = arith.mulf %neg3A_560, %sin3A : vector<128x1xf32>
    %mul3A_562 = arith.mulf %sub3A_554, %cos3A : vector<128x1xf32>
    %add3A_563 = arith.addf %mul3A_561, %mul3A_562 : vector<128x1xf32>
    %slice3A_564 = vector.extract_strided_slice %dot_general3A_547 {offsets = [0, 2], sizes = [128, 1], strides = [1, 1]} : vector<128x4xf32> to vector<128x1xf32>
    %sub3A_565 = arith.subf %slice3A_564, %get3A_13 : vector<128x1xf32>
    %add3A_566 = arith.constant 3.14159274 : f32
    %add3A_567 = vector.broadcast %add3A_566 : f32 to vector<128x1xf32>
    %add3A_568 = arith.addf %sub3A_565, %add3A_567 : vector<128x1xf32>
    %div3A_569 = arith.constant 6.28318548 : f32
    %div3A_570 = vector.broadcast %div3A_569 : f32 to vector<128x1xf32>
    %div3A_571 = arith.divf %add3A_568, %div3A_570 : vector<128x1xf32>
    %floor3A_572 = math.floor %div3A_571 : vector<128x1xf32>
    %mul3A_573 = arith.constant 6.28318548 : f32
    %mul3A_574 = vector.broadcast %mul3A_573 : f32 to vector<128x1xf32>
    %mul3A_575 = arith.mulf %floor3A_572, %mul3A_574 : vector<128x1xf32>
    %sub3A_576 = arith.subf %add3A_568, %mul3A_575 : vector<128x1xf32>
    %sub3A_577 = arith.constant 3.14159274 : f32
    %sub3A_578 = vector.broadcast %sub3A_577 : f32 to vector<128x1xf32>
    %sub3A_579 = arith.subf %sub3A_576, %sub3A_578 : vector<128x1xf32>
    %add3A_580 = vector.broadcast %mul3A_41 : i32 to vector<128x1xi32>
    %add3A_581 = arith.addi %add3A_580, %broadcast_in_dim3A_538 : vector<128x1xi32>
    %swap3A_582 = arith.constant 1024 : index
    %swap3A_583 = arith.constant 0 : index
    %swap3A_584 = vector.load %arg7[%swap3A_582, %swap3A_583] : memref<4096x1xi32, #tpu.memory_space<vmem>>, vector<128x1xi32>
    tpu.vector_store %arg7[%swap3A_582, %swap3A_583], %add3A_581 {strides = array<i32>} : memref<4096x1xi32, #tpu.memory_space<vmem>>, vector<128x1xi32>,
    %sqrt3A_585 = math.sqrt %broadcast_in_dim3A_530 : vector<128x1xf32>
    %concatenate3A_586 = tpu.concatenate %add3A_557, %add3A_563, %sub3A_579, %sqrt3A_585 in 1 : vector<128x1xf32>, vector<128x1xf32>, vector<128x1xf32>, vector<128x1xf32> -> vector<128x4xf32>
    %swap3A_587 = arith.constant 1024 : index
    %swap3A_588 = arith.constant 0 : index
    %swap3A_589 = vector.load %arg8[%swap3A_587, %swap3A_588] : memref<4096x4xf32, #tpu.memory_space<vmem>>, vector<128x4xf32>
    tpu.vector_store %arg8[%swap3A_587, %swap3A_588], %concatenate3A_586 {strides = array<i32>} : memref<4096x4xf32, #tpu.memory_space<vmem>>, vector<128x4xf32>,
    %reduce_min3A_590 = arith.constant dense<0x7F800000> : vector<128xf32>
    %reduce_min3A_591 = vector.multi_reduction <minimumf>, %select_n3A_550, %reduce_min3A_590 [1] : vector<128x1024xf32> to vector<128xf32>
    %broadcast_in_dim3A_592 = vector.shape_cast %reduce_min3A_591 : vector<128xf32> to vector<128x1xf32>
    %eq3A_593 = vector.broadcast %broadcast_in_dim3A_592 : vector<128x1xf32> to vector<128x1024xf32>
    %eq3A_594 = arith.cmpf oeq, %select_n3A_550, %eq3A_593 : vector<128x1024xf32>
    %jit3A_595 = arith.constant 1024 : i32
    %broadcast_in_dim3A_596 = vector.broadcast %jit3A_595 : i32 to vector<128x1024xi32>
    %select_n3A_597 = arith.select %eq3A_594, %iota3A, %broadcast_in_dim3A_596 : vector<128x1024xi1>, vector<128x1024xi32>
    %reduce_min3A_598 = arith.constant dense<2147483647> : vector<128xi32>
    %reduce_min3A_599 = vector.multi_reduction <minsi>, %select_n3A_597, %reduce_min3A_598 [1] : vector<128x1024xi32> to vector<128xi32>
    %broadcast_in_dim3A_600 = vector.shape_cast %reduce_min3A_599 : vector<128xi32> to vector<128x1xi32>
    %eq3A_601 = vector.broadcast %broadcast_in_dim3A_600 : vector<128x1xi32> to vector<128x1024xi32>
    %eq3A_602 = arith.cmpi eq, %iota3A, %eq3A_601 : vector<128x1024xi32>
    %jit3A_603 = arith.constant 1.000000e+00 : f32
    %jit3A_604 = arith.constant 0.000000e+00 : f32
    %broadcast_in_dim3A_605 = vector.broadcast %jit3A_603 : f32 to vector<128x1024xf32>
    %broadcast_in_dim3A_606 = vector.broadcast %jit3A_604 : f32 to vector<128x1024xf32>
    %select_n3A_607 = arith.select %eq3A_602, %broadcast_in_dim3A_605, %broadcast_in_dim3A_606 : vector<128x1024xi1>, vector<128x1024xf32>
    %dot_general3A_608 = arith.constant dense<0.000000e+00> : vector<128x4xf32>
    %dot_general3A_609 = tpu.matmul %select_n3A_607, %get3A_28, %dot_general3A_608 {dimension_numbers = #tpu.dot_dimension_numbers<[1], [0], [0], [1], [0, 0, 1, 1], [], []>, transpose_lhs_hint = false} : vector<128x1024xf32>, vector<1024x4xf32>, vector<128x4xf32> -> vector<128x4xf32>
    %jit3A_610 = arith.constant 2.000000e+09 : f32
    %broadcast_in_dim3A_611 = vector.broadcast %jit3A_610 : f32 to vector<128x1024xf32>
    %select_n3A_612 = arith.select %eq3A_602, %broadcast_in_dim3A_611, %select_n3A_550 : vector<128x1024xi1>, vector<128x1024xf32>
    %slice3A_613 = vector.extract_strided_slice %dot_general3A_609 {offsets = [0, 0], sizes = [128, 1], strides = [1, 1]} : vector<128x4xf32> to vector<128x1xf32>
    %sub3A_614 = arith.subf %slice3A_613, %get3A_3 : vector<128x1xf32>
    %slice3A_615 = vector.extract_strided_slice %dot_general3A_609 {offsets = [0, 1], sizes = [128, 1], strides = [1, 1]} : vector<128x4xf32> to vector<128x1xf32>
    %sub3A_616 = arith.subf %slice3A_615, %get3A_8 : vector<128x1xf32>
    %mul3A_617 = arith.mulf %sub3A_614, %cos3A : vector<128x1xf32>
    %mul3A_618 = arith.mulf %sub3A_616, %sin3A : vector<128x1xf32>
    %add3A_619 = arith.addf %mul3A_617, %mul3A_618 : vector<128x1xf32>
    %neg3A_620 = arith.constant 0.000000e+00 : f32
    %neg3A_621 = vector.broadcast %neg3A_620 : f32 to vector<128x1xf32>
    %neg3A_622 = arith.subf %neg3A_621, %sub3A_614 : vector<128x1xf32>
    %mul3A_623 = arith.mulf %neg3A_622, %sin3A : vector<128x1xf32>
    %mul3A_624 = arith.mulf %sub3A_616, %cos3A : vector<128x1xf32>
    %add3A_625 = arith.addf %mul3A_623, %mul3A_624 : vector<128x1xf32>
    %slice3A_626 = vector.extract_strided_slice %dot_general3A_609 {offsets = [0, 2], sizes = [128, 1], strides = [1, 1]} : vector<128x4xf32> to vector<128x1xf32>
    %sub3A_627 = arith.subf %slice3A_626, %get3A_13 : vector<128x1xf32>
    %add3A_628 = arith.constant 3.14159274 : f32
    %add3A_629 = vector.broadcast %add3A_628 : f32 to vector<128x1xf32>
    %add3A_630 = arith.addf %sub3A_627, %add3A_629 : vector<128x1xf32>
    %div3A_631 = arith.constant 6.28318548 : f32
    %div3A_632 = vector.broadcast %div3A_631 : f32 to vector<128x1xf32>
    %div3A_633 = arith.divf %add3A_630, %div3A_632 : vector<128x1xf32>
    %floor3A_634 = math.floor %div3A_633 : vector<128x1xf32>
    %mul3A_635 = arith.constant 6.28318548 : f32
    %mul3A_636 = vector.broadcast %mul3A_635 : f32 to vector<128x1xf32>
    %mul3A_637 = arith.mulf %floor3A_634, %mul3A_636 : vector<128x1xf32>
    %sub3A_638 = arith.subf %add3A_630, %mul3A_637 : vector<128x1xf32>
    %sub3A_639 = arith.constant 3.14159274 : f32
    %sub3A_640 = vector.broadcast %sub3A_639 : f32 to vector<128x1xf32>
    %sub3A_641 = arith.subf %sub3A_638, %sub3A_640 : vector<128x1xf32>
    %add3A_642 = vector.broadcast %mul3A_41 : i32 to vector<128x1xi32>
    %add3A_643 = arith.addi %add3A_642, %broadcast_in_dim3A_600 : vector<128x1xi32>
    %swap3A_644 = arith.constant 1152 : index
    %swap3A_645 = arith.constant 0 : index
    %swap3A_646 = vector.load %arg7[%swap3A_644, %swap3A_645] : memref<4096x1xi32, #tpu.memory_space<vmem>>, vector<128x1xi32>
    tpu.vector_store %arg7[%swap3A_644, %swap3A_645], %add3A_643 {strides = array<i32>} : memref<4096x1xi32, #tpu.memory_space<vmem>>, vector<128x1xi32>,
    %sqrt3A_647 = math.sqrt %broadcast_in_dim3A_592 : vector<128x1xf32>
    %concatenate3A_648 = tpu.concatenate %add3A_619, %add3A_625, %sub3A_641, %sqrt3A_647 in 1 : vector<128x1xf32>, vector<128x1xf32>, vector<128x1xf32>, vector<128x1xf32> -> vector<128x4xf32>
    %swap3A_649 = arith.constant 1152 : index
    %swap3A_650 = arith.constant 0 : index
    %swap3A_651 = vector.load %arg8[%swap3A_649, %swap3A_650] : memref<4096x4xf32, #tpu.memory_space<vmem>>, vector<128x4xf32>
    tpu.vector_store %arg8[%swap3A_649, %swap3A_650], %concatenate3A_648 {strides = array<i32>} : memref<4096x4xf32, #tpu.memory_space<vmem>>, vector<128x4xf32>,
    %reduce_min3A_652 = arith.constant dense<0x7F800000> : vector<128xf32>
    %reduce_min3A_653 = vector.multi_reduction <minimumf>, %select_n3A_612, %reduce_min3A_652 [1] : vector<128x1024xf32> to vector<128xf32>
    %broadcast_in_dim3A_654 = vector.shape_cast %reduce_min3A_653 : vector<128xf32> to vector<128x1xf32>
    %eq3A_655 = vector.broadcast %broadcast_in_dim3A_654 : vector<128x1xf32> to vector<128x1024xf32>
    %eq3A_656 = arith.cmpf oeq, %select_n3A_612, %eq3A_655 : vector<128x1024xf32>
    %jit3A_657 = arith.constant 1024 : i32
    %broadcast_in_dim3A_658 = vector.broadcast %jit3A_657 : i32 to vector<128x1024xi32>
    %select_n3A_659 = arith.select %eq3A_656, %iota3A, %broadcast_in_dim3A_658 : vector<128x1024xi1>, vector<128x1024xi32>
    %reduce_min3A_660 = arith.constant dense<2147483647> : vector<128xi32>
    %reduce_min3A_661 = vector.multi_reduction <minsi>, %select_n3A_659, %reduce_min3A_660 [1] : vector<128x1024xi32> to vector<128xi32>
    %broadcast_in_dim3A_662 = vector.shape_cast %reduce_min3A_661 : vector<128xi32> to vector<128x1xi32>
    %eq3A_663 = vector.broadcast %broadcast_in_dim3A_662 : vector<128x1xi32> to vector<128x1024xi32>
    %eq3A_664 = arith.cmpi eq, %iota3A, %eq3A_663 : vector<128x1024xi32>
    %jit3A_665 = arith.constant 1.000000e+00 : f32
    %jit3A_666 = arith.constant 0.000000e+00 : f32
    %broadcast_in_dim3A_667 = vector.broadcast %jit3A_665 : f32 to vector<128x1024xf32>
    %broadcast_in_dim3A_668 = vector.broadcast %jit3A_666 : f32 to vector<128x1024xf32>
    %select_n3A_669 = arith.select %eq3A_664, %broadcast_in_dim3A_667, %broadcast_in_dim3A_668 : vector<128x1024xi1>, vector<128x1024xf32>
    %dot_general3A_670 = arith.constant dense<0.000000e+00> : vector<128x4xf32>
    %dot_general3A_671 = tpu.matmul %select_n3A_669, %get3A_28, %dot_general3A_670 {dimension_numbers = #tpu.dot_dimension_numbers<[1], [0], [0], [1], [0, 0, 1, 1], [], []>, transpose_lhs_hint = false} : vector<128x1024xf32>, vector<1024x4xf32>, vector<128x4xf32> -> vector<128x4xf32>
    %jit3A_672 = arith.constant 2.000000e+09 : f32
    %broadcast_in_dim3A_673 = vector.broadcast %jit3A_672 : f32 to vector<128x1024xf32>
    %select_n3A_674 = arith.select %eq3A_664, %broadcast_in_dim3A_673, %select_n3A_612 : vector<128x1024xi1>, vector<128x1024xf32>
    %slice3A_675 = vector.extract_strided_slice %dot_general3A_671 {offsets = [0, 0], sizes = [128, 1], strides = [1, 1]} : vector<128x4xf32> to vector<128x1xf32>
    %sub3A_676 = arith.subf %slice3A_675, %get3A_3 : vector<128x1xf32>
    %slice3A_677 = vector.extract_strided_slice %dot_general3A_671 {offsets = [0, 1], sizes = [128, 1], strides = [1, 1]} : vector<128x4xf32> to vector<128x1xf32>
    %sub3A_678 = arith.subf %slice3A_677, %get3A_8 : vector<128x1xf32>
    %mul3A_679 = arith.mulf %sub3A_676, %cos3A : vector<128x1xf32>
    %mul3A_680 = arith.mulf %sub3A_678, %sin3A : vector<128x1xf32>
    %add3A_681 = arith.addf %mul3A_679, %mul3A_680 : vector<128x1xf32>
    %neg3A_682 = arith.constant 0.000000e+00 : f32
    %neg3A_683 = vector.broadcast %neg3A_682 : f32 to vector<128x1xf32>
    %neg3A_684 = arith.subf %neg3A_683, %sub3A_676 : vector<128x1xf32>
    %mul3A_685 = arith.mulf %neg3A_684, %sin3A : vector<128x1xf32>
    %mul3A_686 = arith.mulf %sub3A_678, %cos3A : vector<128x1xf32>
    %add3A_687 = arith.addf %mul3A_685, %mul3A_686 : vector<128x1xf32>
    %slice3A_688 = vector.extract_strided_slice %dot_general3A_671 {offsets = [0, 2], sizes = [128, 1], strides = [1, 1]} : vector<128x4xf32> to vector<128x1xf32>
    %sub3A_689 = arith.subf %slice3A_688, %get3A_13 : vector<128x1xf32>
    %add3A_690 = arith.constant 3.14159274 : f32
    %add3A_691 = vector.broadcast %add3A_690 : f32 to vector<128x1xf32>
    %add3A_692 = arith.addf %sub3A_689, %add3A_691 : vector<128x1xf32>
    %div3A_693 = arith.constant 6.28318548 : f32
    %div3A_694 = vector.broadcast %div3A_693 : f32 to vector<128x1xf32>
    %div3A_695 = arith.divf %add3A_692, %div3A_694 : vector<128x1xf32>
    %floor3A_696 = math.floor %div3A_695 : vector<128x1xf32>
    %mul3A_697 = arith.constant 6.28318548 : f32
    %mul3A_698 = vector.broadcast %mul3A_697 : f32 to vector<128x1xf32>
    %mul3A_699 = arith.mulf %floor3A_696, %mul3A_698 : vector<128x1xf32>
    %sub3A_700 = arith.subf %add3A_692, %mul3A_699 : vector<128x1xf32>
    %sub3A_701 = arith.constant 3.14159274 : f32
    %sub3A_702 = vector.broadcast %sub3A_701 : f32 to vector<128x1xf32>
    %sub3A_703 = arith.subf %sub3A_700, %sub3A_702 : vector<128x1xf32>
    %add3A_704 = vector.broadcast %mul3A_41 : i32 to vector<128x1xi32>
    %add3A_705 = arith.addi %add3A_704, %broadcast_in_dim3A_662 : vector<128x1xi32>
    %swap3A_706 = arith.constant 1280 : index
    %swap3A_707 = arith.constant 0 : index
    %swap3A_708 = vector.load %arg7[%swap3A_706, %swap3A_707] : memref<4096x1xi32, #tpu.memory_space<vmem>>, vector<128x1xi32>
    tpu.vector_store %arg7[%swap3A_706, %swap3A_707], %add3A_705 {strides = array<i32>} : memref<4096x1xi32, #tpu.memory_space<vmem>>, vector<128x1xi32>,
    %sqrt3A_709 = math.sqrt %broadcast_in_dim3A_654 : vector<128x1xf32>
    %concatenate3A_710 = tpu.concatenate %add3A_681, %add3A_687, %sub3A_703, %sqrt3A_709 in 1 : vector<128x1xf32>, vector<128x1xf32>, vector<128x1xf32>, vector<128x1xf32> -> vector<128x4xf32>
    %swap3A_711 = arith.constant 1280 : index
    %swap3A_712 = arith.constant 0 : index
    %swap3A_713 = vector.load %arg8[%swap3A_711, %swap3A_712] : memref<4096x4xf32, #tpu.memory_space<vmem>>, vector<128x4xf32>
    tpu.vector_store %arg8[%swap3A_711, %swap3A_712], %concatenate3A_710 {strides = array<i32>} : memref<4096x4xf32, #tpu.memory_space<vmem>>, vector<128x4xf32>,
    %reduce_min3A_714 = arith.constant dense<0x7F800000> : vector<128xf32>
    %reduce_min3A_715 = vector.multi_reduction <minimumf>, %select_n3A_674, %reduce_min3A_714 [1] : vector<128x1024xf32> to vector<128xf32>
    %broadcast_in_dim3A_716 = vector.shape_cast %reduce_min3A_715 : vector<128xf32> to vector<128x1xf32>
    %eq3A_717 = vector.broadcast %broadcast_in_dim3A_716 : vector<128x1xf32> to vector<128x1024xf32>
    %eq3A_718 = arith.cmpf oeq, %select_n3A_674, %eq3A_717 : vector<128x1024xf32>
    %jit3A_719 = arith.constant 1024 : i32
    %broadcast_in_dim3A_720 = vector.broadcast %jit3A_719 : i32 to vector<128x1024xi32>
    %select_n3A_721 = arith.select %eq3A_718, %iota3A, %broadcast_in_dim3A_720 : vector<128x1024xi1>, vector<128x1024xi32>
    %reduce_min3A_722 = arith.constant dense<2147483647> : vector<128xi32>
    %reduce_min3A_723 = vector.multi_reduction <minsi>, %select_n3A_721, %reduce_min3A_722 [1] : vector<128x1024xi32> to vector<128xi32>
    %broadcast_in_dim3A_724 = vector.shape_cast %reduce_min3A_723 : vector<128xi32> to vector<128x1xi32>
    %eq3A_725 = vector.broadcast %broadcast_in_dim3A_724 : vector<128x1xi32> to vector<128x1024xi32>
    %eq3A_726 = arith.cmpi eq, %iota3A, %eq3A_725 : vector<128x1024xi32>
    %jit3A_727 = arith.constant 1.000000e+00 : f32
    %jit3A_728 = arith.constant 0.000000e+00 : f32
    %broadcast_in_dim3A_729 = vector.broadcast %jit3A_727 : f32 to vector<128x1024xf32>
    %broadcast_in_dim3A_730 = vector.broadcast %jit3A_728 : f32 to vector<128x1024xf32>
    %select_n3A_731 = arith.select %eq3A_726, %broadcast_in_dim3A_729, %broadcast_in_dim3A_730 : vector<128x1024xi1>, vector<128x1024xf32>
    %dot_general3A_732 = arith.constant dense<0.000000e+00> : vector<128x4xf32>
    %dot_general3A_733 = tpu.matmul %select_n3A_731, %get3A_28, %dot_general3A_732 {dimension_numbers = #tpu.dot_dimension_numbers<[1], [0], [0], [1], [0, 0, 1, 1], [], []>, transpose_lhs_hint = false} : vector<128x1024xf32>, vector<1024x4xf32>, vector<128x4xf32> -> vector<128x4xf32>
    %jit3A_734 = arith.constant 2.000000e+09 : f32
    %broadcast_in_dim3A_735 = vector.broadcast %jit3A_734 : f32 to vector<128x1024xf32>
    %select_n3A_736 = arith.select %eq3A_726, %broadcast_in_dim3A_735, %select_n3A_674 : vector<128x1024xi1>, vector<128x1024xf32>
    %slice3A_737 = vector.extract_strided_slice %dot_general3A_733 {offsets = [0, 0], sizes = [128, 1], strides = [1, 1]} : vector<128x4xf32> to vector<128x1xf32>
    %sub3A_738 = arith.subf %slice3A_737, %get3A_3 : vector<128x1xf32>
    %slice3A_739 = vector.extract_strided_slice %dot_general3A_733 {offsets = [0, 1], sizes = [128, 1], strides = [1, 1]} : vector<128x4xf32> to vector<128x1xf32>
    %sub3A_740 = arith.subf %slice3A_739, %get3A_8 : vector<128x1xf32>
    %mul3A_741 = arith.mulf %sub3A_738, %cos3A : vector<128x1xf32>
    %mul3A_742 = arith.mulf %sub3A_740, %sin3A : vector<128x1xf32>
    %add3A_743 = arith.addf %mul3A_741, %mul3A_742 : vector<128x1xf32>
    %neg3A_744 = arith.constant 0.000000e+00 : f32
    %neg3A_745 = vector.broadcast %neg3A_744 : f32 to vector<128x1xf32>
    %neg3A_746 = arith.subf %neg3A_745, %sub3A_738 : vector<128x1xf32>
    %mul3A_747 = arith.mulf %neg3A_746, %sin3A : vector<128x1xf32>
    %mul3A_748 = arith.mulf %sub3A_740, %cos3A : vector<128x1xf32>
    %add3A_749 = arith.addf %mul3A_747, %mul3A_748 : vector<128x1xf32>
    %slice3A_750 = vector.extract_strided_slice %dot_general3A_733 {offsets = [0, 2], sizes = [128, 1], strides = [1, 1]} : vector<128x4xf32> to vector<128x1xf32>
    %sub3A_751 = arith.subf %slice3A_750, %get3A_13 : vector<128x1xf32>
    %add3A_752 = arith.constant 3.14159274 : f32
    %add3A_753 = vector.broadcast %add3A_752 : f32 to vector<128x1xf32>
    %add3A_754 = arith.addf %sub3A_751, %add3A_753 : vector<128x1xf32>
    %div3A_755 = arith.constant 6.28318548 : f32
    %div3A_756 = vector.broadcast %div3A_755 : f32 to vector<128x1xf32>
    %div3A_757 = arith.divf %add3A_754, %div3A_756 : vector<128x1xf32>
    %floor3A_758 = math.floor %div3A_757 : vector<128x1xf32>
    %mul3A_759 = arith.constant 6.28318548 : f32
    %mul3A_760 = vector.broadcast %mul3A_759 : f32 to vector<128x1xf32>
    %mul3A_761 = arith.mulf %floor3A_758, %mul3A_760 : vector<128x1xf32>
    %sub3A_762 = arith.subf %add3A_754, %mul3A_761 : vector<128x1xf32>
    %sub3A_763 = arith.constant 3.14159274 : f32
    %sub3A_764 = vector.broadcast %sub3A_763 : f32 to vector<128x1xf32>
    %sub3A_765 = arith.subf %sub3A_762, %sub3A_764 : vector<128x1xf32>
    %add3A_766 = vector.broadcast %mul3A_41 : i32 to vector<128x1xi32>
    %add3A_767 = arith.addi %add3A_766, %broadcast_in_dim3A_724 : vector<128x1xi32>
    %swap3A_768 = arith.constant 1408 : index
    %swap3A_769 = arith.constant 0 : index
    %swap3A_770 = vector.load %arg7[%swap3A_768, %swap3A_769] : memref<4096x1xi32, #tpu.memory_space<vmem>>, vector<128x1xi32>
    tpu.vector_store %arg7[%swap3A_768, %swap3A_769], %add3A_767 {strides = array<i32>} : memref<4096x1xi32, #tpu.memory_space<vmem>>, vector<128x1xi32>,
    %sqrt3A_771 = math.sqrt %broadcast_in_dim3A_716 : vector<128x1xf32>
    %concatenate3A_772 = tpu.concatenate %add3A_743, %add3A_749, %sub3A_765, %sqrt3A_771 in 1 : vector<128x1xf32>, vector<128x1xf32>, vector<128x1xf32>, vector<128x1xf32> -> vector<128x4xf32>
    %swap3A_773 = arith.constant 1408 : index
    %swap3A_774 = arith.constant 0 : index
    %swap3A_775 = vector.load %arg8[%swap3A_773, %swap3A_774] : memref<4096x4xf32, #tpu.memory_space<vmem>>, vector<128x4xf32>
    tpu.vector_store %arg8[%swap3A_773, %swap3A_774], %concatenate3A_772 {strides = array<i32>} : memref<4096x4xf32, #tpu.memory_space<vmem>>, vector<128x4xf32>,
    %reduce_min3A_776 = arith.constant dense<0x7F800000> : vector<128xf32>
    %reduce_min3A_777 = vector.multi_reduction <minimumf>, %select_n3A_736, %reduce_min3A_776 [1] : vector<128x1024xf32> to vector<128xf32>
    %broadcast_in_dim3A_778 = vector.shape_cast %reduce_min3A_777 : vector<128xf32> to vector<128x1xf32>
    %eq3A_779 = vector.broadcast %broadcast_in_dim3A_778 : vector<128x1xf32> to vector<128x1024xf32>
    %eq3A_780 = arith.cmpf oeq, %select_n3A_736, %eq3A_779 : vector<128x1024xf32>
    %jit3A_781 = arith.constant 1024 : i32
    %broadcast_in_dim3A_782 = vector.broadcast %jit3A_781 : i32 to vector<128x1024xi32>
    %select_n3A_783 = arith.select %eq3A_780, %iota3A, %broadcast_in_dim3A_782 : vector<128x1024xi1>, vector<128x1024xi32>
    %reduce_min3A_784 = arith.constant dense<2147483647> : vector<128xi32>
    %reduce_min3A_785 = vector.multi_reduction <minsi>, %select_n3A_783, %reduce_min3A_784 [1] : vector<128x1024xi32> to vector<128xi32>
    %broadcast_in_dim3A_786 = vector.shape_cast %reduce_min3A_785 : vector<128xi32> to vector<128x1xi32>
    %eq3A_787 = vector.broadcast %broadcast_in_dim3A_786 : vector<128x1xi32> to vector<128x1024xi32>
    %eq3A_788 = arith.cmpi eq, %iota3A, %eq3A_787 : vector<128x1024xi32>
    %jit3A_789 = arith.constant 1.000000e+00 : f32
    %jit3A_790 = arith.constant 0.000000e+00 : f32
    %broadcast_in_dim3A_791 = vector.broadcast %jit3A_789 : f32 to vector<128x1024xf32>
    %broadcast_in_dim3A_792 = vector.broadcast %jit3A_790 : f32 to vector<128x1024xf32>
    %select_n3A_793 = arith.select %eq3A_788, %broadcast_in_dim3A_791, %broadcast_in_dim3A_792 : vector<128x1024xi1>, vector<128x1024xf32>
    %dot_general3A_794 = arith.constant dense<0.000000e+00> : vector<128x4xf32>
    %dot_general3A_795 = tpu.matmul %select_n3A_793, %get3A_28, %dot_general3A_794 {dimension_numbers = #tpu.dot_dimension_numbers<[1], [0], [0], [1], [0, 0, 1, 1], [], []>, transpose_lhs_hint = false} : vector<128x1024xf32>, vector<1024x4xf32>, vector<128x4xf32> -> vector<128x4xf32>
    %jit3A_796 = arith.constant 2.000000e+09 : f32
    %broadcast_in_dim3A_797 = vector.broadcast %jit3A_796 : f32 to vector<128x1024xf32>
    %select_n3A_798 = arith.select %eq3A_788, %broadcast_in_dim3A_797, %select_n3A_736 : vector<128x1024xi1>, vector<128x1024xf32>
    %slice3A_799 = vector.extract_strided_slice %dot_general3A_795 {offsets = [0, 0], sizes = [128, 1], strides = [1, 1]} : vector<128x4xf32> to vector<128x1xf32>
    %sub3A_800 = arith.subf %slice3A_799, %get3A_3 : vector<128x1xf32>
    %slice3A_801 = vector.extract_strided_slice %dot_general3A_795 {offsets = [0, 1], sizes = [128, 1], strides = [1, 1]} : vector<128x4xf32> to vector<128x1xf32>
    %sub3A_802 = arith.subf %slice3A_801, %get3A_8 : vector<128x1xf32>
    %mul3A_803 = arith.mulf %sub3A_800, %cos3A : vector<128x1xf32>
    %mul3A_804 = arith.mulf %sub3A_802, %sin3A : vector<128x1xf32>
    %add3A_805 = arith.addf %mul3A_803, %mul3A_804 : vector<128x1xf32>
    %neg3A_806 = arith.constant 0.000000e+00 : f32
    %neg3A_807 = vector.broadcast %neg3A_806 : f32 to vector<128x1xf32>
    %neg3A_808 = arith.subf %neg3A_807, %sub3A_800 : vector<128x1xf32>
    %mul3A_809 = arith.mulf %neg3A_808, %sin3A : vector<128x1xf32>
    %mul3A_810 = arith.mulf %sub3A_802, %cos3A : vector<128x1xf32>
    %add3A_811 = arith.addf %mul3A_809, %mul3A_810 : vector<128x1xf32>
    %slice3A_812 = vector.extract_strided_slice %dot_general3A_795 {offsets = [0, 2], sizes = [128, 1], strides = [1, 1]} : vector<128x4xf32> to vector<128x1xf32>
    %sub3A_813 = arith.subf %slice3A_812, %get3A_13 : vector<128x1xf32>
    %add3A_814 = arith.constant 3.14159274 : f32
    %add3A_815 = vector.broadcast %add3A_814 : f32 to vector<128x1xf32>
    %add3A_816 = arith.addf %sub3A_813, %add3A_815 : vector<128x1xf32>
    %div3A_817 = arith.constant 6.28318548 : f32
    %div3A_818 = vector.broadcast %div3A_817 : f32 to vector<128x1xf32>
    %div3A_819 = arith.divf %add3A_816, %div3A_818 : vector<128x1xf32>
    %floor3A_820 = math.floor %div3A_819 : vector<128x1xf32>
    %mul3A_821 = arith.constant 6.28318548 : f32
    %mul3A_822 = vector.broadcast %mul3A_821 : f32 to vector<128x1xf32>
    %mul3A_823 = arith.mulf %floor3A_820, %mul3A_822 : vector<128x1xf32>
    %sub3A_824 = arith.subf %add3A_816, %mul3A_823 : vector<128x1xf32>
    %sub3A_825 = arith.constant 3.14159274 : f32
    %sub3A_826 = vector.broadcast %sub3A_825 : f32 to vector<128x1xf32>
    %sub3A_827 = arith.subf %sub3A_824, %sub3A_826 : vector<128x1xf32>
    %add3A_828 = vector.broadcast %mul3A_41 : i32 to vector<128x1xi32>
    %add3A_829 = arith.addi %add3A_828, %broadcast_in_dim3A_786 : vector<128x1xi32>
    %swap3A_830 = arith.constant 1536 : index
    %swap3A_831 = arith.constant 0 : index
    %swap3A_832 = vector.load %arg7[%swap3A_830, %swap3A_831] : memref<4096x1xi32, #tpu.memory_space<vmem>>, vector<128x1xi32>
    tpu.vector_store %arg7[%swap3A_830, %swap3A_831], %add3A_829 {strides = array<i32>} : memref<4096x1xi32, #tpu.memory_space<vmem>>, vector<128x1xi32>,
    %sqrt3A_833 = math.sqrt %broadcast_in_dim3A_778 : vector<128x1xf32>
    %concatenate3A_834 = tpu.concatenate %add3A_805, %add3A_811, %sub3A_827, %sqrt3A_833 in 1 : vector<128x1xf32>, vector<128x1xf32>, vector<128x1xf32>, vector<128x1xf32> -> vector<128x4xf32>
    %swap3A_835 = arith.constant 1536 : index
    %swap3A_836 = arith.constant 0 : index
    %swap3A_837 = vector.load %arg8[%swap3A_835, %swap3A_836] : memref<4096x4xf32, #tpu.memory_space<vmem>>, vector<128x4xf32>
    tpu.vector_store %arg8[%swap3A_835, %swap3A_836], %concatenate3A_834 {strides = array<i32>} : memref<4096x4xf32, #tpu.memory_space<vmem>>, vector<128x4xf32>,
    %reduce_min3A_838 = arith.constant dense<0x7F800000> : vector<128xf32>
    %reduce_min3A_839 = vector.multi_reduction <minimumf>, %select_n3A_798, %reduce_min3A_838 [1] : vector<128x1024xf32> to vector<128xf32>
    %broadcast_in_dim3A_840 = vector.shape_cast %reduce_min3A_839 : vector<128xf32> to vector<128x1xf32>
    %eq3A_841 = vector.broadcast %broadcast_in_dim3A_840 : vector<128x1xf32> to vector<128x1024xf32>
    %eq3A_842 = arith.cmpf oeq, %select_n3A_798, %eq3A_841 : vector<128x1024xf32>
    %jit3A_843 = arith.constant 1024 : i32
    %broadcast_in_dim3A_844 = vector.broadcast %jit3A_843 : i32 to vector<128x1024xi32>
    %select_n3A_845 = arith.select %eq3A_842, %iota3A, %broadcast_in_dim3A_844 : vector<128x1024xi1>, vector<128x1024xi32>
    %reduce_min3A_846 = arith.constant dense<2147483647> : vector<128xi32>
    %reduce_min3A_847 = vector.multi_reduction <minsi>, %select_n3A_845, %reduce_min3A_846 [1] : vector<128x1024xi32> to vector<128xi32>
    %broadcast_in_dim3A_848 = vector.shape_cast %reduce_min3A_847 : vector<128xi32> to vector<128x1xi32>
    %eq3A_849 = vector.broadcast %broadcast_in_dim3A_848 : vector<128x1xi32> to vector<128x1024xi32>
    %eq3A_850 = arith.cmpi eq, %iota3A, %eq3A_849 : vector<128x1024xi32>
    %jit3A_851 = arith.constant 1.000000e+00 : f32
    %jit3A_852 = arith.constant 0.000000e+00 : f32
    %broadcast_in_dim3A_853 = vector.broadcast %jit3A_851 : f32 to vector<128x1024xf32>
    %broadcast_in_dim3A_854 = vector.broadcast %jit3A_852 : f32 to vector<128x1024xf32>
    %select_n3A_855 = arith.select %eq3A_850, %broadcast_in_dim3A_853, %broadcast_in_dim3A_854 : vector<128x1024xi1>, vector<128x1024xf32>
    %dot_general3A_856 = arith.constant dense<0.000000e+00> : vector<128x4xf32>
    %dot_general3A_857 = tpu.matmul %select_n3A_855, %get3A_28, %dot_general3A_856 {dimension_numbers = #tpu.dot_dimension_numbers<[1], [0], [0], [1], [0, 0, 1, 1], [], []>, transpose_lhs_hint = false} : vector<128x1024xf32>, vector<1024x4xf32>, vector<128x4xf32> -> vector<128x4xf32>
    %jit3A_858 = arith.constant 2.000000e+09 : f32
    %broadcast_in_dim3A_859 = vector.broadcast %jit3A_858 : f32 to vector<128x1024xf32>
    %select_n3A_860 = arith.select %eq3A_850, %broadcast_in_dim3A_859, %select_n3A_798 : vector<128x1024xi1>, vector<128x1024xf32>
    %slice3A_861 = vector.extract_strided_slice %dot_general3A_857 {offsets = [0, 0], sizes = [128, 1], strides = [1, 1]} : vector<128x4xf32> to vector<128x1xf32>
    %sub3A_862 = arith.subf %slice3A_861, %get3A_3 : vector<128x1xf32>
    %slice3A_863 = vector.extract_strided_slice %dot_general3A_857 {offsets = [0, 1], sizes = [128, 1], strides = [1, 1]} : vector<128x4xf32> to vector<128x1xf32>
    %sub3A_864 = arith.subf %slice3A_863, %get3A_8 : vector<128x1xf32>
    %mul3A_865 = arith.mulf %sub3A_862, %cos3A : vector<128x1xf32>
    %mul3A_866 = arith.mulf %sub3A_864, %sin3A : vector<128x1xf32>
    %add3A_867 = arith.addf %mul3A_865, %mul3A_866 : vector<128x1xf32>
    %neg3A_868 = arith.constant 0.000000e+00 : f32
    %neg3A_869 = vector.broadcast %neg3A_868 : f32 to vector<128x1xf32>
    %neg3A_870 = arith.subf %neg3A_869, %sub3A_862 : vector<128x1xf32>
    %mul3A_871 = arith.mulf %neg3A_870, %sin3A : vector<128x1xf32>
    %mul3A_872 = arith.mulf %sub3A_864, %cos3A : vector<128x1xf32>
    %add3A_873 = arith.addf %mul3A_871, %mul3A_872 : vector<128x1xf32>
    %slice3A_874 = vector.extract_strided_slice %dot_general3A_857 {offsets = [0, 2], sizes = [128, 1], strides = [1, 1]} : vector<128x4xf32> to vector<128x1xf32>
    %sub3A_875 = arith.subf %slice3A_874, %get3A_13 : vector<128x1xf32>
    %add3A_876 = arith.constant 3.14159274 : f32
    %add3A_877 = vector.broadcast %add3A_876 : f32 to vector<128x1xf32>
    %add3A_878 = arith.addf %sub3A_875, %add3A_877 : vector<128x1xf32>
    %div3A_879 = arith.constant 6.28318548 : f32
    %div3A_880 = vector.broadcast %div3A_879 : f32 to vector<128x1xf32>
    %div3A_881 = arith.divf %add3A_878, %div3A_880 : vector<128x1xf32>
    %floor3A_882 = math.floor %div3A_881 : vector<128x1xf32>
    %mul3A_883 = arith.constant 6.28318548 : f32
    %mul3A_884 = vector.broadcast %mul3A_883 : f32 to vector<128x1xf32>
    %mul3A_885 = arith.mulf %floor3A_882, %mul3A_884 : vector<128x1xf32>
    %sub3A_886 = arith.subf %add3A_878, %mul3A_885 : vector<128x1xf32>
    %sub3A_887 = arith.constant 3.14159274 : f32
    %sub3A_888 = vector.broadcast %sub3A_887 : f32 to vector<128x1xf32>
    %sub3A_889 = arith.subf %sub3A_886, %sub3A_888 : vector<128x1xf32>
    %add3A_890 = vector.broadcast %mul3A_41 : i32 to vector<128x1xi32>
    %add3A_891 = arith.addi %add3A_890, %broadcast_in_dim3A_848 : vector<128x1xi32>
    %swap3A_892 = arith.constant 1664 : index
    %swap3A_893 = arith.constant 0 : index
    %swap3A_894 = vector.load %arg7[%swap3A_892, %swap3A_893] : memref<4096x1xi32, #tpu.memory_space<vmem>>, vector<128x1xi32>
    tpu.vector_store %arg7[%swap3A_892, %swap3A_893], %add3A_891 {strides = array<i32>} : memref<4096x1xi32, #tpu.memory_space<vmem>>, vector<128x1xi32>,
    %sqrt3A_895 = math.sqrt %broadcast_in_dim3A_840 : vector<128x1xf32>
    %concatenate3A_896 = tpu.concatenate %add3A_867, %add3A_873, %sub3A_889, %sqrt3A_895 in 1 : vector<128x1xf32>, vector<128x1xf32>, vector<128x1xf32>, vector<128x1xf32> -> vector<128x4xf32>
    %swap3A_897 = arith.constant 1664 : index
    %swap3A_898 = arith.constant 0 : index
    %swap3A_899 = vector.load %arg8[%swap3A_897, %swap3A_898] : memref<4096x4xf32, #tpu.memory_space<vmem>>, vector<128x4xf32>
    tpu.vector_store %arg8[%swap3A_897, %swap3A_898], %concatenate3A_896 {strides = array<i32>} : memref<4096x4xf32, #tpu.memory_space<vmem>>, vector<128x4xf32>,
    %reduce_min3A_900 = arith.constant dense<0x7F800000> : vector<128xf32>
    %reduce_min3A_901 = vector.multi_reduction <minimumf>, %select_n3A_860, %reduce_min3A_900 [1] : vector<128x1024xf32> to vector<128xf32>
    %broadcast_in_dim3A_902 = vector.shape_cast %reduce_min3A_901 : vector<128xf32> to vector<128x1xf32>
    %eq3A_903 = vector.broadcast %broadcast_in_dim3A_902 : vector<128x1xf32> to vector<128x1024xf32>
    %eq3A_904 = arith.cmpf oeq, %select_n3A_860, %eq3A_903 : vector<128x1024xf32>
    %jit3A_905 = arith.constant 1024 : i32
    %broadcast_in_dim3A_906 = vector.broadcast %jit3A_905 : i32 to vector<128x1024xi32>
    %select_n3A_907 = arith.select %eq3A_904, %iota3A, %broadcast_in_dim3A_906 : vector<128x1024xi1>, vector<128x1024xi32>
    %reduce_min3A_908 = arith.constant dense<2147483647> : vector<128xi32>
    %reduce_min3A_909 = vector.multi_reduction <minsi>, %select_n3A_907, %reduce_min3A_908 [1] : vector<128x1024xi32> to vector<128xi32>
    %broadcast_in_dim3A_910 = vector.shape_cast %reduce_min3A_909 : vector<128xi32> to vector<128x1xi32>
    %eq3A_911 = vector.broadcast %broadcast_in_dim3A_910 : vector<128x1xi32> to vector<128x1024xi32>
    %eq3A_912 = arith.cmpi eq, %iota3A, %eq3A_911 : vector<128x1024xi32>
    %jit3A_913 = arith.constant 1.000000e+00 : f32
    %jit3A_914 = arith.constant 0.000000e+00 : f32
    %broadcast_in_dim3A_915 = vector.broadcast %jit3A_913 : f32 to vector<128x1024xf32>
    %broadcast_in_dim3A_916 = vector.broadcast %jit3A_914 : f32 to vector<128x1024xf32>
    %select_n3A_917 = arith.select %eq3A_912, %broadcast_in_dim3A_915, %broadcast_in_dim3A_916 : vector<128x1024xi1>, vector<128x1024xf32>
    %dot_general3A_918 = arith.constant dense<0.000000e+00> : vector<128x4xf32>
    %dot_general3A_919 = tpu.matmul %select_n3A_917, %get3A_28, %dot_general3A_918 {dimension_numbers = #tpu.dot_dimension_numbers<[1], [0], [0], [1], [0, 0, 1, 1], [], []>, transpose_lhs_hint = false} : vector<128x1024xf32>, vector<1024x4xf32>, vector<128x4xf32> -> vector<128x4xf32>
    %jit3A_920 = arith.constant 2.000000e+09 : f32
    %broadcast_in_dim3A_921 = vector.broadcast %jit3A_920 : f32 to vector<128x1024xf32>
    %select_n3A_922 = arith.select %eq3A_912, %broadcast_in_dim3A_921, %select_n3A_860 : vector<128x1024xi1>, vector<128x1024xf32>
    %slice3A_923 = vector.extract_strided_slice %dot_general3A_919 {offsets = [0, 0], sizes = [128, 1], strides = [1, 1]} : vector<128x4xf32> to vector<128x1xf32>
    %sub3A_924 = arith.subf %slice3A_923, %get3A_3 : vector<128x1xf32>
    %slice3A_925 = vector.extract_strided_slice %dot_general3A_919 {offsets = [0, 1], sizes = [128, 1], strides = [1, 1]} : vector<128x4xf32> to vector<128x1xf32>
    %sub3A_926 = arith.subf %slice3A_925, %get3A_8 : vector<128x1xf32>
    %mul3A_927 = arith.mulf %sub3A_924, %cos3A : vector<128x1xf32>
    %mul3A_928 = arith.mulf %sub3A_926, %sin3A : vector<128x1xf32>
    %add3A_929 = arith.addf %mul3A_927, %mul3A_928 : vector<128x1xf32>
    %neg3A_930 = arith.constant 0.000000e+00 : f32
    %neg3A_931 = vector.broadcast %neg3A_930 : f32 to vector<128x1xf32>
    %neg3A_932 = arith.subf %neg3A_931, %sub3A_924 : vector<128x1xf32>
    %mul3A_933 = arith.mulf %neg3A_932, %sin3A : vector<128x1xf32>
    %mul3A_934 = arith.mulf %sub3A_926, %cos3A : vector<128x1xf32>
    %add3A_935 = arith.addf %mul3A_933, %mul3A_934 : vector<128x1xf32>
    %slice3A_936 = vector.extract_strided_slice %dot_general3A_919 {offsets = [0, 2], sizes = [128, 1], strides = [1, 1]} : vector<128x4xf32> to vector<128x1xf32>
    %sub3A_937 = arith.subf %slice3A_936, %get3A_13 : vector<128x1xf32>
    %add3A_938 = arith.constant 3.14159274 : f32
    %add3A_939 = vector.broadcast %add3A_938 : f32 to vector<128x1xf32>
    %add3A_940 = arith.addf %sub3A_937, %add3A_939 : vector<128x1xf32>
    %div3A_941 = arith.constant 6.28318548 : f32
    %div3A_942 = vector.broadcast %div3A_941 : f32 to vector<128x1xf32>
    %div3A_943 = arith.divf %add3A_940, %div3A_942 : vector<128x1xf32>
    %floor3A_944 = math.floor %div3A_943 : vector<128x1xf32>
    %mul3A_945 = arith.constant 6.28318548 : f32
    %mul3A_946 = vector.broadcast %mul3A_945 : f32 to vector<128x1xf32>
    %mul3A_947 = arith.mulf %floor3A_944, %mul3A_946 : vector<128x1xf32>
    %sub3A_948 = arith.subf %add3A_940, %mul3A_947 : vector<128x1xf32>
    %sub3A_949 = arith.constant 3.14159274 : f32
    %sub3A_950 = vector.broadcast %sub3A_949 : f32 to vector<128x1xf32>
    %sub3A_951 = arith.subf %sub3A_948, %sub3A_950 : vector<128x1xf32>
    %add3A_952 = vector.broadcast %mul3A_41 : i32 to vector<128x1xi32>
    %add3A_953 = arith.addi %add3A_952, %broadcast_in_dim3A_910 : vector<128x1xi32>
    %swap3A_954 = arith.constant 1792 : index
    %swap3A_955 = arith.constant 0 : index
    %swap3A_956 = vector.load %arg7[%swap3A_954, %swap3A_955] : memref<4096x1xi32, #tpu.memory_space<vmem>>, vector<128x1xi32>
    tpu.vector_store %arg7[%swap3A_954, %swap3A_955], %add3A_953 {strides = array<i32>} : memref<4096x1xi32, #tpu.memory_space<vmem>>, vector<128x1xi32>,
    %sqrt3A_957 = math.sqrt %broadcast_in_dim3A_902 : vector<128x1xf32>
    %concatenate3A_958 = tpu.concatenate %add3A_929, %add3A_935, %sub3A_951, %sqrt3A_957 in 1 : vector<128x1xf32>, vector<128x1xf32>, vector<128x1xf32>, vector<128x1xf32> -> vector<128x4xf32>
    %swap3A_959 = arith.constant 1792 : index
    %swap3A_960 = arith.constant 0 : index
    %swap3A_961 = vector.load %arg8[%swap3A_959, %swap3A_960] : memref<4096x4xf32, #tpu.memory_space<vmem>>, vector<128x4xf32>
    tpu.vector_store %arg8[%swap3A_959, %swap3A_960], %concatenate3A_958 {strides = array<i32>} : memref<4096x4xf32, #tpu.memory_space<vmem>>, vector<128x4xf32>,
    %reduce_min3A_962 = arith.constant dense<0x7F800000> : vector<128xf32>
    %reduce_min3A_963 = vector.multi_reduction <minimumf>, %select_n3A_922, %reduce_min3A_962 [1] : vector<128x1024xf32> to vector<128xf32>
    %broadcast_in_dim3A_964 = vector.shape_cast %reduce_min3A_963 : vector<128xf32> to vector<128x1xf32>
    %eq3A_965 = vector.broadcast %broadcast_in_dim3A_964 : vector<128x1xf32> to vector<128x1024xf32>
    %eq3A_966 = arith.cmpf oeq, %select_n3A_922, %eq3A_965 : vector<128x1024xf32>
    %jit3A_967 = arith.constant 1024 : i32
    %broadcast_in_dim3A_968 = vector.broadcast %jit3A_967 : i32 to vector<128x1024xi32>
    %select_n3A_969 = arith.select %eq3A_966, %iota3A, %broadcast_in_dim3A_968 : vector<128x1024xi1>, vector<128x1024xi32>
    %reduce_min3A_970 = arith.constant dense<2147483647> : vector<128xi32>
    %reduce_min3A_971 = vector.multi_reduction <minsi>, %select_n3A_969, %reduce_min3A_970 [1] : vector<128x1024xi32> to vector<128xi32>
    %broadcast_in_dim3A_972 = vector.shape_cast %reduce_min3A_971 : vector<128xi32> to vector<128x1xi32>
    %eq3A_973 = vector.broadcast %broadcast_in_dim3A_972 : vector<128x1xi32> to vector<128x1024xi32>
    %eq3A_974 = arith.cmpi eq, %iota3A, %eq3A_973 : vector<128x1024xi32>
    %jit3A_975 = arith.constant 1.000000e+00 : f32
    %jit3A_976 = arith.constant 0.000000e+00 : f32
    %broadcast_in_dim3A_977 = vector.broadcast %jit3A_975 : f32 to vector<128x1024xf32>
    %broadcast_in_dim3A_978 = vector.broadcast %jit3A_976 : f32 to vector<128x1024xf32>
    %select_n3A_979 = arith.select %eq3A_974, %broadcast_in_dim3A_977, %broadcast_in_dim3A_978 : vector<128x1024xi1>, vector<128x1024xf32>
    %dot_general3A_980 = arith.constant dense<0.000000e+00> : vector<128x4xf32>
    %dot_general3A_981 = tpu.matmul %select_n3A_979, %get3A_28, %dot_general3A_980 {dimension_numbers = #tpu.dot_dimension_numbers<[1], [0], [0], [1], [0, 0, 1, 1], [], []>, transpose_lhs_hint = false} : vector<128x1024xf32>, vector<1024x4xf32>, vector<128x4xf32> -> vector<128x4xf32>
    %jit3A_982 = arith.constant 2.000000e+09 : f32
    %broadcast_in_dim3A_983 = vector.broadcast %jit3A_982 : f32 to vector<128x1024xf32>
    %select_n3A_984 = arith.select %eq3A_974, %broadcast_in_dim3A_983, %select_n3A_922 : vector<128x1024xi1>, vector<128x1024xf32>
    %slice3A_985 = vector.extract_strided_slice %dot_general3A_981 {offsets = [0, 0], sizes = [128, 1], strides = [1, 1]} : vector<128x4xf32> to vector<128x1xf32>
    %sub3A_986 = arith.subf %slice3A_985, %get3A_3 : vector<128x1xf32>
    %slice3A_987 = vector.extract_strided_slice %dot_general3A_981 {offsets = [0, 1], sizes = [128, 1], strides = [1, 1]} : vector<128x4xf32> to vector<128x1xf32>
    %sub3A_988 = arith.subf %slice3A_987, %get3A_8 : vector<128x1xf32>
    %mul3A_989 = arith.mulf %sub3A_986, %cos3A : vector<128x1xf32>
    %mul3A_990 = arith.mulf %sub3A_988, %sin3A : vector<128x1xf32>
    %add3A_991 = arith.addf %mul3A_989, %mul3A_990 : vector<128x1xf32>
    %neg3A_992 = arith.constant 0.000000e+00 : f32
    %neg3A_993 = vector.broadcast %neg3A_992 : f32 to vector<128x1xf32>
    %neg3A_994 = arith.subf %neg3A_993, %sub3A_986 : vector<128x1xf32>
    %mul3A_995 = arith.mulf %neg3A_994, %sin3A : vector<128x1xf32>
    %mul3A_996 = arith.mulf %sub3A_988, %cos3A : vector<128x1xf32>
    %add3A_997 = arith.addf %mul3A_995, %mul3A_996 : vector<128x1xf32>
    %slice3A_998 = vector.extract_strided_slice %dot_general3A_981 {offsets = [0, 2], sizes = [128, 1], strides = [1, 1]} : vector<128x4xf32> to vector<128x1xf32>
    %sub3A_999 = arith.subf %slice3A_998, %get3A_13 : vector<128x1xf32>
    %add3A_1000 = arith.constant 3.14159274 : f32
    %add3A_1001 = vector.broadcast %add3A_1000 : f32 to vector<128x1xf32>
    %add3A_1002 = arith.addf %sub3A_999, %add3A_1001 : vector<128x1xf32>
    %div3A_1003 = arith.constant 6.28318548 : f32
    %div3A_1004 = vector.broadcast %div3A_1003 : f32 to vector<128x1xf32>
    %div3A_1005 = arith.divf %add3A_1002, %div3A_1004 : vector<128x1xf32>
    %floor3A_1006 = math.floor %div3A_1005 : vector<128x1xf32>
    %mul3A_1007 = arith.constant 6.28318548 : f32
    %mul3A_1008 = vector.broadcast %mul3A_1007 : f32 to vector<128x1xf32>
    %mul3A_1009 = arith.mulf %floor3A_1006, %mul3A_1008 : vector<128x1xf32>
    %sub3A_1010 = arith.subf %add3A_1002, %mul3A_1009 : vector<128x1xf32>
    %sub3A_1011 = arith.constant 3.14159274 : f32
    %sub3A_1012 = vector.broadcast %sub3A_1011 : f32 to vector<128x1xf32>
    %sub3A_1013 = arith.subf %sub3A_1010, %sub3A_1012 : vector<128x1xf32>
    %add3A_1014 = vector.broadcast %mul3A_41 : i32 to vector<128x1xi32>
    %add3A_1015 = arith.addi %add3A_1014, %broadcast_in_dim3A_972 : vector<128x1xi32>
    %swap3A_1016 = arith.constant 1920 : index
    %swap3A_1017 = arith.constant 0 : index
    %swap3A_1018 = vector.load %arg7[%swap3A_1016, %swap3A_1017] : memref<4096x1xi32, #tpu.memory_space<vmem>>, vector<128x1xi32>
    tpu.vector_store %arg7[%swap3A_1016, %swap3A_1017], %add3A_1015 {strides = array<i32>} : memref<4096x1xi32, #tpu.memory_space<vmem>>, vector<128x1xi32>,
    %sqrt3A_1019 = math.sqrt %broadcast_in_dim3A_964 : vector<128x1xf32>
    %concatenate3A_1020 = tpu.concatenate %add3A_991, %add3A_997, %sub3A_1013, %sqrt3A_1019 in 1 : vector<128x1xf32>, vector<128x1xf32>, vector<128x1xf32>, vector<128x1xf32> -> vector<128x4xf32>
    %swap3A_1021 = arith.constant 1920 : index
    %swap3A_1022 = arith.constant 0 : index
    %swap3A_1023 = vector.load %arg8[%swap3A_1021, %swap3A_1022] : memref<4096x4xf32, #tpu.memory_space<vmem>>, vector<128x4xf32>
    tpu.vector_store %arg8[%swap3A_1021, %swap3A_1022], %concatenate3A_1020 {strides = array<i32>} : memref<4096x4xf32, #tpu.memory_space<vmem>>, vector<128x4xf32>,
    %reduce_min3A_1024 = arith.constant dense<0x7F800000> : vector<128xf32>
    %reduce_min3A_1025 = vector.multi_reduction <minimumf>, %select_n3A_984, %reduce_min3A_1024 [1] : vector<128x1024xf32> to vector<128xf32>
    %broadcast_in_dim3A_1026 = vector.shape_cast %reduce_min3A_1025 : vector<128xf32> to vector<128x1xf32>
    %eq3A_1027 = vector.broadcast %broadcast_in_dim3A_1026 : vector<128x1xf32> to vector<128x1024xf32>
    %eq3A_1028 = arith.cmpf oeq, %select_n3A_984, %eq3A_1027 : vector<128x1024xf32>
    %jit3A_1029 = arith.constant 1024 : i32
    %broadcast_in_dim3A_1030 = vector.broadcast %jit3A_1029 : i32 to vector<128x1024xi32>
    %select_n3A_1031 = arith.select %eq3A_1028, %iota3A, %broadcast_in_dim3A_1030 : vector<128x1024xi1>, vector<128x1024xi32>
    %reduce_min3A_1032 = arith.constant dense<2147483647> : vector<128xi32>
    %reduce_min3A_1033 = vector.multi_reduction <minsi>, %select_n3A_1031, %reduce_min3A_1032 [1] : vector<128x1024xi32> to vector<128xi32>
    %broadcast_in_dim3A_1034 = vector.shape_cast %reduce_min3A_1033 : vector<128xi32> to vector<128x1xi32>
    %eq3A_1035 = vector.broadcast %broadcast_in_dim3A_1034 : vector<128x1xi32> to vector<128x1024xi32>
    %eq3A_1036 = arith.cmpi eq, %iota3A, %eq3A_1035 : vector<128x1024xi32>
    %jit3A_1037 = arith.constant 1.000000e+00 : f32
    %jit3A_1038 = arith.constant 0.000000e+00 : f32
    %broadcast_in_dim3A_1039 = vector.broadcast %jit3A_1037 : f32 to vector<128x1024xf32>
    %broadcast_in_dim3A_1040 = vector.broadcast %jit3A_1038 : f32 to vector<128x1024xf32>
    %select_n3A_1041 = arith.select %eq3A_1036, %broadcast_in_dim3A_1039, %broadcast_in_dim3A_1040 : vector<128x1024xi1>, vector<128x1024xf32>
    %dot_general3A_1042 = arith.constant dense<0.000000e+00> : vector<128x4xf32>
    %dot_general3A_1043 = tpu.matmul %select_n3A_1041, %get3A_28, %dot_general3A_1042 {dimension_numbers = #tpu.dot_dimension_numbers<[1], [0], [0], [1], [0, 0, 1, 1], [], []>, transpose_lhs_hint = false} : vector<128x1024xf32>, vector<1024x4xf32>, vector<128x4xf32> -> vector<128x4xf32>
    %jit3A_1044 = arith.constant 2.000000e+09 : f32
    %broadcast_in_dim3A_1045 = vector.broadcast %jit3A_1044 : f32 to vector<128x1024xf32>
    %select_n3A_1046 = arith.select %eq3A_1036, %broadcast_in_dim3A_1045, %select_n3A_984 : vector<128x1024xi1>, vector<128x1024xf32>
    %slice3A_1047 = vector.extract_strided_slice %dot_general3A_1043 {offsets = [0, 0], sizes = [128, 1], strides = [1, 1]} : vector<128x4xf32> to vector<128x1xf32>
    %sub3A_1048 = arith.subf %slice3A_1047, %get3A_3 : vector<128x1xf32>
    %slice3A_1049 = vector.extract_strided_slice %dot_general3A_1043 {offsets = [0, 1], sizes = [128, 1], strides = [1, 1]} : vector<128x4xf32> to vector<128x1xf32>
    %sub3A_1050 = arith.subf %slice3A_1049, %get3A_8 : vector<128x1xf32>
    %mul3A_1051 = arith.mulf %sub3A_1048, %cos3A : vector<128x1xf32>
    %mul3A_1052 = arith.mulf %sub3A_1050, %sin3A : vector<128x1xf32>
    %add3A_1053 = arith.addf %mul3A_1051, %mul3A_1052 : vector<128x1xf32>
    %neg3A_1054 = arith.constant 0.000000e+00 : f32
    %neg3A_1055 = vector.broadcast %neg3A_1054 : f32 to vector<128x1xf32>
    %neg3A_1056 = arith.subf %neg3A_1055, %sub3A_1048 : vector<128x1xf32>
    %mul3A_1057 = arith.mulf %neg3A_1056, %sin3A : vector<128x1xf32>
    %mul3A_1058 = arith.mulf %sub3A_1050, %cos3A : vector<128x1xf32>
    %add3A_1059 = arith.addf %mul3A_1057, %mul3A_1058 : vector<128x1xf32>
    %slice3A_1060 = vector.extract_strided_slice %dot_general3A_1043 {offsets = [0, 2], sizes = [128, 1], strides = [1, 1]} : vector<128x4xf32> to vector<128x1xf32>
    %sub3A_1061 = arith.subf %slice3A_1060, %get3A_13 : vector<128x1xf32>
    %add3A_1062 = arith.constant 3.14159274 : f32
    %add3A_1063 = vector.broadcast %add3A_1062 : f32 to vector<128x1xf32>
    %add3A_1064 = arith.addf %sub3A_1061, %add3A_1063 : vector<128x1xf32>
    %div3A_1065 = arith.constant 6.28318548 : f32
    %div3A_1066 = vector.broadcast %div3A_1065 : f32 to vector<128x1xf32>
    %div3A_1067 = arith.divf %add3A_1064, %div3A_1066 : vector<128x1xf32>
    %floor3A_1068 = math.floor %div3A_1067 : vector<128x1xf32>
    %mul3A_1069 = arith.constant 6.28318548 : f32
    %mul3A_1070 = vector.broadcast %mul3A_1069 : f32 to vector<128x1xf32>
    %mul3A_1071 = arith.mulf %floor3A_1068, %mul3A_1070 : vector<128x1xf32>
    %sub3A_1072 = arith.subf %add3A_1064, %mul3A_1071 : vector<128x1xf32>
    %sub3A_1073 = arith.constant 3.14159274 : f32
    %sub3A_1074 = vector.broadcast %sub3A_1073 : f32 to vector<128x1xf32>
    %sub3A_1075 = arith.subf %sub3A_1072, %sub3A_1074 : vector<128x1xf32>
    %add3A_1076 = vector.broadcast %mul3A_41 : i32 to vector<128x1xi32>
    %add3A_1077 = arith.addi %add3A_1076, %broadcast_in_dim3A_1034 : vector<128x1xi32>
    %swap3A_1078 = arith.constant 2048 : index
    %swap3A_1079 = arith.constant 0 : index
    %swap3A_1080 = vector.load %arg7[%swap3A_1078, %swap3A_1079] : memref<4096x1xi32, #tpu.memory_space<vmem>>, vector<128x1xi32>
    tpu.vector_store %arg7[%swap3A_1078, %swap3A_1079], %add3A_1077 {strides = array<i32>} : memref<4096x1xi32, #tpu.memory_space<vmem>>, vector<128x1xi32>,
    %sqrt3A_1081 = math.sqrt %broadcast_in_dim3A_1026 : vector<128x1xf32>
    %concatenate3A_1082 = tpu.concatenate %add3A_1053, %add3A_1059, %sub3A_1075, %sqrt3A_1081 in 1 : vector<128x1xf32>, vector<128x1xf32>, vector<128x1xf32>, vector<128x1xf32> -> vector<128x4xf32>
    %swap3A_1083 = arith.constant 2048 : index
    %swap3A_1084 = arith.constant 0 : index
    %swap3A_1085 = vector.load %arg8[%swap3A_1083, %swap3A_1084] : memref<4096x4xf32, #tpu.memory_space<vmem>>, vector<128x4xf32>
    tpu.vector_store %arg8[%swap3A_1083, %swap3A_1084], %concatenate3A_1082 {strides = array<i32>} : memref<4096x4xf32, #tpu.memory_space<vmem>>, vector<128x4xf32>,
    %reduce_min3A_1086 = arith.constant dense<0x7F800000> : vector<128xf32>
    %reduce_min3A_1087 = vector.multi_reduction <minimumf>, %select_n3A_1046, %reduce_min3A_1086 [1] : vector<128x1024xf32> to vector<128xf32>
    %broadcast_in_dim3A_1088 = vector.shape_cast %reduce_min3A_1087 : vector<128xf32> to vector<128x1xf32>
    %eq3A_1089 = vector.broadcast %broadcast_in_dim3A_1088 : vector<128x1xf32> to vector<128x1024xf32>
    %eq3A_1090 = arith.cmpf oeq, %select_n3A_1046, %eq3A_1089 : vector<128x1024xf32>
    %jit3A_1091 = arith.constant 1024 : i32
    %broadcast_in_dim3A_1092 = vector.broadcast %jit3A_1091 : i32 to vector<128x1024xi32>
    %select_n3A_1093 = arith.select %eq3A_1090, %iota3A, %broadcast_in_dim3A_1092 : vector<128x1024xi1>, vector<128x1024xi32>
    %reduce_min3A_1094 = arith.constant dense<2147483647> : vector<128xi32>
    %reduce_min3A_1095 = vector.multi_reduction <minsi>, %select_n3A_1093, %reduce_min3A_1094 [1] : vector<128x1024xi32> to vector<128xi32>
    %broadcast_in_dim3A_1096 = vector.shape_cast %reduce_min3A_1095 : vector<128xi32> to vector<128x1xi32>
    %eq3A_1097 = vector.broadcast %broadcast_in_dim3A_1096 : vector<128x1xi32> to vector<128x1024xi32>
    %eq3A_1098 = arith.cmpi eq, %iota3A, %eq3A_1097 : vector<128x1024xi32>
    %jit3A_1099 = arith.constant 1.000000e+00 : f32
    %jit3A_1100 = arith.constant 0.000000e+00 : f32
    %broadcast_in_dim3A_1101 = vector.broadcast %jit3A_1099 : f32 to vector<128x1024xf32>
    %broadcast_in_dim3A_1102 = vector.broadcast %jit3A_1100 : f32 to vector<128x1024xf32>
    %select_n3A_1103 = arith.select %eq3A_1098, %broadcast_in_dim3A_1101, %broadcast_in_dim3A_1102 : vector<128x1024xi1>, vector<128x1024xf32>
    %dot_general3A_1104 = arith.constant dense<0.000000e+00> : vector<128x4xf32>
    %dot_general3A_1105 = tpu.matmul %select_n3A_1103, %get3A_28, %dot_general3A_1104 {dimension_numbers = #tpu.dot_dimension_numbers<[1], [0], [0], [1], [0, 0, 1, 1], [], []>, transpose_lhs_hint = false} : vector<128x1024xf32>, vector<1024x4xf32>, vector<128x4xf32> -> vector<128x4xf32>
    %jit3A_1106 = arith.constant 2.000000e+09 : f32
    %broadcast_in_dim3A_1107 = vector.broadcast %jit3A_1106 : f32 to vector<128x1024xf32>
    %select_n3A_1108 = arith.select %eq3A_1098, %broadcast_in_dim3A_1107, %select_n3A_1046 : vector<128x1024xi1>, vector<128x1024xf32>
    %slice3A_1109 = vector.extract_strided_slice %dot_general3A_1105 {offsets = [0, 0], sizes = [128, 1], strides = [1, 1]} : vector<128x4xf32> to vector<128x1xf32>
    %sub3A_1110 = arith.subf %slice3A_1109, %get3A_3 : vector<128x1xf32>
    %slice3A_1111 = vector.extract_strided_slice %dot_general3A_1105 {offsets = [0, 1], sizes = [128, 1], strides = [1, 1]} : vector<128x4xf32> to vector<128x1xf32>
    %sub3A_1112 = arith.subf %slice3A_1111, %get3A_8 : vector<128x1xf32>
    %mul3A_1113 = arith.mulf %sub3A_1110, %cos3A : vector<128x1xf32>
    %mul3A_1114 = arith.mulf %sub3A_1112, %sin3A : vector<128x1xf32>
    %add3A_1115 = arith.addf %mul3A_1113, %mul3A_1114 : vector<128x1xf32>
    %neg3A_1116 = arith.constant 0.000000e+00 : f32
    %neg3A_1117 = vector.broadcast %neg3A_1116 : f32 to vector<128x1xf32>
    %neg3A_1118 = arith.subf %neg3A_1117, %sub3A_1110 : vector<128x1xf32>
    %mul3A_1119 = arith.mulf %neg3A_1118, %sin3A : vector<128x1xf32>
    %mul3A_1120 = arith.mulf %sub3A_1112, %cos3A : vector<128x1xf32>
    %add3A_1121 = arith.addf %mul3A_1119, %mul3A_1120 : vector<128x1xf32>
    %slice3A_1122 = vector.extract_strided_slice %dot_general3A_1105 {offsets = [0, 2], sizes = [128, 1], strides = [1, 1]} : vector<128x4xf32> to vector<128x1xf32>
    %sub3A_1123 = arith.subf %slice3A_1122, %get3A_13 : vector<128x1xf32>
    %add3A_1124 = arith.constant 3.14159274 : f32
    %add3A_1125 = vector.broadcast %add3A_1124 : f32 to vector<128x1xf32>
    %add3A_1126 = arith.addf %sub3A_1123, %add3A_1125 : vector<128x1xf32>
    %div3A_1127 = arith.constant 6.28318548 : f32
    %div3A_1128 = vector.broadcast %div3A_1127 : f32 to vector<128x1xf32>
    %div3A_1129 = arith.divf %add3A_1126, %div3A_1128 : vector<128x1xf32>
    %floor3A_1130 = math.floor %div3A_1129 : vector<128x1xf32>
    %mul3A_1131 = arith.constant 6.28318548 : f32
    %mul3A_1132 = vector.broadcast %mul3A_1131 : f32 to vector<128x1xf32>
    %mul3A_1133 = arith.mulf %floor3A_1130, %mul3A_1132 : vector<128x1xf32>
    %sub3A_1134 = arith.subf %add3A_1126, %mul3A_1133 : vector<128x1xf32>
    %sub3A_1135 = arith.constant 3.14159274 : f32
    %sub3A_1136 = vector.broadcast %sub3A_1135 : f32 to vector<128x1xf32>
    %sub3A_1137 = arith.subf %sub3A_1134, %sub3A_1136 : vector<128x1xf32>
    %add3A_1138 = vector.broadcast %mul3A_41 : i32 to vector<128x1xi32>
    %add3A_1139 = arith.addi %add3A_1138, %broadcast_in_dim3A_1096 : vector<128x1xi32>
    %swap3A_1140 = arith.constant 2176 : index
    %swap3A_1141 = arith.constant 0 : index
    %swap3A_1142 = vector.load %arg7[%swap3A_1140, %swap3A_1141] : memref<4096x1xi32, #tpu.memory_space<vmem>>, vector<128x1xi32>
    tpu.vector_store %arg7[%swap3A_1140, %swap3A_1141], %add3A_1139 {strides = array<i32>} : memref<4096x1xi32, #tpu.memory_space<vmem>>, vector<128x1xi32>,
    %sqrt3A_1143 = math.sqrt %broadcast_in_dim3A_1088 : vector<128x1xf32>
    %concatenate3A_1144 = tpu.concatenate %add3A_1115, %add3A_1121, %sub3A_1137, %sqrt3A_1143 in 1 : vector<128x1xf32>, vector<128x1xf32>, vector<128x1xf32>, vector<128x1xf32> -> vector<128x4xf32>
    %swap3A_1145 = arith.constant 2176 : index
    %swap3A_1146 = arith.constant 0 : index
    %swap3A_1147 = vector.load %arg8[%swap3A_1145, %swap3A_1146] : memref<4096x4xf32, #tpu.memory_space<vmem>>, vector<128x4xf32>
    tpu.vector_store %arg8[%swap3A_1145, %swap3A_1146], %concatenate3A_1144 {strides = array<i32>} : memref<4096x4xf32, #tpu.memory_space<vmem>>, vector<128x4xf32>,
    %reduce_min3A_1148 = arith.constant dense<0x7F800000> : vector<128xf32>
    %reduce_min3A_1149 = vector.multi_reduction <minimumf>, %select_n3A_1108, %reduce_min3A_1148 [1] : vector<128x1024xf32> to vector<128xf32>
    %broadcast_in_dim3A_1150 = vector.shape_cast %reduce_min3A_1149 : vector<128xf32> to vector<128x1xf32>
    %eq3A_1151 = vector.broadcast %broadcast_in_dim3A_1150 : vector<128x1xf32> to vector<128x1024xf32>
    %eq3A_1152 = arith.cmpf oeq, %select_n3A_1108, %eq3A_1151 : vector<128x1024xf32>
    %jit3A_1153 = arith.constant 1024 : i32
    %broadcast_in_dim3A_1154 = vector.broadcast %jit3A_1153 : i32 to vector<128x1024xi32>
    %select_n3A_1155 = arith.select %eq3A_1152, %iota3A, %broadcast_in_dim3A_1154 : vector<128x1024xi1>, vector<128x1024xi32>
    %reduce_min3A_1156 = arith.constant dense<2147483647> : vector<128xi32>
    %reduce_min3A_1157 = vector.multi_reduction <minsi>, %select_n3A_1155, %reduce_min3A_1156 [1] : vector<128x1024xi32> to vector<128xi32>
    %broadcast_in_dim3A_1158 = vector.shape_cast %reduce_min3A_1157 : vector<128xi32> to vector<128x1xi32>
    %eq3A_1159 = vector.broadcast %broadcast_in_dim3A_1158 : vector<128x1xi32> to vector<128x1024xi32>
    %eq3A_1160 = arith.cmpi eq, %iota3A, %eq3A_1159 : vector<128x1024xi32>
    %jit3A_1161 = arith.constant 1.000000e+00 : f32
    %jit3A_1162 = arith.constant 0.000000e+00 : f32
    %broadcast_in_dim3A_1163 = vector.broadcast %jit3A_1161 : f32 to vector<128x1024xf32>
    %broadcast_in_dim3A_1164 = vector.broadcast %jit3A_1162 : f32 to vector<128x1024xf32>
    %select_n3A_1165 = arith.select %eq3A_1160, %broadcast_in_dim3A_1163, %broadcast_in_dim3A_1164 : vector<128x1024xi1>, vector<128x1024xf32>
    %dot_general3A_1166 = arith.constant dense<0.000000e+00> : vector<128x4xf32>
    %dot_general3A_1167 = tpu.matmul %select_n3A_1165, %get3A_28, %dot_general3A_1166 {dimension_numbers = #tpu.dot_dimension_numbers<[1], [0], [0], [1], [0, 0, 1, 1], [], []>, transpose_lhs_hint = false} : vector<128x1024xf32>, vector<1024x4xf32>, vector<128x4xf32> -> vector<128x4xf32>
    %jit3A_1168 = arith.constant 2.000000e+09 : f32
    %broadcast_in_dim3A_1169 = vector.broadcast %jit3A_1168 : f32 to vector<128x1024xf32>
    %select_n3A_1170 = arith.select %eq3A_1160, %broadcast_in_dim3A_1169, %select_n3A_1108 : vector<128x1024xi1>, vector<128x1024xf32>
    %slice3A_1171 = vector.extract_strided_slice %dot_general3A_1167 {offsets = [0, 0], sizes = [128, 1], strides = [1, 1]} : vector<128x4xf32> to vector<128x1xf32>
    %sub3A_1172 = arith.subf %slice3A_1171, %get3A_3 : vector<128x1xf32>
    %slice3A_1173 = vector.extract_strided_slice %dot_general3A_1167 {offsets = [0, 1], sizes = [128, 1], strides = [1, 1]} : vector<128x4xf32> to vector<128x1xf32>
    %sub3A_1174 = arith.subf %slice3A_1173, %get3A_8 : vector<128x1xf32>
    %mul3A_1175 = arith.mulf %sub3A_1172, %cos3A : vector<128x1xf32>
    %mul3A_1176 = arith.mulf %sub3A_1174, %sin3A : vector<128x1xf32>
    %add3A_1177 = arith.addf %mul3A_1175, %mul3A_1176 : vector<128x1xf32>
    %neg3A_1178 = arith.constant 0.000000e+00 : f32
    %neg3A_1179 = vector.broadcast %neg3A_1178 : f32 to vector<128x1xf32>
    %neg3A_1180 = arith.subf %neg3A_1179, %sub3A_1172 : vector<128x1xf32>
    %mul3A_1181 = arith.mulf %neg3A_1180, %sin3A : vector<128x1xf32>
    %mul3A_1182 = arith.mulf %sub3A_1174, %cos3A : vector<128x1xf32>
    %add3A_1183 = arith.addf %mul3A_1181, %mul3A_1182 : vector<128x1xf32>
    %slice3A_1184 = vector.extract_strided_slice %dot_general3A_1167 {offsets = [0, 2], sizes = [128, 1], strides = [1, 1]} : vector<128x4xf32> to vector<128x1xf32>
    %sub3A_1185 = arith.subf %slice3A_1184, %get3A_13 : vector<128x1xf32>
    %add3A_1186 = arith.constant 3.14159274 : f32
    %add3A_1187 = vector.broadcast %add3A_1186 : f32 to vector<128x1xf32>
    %add3A_1188 = arith.addf %sub3A_1185, %add3A_1187 : vector<128x1xf32>
    %div3A_1189 = arith.constant 6.28318548 : f32
    %div3A_1190 = vector.broadcast %div3A_1189 : f32 to vector<128x1xf32>
    %div3A_1191 = arith.divf %add3A_1188, %div3A_1190 : vector<128x1xf32>
    %floor3A_1192 = math.floor %div3A_1191 : vector<128x1xf32>
    %mul3A_1193 = arith.constant 6.28318548 : f32
    %mul3A_1194 = vector.broadcast %mul3A_1193 : f32 to vector<128x1xf32>
    %mul3A_1195 = arith.mulf %floor3A_1192, %mul3A_1194 : vector<128x1xf32>
    %sub3A_1196 = arith.subf %add3A_1188, %mul3A_1195 : vector<128x1xf32>
    %sub3A_1197 = arith.constant 3.14159274 : f32
    %sub3A_1198 = vector.broadcast %sub3A_1197 : f32 to vector<128x1xf32>
    %sub3A_1199 = arith.subf %sub3A_1196, %sub3A_1198 : vector<128x1xf32>
    %add3A_1200 = vector.broadcast %mul3A_41 : i32 to vector<128x1xi32>
    %add3A_1201 = arith.addi %add3A_1200, %broadcast_in_dim3A_1158 : vector<128x1xi32>
    %swap3A_1202 = arith.constant 2304 : index
    %swap3A_1203 = arith.constant 0 : index
    %swap3A_1204 = vector.load %arg7[%swap3A_1202, %swap3A_1203] : memref<4096x1xi32, #tpu.memory_space<vmem>>, vector<128x1xi32>
    tpu.vector_store %arg7[%swap3A_1202, %swap3A_1203], %add3A_1201 {strides = array<i32>} : memref<4096x1xi32, #tpu.memory_space<vmem>>, vector<128x1xi32>,
    %sqrt3A_1205 = math.sqrt %broadcast_in_dim3A_1150 : vector<128x1xf32>
    %concatenate3A_1206 = tpu.concatenate %add3A_1177, %add3A_1183, %sub3A_1199, %sqrt3A_1205 in 1 : vector<128x1xf32>, vector<128x1xf32>, vector<128x1xf32>, vector<128x1xf32> -> vector<128x4xf32>
    %swap3A_1207 = arith.constant 2304 : index
    %swap3A_1208 = arith.constant 0 : index
    %swap3A_1209 = vector.load %arg8[%swap3A_1207, %swap3A_1208] : memref<4096x4xf32, #tpu.memory_space<vmem>>, vector<128x4xf32>
    tpu.vector_store %arg8[%swap3A_1207, %swap3A_1208], %concatenate3A_1206 {strides = array<i32>} : memref<4096x4xf32, #tpu.memory_space<vmem>>, vector<128x4xf32>,
    %reduce_min3A_1210 = arith.constant dense<0x7F800000> : vector<128xf32>
    %reduce_min3A_1211 = vector.multi_reduction <minimumf>, %select_n3A_1170, %reduce_min3A_1210 [1] : vector<128x1024xf32> to vector<128xf32>
    %broadcast_in_dim3A_1212 = vector.shape_cast %reduce_min3A_1211 : vector<128xf32> to vector<128x1xf32>
    %eq3A_1213 = vector.broadcast %broadcast_in_dim3A_1212 : vector<128x1xf32> to vector<128x1024xf32>
    %eq3A_1214 = arith.cmpf oeq, %select_n3A_1170, %eq3A_1213 : vector<128x1024xf32>
    %jit3A_1215 = arith.constant 1024 : i32
    %broadcast_in_dim3A_1216 = vector.broadcast %jit3A_1215 : i32 to vector<128x1024xi32>
    %select_n3A_1217 = arith.select %eq3A_1214, %iota3A, %broadcast_in_dim3A_1216 : vector<128x1024xi1>, vector<128x1024xi32>
    %reduce_min3A_1218 = arith.constant dense<2147483647> : vector<128xi32>
    %reduce_min3A_1219 = vector.multi_reduction <minsi>, %select_n3A_1217, %reduce_min3A_1218 [1] : vector<128x1024xi32> to vector<128xi32>
    %broadcast_in_dim3A_1220 = vector.shape_cast %reduce_min3A_1219 : vector<128xi32> to vector<128x1xi32>
    %eq3A_1221 = vector.broadcast %broadcast_in_dim3A_1220 : vector<128x1xi32> to vector<128x1024xi32>
    %eq3A_1222 = arith.cmpi eq, %iota3A, %eq3A_1221 : vector<128x1024xi32>
    %jit3A_1223 = arith.constant 1.000000e+00 : f32
    %jit3A_1224 = arith.constant 0.000000e+00 : f32
    %broadcast_in_dim3A_1225 = vector.broadcast %jit3A_1223 : f32 to vector<128x1024xf32>
    %broadcast_in_dim3A_1226 = vector.broadcast %jit3A_1224 : f32 to vector<128x1024xf32>
    %select_n3A_1227 = arith.select %eq3A_1222, %broadcast_in_dim3A_1225, %broadcast_in_dim3A_1226 : vector<128x1024xi1>, vector<128x1024xf32>
    %dot_general3A_1228 = arith.constant dense<0.000000e+00> : vector<128x4xf32>
    %dot_general3A_1229 = tpu.matmul %select_n3A_1227, %get3A_28, %dot_general3A_1228 {dimension_numbers = #tpu.dot_dimension_numbers<[1], [0], [0], [1], [0, 0, 1, 1], [], []>, transpose_lhs_hint = false} : vector<128x1024xf32>, vector<1024x4xf32>, vector<128x4xf32> -> vector<128x4xf32>
    %jit3A_1230 = arith.constant 2.000000e+09 : f32
    %broadcast_in_dim3A_1231 = vector.broadcast %jit3A_1230 : f32 to vector<128x1024xf32>
    %select_n3A_1232 = arith.select %eq3A_1222, %broadcast_in_dim3A_1231, %select_n3A_1170 : vector<128x1024xi1>, vector<128x1024xf32>
    %slice3A_1233 = vector.extract_strided_slice %dot_general3A_1229 {offsets = [0, 0], sizes = [128, 1], strides = [1, 1]} : vector<128x4xf32> to vector<128x1xf32>
    %sub3A_1234 = arith.subf %slice3A_1233, %get3A_3 : vector<128x1xf32>
    %slice3A_1235 = vector.extract_strided_slice %dot_general3A_1229 {offsets = [0, 1], sizes = [128, 1], strides = [1, 1]} : vector<128x4xf32> to vector<128x1xf32>
    %sub3A_1236 = arith.subf %slice3A_1235, %get3A_8 : vector<128x1xf32>
    %mul3A_1237 = arith.mulf %sub3A_1234, %cos3A : vector<128x1xf32>
    %mul3A_1238 = arith.mulf %sub3A_1236, %sin3A : vector<128x1xf32>
    %add3A_1239 = arith.addf %mul3A_1237, %mul3A_1238 : vector<128x1xf32>
    %neg3A_1240 = arith.constant 0.000000e+00 : f32
    %neg3A_1241 = vector.broadcast %neg3A_1240 : f32 to vector<128x1xf32>
    %neg3A_1242 = arith.subf %neg3A_1241, %sub3A_1234 : vector<128x1xf32>
    %mul3A_1243 = arith.mulf %neg3A_1242, %sin3A : vector<128x1xf32>
    %mul3A_1244 = arith.mulf %sub3A_1236, %cos3A : vector<128x1xf32>
    %add3A_1245 = arith.addf %mul3A_1243, %mul3A_1244 : vector<128x1xf32>
    %slice3A_1246 = vector.extract_strided_slice %dot_general3A_1229 {offsets = [0, 2], sizes = [128, 1], strides = [1, 1]} : vector<128x4xf32> to vector<128x1xf32>
    %sub3A_1247 = arith.subf %slice3A_1246, %get3A_13 : vector<128x1xf32>
    %add3A_1248 = arith.constant 3.14159274 : f32
    %add3A_1249 = vector.broadcast %add3A_1248 : f32 to vector<128x1xf32>
    %add3A_1250 = arith.addf %sub3A_1247, %add3A_1249 : vector<128x1xf32>
    %div3A_1251 = arith.constant 6.28318548 : f32
    %div3A_1252 = vector.broadcast %div3A_1251 : f32 to vector<128x1xf32>
    %div3A_1253 = arith.divf %add3A_1250, %div3A_1252 : vector<128x1xf32>
    %floor3A_1254 = math.floor %div3A_1253 : vector<128x1xf32>
    %mul3A_1255 = arith.constant 6.28318548 : f32
    %mul3A_1256 = vector.broadcast %mul3A_1255 : f32 to vector<128x1xf32>
    %mul3A_1257 = arith.mulf %floor3A_1254, %mul3A_1256 : vector<128x1xf32>
    %sub3A_1258 = arith.subf %add3A_1250, %mul3A_1257 : vector<128x1xf32>
    %sub3A_1259 = arith.constant 3.14159274 : f32
    %sub3A_1260 = vector.broadcast %sub3A_1259 : f32 to vector<128x1xf32>
    %sub3A_1261 = arith.subf %sub3A_1258, %sub3A_1260 : vector<128x1xf32>
    %add3A_1262 = vector.broadcast %mul3A_41 : i32 to vector<128x1xi32>
    %add3A_1263 = arith.addi %add3A_1262, %broadcast_in_dim3A_1220 : vector<128x1xi32>
    %swap3A_1264 = arith.constant 2432 : index
    %swap3A_1265 = arith.constant 0 : index
    %swap3A_1266 = vector.load %arg7[%swap3A_1264, %swap3A_1265] : memref<4096x1xi32, #tpu.memory_space<vmem>>, vector<128x1xi32>
    tpu.vector_store %arg7[%swap3A_1264, %swap3A_1265], %add3A_1263 {strides = array<i32>} : memref<4096x1xi32, #tpu.memory_space<vmem>>, vector<128x1xi32>,
    %sqrt3A_1267 = math.sqrt %broadcast_in_dim3A_1212 : vector<128x1xf32>
    %concatenate3A_1268 = tpu.concatenate %add3A_1239, %add3A_1245, %sub3A_1261, %sqrt3A_1267 in 1 : vector<128x1xf32>, vector<128x1xf32>, vector<128x1xf32>, vector<128x1xf32> -> vector<128x4xf32>
    %swap3A_1269 = arith.constant 2432 : index
    %swap3A_1270 = arith.constant 0 : index
    %swap3A_1271 = vector.load %arg8[%swap3A_1269, %swap3A_1270] : memref<4096x4xf32, #tpu.memory_space<vmem>>, vector<128x4xf32>
    tpu.vector_store %arg8[%swap3A_1269, %swap3A_1270], %concatenate3A_1268 {strides = array<i32>} : memref<4096x4xf32, #tpu.memory_space<vmem>>, vector<128x4xf32>,
    %reduce_min3A_1272 = arith.constant dense<0x7F800000> : vector<128xf32>
    %reduce_min3A_1273 = vector.multi_reduction <minimumf>, %select_n3A_1232, %reduce_min3A_1272 [1] : vector<128x1024xf32> to vector<128xf32>
    %broadcast_in_dim3A_1274 = vector.shape_cast %reduce_min3A_1273 : vector<128xf32> to vector<128x1xf32>
    %eq3A_1275 = vector.broadcast %broadcast_in_dim3A_1274 : vector<128x1xf32> to vector<128x1024xf32>
    %eq3A_1276 = arith.cmpf oeq, %select_n3A_1232, %eq3A_1275 : vector<128x1024xf32>
    %jit3A_1277 = arith.constant 1024 : i32
    %broadcast_in_dim3A_1278 = vector.broadcast %jit3A_1277 : i32 to vector<128x1024xi32>
    %select_n3A_1279 = arith.select %eq3A_1276, %iota3A, %broadcast_in_dim3A_1278 : vector<128x1024xi1>, vector<128x1024xi32>
    %reduce_min3A_1280 = arith.constant dense<2147483647> : vector<128xi32>
    %reduce_min3A_1281 = vector.multi_reduction <minsi>, %select_n3A_1279, %reduce_min3A_1280 [1] : vector<128x1024xi32> to vector<128xi32>
    %broadcast_in_dim3A_1282 = vector.shape_cast %reduce_min3A_1281 : vector<128xi32> to vector<128x1xi32>
    %eq3A_1283 = vector.broadcast %broadcast_in_dim3A_1282 : vector<128x1xi32> to vector<128x1024xi32>
    %eq3A_1284 = arith.cmpi eq, %iota3A, %eq3A_1283 : vector<128x1024xi32>
    %jit3A_1285 = arith.constant 1.000000e+00 : f32
    %jit3A_1286 = arith.constant 0.000000e+00 : f32
    %broadcast_in_dim3A_1287 = vector.broadcast %jit3A_1285 : f32 to vector<128x1024xf32>
    %broadcast_in_dim3A_1288 = vector.broadcast %jit3A_1286 : f32 to vector<128x1024xf32>
    %select_n3A_1289 = arith.select %eq3A_1284, %broadcast_in_dim3A_1287, %broadcast_in_dim3A_1288 : vector<128x1024xi1>, vector<128x1024xf32>
    %dot_general3A_1290 = arith.constant dense<0.000000e+00> : vector<128x4xf32>
    %dot_general3A_1291 = tpu.matmul %select_n3A_1289, %get3A_28, %dot_general3A_1290 {dimension_numbers = #tpu.dot_dimension_numbers<[1], [0], [0], [1], [0, 0, 1, 1], [], []>, transpose_lhs_hint = false} : vector<128x1024xf32>, vector<1024x4xf32>, vector<128x4xf32> -> vector<128x4xf32>
    %jit3A_1292 = arith.constant 2.000000e+09 : f32
    %broadcast_in_dim3A_1293 = vector.broadcast %jit3A_1292 : f32 to vector<128x1024xf32>
    %select_n3A_1294 = arith.select %eq3A_1284, %broadcast_in_dim3A_1293, %select_n3A_1232 : vector<128x1024xi1>, vector<128x1024xf32>
    %slice3A_1295 = vector.extract_strided_slice %dot_general3A_1291 {offsets = [0, 0], sizes = [128, 1], strides = [1, 1]} : vector<128x4xf32> to vector<128x1xf32>
    %sub3A_1296 = arith.subf %slice3A_1295, %get3A_3 : vector<128x1xf32>
    %slice3A_1297 = vector.extract_strided_slice %dot_general3A_1291 {offsets = [0, 1], sizes = [128, 1], strides = [1, 1]} : vector<128x4xf32> to vector<128x1xf32>
    %sub3A_1298 = arith.subf %slice3A_1297, %get3A_8 : vector<128x1xf32>
    %mul3A_1299 = arith.mulf %sub3A_1296, %cos3A : vector<128x1xf32>
    %mul3A_1300 = arith.mulf %sub3A_1298, %sin3A : vector<128x1xf32>
    %add3A_1301 = arith.addf %mul3A_1299, %mul3A_1300 : vector<128x1xf32>
    %neg3A_1302 = arith.constant 0.000000e+00 : f32
    %neg3A_1303 = vector.broadcast %neg3A_1302 : f32 to vector<128x1xf32>
    %neg3A_1304 = arith.subf %neg3A_1303, %sub3A_1296 : vector<128x1xf32>
    %mul3A_1305 = arith.mulf %neg3A_1304, %sin3A : vector<128x1xf32>
    %mul3A_1306 = arith.mulf %sub3A_1298, %cos3A : vector<128x1xf32>
    %add3A_1307 = arith.addf %mul3A_1305, %mul3A_1306 : vector<128x1xf32>
    %slice3A_1308 = vector.extract_strided_slice %dot_general3A_1291 {offsets = [0, 2], sizes = [128, 1], strides = [1, 1]} : vector<128x4xf32> to vector<128x1xf32>
    %sub3A_1309 = arith.subf %slice3A_1308, %get3A_13 : vector<128x1xf32>
    %add3A_1310 = arith.constant 3.14159274 : f32
    %add3A_1311 = vector.broadcast %add3A_1310 : f32 to vector<128x1xf32>
    %add3A_1312 = arith.addf %sub3A_1309, %add3A_1311 : vector<128x1xf32>
    %div3A_1313 = arith.constant 6.28318548 : f32
    %div3A_1314 = vector.broadcast %div3A_1313 : f32 to vector<128x1xf32>
    %div3A_1315 = arith.divf %add3A_1312, %div3A_1314 : vector<128x1xf32>
    %floor3A_1316 = math.floor %div3A_1315 : vector<128x1xf32>
    %mul3A_1317 = arith.constant 6.28318548 : f32
    %mul3A_1318 = vector.broadcast %mul3A_1317 : f32 to vector<128x1xf32>
    %mul3A_1319 = arith.mulf %floor3A_1316, %mul3A_1318 : vector<128x1xf32>
    %sub3A_1320 = arith.subf %add3A_1312, %mul3A_1319 : vector<128x1xf32>
    %sub3A_1321 = arith.constant 3.14159274 : f32
    %sub3A_1322 = vector.broadcast %sub3A_1321 : f32 to vector<128x1xf32>
    %sub3A_1323 = arith.subf %sub3A_1320, %sub3A_1322 : vector<128x1xf32>
    %add3A_1324 = vector.broadcast %mul3A_41 : i32 to vector<128x1xi32>
    %add3A_1325 = arith.addi %add3A_1324, %broadcast_in_dim3A_1282 : vector<128x1xi32>
    %swap3A_1326 = arith.constant 2560 : index
    %swap3A_1327 = arith.constant 0 : index
    %swap3A_1328 = vector.load %arg7[%swap3A_1326, %swap3A_1327] : memref<4096x1xi32, #tpu.memory_space<vmem>>, vector<128x1xi32>
    tpu.vector_store %arg7[%swap3A_1326, %swap3A_1327], %add3A_1325 {strides = array<i32>} : memref<4096x1xi32, #tpu.memory_space<vmem>>, vector<128x1xi32>,
    %sqrt3A_1329 = math.sqrt %broadcast_in_dim3A_1274 : vector<128x1xf32>
    %concatenate3A_1330 = tpu.concatenate %add3A_1301, %add3A_1307, %sub3A_1323, %sqrt3A_1329 in 1 : vector<128x1xf32>, vector<128x1xf32>, vector<128x1xf32>, vector<128x1xf32> -> vector<128x4xf32>
    %swap3A_1331 = arith.constant 2560 : index
    %swap3A_1332 = arith.constant 0 : index
    %swap3A_1333 = vector.load %arg8[%swap3A_1331, %swap3A_1332] : memref<4096x4xf32, #tpu.memory_space<vmem>>, vector<128x4xf32>
    tpu.vector_store %arg8[%swap3A_1331, %swap3A_1332], %concatenate3A_1330 {strides = array<i32>} : memref<4096x4xf32, #tpu.memory_space<vmem>>, vector<128x4xf32>,
    %reduce_min3A_1334 = arith.constant dense<0x7F800000> : vector<128xf32>
    %reduce_min3A_1335 = vector.multi_reduction <minimumf>, %select_n3A_1294, %reduce_min3A_1334 [1] : vector<128x1024xf32> to vector<128xf32>
    %broadcast_in_dim3A_1336 = vector.shape_cast %reduce_min3A_1335 : vector<128xf32> to vector<128x1xf32>
    %eq3A_1337 = vector.broadcast %broadcast_in_dim3A_1336 : vector<128x1xf32> to vector<128x1024xf32>
    %eq3A_1338 = arith.cmpf oeq, %select_n3A_1294, %eq3A_1337 : vector<128x1024xf32>
    %jit3A_1339 = arith.constant 1024 : i32
    %broadcast_in_dim3A_1340 = vector.broadcast %jit3A_1339 : i32 to vector<128x1024xi32>
    %select_n3A_1341 = arith.select %eq3A_1338, %iota3A, %broadcast_in_dim3A_1340 : vector<128x1024xi1>, vector<128x1024xi32>
    %reduce_min3A_1342 = arith.constant dense<2147483647> : vector<128xi32>
    %reduce_min3A_1343 = vector.multi_reduction <minsi>, %select_n3A_1341, %reduce_min3A_1342 [1] : vector<128x1024xi32> to vector<128xi32>
    %broadcast_in_dim3A_1344 = vector.shape_cast %reduce_min3A_1343 : vector<128xi32> to vector<128x1xi32>
    %eq3A_1345 = vector.broadcast %broadcast_in_dim3A_1344 : vector<128x1xi32> to vector<128x1024xi32>
    %eq3A_1346 = arith.cmpi eq, %iota3A, %eq3A_1345 : vector<128x1024xi32>
    %jit3A_1347 = arith.constant 1.000000e+00 : f32
    %jit3A_1348 = arith.constant 0.000000e+00 : f32
    %broadcast_in_dim3A_1349 = vector.broadcast %jit3A_1347 : f32 to vector<128x1024xf32>
    %broadcast_in_dim3A_1350 = vector.broadcast %jit3A_1348 : f32 to vector<128x1024xf32>
    %select_n3A_1351 = arith.select %eq3A_1346, %broadcast_in_dim3A_1349, %broadcast_in_dim3A_1350 : vector<128x1024xi1>, vector<128x1024xf32>
    %dot_general3A_1352 = arith.constant dense<0.000000e+00> : vector<128x4xf32>
    %dot_general3A_1353 = tpu.matmul %select_n3A_1351, %get3A_28, %dot_general3A_1352 {dimension_numbers = #tpu.dot_dimension_numbers<[1], [0], [0], [1], [0, 0, 1, 1], [], []>, transpose_lhs_hint = false} : vector<128x1024xf32>, vector<1024x4xf32>, vector<128x4xf32> -> vector<128x4xf32>
    %jit3A_1354 = arith.constant 2.000000e+09 : f32
    %broadcast_in_dim3A_1355 = vector.broadcast %jit3A_1354 : f32 to vector<128x1024xf32>
    %select_n3A_1356 = arith.select %eq3A_1346, %broadcast_in_dim3A_1355, %select_n3A_1294 : vector<128x1024xi1>, vector<128x1024xf32>
    %slice3A_1357 = vector.extract_strided_slice %dot_general3A_1353 {offsets = [0, 0], sizes = [128, 1], strides = [1, 1]} : vector<128x4xf32> to vector<128x1xf32>
    %sub3A_1358 = arith.subf %slice3A_1357, %get3A_3 : vector<128x1xf32>
    %slice3A_1359 = vector.extract_strided_slice %dot_general3A_1353 {offsets = [0, 1], sizes = [128, 1], strides = [1, 1]} : vector<128x4xf32> to vector<128x1xf32>
    %sub3A_1360 = arith.subf %slice3A_1359, %get3A_8 : vector<128x1xf32>
    %mul3A_1361 = arith.mulf %sub3A_1358, %cos3A : vector<128x1xf32>
    %mul3A_1362 = arith.mulf %sub3A_1360, %sin3A : vector<128x1xf32>
    %add3A_1363 = arith.addf %mul3A_1361, %mul3A_1362 : vector<128x1xf32>
    %neg3A_1364 = arith.constant 0.000000e+00 : f32
    %neg3A_1365 = vector.broadcast %neg3A_1364 : f32 to vector<128x1xf32>
    %neg3A_1366 = arith.subf %neg3A_1365, %sub3A_1358 : vector<128x1xf32>
    %mul3A_1367 = arith.mulf %neg3A_1366, %sin3A : vector<128x1xf32>
    %mul3A_1368 = arith.mulf %sub3A_1360, %cos3A : vector<128x1xf32>
    %add3A_1369 = arith.addf %mul3A_1367, %mul3A_1368 : vector<128x1xf32>
    %slice3A_1370 = vector.extract_strided_slice %dot_general3A_1353 {offsets = [0, 2], sizes = [128, 1], strides = [1, 1]} : vector<128x4xf32> to vector<128x1xf32>
    %sub3A_1371 = arith.subf %slice3A_1370, %get3A_13 : vector<128x1xf32>
    %add3A_1372 = arith.constant 3.14159274 : f32
    %add3A_1373 = vector.broadcast %add3A_1372 : f32 to vector<128x1xf32>
    %add3A_1374 = arith.addf %sub3A_1371, %add3A_1373 : vector<128x1xf32>
    %div3A_1375 = arith.constant 6.28318548 : f32
    %div3A_1376 = vector.broadcast %div3A_1375 : f32 to vector<128x1xf32>
    %div3A_1377 = arith.divf %add3A_1374, %div3A_1376 : vector<128x1xf32>
    %floor3A_1378 = math.floor %div3A_1377 : vector<128x1xf32>
    %mul3A_1379 = arith.constant 6.28318548 : f32
    %mul3A_1380 = vector.broadcast %mul3A_1379 : f32 to vector<128x1xf32>
    %mul3A_1381 = arith.mulf %floor3A_1378, %mul3A_1380 : vector<128x1xf32>
    %sub3A_1382 = arith.subf %add3A_1374, %mul3A_1381 : vector<128x1xf32>
    %sub3A_1383 = arith.constant 3.14159274 : f32
    %sub3A_1384 = vector.broadcast %sub3A_1383 : f32 to vector<128x1xf32>
    %sub3A_1385 = arith.subf %sub3A_1382, %sub3A_1384 : vector<128x1xf32>
    %add3A_1386 = vector.broadcast %mul3A_41 : i32 to vector<128x1xi32>
    %add3A_1387 = arith.addi %add3A_1386, %broadcast_in_dim3A_1344 : vector<128x1xi32>
    %swap3A_1388 = arith.constant 2688 : index
    %swap3A_1389 = arith.constant 0 : index
    %swap3A_1390 = vector.load %arg7[%swap3A_1388, %swap3A_1389] : memref<4096x1xi32, #tpu.memory_space<vmem>>, vector<128x1xi32>
    tpu.vector_store %arg7[%swap3A_1388, %swap3A_1389], %add3A_1387 {strides = array<i32>} : memref<4096x1xi32, #tpu.memory_space<vmem>>, vector<128x1xi32>,
    %sqrt3A_1391 = math.sqrt %broadcast_in_dim3A_1336 : vector<128x1xf32>
    %concatenate3A_1392 = tpu.concatenate %add3A_1363, %add3A_1369, %sub3A_1385, %sqrt3A_1391 in 1 : vector<128x1xf32>, vector<128x1xf32>, vector<128x1xf32>, vector<128x1xf32> -> vector<128x4xf32>
    %swap3A_1393 = arith.constant 2688 : index
    %swap3A_1394 = arith.constant 0 : index
    %swap3A_1395 = vector.load %arg8[%swap3A_1393, %swap3A_1394] : memref<4096x4xf32, #tpu.memory_space<vmem>>, vector<128x4xf32>
    tpu.vector_store %arg8[%swap3A_1393, %swap3A_1394], %concatenate3A_1392 {strides = array<i32>} : memref<4096x4xf32, #tpu.memory_space<vmem>>, vector<128x4xf32>,
    %reduce_min3A_1396 = arith.constant dense<0x7F800000> : vector<128xf32>
    %reduce_min3A_1397 = vector.multi_reduction <minimumf>, %select_n3A_1356, %reduce_min3A_1396 [1] : vector<128x1024xf32> to vector<128xf32>
    %broadcast_in_dim3A_1398 = vector.shape_cast %reduce_min3A_1397 : vector<128xf32> to vector<128x1xf32>
    %eq3A_1399 = vector.broadcast %broadcast_in_dim3A_1398 : vector<128x1xf32> to vector<128x1024xf32>
    %eq3A_1400 = arith.cmpf oeq, %select_n3A_1356, %eq3A_1399 : vector<128x1024xf32>
    %jit3A_1401 = arith.constant 1024 : i32
    %broadcast_in_dim3A_1402 = vector.broadcast %jit3A_1401 : i32 to vector<128x1024xi32>
    %select_n3A_1403 = arith.select %eq3A_1400, %iota3A, %broadcast_in_dim3A_1402 : vector<128x1024xi1>, vector<128x1024xi32>
    %reduce_min3A_1404 = arith.constant dense<2147483647> : vector<128xi32>
    %reduce_min3A_1405 = vector.multi_reduction <minsi>, %select_n3A_1403, %reduce_min3A_1404 [1] : vector<128x1024xi32> to vector<128xi32>
    %broadcast_in_dim3A_1406 = vector.shape_cast %reduce_min3A_1405 : vector<128xi32> to vector<128x1xi32>
    %eq3A_1407 = vector.broadcast %broadcast_in_dim3A_1406 : vector<128x1xi32> to vector<128x1024xi32>
    %eq3A_1408 = arith.cmpi eq, %iota3A, %eq3A_1407 : vector<128x1024xi32>
    %jit3A_1409 = arith.constant 1.000000e+00 : f32
    %jit3A_1410 = arith.constant 0.000000e+00 : f32
    %broadcast_in_dim3A_1411 = vector.broadcast %jit3A_1409 : f32 to vector<128x1024xf32>
    %broadcast_in_dim3A_1412 = vector.broadcast %jit3A_1410 : f32 to vector<128x1024xf32>
    %select_n3A_1413 = arith.select %eq3A_1408, %broadcast_in_dim3A_1411, %broadcast_in_dim3A_1412 : vector<128x1024xi1>, vector<128x1024xf32>
    %dot_general3A_1414 = arith.constant dense<0.000000e+00> : vector<128x4xf32>
    %dot_general3A_1415 = tpu.matmul %select_n3A_1413, %get3A_28, %dot_general3A_1414 {dimension_numbers = #tpu.dot_dimension_numbers<[1], [0], [0], [1], [0, 0, 1, 1], [], []>, transpose_lhs_hint = false} : vector<128x1024xf32>, vector<1024x4xf32>, vector<128x4xf32> -> vector<128x4xf32>
    %jit3A_1416 = arith.constant 2.000000e+09 : f32
    %broadcast_in_dim3A_1417 = vector.broadcast %jit3A_1416 : f32 to vector<128x1024xf32>
    %select_n3A_1418 = arith.select %eq3A_1408, %broadcast_in_dim3A_1417, %select_n3A_1356 : vector<128x1024xi1>, vector<128x1024xf32>
    %slice3A_1419 = vector.extract_strided_slice %dot_general3A_1415 {offsets = [0, 0], sizes = [128, 1], strides = [1, 1]} : vector<128x4xf32> to vector<128x1xf32>
    %sub3A_1420 = arith.subf %slice3A_1419, %get3A_3 : vector<128x1xf32>
    %slice3A_1421 = vector.extract_strided_slice %dot_general3A_1415 {offsets = [0, 1], sizes = [128, 1], strides = [1, 1]} : vector<128x4xf32> to vector<128x1xf32>
    %sub3A_1422 = arith.subf %slice3A_1421, %get3A_8 : vector<128x1xf32>
    %mul3A_1423 = arith.mulf %sub3A_1420, %cos3A : vector<128x1xf32>
    %mul3A_1424 = arith.mulf %sub3A_1422, %sin3A : vector<128x1xf32>
    %add3A_1425 = arith.addf %mul3A_1423, %mul3A_1424 : vector<128x1xf32>
    %neg3A_1426 = arith.constant 0.000000e+00 : f32
    %neg3A_1427 = vector.broadcast %neg3A_1426 : f32 to vector<128x1xf32>
    %neg3A_1428 = arith.subf %neg3A_1427, %sub3A_1420 : vector<128x1xf32>
    %mul3A_1429 = arith.mulf %neg3A_1428, %sin3A : vector<128x1xf32>
    %mul3A_1430 = arith.mulf %sub3A_1422, %cos3A : vector<128x1xf32>
    %add3A_1431 = arith.addf %mul3A_1429, %mul3A_1430 : vector<128x1xf32>
    %slice3A_1432 = vector.extract_strided_slice %dot_general3A_1415 {offsets = [0, 2], sizes = [128, 1], strides = [1, 1]} : vector<128x4xf32> to vector<128x1xf32>
    %sub3A_1433 = arith.subf %slice3A_1432, %get3A_13 : vector<128x1xf32>
    %add3A_1434 = arith.constant 3.14159274 : f32
    %add3A_1435 = vector.broadcast %add3A_1434 : f32 to vector<128x1xf32>
    %add3A_1436 = arith.addf %sub3A_1433, %add3A_1435 : vector<128x1xf32>
    %div3A_1437 = arith.constant 6.28318548 : f32
    %div3A_1438 = vector.broadcast %div3A_1437 : f32 to vector<128x1xf32>
    %div3A_1439 = arith.divf %add3A_1436, %div3A_1438 : vector<128x1xf32>
    %floor3A_1440 = math.floor %div3A_1439 : vector<128x1xf32>
    %mul3A_1441 = arith.constant 6.28318548 : f32
    %mul3A_1442 = vector.broadcast %mul3A_1441 : f32 to vector<128x1xf32>
    %mul3A_1443 = arith.mulf %floor3A_1440, %mul3A_1442 : vector<128x1xf32>
    %sub3A_1444 = arith.subf %add3A_1436, %mul3A_1443 : vector<128x1xf32>
    %sub3A_1445 = arith.constant 3.14159274 : f32
    %sub3A_1446 = vector.broadcast %sub3A_1445 : f32 to vector<128x1xf32>
    %sub3A_1447 = arith.subf %sub3A_1444, %sub3A_1446 : vector<128x1xf32>
    %add3A_1448 = vector.broadcast %mul3A_41 : i32 to vector<128x1xi32>
    %add3A_1449 = arith.addi %add3A_1448, %broadcast_in_dim3A_1406 : vector<128x1xi32>
    %swap3A_1450 = arith.constant 2816 : index
    %swap3A_1451 = arith.constant 0 : index
    %swap3A_1452 = vector.load %arg7[%swap3A_1450, %swap3A_1451] : memref<4096x1xi32, #tpu.memory_space<vmem>>, vector<128x1xi32>
    tpu.vector_store %arg7[%swap3A_1450, %swap3A_1451], %add3A_1449 {strides = array<i32>} : memref<4096x1xi32, #tpu.memory_space<vmem>>, vector<128x1xi32>,
    %sqrt3A_1453 = math.sqrt %broadcast_in_dim3A_1398 : vector<128x1xf32>
    %concatenate3A_1454 = tpu.concatenate %add3A_1425, %add3A_1431, %sub3A_1447, %sqrt3A_1453 in 1 : vector<128x1xf32>, vector<128x1xf32>, vector<128x1xf32>, vector<128x1xf32> -> vector<128x4xf32>
    %swap3A_1455 = arith.constant 2816 : index
    %swap3A_1456 = arith.constant 0 : index
    %swap3A_1457 = vector.load %arg8[%swap3A_1455, %swap3A_1456] : memref<4096x4xf32, #tpu.memory_space<vmem>>, vector<128x4xf32>
    tpu.vector_store %arg8[%swap3A_1455, %swap3A_1456], %concatenate3A_1454 {strides = array<i32>} : memref<4096x4xf32, #tpu.memory_space<vmem>>, vector<128x4xf32>,
    %reduce_min3A_1458 = arith.constant dense<0x7F800000> : vector<128xf32>
    %reduce_min3A_1459 = vector.multi_reduction <minimumf>, %select_n3A_1418, %reduce_min3A_1458 [1] : vector<128x1024xf32> to vector<128xf32>
    %broadcast_in_dim3A_1460 = vector.shape_cast %reduce_min3A_1459 : vector<128xf32> to vector<128x1xf32>
    %eq3A_1461 = vector.broadcast %broadcast_in_dim3A_1460 : vector<128x1xf32> to vector<128x1024xf32>
    %eq3A_1462 = arith.cmpf oeq, %select_n3A_1418, %eq3A_1461 : vector<128x1024xf32>
    %jit3A_1463 = arith.constant 1024 : i32
    %broadcast_in_dim3A_1464 = vector.broadcast %jit3A_1463 : i32 to vector<128x1024xi32>
    %select_n3A_1465 = arith.select %eq3A_1462, %iota3A, %broadcast_in_dim3A_1464 : vector<128x1024xi1>, vector<128x1024xi32>
    %reduce_min3A_1466 = arith.constant dense<2147483647> : vector<128xi32>
    %reduce_min3A_1467 = vector.multi_reduction <minsi>, %select_n3A_1465, %reduce_min3A_1466 [1] : vector<128x1024xi32> to vector<128xi32>
    %broadcast_in_dim3A_1468 = vector.shape_cast %reduce_min3A_1467 : vector<128xi32> to vector<128x1xi32>
    %eq3A_1469 = vector.broadcast %broadcast_in_dim3A_1468 : vector<128x1xi32> to vector<128x1024xi32>
    %eq3A_1470 = arith.cmpi eq, %iota3A, %eq3A_1469 : vector<128x1024xi32>
    %jit3A_1471 = arith.constant 1.000000e+00 : f32
    %jit3A_1472 = arith.constant 0.000000e+00 : f32
    %broadcast_in_dim3A_1473 = vector.broadcast %jit3A_1471 : f32 to vector<128x1024xf32>
    %broadcast_in_dim3A_1474 = vector.broadcast %jit3A_1472 : f32 to vector<128x1024xf32>
    %select_n3A_1475 = arith.select %eq3A_1470, %broadcast_in_dim3A_1473, %broadcast_in_dim3A_1474 : vector<128x1024xi1>, vector<128x1024xf32>
    %dot_general3A_1476 = arith.constant dense<0.000000e+00> : vector<128x4xf32>
    %dot_general3A_1477 = tpu.matmul %select_n3A_1475, %get3A_28, %dot_general3A_1476 {dimension_numbers = #tpu.dot_dimension_numbers<[1], [0], [0], [1], [0, 0, 1, 1], [], []>, transpose_lhs_hint = false} : vector<128x1024xf32>, vector<1024x4xf32>, vector<128x4xf32> -> vector<128x4xf32>
    %jit3A_1478 = arith.constant 2.000000e+09 : f32
    %broadcast_in_dim3A_1479 = vector.broadcast %jit3A_1478 : f32 to vector<128x1024xf32>
    %select_n3A_1480 = arith.select %eq3A_1470, %broadcast_in_dim3A_1479, %select_n3A_1418 : vector<128x1024xi1>, vector<128x1024xf32>
    %slice3A_1481 = vector.extract_strided_slice %dot_general3A_1477 {offsets = [0, 0], sizes = [128, 1], strides = [1, 1]} : vector<128x4xf32> to vector<128x1xf32>
    %sub3A_1482 = arith.subf %slice3A_1481, %get3A_3 : vector<128x1xf32>
    %slice3A_1483 = vector.extract_strided_slice %dot_general3A_1477 {offsets = [0, 1], sizes = [128, 1], strides = [1, 1]} : vector<128x4xf32> to vector<128x1xf32>
    %sub3A_1484 = arith.subf %slice3A_1483, %get3A_8 : vector<128x1xf32>
    %mul3A_1485 = arith.mulf %sub3A_1482, %cos3A : vector<128x1xf32>
    %mul3A_1486 = arith.mulf %sub3A_1484, %sin3A : vector<128x1xf32>
    %add3A_1487 = arith.addf %mul3A_1485, %mul3A_1486 : vector<128x1xf32>
    %neg3A_1488 = arith.constant 0.000000e+00 : f32
    %neg3A_1489 = vector.broadcast %neg3A_1488 : f32 to vector<128x1xf32>
    %neg3A_1490 = arith.subf %neg3A_1489, %sub3A_1482 : vector<128x1xf32>
    %mul3A_1491 = arith.mulf %neg3A_1490, %sin3A : vector<128x1xf32>
    %mul3A_1492 = arith.mulf %sub3A_1484, %cos3A : vector<128x1xf32>
    %add3A_1493 = arith.addf %mul3A_1491, %mul3A_1492 : vector<128x1xf32>
    %slice3A_1494 = vector.extract_strided_slice %dot_general3A_1477 {offsets = [0, 2], sizes = [128, 1], strides = [1, 1]} : vector<128x4xf32> to vector<128x1xf32>
    %sub3A_1495 = arith.subf %slice3A_1494, %get3A_13 : vector<128x1xf32>
    %add3A_1496 = arith.constant 3.14159274 : f32
    %add3A_1497 = vector.broadcast %add3A_1496 : f32 to vector<128x1xf32>
    %add3A_1498 = arith.addf %sub3A_1495, %add3A_1497 : vector<128x1xf32>
    %div3A_1499 = arith.constant 6.28318548 : f32
    %div3A_1500 = vector.broadcast %div3A_1499 : f32 to vector<128x1xf32>
    %div3A_1501 = arith.divf %add3A_1498, %div3A_1500 : vector<128x1xf32>
    %floor3A_1502 = math.floor %div3A_1501 : vector<128x1xf32>
    %mul3A_1503 = arith.constant 6.28318548 : f32
    %mul3A_1504 = vector.broadcast %mul3A_1503 : f32 to vector<128x1xf32>
    %mul3A_1505 = arith.mulf %floor3A_1502, %mul3A_1504 : vector<128x1xf32>
    %sub3A_1506 = arith.subf %add3A_1498, %mul3A_1505 : vector<128x1xf32>
    %sub3A_1507 = arith.constant 3.14159274 : f32
    %sub3A_1508 = vector.broadcast %sub3A_1507 : f32 to vector<128x1xf32>
    %sub3A_1509 = arith.subf %sub3A_1506, %sub3A_1508 : vector<128x1xf32>
    %add3A_1510 = vector.broadcast %mul3A_41 : i32 to vector<128x1xi32>
    %add3A_1511 = arith.addi %add3A_1510, %broadcast_in_dim3A_1468 : vector<128x1xi32>
    %swap3A_1512 = arith.constant 2944 : index
    %swap3A_1513 = arith.constant 0 : index
    %swap3A_1514 = vector.load %arg7[%swap3A_1512, %swap3A_1513] : memref<4096x1xi32, #tpu.memory_space<vmem>>, vector<128x1xi32>
    tpu.vector_store %arg7[%swap3A_1512, %swap3A_1513], %add3A_1511 {strides = array<i32>} : memref<4096x1xi32, #tpu.memory_space<vmem>>, vector<128x1xi32>,
    %sqrt3A_1515 = math.sqrt %broadcast_in_dim3A_1460 : vector<128x1xf32>
    %concatenate3A_1516 = tpu.concatenate %add3A_1487, %add3A_1493, %sub3A_1509, %sqrt3A_1515 in 1 : vector<128x1xf32>, vector<128x1xf32>, vector<128x1xf32>, vector<128x1xf32> -> vector<128x4xf32>
    %swap3A_1517 = arith.constant 2944 : index
    %swap3A_1518 = arith.constant 0 : index
    %swap3A_1519 = vector.load %arg8[%swap3A_1517, %swap3A_1518] : memref<4096x4xf32, #tpu.memory_space<vmem>>, vector<128x4xf32>
    tpu.vector_store %arg8[%swap3A_1517, %swap3A_1518], %concatenate3A_1516 {strides = array<i32>} : memref<4096x4xf32, #tpu.memory_space<vmem>>, vector<128x4xf32>,
    %reduce_min3A_1520 = arith.constant dense<0x7F800000> : vector<128xf32>
    %reduce_min3A_1521 = vector.multi_reduction <minimumf>, %select_n3A_1480, %reduce_min3A_1520 [1] : vector<128x1024xf32> to vector<128xf32>
    %broadcast_in_dim3A_1522 = vector.shape_cast %reduce_min3A_1521 : vector<128xf32> to vector<128x1xf32>
    %eq3A_1523 = vector.broadcast %broadcast_in_dim3A_1522 : vector<128x1xf32> to vector<128x1024xf32>
    %eq3A_1524 = arith.cmpf oeq, %select_n3A_1480, %eq3A_1523 : vector<128x1024xf32>
    %jit3A_1525 = arith.constant 1024 : i32
    %broadcast_in_dim3A_1526 = vector.broadcast %jit3A_1525 : i32 to vector<128x1024xi32>
    %select_n3A_1527 = arith.select %eq3A_1524, %iota3A, %broadcast_in_dim3A_1526 : vector<128x1024xi1>, vector<128x1024xi32>
    %reduce_min3A_1528 = arith.constant dense<2147483647> : vector<128xi32>
    %reduce_min3A_1529 = vector.multi_reduction <minsi>, %select_n3A_1527, %reduce_min3A_1528 [1] : vector<128x1024xi32> to vector<128xi32>
    %broadcast_in_dim3A_1530 = vector.shape_cast %reduce_min3A_1529 : vector<128xi32> to vector<128x1xi32>
    %eq3A_1531 = vector.broadcast %broadcast_in_dim3A_1530 : vector<128x1xi32> to vector<128x1024xi32>
    %eq3A_1532 = arith.cmpi eq, %iota3A, %eq3A_1531 : vector<128x1024xi32>
    %jit3A_1533 = arith.constant 1.000000e+00 : f32
    %jit3A_1534 = arith.constant 0.000000e+00 : f32
    %broadcast_in_dim3A_1535 = vector.broadcast %jit3A_1533 : f32 to vector<128x1024xf32>
    %broadcast_in_dim3A_1536 = vector.broadcast %jit3A_1534 : f32 to vector<128x1024xf32>
    %select_n3A_1537 = arith.select %eq3A_1532, %broadcast_in_dim3A_1535, %broadcast_in_dim3A_1536 : vector<128x1024xi1>, vector<128x1024xf32>
    %dot_general3A_1538 = arith.constant dense<0.000000e+00> : vector<128x4xf32>
    %dot_general3A_1539 = tpu.matmul %select_n3A_1537, %get3A_28, %dot_general3A_1538 {dimension_numbers = #tpu.dot_dimension_numbers<[1], [0], [0], [1], [0, 0, 1, 1], [], []>, transpose_lhs_hint = false} : vector<128x1024xf32>, vector<1024x4xf32>, vector<128x4xf32> -> vector<128x4xf32>
    %jit3A_1540 = arith.constant 2.000000e+09 : f32
    %broadcast_in_dim3A_1541 = vector.broadcast %jit3A_1540 : f32 to vector<128x1024xf32>
    %select_n3A_1542 = arith.select %eq3A_1532, %broadcast_in_dim3A_1541, %select_n3A_1480 : vector<128x1024xi1>, vector<128x1024xf32>
    %slice3A_1543 = vector.extract_strided_slice %dot_general3A_1539 {offsets = [0, 0], sizes = [128, 1], strides = [1, 1]} : vector<128x4xf32> to vector<128x1xf32>
    %sub3A_1544 = arith.subf %slice3A_1543, %get3A_3 : vector<128x1xf32>
    %slice3A_1545 = vector.extract_strided_slice %dot_general3A_1539 {offsets = [0, 1], sizes = [128, 1], strides = [1, 1]} : vector<128x4xf32> to vector<128x1xf32>
    %sub3A_1546 = arith.subf %slice3A_1545, %get3A_8 : vector<128x1xf32>
    %mul3A_1547 = arith.mulf %sub3A_1544, %cos3A : vector<128x1xf32>
    %mul3A_1548 = arith.mulf %sub3A_1546, %sin3A : vector<128x1xf32>
    %add3A_1549 = arith.addf %mul3A_1547, %mul3A_1548 : vector<128x1xf32>
    %neg3A_1550 = arith.constant 0.000000e+00 : f32
    %neg3A_1551 = vector.broadcast %neg3A_1550 : f32 to vector<128x1xf32>
    %neg3A_1552 = arith.subf %neg3A_1551, %sub3A_1544 : vector<128x1xf32>
    %mul3A_1553 = arith.mulf %neg3A_1552, %sin3A : vector<128x1xf32>
    %mul3A_1554 = arith.mulf %sub3A_1546, %cos3A : vector<128x1xf32>
    %add3A_1555 = arith.addf %mul3A_1553, %mul3A_1554 : vector<128x1xf32>
    %slice3A_1556 = vector.extract_strided_slice %dot_general3A_1539 {offsets = [0, 2], sizes = [128, 1], strides = [1, 1]} : vector<128x4xf32> to vector<128x1xf32>
    %sub3A_1557 = arith.subf %slice3A_1556, %get3A_13 : vector<128x1xf32>
    %add3A_1558 = arith.constant 3.14159274 : f32
    %add3A_1559 = vector.broadcast %add3A_1558 : f32 to vector<128x1xf32>
    %add3A_1560 = arith.addf %sub3A_1557, %add3A_1559 : vector<128x1xf32>
    %div3A_1561 = arith.constant 6.28318548 : f32
    %div3A_1562 = vector.broadcast %div3A_1561 : f32 to vector<128x1xf32>
    %div3A_1563 = arith.divf %add3A_1560, %div3A_1562 : vector<128x1xf32>
    %floor3A_1564 = math.floor %div3A_1563 : vector<128x1xf32>
    %mul3A_1565 = arith.constant 6.28318548 : f32
    %mul3A_1566 = vector.broadcast %mul3A_1565 : f32 to vector<128x1xf32>
    %mul3A_1567 = arith.mulf %floor3A_1564, %mul3A_1566 : vector<128x1xf32>
    %sub3A_1568 = arith.subf %add3A_1560, %mul3A_1567 : vector<128x1xf32>
    %sub3A_1569 = arith.constant 3.14159274 : f32
    %sub3A_1570 = vector.broadcast %sub3A_1569 : f32 to vector<128x1xf32>
    %sub3A_1571 = arith.subf %sub3A_1568, %sub3A_1570 : vector<128x1xf32>
    %add3A_1572 = vector.broadcast %mul3A_41 : i32 to vector<128x1xi32>
    %add3A_1573 = arith.addi %add3A_1572, %broadcast_in_dim3A_1530 : vector<128x1xi32>
    %swap3A_1574 = arith.constant 3072 : index
    %swap3A_1575 = arith.constant 0 : index
    %swap3A_1576 = vector.load %arg7[%swap3A_1574, %swap3A_1575] : memref<4096x1xi32, #tpu.memory_space<vmem>>, vector<128x1xi32>
    tpu.vector_store %arg7[%swap3A_1574, %swap3A_1575], %add3A_1573 {strides = array<i32>} : memref<4096x1xi32, #tpu.memory_space<vmem>>, vector<128x1xi32>,
    %sqrt3A_1577 = math.sqrt %broadcast_in_dim3A_1522 : vector<128x1xf32>
    %concatenate3A_1578 = tpu.concatenate %add3A_1549, %add3A_1555, %sub3A_1571, %sqrt3A_1577 in 1 : vector<128x1xf32>, vector<128x1xf32>, vector<128x1xf32>, vector<128x1xf32> -> vector<128x4xf32>
    %swap3A_1579 = arith.constant 3072 : index
    %swap3A_1580 = arith.constant 0 : index
    %swap3A_1581 = vector.load %arg8[%swap3A_1579, %swap3A_1580] : memref<4096x4xf32, #tpu.memory_space<vmem>>, vector<128x4xf32>
    tpu.vector_store %arg8[%swap3A_1579, %swap3A_1580], %concatenate3A_1578 {strides = array<i32>} : memref<4096x4xf32, #tpu.memory_space<vmem>>, vector<128x4xf32>,
    %reduce_min3A_1582 = arith.constant dense<0x7F800000> : vector<128xf32>
    %reduce_min3A_1583 = vector.multi_reduction <minimumf>, %select_n3A_1542, %reduce_min3A_1582 [1] : vector<128x1024xf32> to vector<128xf32>
    %broadcast_in_dim3A_1584 = vector.shape_cast %reduce_min3A_1583 : vector<128xf32> to vector<128x1xf32>
    %eq3A_1585 = vector.broadcast %broadcast_in_dim3A_1584 : vector<128x1xf32> to vector<128x1024xf32>
    %eq3A_1586 = arith.cmpf oeq, %select_n3A_1542, %eq3A_1585 : vector<128x1024xf32>
    %jit3A_1587 = arith.constant 1024 : i32
    %broadcast_in_dim3A_1588 = vector.broadcast %jit3A_1587 : i32 to vector<128x1024xi32>
    %select_n3A_1589 = arith.select %eq3A_1586, %iota3A, %broadcast_in_dim3A_1588 : vector<128x1024xi1>, vector<128x1024xi32>
    %reduce_min3A_1590 = arith.constant dense<2147483647> : vector<128xi32>
    %reduce_min3A_1591 = vector.multi_reduction <minsi>, %select_n3A_1589, %reduce_min3A_1590 [1] : vector<128x1024xi32> to vector<128xi32>
    %broadcast_in_dim3A_1592 = vector.shape_cast %reduce_min3A_1591 : vector<128xi32> to vector<128x1xi32>
    %eq3A_1593 = vector.broadcast %broadcast_in_dim3A_1592 : vector<128x1xi32> to vector<128x1024xi32>
    %eq3A_1594 = arith.cmpi eq, %iota3A, %eq3A_1593 : vector<128x1024xi32>
    %jit3A_1595 = arith.constant 1.000000e+00 : f32
    %jit3A_1596 = arith.constant 0.000000e+00 : f32
    %broadcast_in_dim3A_1597 = vector.broadcast %jit3A_1595 : f32 to vector<128x1024xf32>
    %broadcast_in_dim3A_1598 = vector.broadcast %jit3A_1596 : f32 to vector<128x1024xf32>
    %select_n3A_1599 = arith.select %eq3A_1594, %broadcast_in_dim3A_1597, %broadcast_in_dim3A_1598 : vector<128x1024xi1>, vector<128x1024xf32>
    %dot_general3A_1600 = arith.constant dense<0.000000e+00> : vector<128x4xf32>
    %dot_general3A_1601 = tpu.matmul %select_n3A_1599, %get3A_28, %dot_general3A_1600 {dimension_numbers = #tpu.dot_dimension_numbers<[1], [0], [0], [1], [0, 0, 1, 1], [], []>, transpose_lhs_hint = false} : vector<128x1024xf32>, vector<1024x4xf32>, vector<128x4xf32> -> vector<128x4xf32>
    %jit3A_1602 = arith.constant 2.000000e+09 : f32
    %broadcast_in_dim3A_1603 = vector.broadcast %jit3A_1602 : f32 to vector<128x1024xf32>
    %select_n3A_1604 = arith.select %eq3A_1594, %broadcast_in_dim3A_1603, %select_n3A_1542 : vector<128x1024xi1>, vector<128x1024xf32>
    %slice3A_1605 = vector.extract_strided_slice %dot_general3A_1601 {offsets = [0, 0], sizes = [128, 1], strides = [1, 1]} : vector<128x4xf32> to vector<128x1xf32>
    %sub3A_1606 = arith.subf %slice3A_1605, %get3A_3 : vector<128x1xf32>
    %slice3A_1607 = vector.extract_strided_slice %dot_general3A_1601 {offsets = [0, 1], sizes = [128, 1], strides = [1, 1]} : vector<128x4xf32> to vector<128x1xf32>
    %sub3A_1608 = arith.subf %slice3A_1607, %get3A_8 : vector<128x1xf32>
    %mul3A_1609 = arith.mulf %sub3A_1606, %cos3A : vector<128x1xf32>
    %mul3A_1610 = arith.mulf %sub3A_1608, %sin3A : vector<128x1xf32>
    %add3A_1611 = arith.addf %mul3A_1609, %mul3A_1610 : vector<128x1xf32>
    %neg3A_1612 = arith.constant 0.000000e+00 : f32
    %neg3A_1613 = vector.broadcast %neg3A_1612 : f32 to vector<128x1xf32>
    %neg3A_1614 = arith.subf %neg3A_1613, %sub3A_1606 : vector<128x1xf32>
    %mul3A_1615 = arith.mulf %neg3A_1614, %sin3A : vector<128x1xf32>
    %mul3A_1616 = arith.mulf %sub3A_1608, %cos3A : vector<128x1xf32>
    %add3A_1617 = arith.addf %mul3A_1615, %mul3A_1616 : vector<128x1xf32>
    %slice3A_1618 = vector.extract_strided_slice %dot_general3A_1601 {offsets = [0, 2], sizes = [128, 1], strides = [1, 1]} : vector<128x4xf32> to vector<128x1xf32>
    %sub3A_1619 = arith.subf %slice3A_1618, %get3A_13 : vector<128x1xf32>
    %add3A_1620 = arith.constant 3.14159274 : f32
    %add3A_1621 = vector.broadcast %add3A_1620 : f32 to vector<128x1xf32>
    %add3A_1622 = arith.addf %sub3A_1619, %add3A_1621 : vector<128x1xf32>
    %div3A_1623 = arith.constant 6.28318548 : f32
    %div3A_1624 = vector.broadcast %div3A_1623 : f32 to vector<128x1xf32>
    %div3A_1625 = arith.divf %add3A_1622, %div3A_1624 : vector<128x1xf32>
    %floor3A_1626 = math.floor %div3A_1625 : vector<128x1xf32>
    %mul3A_1627 = arith.constant 6.28318548 : f32
    %mul3A_1628 = vector.broadcast %mul3A_1627 : f32 to vector<128x1xf32>
    %mul3A_1629 = arith.mulf %floor3A_1626, %mul3A_1628 : vector<128x1xf32>
    %sub3A_1630 = arith.subf %add3A_1622, %mul3A_1629 : vector<128x1xf32>
    %sub3A_1631 = arith.constant 3.14159274 : f32
    %sub3A_1632 = vector.broadcast %sub3A_1631 : f32 to vector<128x1xf32>
    %sub3A_1633 = arith.subf %sub3A_1630, %sub3A_1632 : vector<128x1xf32>
    %add3A_1634 = vector.broadcast %mul3A_41 : i32 to vector<128x1xi32>
    %add3A_1635 = arith.addi %add3A_1634, %broadcast_in_dim3A_1592 : vector<128x1xi32>
    %swap3A_1636 = arith.constant 3200 : index
    %swap3A_1637 = arith.constant 0 : index
    %swap3A_1638 = vector.load %arg7[%swap3A_1636, %swap3A_1637] : memref<4096x1xi32, #tpu.memory_space<vmem>>, vector<128x1xi32>
    tpu.vector_store %arg7[%swap3A_1636, %swap3A_1637], %add3A_1635 {strides = array<i32>} : memref<4096x1xi32, #tpu.memory_space<vmem>>, vector<128x1xi32>,
    %sqrt3A_1639 = math.sqrt %broadcast_in_dim3A_1584 : vector<128x1xf32>
    %concatenate3A_1640 = tpu.concatenate %add3A_1611, %add3A_1617, %sub3A_1633, %sqrt3A_1639 in 1 : vector<128x1xf32>, vector<128x1xf32>, vector<128x1xf32>, vector<128x1xf32> -> vector<128x4xf32>
    %swap3A_1641 = arith.constant 3200 : index
    %swap3A_1642 = arith.constant 0 : index
    %swap3A_1643 = vector.load %arg8[%swap3A_1641, %swap3A_1642] : memref<4096x4xf32, #tpu.memory_space<vmem>>, vector<128x4xf32>
    tpu.vector_store %arg8[%swap3A_1641, %swap3A_1642], %concatenate3A_1640 {strides = array<i32>} : memref<4096x4xf32, #tpu.memory_space<vmem>>, vector<128x4xf32>,
    %reduce_min3A_1644 = arith.constant dense<0x7F800000> : vector<128xf32>
    %reduce_min3A_1645 = vector.multi_reduction <minimumf>, %select_n3A_1604, %reduce_min3A_1644 [1] : vector<128x1024xf32> to vector<128xf32>
    %broadcast_in_dim3A_1646 = vector.shape_cast %reduce_min3A_1645 : vector<128xf32> to vector<128x1xf32>
    %eq3A_1647 = vector.broadcast %broadcast_in_dim3A_1646 : vector<128x1xf32> to vector<128x1024xf32>
    %eq3A_1648 = arith.cmpf oeq, %select_n3A_1604, %eq3A_1647 : vector<128x1024xf32>
    %jit3A_1649 = arith.constant 1024 : i32
    %broadcast_in_dim3A_1650 = vector.broadcast %jit3A_1649 : i32 to vector<128x1024xi32>
    %select_n3A_1651 = arith.select %eq3A_1648, %iota3A, %broadcast_in_dim3A_1650 : vector<128x1024xi1>, vector<128x1024xi32>
    %reduce_min3A_1652 = arith.constant dense<2147483647> : vector<128xi32>
    %reduce_min3A_1653 = vector.multi_reduction <minsi>, %select_n3A_1651, %reduce_min3A_1652 [1] : vector<128x1024xi32> to vector<128xi32>
    %broadcast_in_dim3A_1654 = vector.shape_cast %reduce_min3A_1653 : vector<128xi32> to vector<128x1xi32>
    %eq3A_1655 = vector.broadcast %broadcast_in_dim3A_1654 : vector<128x1xi32> to vector<128x1024xi32>
    %eq3A_1656 = arith.cmpi eq, %iota3A, %eq3A_1655 : vector<128x1024xi32>
    %jit3A_1657 = arith.constant 1.000000e+00 : f32
    %jit3A_1658 = arith.constant 0.000000e+00 : f32
    %broadcast_in_dim3A_1659 = vector.broadcast %jit3A_1657 : f32 to vector<128x1024xf32>
    %broadcast_in_dim3A_1660 = vector.broadcast %jit3A_1658 : f32 to vector<128x1024xf32>
    %select_n3A_1661 = arith.select %eq3A_1656, %broadcast_in_dim3A_1659, %broadcast_in_dim3A_1660 : vector<128x1024xi1>, vector<128x1024xf32>
    %dot_general3A_1662 = arith.constant dense<0.000000e+00> : vector<128x4xf32>
    %dot_general3A_1663 = tpu.matmul %select_n3A_1661, %get3A_28, %dot_general3A_1662 {dimension_numbers = #tpu.dot_dimension_numbers<[1], [0], [0], [1], [0, 0, 1, 1], [], []>, transpose_lhs_hint = false} : vector<128x1024xf32>, vector<1024x4xf32>, vector<128x4xf32> -> vector<128x4xf32>
    %jit3A_1664 = arith.constant 2.000000e+09 : f32
    %broadcast_in_dim3A_1665 = vector.broadcast %jit3A_1664 : f32 to vector<128x1024xf32>
    %select_n3A_1666 = arith.select %eq3A_1656, %broadcast_in_dim3A_1665, %select_n3A_1604 : vector<128x1024xi1>, vector<128x1024xf32>
    %slice3A_1667 = vector.extract_strided_slice %dot_general3A_1663 {offsets = [0, 0], sizes = [128, 1], strides = [1, 1]} : vector<128x4xf32> to vector<128x1xf32>
    %sub3A_1668 = arith.subf %slice3A_1667, %get3A_3 : vector<128x1xf32>
    %slice3A_1669 = vector.extract_strided_slice %dot_general3A_1663 {offsets = [0, 1], sizes = [128, 1], strides = [1, 1]} : vector<128x4xf32> to vector<128x1xf32>
    %sub3A_1670 = arith.subf %slice3A_1669, %get3A_8 : vector<128x1xf32>
    %mul3A_1671 = arith.mulf %sub3A_1668, %cos3A : vector<128x1xf32>
    %mul3A_1672 = arith.mulf %sub3A_1670, %sin3A : vector<128x1xf32>
    %add3A_1673 = arith.addf %mul3A_1671, %mul3A_1672 : vector<128x1xf32>
    %neg3A_1674 = arith.constant 0.000000e+00 : f32
    %neg3A_1675 = vector.broadcast %neg3A_1674 : f32 to vector<128x1xf32>
    %neg3A_1676 = arith.subf %neg3A_1675, %sub3A_1668 : vector<128x1xf32>
    %mul3A_1677 = arith.mulf %neg3A_1676, %sin3A : vector<128x1xf32>
    %mul3A_1678 = arith.mulf %sub3A_1670, %cos3A : vector<128x1xf32>
    %add3A_1679 = arith.addf %mul3A_1677, %mul3A_1678 : vector<128x1xf32>
    %slice3A_1680 = vector.extract_strided_slice %dot_general3A_1663 {offsets = [0, 2], sizes = [128, 1], strides = [1, 1]} : vector<128x4xf32> to vector<128x1xf32>
    %sub3A_1681 = arith.subf %slice3A_1680, %get3A_13 : vector<128x1xf32>
    %add3A_1682 = arith.constant 3.14159274 : f32
    %add3A_1683 = vector.broadcast %add3A_1682 : f32 to vector<128x1xf32>
    %add3A_1684 = arith.addf %sub3A_1681, %add3A_1683 : vector<128x1xf32>
    %div3A_1685 = arith.constant 6.28318548 : f32
    %div3A_1686 = vector.broadcast %div3A_1685 : f32 to vector<128x1xf32>
    %div3A_1687 = arith.divf %add3A_1684, %div3A_1686 : vector<128x1xf32>
    %floor3A_1688 = math.floor %div3A_1687 : vector<128x1xf32>
    %mul3A_1689 = arith.constant 6.28318548 : f32
    %mul3A_1690 = vector.broadcast %mul3A_1689 : f32 to vector<128x1xf32>
    %mul3A_1691 = arith.mulf %floor3A_1688, %mul3A_1690 : vector<128x1xf32>
    %sub3A_1692 = arith.subf %add3A_1684, %mul3A_1691 : vector<128x1xf32>
    %sub3A_1693 = arith.constant 3.14159274 : f32
    %sub3A_1694 = vector.broadcast %sub3A_1693 : f32 to vector<128x1xf32>
    %sub3A_1695 = arith.subf %sub3A_1692, %sub3A_1694 : vector<128x1xf32>
    %add3A_1696 = vector.broadcast %mul3A_41 : i32 to vector<128x1xi32>
    %add3A_1697 = arith.addi %add3A_1696, %broadcast_in_dim3A_1654 : vector<128x1xi32>
    %swap3A_1698 = arith.constant 3328 : index
    %swap3A_1699 = arith.constant 0 : index
    %swap3A_1700 = vector.load %arg7[%swap3A_1698, %swap3A_1699] : memref<4096x1xi32, #tpu.memory_space<vmem>>, vector<128x1xi32>
    tpu.vector_store %arg7[%swap3A_1698, %swap3A_1699], %add3A_1697 {strides = array<i32>} : memref<4096x1xi32, #tpu.memory_space<vmem>>, vector<128x1xi32>,
    %sqrt3A_1701 = math.sqrt %broadcast_in_dim3A_1646 : vector<128x1xf32>
    %concatenate3A_1702 = tpu.concatenate %add3A_1673, %add3A_1679, %sub3A_1695, %sqrt3A_1701 in 1 : vector<128x1xf32>, vector<128x1xf32>, vector<128x1xf32>, vector<128x1xf32> -> vector<128x4xf32>
    %swap3A_1703 = arith.constant 3328 : index
    %swap3A_1704 = arith.constant 0 : index
    %swap3A_1705 = vector.load %arg8[%swap3A_1703, %swap3A_1704] : memref<4096x4xf32, #tpu.memory_space<vmem>>, vector<128x4xf32>
    tpu.vector_store %arg8[%swap3A_1703, %swap3A_1704], %concatenate3A_1702 {strides = array<i32>} : memref<4096x4xf32, #tpu.memory_space<vmem>>, vector<128x4xf32>,
    %reduce_min3A_1706 = arith.constant dense<0x7F800000> : vector<128xf32>
    %reduce_min3A_1707 = vector.multi_reduction <minimumf>, %select_n3A_1666, %reduce_min3A_1706 [1] : vector<128x1024xf32> to vector<128xf32>
    %broadcast_in_dim3A_1708 = vector.shape_cast %reduce_min3A_1707 : vector<128xf32> to vector<128x1xf32>
    %eq3A_1709 = vector.broadcast %broadcast_in_dim3A_1708 : vector<128x1xf32> to vector<128x1024xf32>
    %eq3A_1710 = arith.cmpf oeq, %select_n3A_1666, %eq3A_1709 : vector<128x1024xf32>
    %jit3A_1711 = arith.constant 1024 : i32
    %broadcast_in_dim3A_1712 = vector.broadcast %jit3A_1711 : i32 to vector<128x1024xi32>
    %select_n3A_1713 = arith.select %eq3A_1710, %iota3A, %broadcast_in_dim3A_1712 : vector<128x1024xi1>, vector<128x1024xi32>
    %reduce_min3A_1714 = arith.constant dense<2147483647> : vector<128xi32>
    %reduce_min3A_1715 = vector.multi_reduction <minsi>, %select_n3A_1713, %reduce_min3A_1714 [1] : vector<128x1024xi32> to vector<128xi32>
    %broadcast_in_dim3A_1716 = vector.shape_cast %reduce_min3A_1715 : vector<128xi32> to vector<128x1xi32>
    %eq3A_1717 = vector.broadcast %broadcast_in_dim3A_1716 : vector<128x1xi32> to vector<128x1024xi32>
    %eq3A_1718 = arith.cmpi eq, %iota3A, %eq3A_1717 : vector<128x1024xi32>
    %jit3A_1719 = arith.constant 1.000000e+00 : f32
    %jit3A_1720 = arith.constant 0.000000e+00 : f32
    %broadcast_in_dim3A_1721 = vector.broadcast %jit3A_1719 : f32 to vector<128x1024xf32>
    %broadcast_in_dim3A_1722 = vector.broadcast %jit3A_1720 : f32 to vector<128x1024xf32>
    %select_n3A_1723 = arith.select %eq3A_1718, %broadcast_in_dim3A_1721, %broadcast_in_dim3A_1722 : vector<128x1024xi1>, vector<128x1024xf32>
    %dot_general3A_1724 = arith.constant dense<0.000000e+00> : vector<128x4xf32>
    %dot_general3A_1725 = tpu.matmul %select_n3A_1723, %get3A_28, %dot_general3A_1724 {dimension_numbers = #tpu.dot_dimension_numbers<[1], [0], [0], [1], [0, 0, 1, 1], [], []>, transpose_lhs_hint = false} : vector<128x1024xf32>, vector<1024x4xf32>, vector<128x4xf32> -> vector<128x4xf32>
    %jit3A_1726 = arith.constant 2.000000e+09 : f32
    %broadcast_in_dim3A_1727 = vector.broadcast %jit3A_1726 : f32 to vector<128x1024xf32>
    %select_n3A_1728 = arith.select %eq3A_1718, %broadcast_in_dim3A_1727, %select_n3A_1666 : vector<128x1024xi1>, vector<128x1024xf32>
    %slice3A_1729 = vector.extract_strided_slice %dot_general3A_1725 {offsets = [0, 0], sizes = [128, 1], strides = [1, 1]} : vector<128x4xf32> to vector<128x1xf32>
    %sub3A_1730 = arith.subf %slice3A_1729, %get3A_3 : vector<128x1xf32>
    %slice3A_1731 = vector.extract_strided_slice %dot_general3A_1725 {offsets = [0, 1], sizes = [128, 1], strides = [1, 1]} : vector<128x4xf32> to vector<128x1xf32>
    %sub3A_1732 = arith.subf %slice3A_1731, %get3A_8 : vector<128x1xf32>
    %mul3A_1733 = arith.mulf %sub3A_1730, %cos3A : vector<128x1xf32>
    %mul3A_1734 = arith.mulf %sub3A_1732, %sin3A : vector<128x1xf32>
    %add3A_1735 = arith.addf %mul3A_1733, %mul3A_1734 : vector<128x1xf32>
    %neg3A_1736 = arith.constant 0.000000e+00 : f32
    %neg3A_1737 = vector.broadcast %neg3A_1736 : f32 to vector<128x1xf32>
    %neg3A_1738 = arith.subf %neg3A_1737, %sub3A_1730 : vector<128x1xf32>
    %mul3A_1739 = arith.mulf %neg3A_1738, %sin3A : vector<128x1xf32>
    %mul3A_1740 = arith.mulf %sub3A_1732, %cos3A : vector<128x1xf32>
    %add3A_1741 = arith.addf %mul3A_1739, %mul3A_1740 : vector<128x1xf32>
    %slice3A_1742 = vector.extract_strided_slice %dot_general3A_1725 {offsets = [0, 2], sizes = [128, 1], strides = [1, 1]} : vector<128x4xf32> to vector<128x1xf32>
    %sub3A_1743 = arith.subf %slice3A_1742, %get3A_13 : vector<128x1xf32>
    %add3A_1744 = arith.constant 3.14159274 : f32
    %add3A_1745 = vector.broadcast %add3A_1744 : f32 to vector<128x1xf32>
    %add3A_1746 = arith.addf %sub3A_1743, %add3A_1745 : vector<128x1xf32>
    %div3A_1747 = arith.constant 6.28318548 : f32
    %div3A_1748 = vector.broadcast %div3A_1747 : f32 to vector<128x1xf32>
    %div3A_1749 = arith.divf %add3A_1746, %div3A_1748 : vector<128x1xf32>
    %floor3A_1750 = math.floor %div3A_1749 : vector<128x1xf32>
    %mul3A_1751 = arith.constant 6.28318548 : f32
    %mul3A_1752 = vector.broadcast %mul3A_1751 : f32 to vector<128x1xf32>
    %mul3A_1753 = arith.mulf %floor3A_1750, %mul3A_1752 : vector<128x1xf32>
    %sub3A_1754 = arith.subf %add3A_1746, %mul3A_1753 : vector<128x1xf32>
    %sub3A_1755 = arith.constant 3.14159274 : f32
    %sub3A_1756 = vector.broadcast %sub3A_1755 : f32 to vector<128x1xf32>
    %sub3A_1757 = arith.subf %sub3A_1754, %sub3A_1756 : vector<128x1xf32>
    %add3A_1758 = vector.broadcast %mul3A_41 : i32 to vector<128x1xi32>
    %add3A_1759 = arith.addi %add3A_1758, %broadcast_in_dim3A_1716 : vector<128x1xi32>
    %swap3A_1760 = arith.constant 3456 : index
    %swap3A_1761 = arith.constant 0 : index
    %swap3A_1762 = vector.load %arg7[%swap3A_1760, %swap3A_1761] : memref<4096x1xi32, #tpu.memory_space<vmem>>, vector<128x1xi32>
    tpu.vector_store %arg7[%swap3A_1760, %swap3A_1761], %add3A_1759 {strides = array<i32>} : memref<4096x1xi32, #tpu.memory_space<vmem>>, vector<128x1xi32>,
    %sqrt3A_1763 = math.sqrt %broadcast_in_dim3A_1708 : vector<128x1xf32>
    %concatenate3A_1764 = tpu.concatenate %add3A_1735, %add3A_1741, %sub3A_1757, %sqrt3A_1763 in 1 : vector<128x1xf32>, vector<128x1xf32>, vector<128x1xf32>, vector<128x1xf32> -> vector<128x4xf32>
    %swap3A_1765 = arith.constant 3456 : index
    %swap3A_1766 = arith.constant 0 : index
    %swap3A_1767 = vector.load %arg8[%swap3A_1765, %swap3A_1766] : memref<4096x4xf32, #tpu.memory_space<vmem>>, vector<128x4xf32>
    tpu.vector_store %arg8[%swap3A_1765, %swap3A_1766], %concatenate3A_1764 {strides = array<i32>} : memref<4096x4xf32, #tpu.memory_space<vmem>>, vector<128x4xf32>,
    %reduce_min3A_1768 = arith.constant dense<0x7F800000> : vector<128xf32>
    %reduce_min3A_1769 = vector.multi_reduction <minimumf>, %select_n3A_1728, %reduce_min3A_1768 [1] : vector<128x1024xf32> to vector<128xf32>
    %broadcast_in_dim3A_1770 = vector.shape_cast %reduce_min3A_1769 : vector<128xf32> to vector<128x1xf32>
    %eq3A_1771 = vector.broadcast %broadcast_in_dim3A_1770 : vector<128x1xf32> to vector<128x1024xf32>
    %eq3A_1772 = arith.cmpf oeq, %select_n3A_1728, %eq3A_1771 : vector<128x1024xf32>
    %jit3A_1773 = arith.constant 1024 : i32
    %broadcast_in_dim3A_1774 = vector.broadcast %jit3A_1773 : i32 to vector<128x1024xi32>
    %select_n3A_1775 = arith.select %eq3A_1772, %iota3A, %broadcast_in_dim3A_1774 : vector<128x1024xi1>, vector<128x1024xi32>
    %reduce_min3A_1776 = arith.constant dense<2147483647> : vector<128xi32>
    %reduce_min3A_1777 = vector.multi_reduction <minsi>, %select_n3A_1775, %reduce_min3A_1776 [1] : vector<128x1024xi32> to vector<128xi32>
    %broadcast_in_dim3A_1778 = vector.shape_cast %reduce_min3A_1777 : vector<128xi32> to vector<128x1xi32>
    %eq3A_1779 = vector.broadcast %broadcast_in_dim3A_1778 : vector<128x1xi32> to vector<128x1024xi32>
    %eq3A_1780 = arith.cmpi eq, %iota3A, %eq3A_1779 : vector<128x1024xi32>
    %jit3A_1781 = arith.constant 1.000000e+00 : f32
    %jit3A_1782 = arith.constant 0.000000e+00 : f32
    %broadcast_in_dim3A_1783 = vector.broadcast %jit3A_1781 : f32 to vector<128x1024xf32>
    %broadcast_in_dim3A_1784 = vector.broadcast %jit3A_1782 : f32 to vector<128x1024xf32>
    %select_n3A_1785 = arith.select %eq3A_1780, %broadcast_in_dim3A_1783, %broadcast_in_dim3A_1784 : vector<128x1024xi1>, vector<128x1024xf32>
    %dot_general3A_1786 = arith.constant dense<0.000000e+00> : vector<128x4xf32>
    %dot_general3A_1787 = tpu.matmul %select_n3A_1785, %get3A_28, %dot_general3A_1786 {dimension_numbers = #tpu.dot_dimension_numbers<[1], [0], [0], [1], [0, 0, 1, 1], [], []>, transpose_lhs_hint = false} : vector<128x1024xf32>, vector<1024x4xf32>, vector<128x4xf32> -> vector<128x4xf32>
    %jit3A_1788 = arith.constant 2.000000e+09 : f32
    %broadcast_in_dim3A_1789 = vector.broadcast %jit3A_1788 : f32 to vector<128x1024xf32>
    %select_n3A_1790 = arith.select %eq3A_1780, %broadcast_in_dim3A_1789, %select_n3A_1728 : vector<128x1024xi1>, vector<128x1024xf32>
    %slice3A_1791 = vector.extract_strided_slice %dot_general3A_1787 {offsets = [0, 0], sizes = [128, 1], strides = [1, 1]} : vector<128x4xf32> to vector<128x1xf32>
    %sub3A_1792 = arith.subf %slice3A_1791, %get3A_3 : vector<128x1xf32>
    %slice3A_1793 = vector.extract_strided_slice %dot_general3A_1787 {offsets = [0, 1], sizes = [128, 1], strides = [1, 1]} : vector<128x4xf32> to vector<128x1xf32>
    %sub3A_1794 = arith.subf %slice3A_1793, %get3A_8 : vector<128x1xf32>
    %mul3A_1795 = arith.mulf %sub3A_1792, %cos3A : vector<128x1xf32>
    %mul3A_1796 = arith.mulf %sub3A_1794, %sin3A : vector<128x1xf32>
    %add3A_1797 = arith.addf %mul3A_1795, %mul3A_1796 : vector<128x1xf32>
    %neg3A_1798 = arith.constant 0.000000e+00 : f32
    %neg3A_1799 = vector.broadcast %neg3A_1798 : f32 to vector<128x1xf32>
    %neg3A_1800 = arith.subf %neg3A_1799, %sub3A_1792 : vector<128x1xf32>
    %mul3A_1801 = arith.mulf %neg3A_1800, %sin3A : vector<128x1xf32>
    %mul3A_1802 = arith.mulf %sub3A_1794, %cos3A : vector<128x1xf32>
    %add3A_1803 = arith.addf %mul3A_1801, %mul3A_1802 : vector<128x1xf32>
    %slice3A_1804 = vector.extract_strided_slice %dot_general3A_1787 {offsets = [0, 2], sizes = [128, 1], strides = [1, 1]} : vector<128x4xf32> to vector<128x1xf32>
    %sub3A_1805 = arith.subf %slice3A_1804, %get3A_13 : vector<128x1xf32>
    %add3A_1806 = arith.constant 3.14159274 : f32
    %add3A_1807 = vector.broadcast %add3A_1806 : f32 to vector<128x1xf32>
    %add3A_1808 = arith.addf %sub3A_1805, %add3A_1807 : vector<128x1xf32>
    %div3A_1809 = arith.constant 6.28318548 : f32
    %div3A_1810 = vector.broadcast %div3A_1809 : f32 to vector<128x1xf32>
    %div3A_1811 = arith.divf %add3A_1808, %div3A_1810 : vector<128x1xf32>
    %floor3A_1812 = math.floor %div3A_1811 : vector<128x1xf32>
    %mul3A_1813 = arith.constant 6.28318548 : f32
    %mul3A_1814 = vector.broadcast %mul3A_1813 : f32 to vector<128x1xf32>
    %mul3A_1815 = arith.mulf %floor3A_1812, %mul3A_1814 : vector<128x1xf32>
    %sub3A_1816 = arith.subf %add3A_1808, %mul3A_1815 : vector<128x1xf32>
    %sub3A_1817 = arith.constant 3.14159274 : f32
    %sub3A_1818 = vector.broadcast %sub3A_1817 : f32 to vector<128x1xf32>
    %sub3A_1819 = arith.subf %sub3A_1816, %sub3A_1818 : vector<128x1xf32>
    %add3A_1820 = vector.broadcast %mul3A_41 : i32 to vector<128x1xi32>
    %add3A_1821 = arith.addi %add3A_1820, %broadcast_in_dim3A_1778 : vector<128x1xi32>
    %swap3A_1822 = arith.constant 3584 : index
    %swap3A_1823 = arith.constant 0 : index
    %swap3A_1824 = vector.load %arg7[%swap3A_1822, %swap3A_1823] : memref<4096x1xi32, #tpu.memory_space<vmem>>, vector<128x1xi32>
    tpu.vector_store %arg7[%swap3A_1822, %swap3A_1823], %add3A_1821 {strides = array<i32>} : memref<4096x1xi32, #tpu.memory_space<vmem>>, vector<128x1xi32>,
    %sqrt3A_1825 = math.sqrt %broadcast_in_dim3A_1770 : vector<128x1xf32>
    %concatenate3A_1826 = tpu.concatenate %add3A_1797, %add3A_1803, %sub3A_1819, %sqrt3A_1825 in 1 : vector<128x1xf32>, vector<128x1xf32>, vector<128x1xf32>, vector<128x1xf32> -> vector<128x4xf32>
    %swap3A_1827 = arith.constant 3584 : index
    %swap3A_1828 = arith.constant 0 : index
    %swap3A_1829 = vector.load %arg8[%swap3A_1827, %swap3A_1828] : memref<4096x4xf32, #tpu.memory_space<vmem>>, vector<128x4xf32>
    tpu.vector_store %arg8[%swap3A_1827, %swap3A_1828], %concatenate3A_1826 {strides = array<i32>} : memref<4096x4xf32, #tpu.memory_space<vmem>>, vector<128x4xf32>,
    %reduce_min3A_1830 = arith.constant dense<0x7F800000> : vector<128xf32>
    %reduce_min3A_1831 = vector.multi_reduction <minimumf>, %select_n3A_1790, %reduce_min3A_1830 [1] : vector<128x1024xf32> to vector<128xf32>
    %broadcast_in_dim3A_1832 = vector.shape_cast %reduce_min3A_1831 : vector<128xf32> to vector<128x1xf32>
    %eq3A_1833 = vector.broadcast %broadcast_in_dim3A_1832 : vector<128x1xf32> to vector<128x1024xf32>
    %eq3A_1834 = arith.cmpf oeq, %select_n3A_1790, %eq3A_1833 : vector<128x1024xf32>
    %jit3A_1835 = arith.constant 1024 : i32
    %broadcast_in_dim3A_1836 = vector.broadcast %jit3A_1835 : i32 to vector<128x1024xi32>
    %select_n3A_1837 = arith.select %eq3A_1834, %iota3A, %broadcast_in_dim3A_1836 : vector<128x1024xi1>, vector<128x1024xi32>
    %reduce_min3A_1838 = arith.constant dense<2147483647> : vector<128xi32>
    %reduce_min3A_1839 = vector.multi_reduction <minsi>, %select_n3A_1837, %reduce_min3A_1838 [1] : vector<128x1024xi32> to vector<128xi32>
    %broadcast_in_dim3A_1840 = vector.shape_cast %reduce_min3A_1839 : vector<128xi32> to vector<128x1xi32>
    %eq3A_1841 = vector.broadcast %broadcast_in_dim3A_1840 : vector<128x1xi32> to vector<128x1024xi32>
    %eq3A_1842 = arith.cmpi eq, %iota3A, %eq3A_1841 : vector<128x1024xi32>
    %jit3A_1843 = arith.constant 1.000000e+00 : f32
    %jit3A_1844 = arith.constant 0.000000e+00 : f32
    %broadcast_in_dim3A_1845 = vector.broadcast %jit3A_1843 : f32 to vector<128x1024xf32>
    %broadcast_in_dim3A_1846 = vector.broadcast %jit3A_1844 : f32 to vector<128x1024xf32>
    %select_n3A_1847 = arith.select %eq3A_1842, %broadcast_in_dim3A_1845, %broadcast_in_dim3A_1846 : vector<128x1024xi1>, vector<128x1024xf32>
    %dot_general3A_1848 = arith.constant dense<0.000000e+00> : vector<128x4xf32>
    %dot_general3A_1849 = tpu.matmul %select_n3A_1847, %get3A_28, %dot_general3A_1848 {dimension_numbers = #tpu.dot_dimension_numbers<[1], [0], [0], [1], [0, 0, 1, 1], [], []>, transpose_lhs_hint = false} : vector<128x1024xf32>, vector<1024x4xf32>, vector<128x4xf32> -> vector<128x4xf32>
    %jit3A_1850 = arith.constant 2.000000e+09 : f32
    %broadcast_in_dim3A_1851 = vector.broadcast %jit3A_1850 : f32 to vector<128x1024xf32>
    %select_n3A_1852 = arith.select %eq3A_1842, %broadcast_in_dim3A_1851, %select_n3A_1790 : vector<128x1024xi1>, vector<128x1024xf32>
    %slice3A_1853 = vector.extract_strided_slice %dot_general3A_1849 {offsets = [0, 0], sizes = [128, 1], strides = [1, 1]} : vector<128x4xf32> to vector<128x1xf32>
    %sub3A_1854 = arith.subf %slice3A_1853, %get3A_3 : vector<128x1xf32>
    %slice3A_1855 = vector.extract_strided_slice %dot_general3A_1849 {offsets = [0, 1], sizes = [128, 1], strides = [1, 1]} : vector<128x4xf32> to vector<128x1xf32>
    %sub3A_1856 = arith.subf %slice3A_1855, %get3A_8 : vector<128x1xf32>
    %mul3A_1857 = arith.mulf %sub3A_1854, %cos3A : vector<128x1xf32>
    %mul3A_1858 = arith.mulf %sub3A_1856, %sin3A : vector<128x1xf32>
    %add3A_1859 = arith.addf %mul3A_1857, %mul3A_1858 : vector<128x1xf32>
    %neg3A_1860 = arith.constant 0.000000e+00 : f32
    %neg3A_1861 = vector.broadcast %neg3A_1860 : f32 to vector<128x1xf32>
    %neg3A_1862 = arith.subf %neg3A_1861, %sub3A_1854 : vector<128x1xf32>
    %mul3A_1863 = arith.mulf %neg3A_1862, %sin3A : vector<128x1xf32>
    %mul3A_1864 = arith.mulf %sub3A_1856, %cos3A : vector<128x1xf32>
    %add3A_1865 = arith.addf %mul3A_1863, %mul3A_1864 : vector<128x1xf32>
    %slice3A_1866 = vector.extract_strided_slice %dot_general3A_1849 {offsets = [0, 2], sizes = [128, 1], strides = [1, 1]} : vector<128x4xf32> to vector<128x1xf32>
    %sub3A_1867 = arith.subf %slice3A_1866, %get3A_13 : vector<128x1xf32>
    %add3A_1868 = arith.constant 3.14159274 : f32
    %add3A_1869 = vector.broadcast %add3A_1868 : f32 to vector<128x1xf32>
    %add3A_1870 = arith.addf %sub3A_1867, %add3A_1869 : vector<128x1xf32>
    %div3A_1871 = arith.constant 6.28318548 : f32
    %div3A_1872 = vector.broadcast %div3A_1871 : f32 to vector<128x1xf32>
    %div3A_1873 = arith.divf %add3A_1870, %div3A_1872 : vector<128x1xf32>
    %floor3A_1874 = math.floor %div3A_1873 : vector<128x1xf32>
    %mul3A_1875 = arith.constant 6.28318548 : f32
    %mul3A_1876 = vector.broadcast %mul3A_1875 : f32 to vector<128x1xf32>
    %mul3A_1877 = arith.mulf %floor3A_1874, %mul3A_1876 : vector<128x1xf32>
    %sub3A_1878 = arith.subf %add3A_1870, %mul3A_1877 : vector<128x1xf32>
    %sub3A_1879 = arith.constant 3.14159274 : f32
    %sub3A_1880 = vector.broadcast %sub3A_1879 : f32 to vector<128x1xf32>
    %sub3A_1881 = arith.subf %sub3A_1878, %sub3A_1880 : vector<128x1xf32>
    %add3A_1882 = vector.broadcast %mul3A_41 : i32 to vector<128x1xi32>
    %add3A_1883 = arith.addi %add3A_1882, %broadcast_in_dim3A_1840 : vector<128x1xi32>
    %swap3A_1884 = arith.constant 3712 : index
    %swap3A_1885 = arith.constant 0 : index
    %swap3A_1886 = vector.load %arg7[%swap3A_1884, %swap3A_1885] : memref<4096x1xi32, #tpu.memory_space<vmem>>, vector<128x1xi32>
    tpu.vector_store %arg7[%swap3A_1884, %swap3A_1885], %add3A_1883 {strides = array<i32>} : memref<4096x1xi32, #tpu.memory_space<vmem>>, vector<128x1xi32>,
    %sqrt3A_1887 = math.sqrt %broadcast_in_dim3A_1832 : vector<128x1xf32>
    %concatenate3A_1888 = tpu.concatenate %add3A_1859, %add3A_1865, %sub3A_1881, %sqrt3A_1887 in 1 : vector<128x1xf32>, vector<128x1xf32>, vector<128x1xf32>, vector<128x1xf32> -> vector<128x4xf32>
    %swap3A_1889 = arith.constant 3712 : index
    %swap3A_1890 = arith.constant 0 : index
    %swap3A_1891 = vector.load %arg8[%swap3A_1889, %swap3A_1890] : memref<4096x4xf32, #tpu.memory_space<vmem>>, vector<128x4xf32>
    tpu.vector_store %arg8[%swap3A_1889, %swap3A_1890], %concatenate3A_1888 {strides = array<i32>} : memref<4096x4xf32, #tpu.memory_space<vmem>>, vector<128x4xf32>,
    %reduce_min3A_1892 = arith.constant dense<0x7F800000> : vector<128xf32>
    %reduce_min3A_1893 = vector.multi_reduction <minimumf>, %select_n3A_1852, %reduce_min3A_1892 [1] : vector<128x1024xf32> to vector<128xf32>
    %broadcast_in_dim3A_1894 = vector.shape_cast %reduce_min3A_1893 : vector<128xf32> to vector<128x1xf32>
    %eq3A_1895 = vector.broadcast %broadcast_in_dim3A_1894 : vector<128x1xf32> to vector<128x1024xf32>
    %eq3A_1896 = arith.cmpf oeq, %select_n3A_1852, %eq3A_1895 : vector<128x1024xf32>
    %jit3A_1897 = arith.constant 1024 : i32
    %broadcast_in_dim3A_1898 = vector.broadcast %jit3A_1897 : i32 to vector<128x1024xi32>
    %select_n3A_1899 = arith.select %eq3A_1896, %iota3A, %broadcast_in_dim3A_1898 : vector<128x1024xi1>, vector<128x1024xi32>
    %reduce_min3A_1900 = arith.constant dense<2147483647> : vector<128xi32>
    %reduce_min3A_1901 = vector.multi_reduction <minsi>, %select_n3A_1899, %reduce_min3A_1900 [1] : vector<128x1024xi32> to vector<128xi32>
    %broadcast_in_dim3A_1902 = vector.shape_cast %reduce_min3A_1901 : vector<128xi32> to vector<128x1xi32>
    %eq3A_1903 = vector.broadcast %broadcast_in_dim3A_1902 : vector<128x1xi32> to vector<128x1024xi32>
    %eq3A_1904 = arith.cmpi eq, %iota3A, %eq3A_1903 : vector<128x1024xi32>
    %jit3A_1905 = arith.constant 1.000000e+00 : f32
    %jit3A_1906 = arith.constant 0.000000e+00 : f32
    %broadcast_in_dim3A_1907 = vector.broadcast %jit3A_1905 : f32 to vector<128x1024xf32>
    %broadcast_in_dim3A_1908 = vector.broadcast %jit3A_1906 : f32 to vector<128x1024xf32>
    %select_n3A_1909 = arith.select %eq3A_1904, %broadcast_in_dim3A_1907, %broadcast_in_dim3A_1908 : vector<128x1024xi1>, vector<128x1024xf32>
    %dot_general3A_1910 = arith.constant dense<0.000000e+00> : vector<128x4xf32>
    %dot_general3A_1911 = tpu.matmul %select_n3A_1909, %get3A_28, %dot_general3A_1910 {dimension_numbers = #tpu.dot_dimension_numbers<[1], [0], [0], [1], [0, 0, 1, 1], [], []>, transpose_lhs_hint = false} : vector<128x1024xf32>, vector<1024x4xf32>, vector<128x4xf32> -> vector<128x4xf32>
    %jit3A_1912 = arith.constant 2.000000e+09 : f32
    %broadcast_in_dim3A_1913 = vector.broadcast %jit3A_1912 : f32 to vector<128x1024xf32>
    %select_n3A_1914 = arith.select %eq3A_1904, %broadcast_in_dim3A_1913, %select_n3A_1852 : vector<128x1024xi1>, vector<128x1024xf32>
    %slice3A_1915 = vector.extract_strided_slice %dot_general3A_1911 {offsets = [0, 0], sizes = [128, 1], strides = [1, 1]} : vector<128x4xf32> to vector<128x1xf32>
    %sub3A_1916 = arith.subf %slice3A_1915, %get3A_3 : vector<128x1xf32>
    %slice3A_1917 = vector.extract_strided_slice %dot_general3A_1911 {offsets = [0, 1], sizes = [128, 1], strides = [1, 1]} : vector<128x4xf32> to vector<128x1xf32>
    %sub3A_1918 = arith.subf %slice3A_1917, %get3A_8 : vector<128x1xf32>
    %mul3A_1919 = arith.mulf %sub3A_1916, %cos3A : vector<128x1xf32>
    %mul3A_1920 = arith.mulf %sub3A_1918, %sin3A : vector<128x1xf32>
    %add3A_1921 = arith.addf %mul3A_1919, %mul3A_1920 : vector<128x1xf32>
    %neg3A_1922 = arith.constant 0.000000e+00 : f32
    %neg3A_1923 = vector.broadcast %neg3A_1922 : f32 to vector<128x1xf32>
    %neg3A_1924 = arith.subf %neg3A_1923, %sub3A_1916 : vector<128x1xf32>
    %mul3A_1925 = arith.mulf %neg3A_1924, %sin3A : vector<128x1xf32>
    %mul3A_1926 = arith.mulf %sub3A_1918, %cos3A : vector<128x1xf32>
    %add3A_1927 = arith.addf %mul3A_1925, %mul3A_1926 : vector<128x1xf32>
    %slice3A_1928 = vector.extract_strided_slice %dot_general3A_1911 {offsets = [0, 2], sizes = [128, 1], strides = [1, 1]} : vector<128x4xf32> to vector<128x1xf32>
    %sub3A_1929 = arith.subf %slice3A_1928, %get3A_13 : vector<128x1xf32>
    %add3A_1930 = arith.constant 3.14159274 : f32
    %add3A_1931 = vector.broadcast %add3A_1930 : f32 to vector<128x1xf32>
    %add3A_1932 = arith.addf %sub3A_1929, %add3A_1931 : vector<128x1xf32>
    %div3A_1933 = arith.constant 6.28318548 : f32
    %div3A_1934 = vector.broadcast %div3A_1933 : f32 to vector<128x1xf32>
    %div3A_1935 = arith.divf %add3A_1932, %div3A_1934 : vector<128x1xf32>
    %floor3A_1936 = math.floor %div3A_1935 : vector<128x1xf32>
    %mul3A_1937 = arith.constant 6.28318548 : f32
    %mul3A_1938 = vector.broadcast %mul3A_1937 : f32 to vector<128x1xf32>
    %mul3A_1939 = arith.mulf %floor3A_1936, %mul3A_1938 : vector<128x1xf32>
    %sub3A_1940 = arith.subf %add3A_1932, %mul3A_1939 : vector<128x1xf32>
    %sub3A_1941 = arith.constant 3.14159274 : f32
    %sub3A_1942 = vector.broadcast %sub3A_1941 : f32 to vector<128x1xf32>
    %sub3A_1943 = arith.subf %sub3A_1940, %sub3A_1942 : vector<128x1xf32>
    %add3A_1944 = vector.broadcast %mul3A_41 : i32 to vector<128x1xi32>
    %add3A_1945 = arith.addi %add3A_1944, %broadcast_in_dim3A_1902 : vector<128x1xi32>
    %swap3A_1946 = arith.constant 3840 : index
    %swap3A_1947 = arith.constant 0 : index
    %swap3A_1948 = vector.load %arg7[%swap3A_1946, %swap3A_1947] : memref<4096x1xi32, #tpu.memory_space<vmem>>, vector<128x1xi32>
    tpu.vector_store %arg7[%swap3A_1946, %swap3A_1947], %add3A_1945 {strides = array<i32>} : memref<4096x1xi32, #tpu.memory_space<vmem>>, vector<128x1xi32>,
    %sqrt3A_1949 = math.sqrt %broadcast_in_dim3A_1894 : vector<128x1xf32>
    %concatenate3A_1950 = tpu.concatenate %add3A_1921, %add3A_1927, %sub3A_1943, %sqrt3A_1949 in 1 : vector<128x1xf32>, vector<128x1xf32>, vector<128x1xf32>, vector<128x1xf32> -> vector<128x4xf32>
    %swap3A_1951 = arith.constant 3840 : index
    %swap3A_1952 = arith.constant 0 : index
    %swap3A_1953 = vector.load %arg8[%swap3A_1951, %swap3A_1952] : memref<4096x4xf32, #tpu.memory_space<vmem>>, vector<128x4xf32>
    tpu.vector_store %arg8[%swap3A_1951, %swap3A_1952], %concatenate3A_1950 {strides = array<i32>} : memref<4096x4xf32, #tpu.memory_space<vmem>>, vector<128x4xf32>,
    %reduce_min3A_1954 = arith.constant dense<0x7F800000> : vector<128xf32>
    %reduce_min3A_1955 = vector.multi_reduction <minimumf>, %select_n3A_1914, %reduce_min3A_1954 [1] : vector<128x1024xf32> to vector<128xf32>
    %broadcast_in_dim3A_1956 = vector.shape_cast %reduce_min3A_1955 : vector<128xf32> to vector<128x1xf32>
    %eq3A_1957 = vector.broadcast %broadcast_in_dim3A_1956 : vector<128x1xf32> to vector<128x1024xf32>
    %eq3A_1958 = arith.cmpf oeq, %select_n3A_1914, %eq3A_1957 : vector<128x1024xf32>
    %jit3A_1959 = arith.constant 1024 : i32
    %broadcast_in_dim3A_1960 = vector.broadcast %jit3A_1959 : i32 to vector<128x1024xi32>
    %select_n3A_1961 = arith.select %eq3A_1958, %iota3A, %broadcast_in_dim3A_1960 : vector<128x1024xi1>, vector<128x1024xi32>
    %reduce_min3A_1962 = arith.constant dense<2147483647> : vector<128xi32>
    %reduce_min3A_1963 = vector.multi_reduction <minsi>, %select_n3A_1961, %reduce_min3A_1962 [1] : vector<128x1024xi32> to vector<128xi32>
    %broadcast_in_dim3A_1964 = vector.shape_cast %reduce_min3A_1963 : vector<128xi32> to vector<128x1xi32>
    %eq3A_1965 = vector.broadcast %broadcast_in_dim3A_1964 : vector<128x1xi32> to vector<128x1024xi32>
    %eq3A_1966 = arith.cmpi eq, %iota3A, %eq3A_1965 : vector<128x1024xi32>
    %jit3A_1967 = arith.constant 1.000000e+00 : f32
    %jit3A_1968 = arith.constant 0.000000e+00 : f32
    %broadcast_in_dim3A_1969 = vector.broadcast %jit3A_1967 : f32 to vector<128x1024xf32>
    %broadcast_in_dim3A_1970 = vector.broadcast %jit3A_1968 : f32 to vector<128x1024xf32>
    %select_n3A_1971 = arith.select %eq3A_1966, %broadcast_in_dim3A_1969, %broadcast_in_dim3A_1970 : vector<128x1024xi1>, vector<128x1024xf32>
    %dot_general3A_1972 = arith.constant dense<0.000000e+00> : vector<128x4xf32>
    %dot_general3A_1973 = tpu.matmul %select_n3A_1971, %get3A_28, %dot_general3A_1972 {dimension_numbers = #tpu.dot_dimension_numbers<[1], [0], [0], [1], [0, 0, 1, 1], [], []>, transpose_lhs_hint = false} : vector<128x1024xf32>, vector<1024x4xf32>, vector<128x4xf32> -> vector<128x4xf32>
    %slice3A_1974 = vector.extract_strided_slice %dot_general3A_1973 {offsets = [0, 0], sizes = [128, 1], strides = [1, 1]} : vector<128x4xf32> to vector<128x1xf32>
    %sub3A_1975 = arith.subf %slice3A_1974, %get3A_3 : vector<128x1xf32>
    %slice3A_1976 = vector.extract_strided_slice %dot_general3A_1973 {offsets = [0, 1], sizes = [128, 1], strides = [1, 1]} : vector<128x4xf32> to vector<128x1xf32>
    %sub3A_1977 = arith.subf %slice3A_1976, %get3A_8 : vector<128x1xf32>
    %mul3A_1978 = arith.mulf %sub3A_1975, %cos3A : vector<128x1xf32>
    %mul3A_1979 = arith.mulf %sub3A_1977, %sin3A : vector<128x1xf32>
    %add3A_1980 = arith.addf %mul3A_1978, %mul3A_1979 : vector<128x1xf32>
    %neg3A_1981 = arith.constant 0.000000e+00 : f32
    %neg3A_1982 = vector.broadcast %neg3A_1981 : f32 to vector<128x1xf32>
    %neg3A_1983 = arith.subf %neg3A_1982, %sub3A_1975 : vector<128x1xf32>
    %mul3A_1984 = arith.mulf %neg3A_1983, %sin3A : vector<128x1xf32>
    %mul3A_1985 = arith.mulf %sub3A_1977, %cos3A : vector<128x1xf32>
    %add3A_1986 = arith.addf %mul3A_1984, %mul3A_1985 : vector<128x1xf32>
    %slice3A_1987 = vector.extract_strided_slice %dot_general3A_1973 {offsets = [0, 2], sizes = [128, 1], strides = [1, 1]} : vector<128x4xf32> to vector<128x1xf32>
    %sub3A_1988 = arith.subf %slice3A_1987, %get3A_13 : vector<128x1xf32>
    %add3A_1989 = arith.constant 3.14159274 : f32
    %add3A_1990 = vector.broadcast %add3A_1989 : f32 to vector<128x1xf32>
    %add3A_1991 = arith.addf %sub3A_1988, %add3A_1990 : vector<128x1xf32>
    %div3A_1992 = arith.constant 6.28318548 : f32
    %div3A_1993 = vector.broadcast %div3A_1992 : f32 to vector<128x1xf32>
    %div3A_1994 = arith.divf %add3A_1991, %div3A_1993 : vector<128x1xf32>
    %floor3A_1995 = math.floor %div3A_1994 : vector<128x1xf32>
    %mul3A_1996 = arith.constant 6.28318548 : f32
    %mul3A_1997 = vector.broadcast %mul3A_1996 : f32 to vector<128x1xf32>
    %mul3A_1998 = arith.mulf %floor3A_1995, %mul3A_1997 : vector<128x1xf32>
    %sub3A_1999 = arith.subf %add3A_1991, %mul3A_1998 : vector<128x1xf32>
    %sub3A_2000 = arith.constant 3.14159274 : f32
    %sub3A_2001 = vector.broadcast %sub3A_2000 : f32 to vector<128x1xf32>
    %sub3A_2002 = arith.subf %sub3A_1999, %sub3A_2001 : vector<128x1xf32>
    %add3A_2003 = vector.broadcast %mul3A_41 : i32 to vector<128x1xi32>
    %add3A_2004 = arith.addi %add3A_2003, %broadcast_in_dim3A_1964 : vector<128x1xi32>
    %swap3A_2005 = arith.constant 3968 : index
    %swap3A_2006 = arith.constant 0 : index
    %swap3A_2007 = vector.load %arg7[%swap3A_2005, %swap3A_2006] : memref<4096x1xi32, #tpu.memory_space<vmem>>, vector<128x1xi32>
    tpu.vector_store %arg7[%swap3A_2005, %swap3A_2006], %add3A_2004 {strides = array<i32>} : memref<4096x1xi32, #tpu.memory_space<vmem>>, vector<128x1xi32>,
    %sqrt3A_2008 = math.sqrt %broadcast_in_dim3A_1956 : vector<128x1xf32>
    %concatenate3A_2009 = tpu.concatenate %add3A_1980, %add3A_1986, %sub3A_2002, %sqrt3A_2008 in 1 : vector<128x1xf32>, vector<128x1xf32>, vector<128x1xf32>, vector<128x1xf32> -> vector<128x4xf32>
    %swap3A_2010 = arith.constant 3968 : index
    %swap3A_2011 = arith.constant 0 : index
    %swap3A_2012 = vector.load %arg8[%swap3A_2010, %swap3A_2011] : memref<4096x4xf32, #tpu.memory_space<vmem>>, vector<128x4xf32>
    tpu.vector_store %arg8[%swap3A_2010, %swap3A_2011], %concatenate3A_2009 {strides = array<i32>} : memref<4096x4xf32, #tpu.memory_space<vmem>>, vector<128x4xf32>,
    return
  }
  func.func @transform_0(%arg0: i32, %arg1: i32) -> (i32, i32, i32) {
    %c0_i32 = arith.constant 0 : i32
    %c0_i32_0 = arith.constant 0 : i32
    return %arg0, %arg1, %c0_i32 : i32, i32, i32
  }
  func.func @transform_1(%arg0: i32, %arg1: i32) -> (i32, i32, i32) {
    %c0_i32 = arith.constant 0 : i32
    %c0_i32_0 = arith.constant 0 : i32
    return %arg0, %arg1, %c0_i32 : i32, i32, i32
  }
  func.func @transform_2(%arg0: i32, %arg1: i32) -> (i32, i32, i32) {
    %c0_i32 = arith.constant 0 : i32
    %c0_i32_0 = arith.constant 0 : i32
    %c0_i32_1 = arith.constant 0 : i32
    return %arg0, %c0_i32, %c0_i32_0 : i32, i32, i32
  }
  func.func @transform_3(%arg0: i32, %arg1: i32) -> (i32, i32, i32) {
    %c0_i32 = arith.constant 0 : i32
    %c0_i32_0 = arith.constant 0 : i32
    %c0_i32_1 = arith.constant 0 : i32
    return %arg0, %c0_i32, %c0_i32_0 : i32, i32, i32
  }
  func.func @transform_4(%arg0: i32, %arg1: i32) -> (i32, i32, i32) {
    %c0_i32 = arith.constant 0 : i32
    %c0_i32_0 = arith.constant 0 : i32
    %c0_i32_1 = arith.constant 0 : i32
    return %arg0, %c0_i32, %c0_i32_0 : i32, i32, i32
  }
  func.func @transform_5(%arg0: i32, %arg1: i32) -> (i32, i32) {
    %mul3A = arith.constant 8 : i32
    %mul3A_0 = arith.muli %arg0, %mul3A : i32
    %add3A = arith.addi %mul3A_0, %arg1 : i32
    %c0_i32 = arith.constant 0 : i32
    %c0_i32_1 = arith.constant 0 : i32
    return %add3A, %c0_i32 : i32, i32
  }
  func.func @transform_6(%arg0: i32, %arg1: i32) -> (i32, i32) {
    %mul3A = arith.constant 8 : i32
    %mul3A_0 = arith.muli %arg0, %mul3A : i32
    %add3A = arith.addi %mul3A_0, %arg1 : i32
    %c0_i32 = arith.constant 0 : i32
    %c0_i32_1 = arith.constant 0 : i32
    return %add3A, %c0_i32 : i32, i32
  }
}

module attributes {stable_mosaic.version = 14 : i64} {
  func.func @_pointnet_kernel(%arg0: i32, %arg1: i32, %arg2: memref<1x20x128x9xf32, #tpu.memory_space<vmem>>, %arg3: memref<9x64xf32, #tpu.memory_space<vmem>>, %arg4: memref<1x64xf32, #tpu.memory_space<vmem>>, %arg5: memref<128x64xf32, #tpu.memory_space<vmem>>, %arg6: memref<1x64xf32, #tpu.memory_space<vmem>>, %arg7: memref<64x128xf32, #tpu.memory_space<vmem>>, %arg8: memref<1x128xf32, #tpu.memory_space<vmem>>, %arg9: memref<128x128xf32, #tpu.memory_space<vmem>>, %arg10: memref<128x128xf32, #tpu.memory_space<vmem>>, %arg11: memref<128x128xf32, #tpu.memory_space<vmem>>, %arg12: memref<128x256xf32, #tpu.memory_space<vmem>>) attributes {dimension_semantics = [#tpu.dimension_semantics<parallel>, #tpu.dimension_semantics<parallel>], iteration_bounds = array<i64: 4, 8>, scalar_prefetch = 0 : i64, scratch_operands = 0 : i64, tpu.core_type = #tpu.core_type<tc>, window_params = [{transform_indices = @transform_0, window_bounds = array<i64: 1, 20, 128, 9>}, {pipeline_mode = #tpu.pipeline_mode<synchronous>, transform_indices = @transform_1, window_bounds = array<i64: 9, 64>}, {pipeline_mode = #tpu.pipeline_mode<synchronous>, transform_indices = @transform_2, window_bounds = array<i64: 1, 64>}, {pipeline_mode = #tpu.pipeline_mode<synchronous>, transform_indices = @transform_3, window_bounds = array<i64: 128, 64>}, {pipeline_mode = #tpu.pipeline_mode<synchronous>, transform_indices = @transform_4, window_bounds = array<i64: 1, 64>}, {pipeline_mode = #tpu.pipeline_mode<synchronous>, transform_indices = @transform_5, window_bounds = array<i64: 64, 128>}, {pipeline_mode = #tpu.pipeline_mode<synchronous>, transform_indices = @transform_6, window_bounds = array<i64: 1, 128>}, {pipeline_mode = #tpu.pipeline_mode<synchronous>, transform_indices = @transform_7, window_bounds = array<i64: 128, 128>}, {pipeline_mode = #tpu.pipeline_mode<synchronous>, transform_indices = @transform_8, window_bounds = array<i64: 128, 128>}, {transform_indices = @transform_9, window_bounds = array<i64: 128, 128>}, {transform_indices = @transform_10, window_bounds = array<i64: 128, 256>}]} {
    %get3A = arith.constant 0 : index
    %get3A_0 = arith.constant 0 : index
    %get3A_1 = vector.load %arg3[%get3A, %get3A_0] : memref<9x64xf32, #tpu.memory_space<vmem>>, vector<9x64xf32>
    %get3A_2 = arith.constant 0 : index
    %get3A_3 = arith.constant 0 : index
    %get3A_4 = vector.load %arg4[%get3A_2, %get3A_3] : memref<1x64xf32, #tpu.memory_space<vmem>>, vector<1x64xf32>
    %get3A_5 = arith.constant 0 : index
    %get3A_6 = arith.constant 0 : index
    %get3A_7 = arith.constant 0 : index
    %get3A_8 = arith.constant 0 : index
    %get3A_9 = vector.load %arg2[%get3A_5, %get3A_6, %get3A_7, %get3A_8] : memref<1x20x128x9xf32, #tpu.memory_space<vmem>>, vector<1x1x128x9xf32>
    %get3A_10 = vector.shape_cast %get3A_9 : vector<1x1x128x9xf32> to vector<128x9xf32>
    %dot_general3A = arith.constant dense<0.000000e+00> : vector<128x64xf32>
    %dot_general3A_11 = tpu.matmul %get3A_10, %get3A_1, %dot_general3A {dimension_numbers = #tpu.dot_dimension_numbers<[1], [0], [0], [1], [0, 0, 1, 1], [], []>, transpose_lhs_hint = false} : vector<128x9xf32>, vector<9x64xf32>, vector<128x64xf32> -> vector<128x64xf32>
    %add3A = vector.broadcast %get3A_4 : vector<1x64xf32> to vector<128x64xf32>
    %add3A_12 = arith.addf %dot_general3A_11, %add3A : vector<128x64xf32>
    %max3A = arith.constant 0.000000e+00 : f32
    %max3A_13 = vector.broadcast %max3A : f32 to vector<128x64xf32>
    %max3A_14 = arith.maximumf %add3A_12, %max3A_13 : vector<128x64xf32>
    %get3A_15 = arith.constant 0 : index
    %get3A_16 = arith.constant 1 : index
    %get3A_17 = arith.constant 0 : index
    %get3A_18 = arith.constant 0 : index
    %get3A_19 = vector.load %arg2[%get3A_15, %get3A_16, %get3A_17, %get3A_18] : memref<1x20x128x9xf32, #tpu.memory_space<vmem>>, vector<1x1x128x9xf32>
    %get3A_20 = vector.shape_cast %get3A_19 : vector<1x1x128x9xf32> to vector<128x9xf32>
    %dot_general3A_21 = arith.constant dense<0.000000e+00> : vector<128x64xf32>
    %dot_general3A_22 = tpu.matmul %get3A_20, %get3A_1, %dot_general3A_21 {dimension_numbers = #tpu.dot_dimension_numbers<[1], [0], [0], [1], [0, 0, 1, 1], [], []>, transpose_lhs_hint = false} : vector<128x9xf32>, vector<9x64xf32>, vector<128x64xf32> -> vector<128x64xf32>
    %add3A_23 = vector.broadcast %get3A_4 : vector<1x64xf32> to vector<128x64xf32>
    %add3A_24 = arith.addf %dot_general3A_22, %add3A_23 : vector<128x64xf32>
    %max3A_25 = arith.constant 0.000000e+00 : f32
    %max3A_26 = vector.broadcast %max3A_25 : f32 to vector<128x64xf32>
    %max3A_27 = arith.maximumf %add3A_24, %max3A_26 : vector<128x64xf32>
    %get3A_28 = arith.constant 0 : index
    %get3A_29 = arith.constant 2 : index
    %get3A_30 = arith.constant 0 : index
    %get3A_31 = arith.constant 0 : index
    %get3A_32 = vector.load %arg2[%get3A_28, %get3A_29, %get3A_30, %get3A_31] : memref<1x20x128x9xf32, #tpu.memory_space<vmem>>, vector<1x1x128x9xf32>
    %get3A_33 = vector.shape_cast %get3A_32 : vector<1x1x128x9xf32> to vector<128x9xf32>
    %dot_general3A_34 = arith.constant dense<0.000000e+00> : vector<128x64xf32>
    %dot_general3A_35 = tpu.matmul %get3A_33, %get3A_1, %dot_general3A_34 {dimension_numbers = #tpu.dot_dimension_numbers<[1], [0], [0], [1], [0, 0, 1, 1], [], []>, transpose_lhs_hint = false} : vector<128x9xf32>, vector<9x64xf32>, vector<128x64xf32> -> vector<128x64xf32>
    %add3A_36 = vector.broadcast %get3A_4 : vector<1x64xf32> to vector<128x64xf32>
    %add3A_37 = arith.addf %dot_general3A_35, %add3A_36 : vector<128x64xf32>
    %max3A_38 = arith.constant 0.000000e+00 : f32
    %max3A_39 = vector.broadcast %max3A_38 : f32 to vector<128x64xf32>
    %max3A_40 = arith.maximumf %add3A_37, %max3A_39 : vector<128x64xf32>
    %get3A_41 = arith.constant 0 : index
    %get3A_42 = arith.constant 3 : index
    %get3A_43 = arith.constant 0 : index
    %get3A_44 = arith.constant 0 : index
    %get3A_45 = vector.load %arg2[%get3A_41, %get3A_42, %get3A_43, %get3A_44] : memref<1x20x128x9xf32, #tpu.memory_space<vmem>>, vector<1x1x128x9xf32>
    %get3A_46 = vector.shape_cast %get3A_45 : vector<1x1x128x9xf32> to vector<128x9xf32>
    %dot_general3A_47 = arith.constant dense<0.000000e+00> : vector<128x64xf32>
    %dot_general3A_48 = tpu.matmul %get3A_46, %get3A_1, %dot_general3A_47 {dimension_numbers = #tpu.dot_dimension_numbers<[1], [0], [0], [1], [0, 0, 1, 1], [], []>, transpose_lhs_hint = false} : vector<128x9xf32>, vector<9x64xf32>, vector<128x64xf32> -> vector<128x64xf32>
    %add3A_49 = vector.broadcast %get3A_4 : vector<1x64xf32> to vector<128x64xf32>
    %add3A_50 = arith.addf %dot_general3A_48, %add3A_49 : vector<128x64xf32>
    %max3A_51 = arith.constant 0.000000e+00 : f32
    %max3A_52 = vector.broadcast %max3A_51 : f32 to vector<128x64xf32>
    %max3A_53 = arith.maximumf %add3A_50, %max3A_52 : vector<128x64xf32>
    %get3A_54 = arith.constant 0 : index
    %get3A_55 = arith.constant 4 : index
    %get3A_56 = arith.constant 0 : index
    %get3A_57 = arith.constant 0 : index
    %get3A_58 = vector.load %arg2[%get3A_54, %get3A_55, %get3A_56, %get3A_57] : memref<1x20x128x9xf32, #tpu.memory_space<vmem>>, vector<1x1x128x9xf32>
    %get3A_59 = vector.shape_cast %get3A_58 : vector<1x1x128x9xf32> to vector<128x9xf32>
    %dot_general3A_60 = arith.constant dense<0.000000e+00> : vector<128x64xf32>
    %dot_general3A_61 = tpu.matmul %get3A_59, %get3A_1, %dot_general3A_60 {dimension_numbers = #tpu.dot_dimension_numbers<[1], [0], [0], [1], [0, 0, 1, 1], [], []>, transpose_lhs_hint = false} : vector<128x9xf32>, vector<9x64xf32>, vector<128x64xf32> -> vector<128x64xf32>
    %add3A_62 = vector.broadcast %get3A_4 : vector<1x64xf32> to vector<128x64xf32>
    %add3A_63 = arith.addf %dot_general3A_61, %add3A_62 : vector<128x64xf32>
    %max3A_64 = arith.constant 0.000000e+00 : f32
    %max3A_65 = vector.broadcast %max3A_64 : f32 to vector<128x64xf32>
    %max3A_66 = arith.maximumf %add3A_63, %max3A_65 : vector<128x64xf32>
    %get3A_67 = arith.constant 0 : index
    %get3A_68 = arith.constant 5 : index
    %get3A_69 = arith.constant 0 : index
    %get3A_70 = arith.constant 0 : index
    %get3A_71 = vector.load %arg2[%get3A_67, %get3A_68, %get3A_69, %get3A_70] : memref<1x20x128x9xf32, #tpu.memory_space<vmem>>, vector<1x1x128x9xf32>
    %get3A_72 = vector.shape_cast %get3A_71 : vector<1x1x128x9xf32> to vector<128x9xf32>
    %dot_general3A_73 = arith.constant dense<0.000000e+00> : vector<128x64xf32>
    %dot_general3A_74 = tpu.matmul %get3A_72, %get3A_1, %dot_general3A_73 {dimension_numbers = #tpu.dot_dimension_numbers<[1], [0], [0], [1], [0, 0, 1, 1], [], []>, transpose_lhs_hint = false} : vector<128x9xf32>, vector<9x64xf32>, vector<128x64xf32> -> vector<128x64xf32>
    %add3A_75 = vector.broadcast %get3A_4 : vector<1x64xf32> to vector<128x64xf32>
    %add3A_76 = arith.addf %dot_general3A_74, %add3A_75 : vector<128x64xf32>
    %max3A_77 = arith.constant 0.000000e+00 : f32
    %max3A_78 = vector.broadcast %max3A_77 : f32 to vector<128x64xf32>
    %max3A_79 = arith.maximumf %add3A_76, %max3A_78 : vector<128x64xf32>
    %get3A_80 = arith.constant 0 : index
    %get3A_81 = arith.constant 6 : index
    %get3A_82 = arith.constant 0 : index
    %get3A_83 = arith.constant 0 : index
    %get3A_84 = vector.load %arg2[%get3A_80, %get3A_81, %get3A_82, %get3A_83] : memref<1x20x128x9xf32, #tpu.memory_space<vmem>>, vector<1x1x128x9xf32>
    %get3A_85 = vector.shape_cast %get3A_84 : vector<1x1x128x9xf32> to vector<128x9xf32>
    %dot_general3A_86 = arith.constant dense<0.000000e+00> : vector<128x64xf32>
    %dot_general3A_87 = tpu.matmul %get3A_85, %get3A_1, %dot_general3A_86 {dimension_numbers = #tpu.dot_dimension_numbers<[1], [0], [0], [1], [0, 0, 1, 1], [], []>, transpose_lhs_hint = false} : vector<128x9xf32>, vector<9x64xf32>, vector<128x64xf32> -> vector<128x64xf32>
    %add3A_88 = vector.broadcast %get3A_4 : vector<1x64xf32> to vector<128x64xf32>
    %add3A_89 = arith.addf %dot_general3A_87, %add3A_88 : vector<128x64xf32>
    %max3A_90 = arith.constant 0.000000e+00 : f32
    %max3A_91 = vector.broadcast %max3A_90 : f32 to vector<128x64xf32>
    %max3A_92 = arith.maximumf %add3A_89, %max3A_91 : vector<128x64xf32>
    %get3A_93 = arith.constant 0 : index
    %get3A_94 = arith.constant 7 : index
    %get3A_95 = arith.constant 0 : index
    %get3A_96 = arith.constant 0 : index
    %get3A_97 = vector.load %arg2[%get3A_93, %get3A_94, %get3A_95, %get3A_96] : memref<1x20x128x9xf32, #tpu.memory_space<vmem>>, vector<1x1x128x9xf32>
    %get3A_98 = vector.shape_cast %get3A_97 : vector<1x1x128x9xf32> to vector<128x9xf32>
    %dot_general3A_99 = arith.constant dense<0.000000e+00> : vector<128x64xf32>
    %dot_general3A_100 = tpu.matmul %get3A_98, %get3A_1, %dot_general3A_99 {dimension_numbers = #tpu.dot_dimension_numbers<[1], [0], [0], [1], [0, 0, 1, 1], [], []>, transpose_lhs_hint = false} : vector<128x9xf32>, vector<9x64xf32>, vector<128x64xf32> -> vector<128x64xf32>
    %add3A_101 = vector.broadcast %get3A_4 : vector<1x64xf32> to vector<128x64xf32>
    %add3A_102 = arith.addf %dot_general3A_100, %add3A_101 : vector<128x64xf32>
    %max3A_103 = arith.constant 0.000000e+00 : f32
    %max3A_104 = vector.broadcast %max3A_103 : f32 to vector<128x64xf32>
    %max3A_105 = arith.maximumf %add3A_102, %max3A_104 : vector<128x64xf32>
    %get3A_106 = arith.constant 0 : index
    %get3A_107 = arith.constant 8 : index
    %get3A_108 = arith.constant 0 : index
    %get3A_109 = arith.constant 0 : index
    %get3A_110 = vector.load %arg2[%get3A_106, %get3A_107, %get3A_108, %get3A_109] : memref<1x20x128x9xf32, #tpu.memory_space<vmem>>, vector<1x1x128x9xf32>
    %get3A_111 = vector.shape_cast %get3A_110 : vector<1x1x128x9xf32> to vector<128x9xf32>
    %dot_general3A_112 = arith.constant dense<0.000000e+00> : vector<128x64xf32>
    %dot_general3A_113 = tpu.matmul %get3A_111, %get3A_1, %dot_general3A_112 {dimension_numbers = #tpu.dot_dimension_numbers<[1], [0], [0], [1], [0, 0, 1, 1], [], []>, transpose_lhs_hint = false} : vector<128x9xf32>, vector<9x64xf32>, vector<128x64xf32> -> vector<128x64xf32>
    %add3A_114 = vector.broadcast %get3A_4 : vector<1x64xf32> to vector<128x64xf32>
    %add3A_115 = arith.addf %dot_general3A_113, %add3A_114 : vector<128x64xf32>
    %max3A_116 = arith.constant 0.000000e+00 : f32
    %max3A_117 = vector.broadcast %max3A_116 : f32 to vector<128x64xf32>
    %max3A_118 = arith.maximumf %add3A_115, %max3A_117 : vector<128x64xf32>
    %get3A_119 = arith.constant 0 : index
    %get3A_120 = arith.constant 9 : index
    %get3A_121 = arith.constant 0 : index
    %get3A_122 = arith.constant 0 : index
    %get3A_123 = vector.load %arg2[%get3A_119, %get3A_120, %get3A_121, %get3A_122] : memref<1x20x128x9xf32, #tpu.memory_space<vmem>>, vector<1x1x128x9xf32>
    %get3A_124 = vector.shape_cast %get3A_123 : vector<1x1x128x9xf32> to vector<128x9xf32>
    %dot_general3A_125 = arith.constant dense<0.000000e+00> : vector<128x64xf32>
    %dot_general3A_126 = tpu.matmul %get3A_124, %get3A_1, %dot_general3A_125 {dimension_numbers = #tpu.dot_dimension_numbers<[1], [0], [0], [1], [0, 0, 1, 1], [], []>, transpose_lhs_hint = false} : vector<128x9xf32>, vector<9x64xf32>, vector<128x64xf32> -> vector<128x64xf32>
    %add3A_127 = vector.broadcast %get3A_4 : vector<1x64xf32> to vector<128x64xf32>
    %add3A_128 = arith.addf %dot_general3A_126, %add3A_127 : vector<128x64xf32>
    %max3A_129 = arith.constant 0.000000e+00 : f32
    %max3A_130 = vector.broadcast %max3A_129 : f32 to vector<128x64xf32>
    %max3A_131 = arith.maximumf %add3A_128, %max3A_130 : vector<128x64xf32>
    %get3A_132 = arith.constant 0 : index
    %get3A_133 = arith.constant 10 : index
    %get3A_134 = arith.constant 0 : index
    %get3A_135 = arith.constant 0 : index
    %get3A_136 = vector.load %arg2[%get3A_132, %get3A_133, %get3A_134, %get3A_135] : memref<1x20x128x9xf32, #tpu.memory_space<vmem>>, vector<1x1x128x9xf32>
    %get3A_137 = vector.shape_cast %get3A_136 : vector<1x1x128x9xf32> to vector<128x9xf32>
    %dot_general3A_138 = arith.constant dense<0.000000e+00> : vector<128x64xf32>
    %dot_general3A_139 = tpu.matmul %get3A_137, %get3A_1, %dot_general3A_138 {dimension_numbers = #tpu.dot_dimension_numbers<[1], [0], [0], [1], [0, 0, 1, 1], [], []>, transpose_lhs_hint = false} : vector<128x9xf32>, vector<9x64xf32>, vector<128x64xf32> -> vector<128x64xf32>
    %add3A_140 = vector.broadcast %get3A_4 : vector<1x64xf32> to vector<128x64xf32>
    %add3A_141 = arith.addf %dot_general3A_139, %add3A_140 : vector<128x64xf32>
    %max3A_142 = arith.constant 0.000000e+00 : f32
    %max3A_143 = vector.broadcast %max3A_142 : f32 to vector<128x64xf32>
    %max3A_144 = arith.maximumf %add3A_141, %max3A_143 : vector<128x64xf32>
    %get3A_145 = arith.constant 0 : index
    %get3A_146 = arith.constant 11 : index
    %get3A_147 = arith.constant 0 : index
    %get3A_148 = arith.constant 0 : index
    %get3A_149 = vector.load %arg2[%get3A_145, %get3A_146, %get3A_147, %get3A_148] : memref<1x20x128x9xf32, #tpu.memory_space<vmem>>, vector<1x1x128x9xf32>
    %get3A_150 = vector.shape_cast %get3A_149 : vector<1x1x128x9xf32> to vector<128x9xf32>
    %dot_general3A_151 = arith.constant dense<0.000000e+00> : vector<128x64xf32>
    %dot_general3A_152 = tpu.matmul %get3A_150, %get3A_1, %dot_general3A_151 {dimension_numbers = #tpu.dot_dimension_numbers<[1], [0], [0], [1], [0, 0, 1, 1], [], []>, transpose_lhs_hint = false} : vector<128x9xf32>, vector<9x64xf32>, vector<128x64xf32> -> vector<128x64xf32>
    %add3A_153 = vector.broadcast %get3A_4 : vector<1x64xf32> to vector<128x64xf32>
    %add3A_154 = arith.addf %dot_general3A_152, %add3A_153 : vector<128x64xf32>
    %max3A_155 = arith.constant 0.000000e+00 : f32
    %max3A_156 = vector.broadcast %max3A_155 : f32 to vector<128x64xf32>
    %max3A_157 = arith.maximumf %add3A_154, %max3A_156 : vector<128x64xf32>
    %get3A_158 = arith.constant 0 : index
    %get3A_159 = arith.constant 12 : index
    %get3A_160 = arith.constant 0 : index
    %get3A_161 = arith.constant 0 : index
    %get3A_162 = vector.load %arg2[%get3A_158, %get3A_159, %get3A_160, %get3A_161] : memref<1x20x128x9xf32, #tpu.memory_space<vmem>>, vector<1x1x128x9xf32>
    %get3A_163 = vector.shape_cast %get3A_162 : vector<1x1x128x9xf32> to vector<128x9xf32>
    %dot_general3A_164 = arith.constant dense<0.000000e+00> : vector<128x64xf32>
    %dot_general3A_165 = tpu.matmul %get3A_163, %get3A_1, %dot_general3A_164 {dimension_numbers = #tpu.dot_dimension_numbers<[1], [0], [0], [1], [0, 0, 1, 1], [], []>, transpose_lhs_hint = false} : vector<128x9xf32>, vector<9x64xf32>, vector<128x64xf32> -> vector<128x64xf32>
    %add3A_166 = vector.broadcast %get3A_4 : vector<1x64xf32> to vector<128x64xf32>
    %add3A_167 = arith.addf %dot_general3A_165, %add3A_166 : vector<128x64xf32>
    %max3A_168 = arith.constant 0.000000e+00 : f32
    %max3A_169 = vector.broadcast %max3A_168 : f32 to vector<128x64xf32>
    %max3A_170 = arith.maximumf %add3A_167, %max3A_169 : vector<128x64xf32>
    %get3A_171 = arith.constant 0 : index
    %get3A_172 = arith.constant 13 : index
    %get3A_173 = arith.constant 0 : index
    %get3A_174 = arith.constant 0 : index
    %get3A_175 = vector.load %arg2[%get3A_171, %get3A_172, %get3A_173, %get3A_174] : memref<1x20x128x9xf32, #tpu.memory_space<vmem>>, vector<1x1x128x9xf32>
    %get3A_176 = vector.shape_cast %get3A_175 : vector<1x1x128x9xf32> to vector<128x9xf32>
    %dot_general3A_177 = arith.constant dense<0.000000e+00> : vector<128x64xf32>
    %dot_general3A_178 = tpu.matmul %get3A_176, %get3A_1, %dot_general3A_177 {dimension_numbers = #tpu.dot_dimension_numbers<[1], [0], [0], [1], [0, 0, 1, 1], [], []>, transpose_lhs_hint = false} : vector<128x9xf32>, vector<9x64xf32>, vector<128x64xf32> -> vector<128x64xf32>
    %add3A_179 = vector.broadcast %get3A_4 : vector<1x64xf32> to vector<128x64xf32>
    %add3A_180 = arith.addf %dot_general3A_178, %add3A_179 : vector<128x64xf32>
    %max3A_181 = arith.constant 0.000000e+00 : f32
    %max3A_182 = vector.broadcast %max3A_181 : f32 to vector<128x64xf32>
    %max3A_183 = arith.maximumf %add3A_180, %max3A_182 : vector<128x64xf32>
    %get3A_184 = arith.constant 0 : index
    %get3A_185 = arith.constant 14 : index
    %get3A_186 = arith.constant 0 : index
    %get3A_187 = arith.constant 0 : index
    %get3A_188 = vector.load %arg2[%get3A_184, %get3A_185, %get3A_186, %get3A_187] : memref<1x20x128x9xf32, #tpu.memory_space<vmem>>, vector<1x1x128x9xf32>
    %get3A_189 = vector.shape_cast %get3A_188 : vector<1x1x128x9xf32> to vector<128x9xf32>
    %dot_general3A_190 = arith.constant dense<0.000000e+00> : vector<128x64xf32>
    %dot_general3A_191 = tpu.matmul %get3A_189, %get3A_1, %dot_general3A_190 {dimension_numbers = #tpu.dot_dimension_numbers<[1], [0], [0], [1], [0, 0, 1, 1], [], []>, transpose_lhs_hint = false} : vector<128x9xf32>, vector<9x64xf32>, vector<128x64xf32> -> vector<128x64xf32>
    %add3A_192 = vector.broadcast %get3A_4 : vector<1x64xf32> to vector<128x64xf32>
    %add3A_193 = arith.addf %dot_general3A_191, %add3A_192 : vector<128x64xf32>
    %max3A_194 = arith.constant 0.000000e+00 : f32
    %max3A_195 = vector.broadcast %max3A_194 : f32 to vector<128x64xf32>
    %max3A_196 = arith.maximumf %add3A_193, %max3A_195 : vector<128x64xf32>
    %get3A_197 = arith.constant 0 : index
    %get3A_198 = arith.constant 15 : index
    %get3A_199 = arith.constant 0 : index
    %get3A_200 = arith.constant 0 : index
    %get3A_201 = vector.load %arg2[%get3A_197, %get3A_198, %get3A_199, %get3A_200] : memref<1x20x128x9xf32, #tpu.memory_space<vmem>>, vector<1x1x128x9xf32>
    %get3A_202 = vector.shape_cast %get3A_201 : vector<1x1x128x9xf32> to vector<128x9xf32>
    %dot_general3A_203 = arith.constant dense<0.000000e+00> : vector<128x64xf32>
    %dot_general3A_204 = tpu.matmul %get3A_202, %get3A_1, %dot_general3A_203 {dimension_numbers = #tpu.dot_dimension_numbers<[1], [0], [0], [1], [0, 0, 1, 1], [], []>, transpose_lhs_hint = false} : vector<128x9xf32>, vector<9x64xf32>, vector<128x64xf32> -> vector<128x64xf32>
    %add3A_205 = vector.broadcast %get3A_4 : vector<1x64xf32> to vector<128x64xf32>
    %add3A_206 = arith.addf %dot_general3A_204, %add3A_205 : vector<128x64xf32>
    %max3A_207 = arith.constant 0.000000e+00 : f32
    %max3A_208 = vector.broadcast %max3A_207 : f32 to vector<128x64xf32>
    %max3A_209 = arith.maximumf %add3A_206, %max3A_208 : vector<128x64xf32>
    %get3A_210 = arith.constant 0 : index
    %get3A_211 = arith.constant 16 : index
    %get3A_212 = arith.constant 0 : index
    %get3A_213 = arith.constant 0 : index
    %get3A_214 = vector.load %arg2[%get3A_210, %get3A_211, %get3A_212, %get3A_213] : memref<1x20x128x9xf32, #tpu.memory_space<vmem>>, vector<1x1x128x9xf32>
    %get3A_215 = vector.shape_cast %get3A_214 : vector<1x1x128x9xf32> to vector<128x9xf32>
    %dot_general3A_216 = arith.constant dense<0.000000e+00> : vector<128x64xf32>
    %dot_general3A_217 = tpu.matmul %get3A_215, %get3A_1, %dot_general3A_216 {dimension_numbers = #tpu.dot_dimension_numbers<[1], [0], [0], [1], [0, 0, 1, 1], [], []>, transpose_lhs_hint = false} : vector<128x9xf32>, vector<9x64xf32>, vector<128x64xf32> -> vector<128x64xf32>
    %add3A_218 = vector.broadcast %get3A_4 : vector<1x64xf32> to vector<128x64xf32>
    %add3A_219 = arith.addf %dot_general3A_217, %add3A_218 : vector<128x64xf32>
    %max3A_220 = arith.constant 0.000000e+00 : f32
    %max3A_221 = vector.broadcast %max3A_220 : f32 to vector<128x64xf32>
    %max3A_222 = arith.maximumf %add3A_219, %max3A_221 : vector<128x64xf32>
    %get3A_223 = arith.constant 0 : index
    %get3A_224 = arith.constant 17 : index
    %get3A_225 = arith.constant 0 : index
    %get3A_226 = arith.constant 0 : index
    %get3A_227 = vector.load %arg2[%get3A_223, %get3A_224, %get3A_225, %get3A_226] : memref<1x20x128x9xf32, #tpu.memory_space<vmem>>, vector<1x1x128x9xf32>
    %get3A_228 = vector.shape_cast %get3A_227 : vector<1x1x128x9xf32> to vector<128x9xf32>
    %dot_general3A_229 = arith.constant dense<0.000000e+00> : vector<128x64xf32>
    %dot_general3A_230 = tpu.matmul %get3A_228, %get3A_1, %dot_general3A_229 {dimension_numbers = #tpu.dot_dimension_numbers<[1], [0], [0], [1], [0, 0, 1, 1], [], []>, transpose_lhs_hint = false} : vector<128x9xf32>, vector<9x64xf32>, vector<128x64xf32> -> vector<128x64xf32>
    %add3A_231 = vector.broadcast %get3A_4 : vector<1x64xf32> to vector<128x64xf32>
    %add3A_232 = arith.addf %dot_general3A_230, %add3A_231 : vector<128x64xf32>
    %max3A_233 = arith.constant 0.000000e+00 : f32
    %max3A_234 = vector.broadcast %max3A_233 : f32 to vector<128x64xf32>
    %max3A_235 = arith.maximumf %add3A_232, %max3A_234 : vector<128x64xf32>
    %get3A_236 = arith.constant 0 : index
    %get3A_237 = arith.constant 18 : index
    %get3A_238 = arith.constant 0 : index
    %get3A_239 = arith.constant 0 : index
    %get3A_240 = vector.load %arg2[%get3A_236, %get3A_237, %get3A_238, %get3A_239] : memref<1x20x128x9xf32, #tpu.memory_space<vmem>>, vector<1x1x128x9xf32>
    %get3A_241 = vector.shape_cast %get3A_240 : vector<1x1x128x9xf32> to vector<128x9xf32>
    %dot_general3A_242 = arith.constant dense<0.000000e+00> : vector<128x64xf32>
    %dot_general3A_243 = tpu.matmul %get3A_241, %get3A_1, %dot_general3A_242 {dimension_numbers = #tpu.dot_dimension_numbers<[1], [0], [0], [1], [0, 0, 1, 1], [], []>, transpose_lhs_hint = false} : vector<128x9xf32>, vector<9x64xf32>, vector<128x64xf32> -> vector<128x64xf32>
    %add3A_244 = vector.broadcast %get3A_4 : vector<1x64xf32> to vector<128x64xf32>
    %add3A_245 = arith.addf %dot_general3A_243, %add3A_244 : vector<128x64xf32>
    %max3A_246 = arith.constant 0.000000e+00 : f32
    %max3A_247 = vector.broadcast %max3A_246 : f32 to vector<128x64xf32>
    %max3A_248 = arith.maximumf %add3A_245, %max3A_247 : vector<128x64xf32>
    %get3A_249 = arith.constant 0 : index
    %get3A_250 = arith.constant 19 : index
    %get3A_251 = arith.constant 0 : index
    %get3A_252 = arith.constant 0 : index
    %get3A_253 = vector.load %arg2[%get3A_249, %get3A_250, %get3A_251, %get3A_252] : memref<1x20x128x9xf32, #tpu.memory_space<vmem>>, vector<1x1x128x9xf32>
    %get3A_254 = vector.shape_cast %get3A_253 : vector<1x1x128x9xf32> to vector<128x9xf32>
    %dot_general3A_255 = arith.constant dense<0.000000e+00> : vector<128x64xf32>
    %dot_general3A_256 = tpu.matmul %get3A_254, %get3A_1, %dot_general3A_255 {dimension_numbers = #tpu.dot_dimension_numbers<[1], [0], [0], [1], [0, 0, 1, 1], [], []>, transpose_lhs_hint = false} : vector<128x9xf32>, vector<9x64xf32>, vector<128x64xf32> -> vector<128x64xf32>
    %add3A_257 = vector.broadcast %get3A_4 : vector<1x64xf32> to vector<128x64xf32>
    %add3A_258 = arith.addf %dot_general3A_256, %add3A_257 : vector<128x64xf32>
    %max3A_259 = arith.constant 0.000000e+00 : f32
    %max3A_260 = vector.broadcast %max3A_259 : f32 to vector<128x64xf32>
    %max3A_261 = arith.maximumf %add3A_258, %max3A_260 : vector<128x64xf32>
    %max3A_262 = arith.maximumf %max3A_14, %max3A_27 : vector<128x64xf32>
    %max3A_263 = arith.maximumf %max3A_262, %max3A_40 : vector<128x64xf32>
    %max3A_264 = arith.maximumf %max3A_263, %max3A_53 : vector<128x64xf32>
    %max3A_265 = arith.maximumf %max3A_264, %max3A_66 : vector<128x64xf32>
    %max3A_266 = arith.maximumf %max3A_265, %max3A_79 : vector<128x64xf32>
    %max3A_267 = arith.maximumf %max3A_266, %max3A_92 : vector<128x64xf32>
    %max3A_268 = arith.maximumf %max3A_267, %max3A_105 : vector<128x64xf32>
    %max3A_269 = arith.maximumf %max3A_268, %max3A_118 : vector<128x64xf32>
    %max3A_270 = arith.maximumf %max3A_269, %max3A_131 : vector<128x64xf32>
    %max3A_271 = arith.maximumf %max3A_270, %max3A_144 : vector<128x64xf32>
    %max3A_272 = arith.maximumf %max3A_271, %max3A_157 : vector<128x64xf32>
    %max3A_273 = arith.maximumf %max3A_272, %max3A_170 : vector<128x64xf32>
    %max3A_274 = arith.maximumf %max3A_273, %max3A_183 : vector<128x64xf32>
    %max3A_275 = arith.maximumf %max3A_274, %max3A_196 : vector<128x64xf32>
    %max3A_276 = arith.maximumf %max3A_275, %max3A_209 : vector<128x64xf32>
    %max3A_277 = arith.maximumf %max3A_276, %max3A_222 : vector<128x64xf32>
    %max3A_278 = arith.maximumf %max3A_277, %max3A_235 : vector<128x64xf32>
    %max3A_279 = arith.maximumf %max3A_278, %max3A_248 : vector<128x64xf32>
    %max3A_280 = arith.maximumf %max3A_279, %max3A_261 : vector<128x64xf32>
    %get3A_281 = arith.constant 0 : index
    %get3A_282 = arith.constant 0 : index
    %get3A_283 = vector.load %arg5[%get3A_281, %get3A_282] : memref<128x64xf32, #tpu.memory_space<vmem>>, vector<64x64xf32>
    %get3A_284 = arith.constant 64 : index
    %get3A_285 = arith.constant 0 : index
    %get3A_286 = vector.load %arg5[%get3A_284, %get3A_285] : memref<128x64xf32, #tpu.memory_space<vmem>>, vector<64x64xf32>
    %get3A_287 = arith.constant 0 : index
    %get3A_288 = arith.constant 0 : index
    %get3A_289 = vector.load %arg6[%get3A_287, %get3A_288] : memref<1x64xf32, #tpu.memory_space<vmem>>, vector<1x64xf32>
    %dot_general3A_290 = arith.constant dense<0.000000e+00> : vector<128x64xf32>
    %dot_general3A_291 = tpu.matmul %max3A_280, %get3A_286, %dot_general3A_290 {dimension_numbers = #tpu.dot_dimension_numbers<[1], [0], [0], [1], [0, 0, 1, 1], [], []>, transpose_lhs_hint = false} : vector<128x64xf32>, vector<64x64xf32>, vector<128x64xf32> -> vector<128x64xf32>
    %add3A_292 = vector.broadcast %get3A_289 : vector<1x64xf32> to vector<128x64xf32>
    %add3A_293 = arith.addf %dot_general3A_291, %add3A_292 : vector<128x64xf32>
    %dot_general3A_294 = arith.constant dense<0.000000e+00> : vector<128x64xf32>
    %dot_general3A_295 = tpu.matmul %max3A_14, %get3A_283, %dot_general3A_294 {dimension_numbers = #tpu.dot_dimension_numbers<[1], [0], [0], [1], [0, 0, 1, 1], [], []>, transpose_lhs_hint = false} : vector<128x64xf32>, vector<64x64xf32>, vector<128x64xf32> -> vector<128x64xf32>
    %add3A_296 = arith.addf %dot_general3A_295, %add3A_293 : vector<128x64xf32>
    %max3A_297 = arith.constant 0.000000e+00 : f32
    %max3A_298 = vector.broadcast %max3A_297 : f32 to vector<128x64xf32>
    %max3A_299 = arith.maximumf %add3A_296, %max3A_298 : vector<128x64xf32>
    %dot_general3A_300 = arith.constant dense<0.000000e+00> : vector<128x64xf32>
    %dot_general3A_301 = tpu.matmul %max3A_27, %get3A_283, %dot_general3A_300 {dimension_numbers = #tpu.dot_dimension_numbers<[1], [0], [0], [1], [0, 0, 1, 1], [], []>, transpose_lhs_hint = false} : vector<128x64xf32>, vector<64x64xf32>, vector<128x64xf32> -> vector<128x64xf32>
    %add3A_302 = arith.addf %dot_general3A_301, %add3A_293 : vector<128x64xf32>
    %max3A_303 = arith.constant 0.000000e+00 : f32
    %max3A_304 = vector.broadcast %max3A_303 : f32 to vector<128x64xf32>
    %max3A_305 = arith.maximumf %add3A_302, %max3A_304 : vector<128x64xf32>
    %max3A_306 = arith.maximumf %max3A_299, %max3A_305 : vector<128x64xf32>
    %dot_general3A_307 = arith.constant dense<0.000000e+00> : vector<128x64xf32>
    %dot_general3A_308 = tpu.matmul %max3A_40, %get3A_283, %dot_general3A_307 {dimension_numbers = #tpu.dot_dimension_numbers<[1], [0], [0], [1], [0, 0, 1, 1], [], []>, transpose_lhs_hint = false} : vector<128x64xf32>, vector<64x64xf32>, vector<128x64xf32> -> vector<128x64xf32>
    %add3A_309 = arith.addf %dot_general3A_308, %add3A_293 : vector<128x64xf32>
    %max3A_310 = arith.constant 0.000000e+00 : f32
    %max3A_311 = vector.broadcast %max3A_310 : f32 to vector<128x64xf32>
    %max3A_312 = arith.maximumf %add3A_309, %max3A_311 : vector<128x64xf32>
    %max3A_313 = arith.maximumf %max3A_306, %max3A_312 : vector<128x64xf32>
    %dot_general3A_314 = arith.constant dense<0.000000e+00> : vector<128x64xf32>
    %dot_general3A_315 = tpu.matmul %max3A_53, %get3A_283, %dot_general3A_314 {dimension_numbers = #tpu.dot_dimension_numbers<[1], [0], [0], [1], [0, 0, 1, 1], [], []>, transpose_lhs_hint = false} : vector<128x64xf32>, vector<64x64xf32>, vector<128x64xf32> -> vector<128x64xf32>
    %add3A_316 = arith.addf %dot_general3A_315, %add3A_293 : vector<128x64xf32>
    %max3A_317 = arith.constant 0.000000e+00 : f32
    %max3A_318 = vector.broadcast %max3A_317 : f32 to vector<128x64xf32>
    %max3A_319 = arith.maximumf %add3A_316, %max3A_318 : vector<128x64xf32>
    %max3A_320 = arith.maximumf %max3A_313, %max3A_319 : vector<128x64xf32>
    %dot_general3A_321 = arith.constant dense<0.000000e+00> : vector<128x64xf32>
    %dot_general3A_322 = tpu.matmul %max3A_66, %get3A_283, %dot_general3A_321 {dimension_numbers = #tpu.dot_dimension_numbers<[1], [0], [0], [1], [0, 0, 1, 1], [], []>, transpose_lhs_hint = false} : vector<128x64xf32>, vector<64x64xf32>, vector<128x64xf32> -> vector<128x64xf32>
    %add3A_323 = arith.addf %dot_general3A_322, %add3A_293 : vector<128x64xf32>
    %max3A_324 = arith.constant 0.000000e+00 : f32
    %max3A_325 = vector.broadcast %max3A_324 : f32 to vector<128x64xf32>
    %max3A_326 = arith.maximumf %add3A_323, %max3A_325 : vector<128x64xf32>
    %max3A_327 = arith.maximumf %max3A_320, %max3A_326 : vector<128x64xf32>
    %dot_general3A_328 = arith.constant dense<0.000000e+00> : vector<128x64xf32>
    %dot_general3A_329 = tpu.matmul %max3A_79, %get3A_283, %dot_general3A_328 {dimension_numbers = #tpu.dot_dimension_numbers<[1], [0], [0], [1], [0, 0, 1, 1], [], []>, transpose_lhs_hint = false} : vector<128x64xf32>, vector<64x64xf32>, vector<128x64xf32> -> vector<128x64xf32>
    %add3A_330 = arith.addf %dot_general3A_329, %add3A_293 : vector<128x64xf32>
    %max3A_331 = arith.constant 0.000000e+00 : f32
    %max3A_332 = vector.broadcast %max3A_331 : f32 to vector<128x64xf32>
    %max3A_333 = arith.maximumf %add3A_330, %max3A_332 : vector<128x64xf32>
    %max3A_334 = arith.maximumf %max3A_327, %max3A_333 : vector<128x64xf32>
    %dot_general3A_335 = arith.constant dense<0.000000e+00> : vector<128x64xf32>
    %dot_general3A_336 = tpu.matmul %max3A_92, %get3A_283, %dot_general3A_335 {dimension_numbers = #tpu.dot_dimension_numbers<[1], [0], [0], [1], [0, 0, 1, 1], [], []>, transpose_lhs_hint = false} : vector<128x64xf32>, vector<64x64xf32>, vector<128x64xf32> -> vector<128x64xf32>
    %add3A_337 = arith.addf %dot_general3A_336, %add3A_293 : vector<128x64xf32>
    %max3A_338 = arith.constant 0.000000e+00 : f32
    %max3A_339 = vector.broadcast %max3A_338 : f32 to vector<128x64xf32>
    %max3A_340 = arith.maximumf %add3A_337, %max3A_339 : vector<128x64xf32>
    %max3A_341 = arith.maximumf %max3A_334, %max3A_340 : vector<128x64xf32>
    %dot_general3A_342 = arith.constant dense<0.000000e+00> : vector<128x64xf32>
    %dot_general3A_343 = tpu.matmul %max3A_105, %get3A_283, %dot_general3A_342 {dimension_numbers = #tpu.dot_dimension_numbers<[1], [0], [0], [1], [0, 0, 1, 1], [], []>, transpose_lhs_hint = false} : vector<128x64xf32>, vector<64x64xf32>, vector<128x64xf32> -> vector<128x64xf32>
    %add3A_344 = arith.addf %dot_general3A_343, %add3A_293 : vector<128x64xf32>
    %max3A_345 = arith.constant 0.000000e+00 : f32
    %max3A_346 = vector.broadcast %max3A_345 : f32 to vector<128x64xf32>
    %max3A_347 = arith.maximumf %add3A_344, %max3A_346 : vector<128x64xf32>
    %max3A_348 = arith.maximumf %max3A_341, %max3A_347 : vector<128x64xf32>
    %dot_general3A_349 = arith.constant dense<0.000000e+00> : vector<128x64xf32>
    %dot_general3A_350 = tpu.matmul %max3A_118, %get3A_283, %dot_general3A_349 {dimension_numbers = #tpu.dot_dimension_numbers<[1], [0], [0], [1], [0, 0, 1, 1], [], []>, transpose_lhs_hint = false} : vector<128x64xf32>, vector<64x64xf32>, vector<128x64xf32> -> vector<128x64xf32>
    %add3A_351 = arith.addf %dot_general3A_350, %add3A_293 : vector<128x64xf32>
    %max3A_352 = arith.constant 0.000000e+00 : f32
    %max3A_353 = vector.broadcast %max3A_352 : f32 to vector<128x64xf32>
    %max3A_354 = arith.maximumf %add3A_351, %max3A_353 : vector<128x64xf32>
    %max3A_355 = arith.maximumf %max3A_348, %max3A_354 : vector<128x64xf32>
    %dot_general3A_356 = arith.constant dense<0.000000e+00> : vector<128x64xf32>
    %dot_general3A_357 = tpu.matmul %max3A_131, %get3A_283, %dot_general3A_356 {dimension_numbers = #tpu.dot_dimension_numbers<[1], [0], [0], [1], [0, 0, 1, 1], [], []>, transpose_lhs_hint = false} : vector<128x64xf32>, vector<64x64xf32>, vector<128x64xf32> -> vector<128x64xf32>
    %add3A_358 = arith.addf %dot_general3A_357, %add3A_293 : vector<128x64xf32>
    %max3A_359 = arith.constant 0.000000e+00 : f32
    %max3A_360 = vector.broadcast %max3A_359 : f32 to vector<128x64xf32>
    %max3A_361 = arith.maximumf %add3A_358, %max3A_360 : vector<128x64xf32>
    %max3A_362 = arith.maximumf %max3A_355, %max3A_361 : vector<128x64xf32>
    %dot_general3A_363 = arith.constant dense<0.000000e+00> : vector<128x64xf32>
    %dot_general3A_364 = tpu.matmul %max3A_144, %get3A_283, %dot_general3A_363 {dimension_numbers = #tpu.dot_dimension_numbers<[1], [0], [0], [1], [0, 0, 1, 1], [], []>, transpose_lhs_hint = false} : vector<128x64xf32>, vector<64x64xf32>, vector<128x64xf32> -> vector<128x64xf32>
    %add3A_365 = arith.addf %dot_general3A_364, %add3A_293 : vector<128x64xf32>
    %max3A_366 = arith.constant 0.000000e+00 : f32
    %max3A_367 = vector.broadcast %max3A_366 : f32 to vector<128x64xf32>
    %max3A_368 = arith.maximumf %add3A_365, %max3A_367 : vector<128x64xf32>
    %max3A_369 = arith.maximumf %max3A_362, %max3A_368 : vector<128x64xf32>
    %dot_general3A_370 = arith.constant dense<0.000000e+00> : vector<128x64xf32>
    %dot_general3A_371 = tpu.matmul %max3A_157, %get3A_283, %dot_general3A_370 {dimension_numbers = #tpu.dot_dimension_numbers<[1], [0], [0], [1], [0, 0, 1, 1], [], []>, transpose_lhs_hint = false} : vector<128x64xf32>, vector<64x64xf32>, vector<128x64xf32> -> vector<128x64xf32>
    %add3A_372 = arith.addf %dot_general3A_371, %add3A_293 : vector<128x64xf32>
    %max3A_373 = arith.constant 0.000000e+00 : f32
    %max3A_374 = vector.broadcast %max3A_373 : f32 to vector<128x64xf32>
    %max3A_375 = arith.maximumf %add3A_372, %max3A_374 : vector<128x64xf32>
    %max3A_376 = arith.maximumf %max3A_369, %max3A_375 : vector<128x64xf32>
    %dot_general3A_377 = arith.constant dense<0.000000e+00> : vector<128x64xf32>
    %dot_general3A_378 = tpu.matmul %max3A_170, %get3A_283, %dot_general3A_377 {dimension_numbers = #tpu.dot_dimension_numbers<[1], [0], [0], [1], [0, 0, 1, 1], [], []>, transpose_lhs_hint = false} : vector<128x64xf32>, vector<64x64xf32>, vector<128x64xf32> -> vector<128x64xf32>
    %add3A_379 = arith.addf %dot_general3A_378, %add3A_293 : vector<128x64xf32>
    %max3A_380 = arith.constant 0.000000e+00 : f32
    %max3A_381 = vector.broadcast %max3A_380 : f32 to vector<128x64xf32>
    %max3A_382 = arith.maximumf %add3A_379, %max3A_381 : vector<128x64xf32>
    %max3A_383 = arith.maximumf %max3A_376, %max3A_382 : vector<128x64xf32>
    %dot_general3A_384 = arith.constant dense<0.000000e+00> : vector<128x64xf32>
    %dot_general3A_385 = tpu.matmul %max3A_183, %get3A_283, %dot_general3A_384 {dimension_numbers = #tpu.dot_dimension_numbers<[1], [0], [0], [1], [0, 0, 1, 1], [], []>, transpose_lhs_hint = false} : vector<128x64xf32>, vector<64x64xf32>, vector<128x64xf32> -> vector<128x64xf32>
    %add3A_386 = arith.addf %dot_general3A_385, %add3A_293 : vector<128x64xf32>
    %max3A_387 = arith.constant 0.000000e+00 : f32
    %max3A_388 = vector.broadcast %max3A_387 : f32 to vector<128x64xf32>
    %max3A_389 = arith.maximumf %add3A_386, %max3A_388 : vector<128x64xf32>
    %max3A_390 = arith.maximumf %max3A_383, %max3A_389 : vector<128x64xf32>
    %dot_general3A_391 = arith.constant dense<0.000000e+00> : vector<128x64xf32>
    %dot_general3A_392 = tpu.matmul %max3A_196, %get3A_283, %dot_general3A_391 {dimension_numbers = #tpu.dot_dimension_numbers<[1], [0], [0], [1], [0, 0, 1, 1], [], []>, transpose_lhs_hint = false} : vector<128x64xf32>, vector<64x64xf32>, vector<128x64xf32> -> vector<128x64xf32>
    %add3A_393 = arith.addf %dot_general3A_392, %add3A_293 : vector<128x64xf32>
    %max3A_394 = arith.constant 0.000000e+00 : f32
    %max3A_395 = vector.broadcast %max3A_394 : f32 to vector<128x64xf32>
    %max3A_396 = arith.maximumf %add3A_393, %max3A_395 : vector<128x64xf32>
    %max3A_397 = arith.maximumf %max3A_390, %max3A_396 : vector<128x64xf32>
    %dot_general3A_398 = arith.constant dense<0.000000e+00> : vector<128x64xf32>
    %dot_general3A_399 = tpu.matmul %max3A_209, %get3A_283, %dot_general3A_398 {dimension_numbers = #tpu.dot_dimension_numbers<[1], [0], [0], [1], [0, 0, 1, 1], [], []>, transpose_lhs_hint = false} : vector<128x64xf32>, vector<64x64xf32>, vector<128x64xf32> -> vector<128x64xf32>
    %add3A_400 = arith.addf %dot_general3A_399, %add3A_293 : vector<128x64xf32>
    %max3A_401 = arith.constant 0.000000e+00 : f32
    %max3A_402 = vector.broadcast %max3A_401 : f32 to vector<128x64xf32>
    %max3A_403 = arith.maximumf %add3A_400, %max3A_402 : vector<128x64xf32>
    %max3A_404 = arith.maximumf %max3A_397, %max3A_403 : vector<128x64xf32>
    %dot_general3A_405 = arith.constant dense<0.000000e+00> : vector<128x64xf32>
    %dot_general3A_406 = tpu.matmul %max3A_222, %get3A_283, %dot_general3A_405 {dimension_numbers = #tpu.dot_dimension_numbers<[1], [0], [0], [1], [0, 0, 1, 1], [], []>, transpose_lhs_hint = false} : vector<128x64xf32>, vector<64x64xf32>, vector<128x64xf32> -> vector<128x64xf32>
    %add3A_407 = arith.addf %dot_general3A_406, %add3A_293 : vector<128x64xf32>
    %max3A_408 = arith.constant 0.000000e+00 : f32
    %max3A_409 = vector.broadcast %max3A_408 : f32 to vector<128x64xf32>
    %max3A_410 = arith.maximumf %add3A_407, %max3A_409 : vector<128x64xf32>
    %max3A_411 = arith.maximumf %max3A_404, %max3A_410 : vector<128x64xf32>
    %dot_general3A_412 = arith.constant dense<0.000000e+00> : vector<128x64xf32>
    %dot_general3A_413 = tpu.matmul %max3A_235, %get3A_283, %dot_general3A_412 {dimension_numbers = #tpu.dot_dimension_numbers<[1], [0], [0], [1], [0, 0, 1, 1], [], []>, transpose_lhs_hint = false} : vector<128x64xf32>, vector<64x64xf32>, vector<128x64xf32> -> vector<128x64xf32>
    %add3A_414 = arith.addf %dot_general3A_413, %add3A_293 : vector<128x64xf32>
    %max3A_415 = arith.constant 0.000000e+00 : f32
    %max3A_416 = vector.broadcast %max3A_415 : f32 to vector<128x64xf32>
    %max3A_417 = arith.maximumf %add3A_414, %max3A_416 : vector<128x64xf32>
    %max3A_418 = arith.maximumf %max3A_411, %max3A_417 : vector<128x64xf32>
    %dot_general3A_419 = arith.constant dense<0.000000e+00> : vector<128x64xf32>
    %dot_general3A_420 = tpu.matmul %max3A_248, %get3A_283, %dot_general3A_419 {dimension_numbers = #tpu.dot_dimension_numbers<[1], [0], [0], [1], [0, 0, 1, 1], [], []>, transpose_lhs_hint = false} : vector<128x64xf32>, vector<64x64xf32>, vector<128x64xf32> -> vector<128x64xf32>
    %add3A_421 = arith.addf %dot_general3A_420, %add3A_293 : vector<128x64xf32>
    %max3A_422 = arith.constant 0.000000e+00 : f32
    %max3A_423 = vector.broadcast %max3A_422 : f32 to vector<128x64xf32>
    %max3A_424 = arith.maximumf %add3A_421, %max3A_423 : vector<128x64xf32>
    %max3A_425 = arith.maximumf %max3A_418, %max3A_424 : vector<128x64xf32>
    %dot_general3A_426 = arith.constant dense<0.000000e+00> : vector<128x64xf32>
    %dot_general3A_427 = tpu.matmul %max3A_261, %get3A_283, %dot_general3A_426 {dimension_numbers = #tpu.dot_dimension_numbers<[1], [0], [0], [1], [0, 0, 1, 1], [], []>, transpose_lhs_hint = false} : vector<128x64xf32>, vector<64x64xf32>, vector<128x64xf32> -> vector<128x64xf32>
    %add3A_428 = arith.addf %dot_general3A_427, %add3A_293 : vector<128x64xf32>
    %max3A_429 = arith.constant 0.000000e+00 : f32
    %max3A_430 = vector.broadcast %max3A_429 : f32 to vector<128x64xf32>
    %max3A_431 = arith.maximumf %add3A_428, %max3A_430 : vector<128x64xf32>
    %max3A_432 = arith.maximumf %max3A_425, %max3A_431 : vector<128x64xf32>
    %get3A_433 = arith.constant 0 : index
    %get3A_434 = arith.constant 0 : index
    %get3A_435 = vector.load %arg7[%get3A_433, %get3A_434] : memref<64x128xf32, #tpu.memory_space<vmem>>, vector<64x128xf32>
    %dot_general3A_436 = arith.constant dense<0.000000e+00> : vector<128x128xf32>
    %dot_general3A_437 = tpu.matmul %max3A_432, %get3A_435, %dot_general3A_436 {dimension_numbers = #tpu.dot_dimension_numbers<[1], [0], [0], [1], [0, 0, 1, 1], [], []>, transpose_lhs_hint = false} : vector<128x64xf32>, vector<64x128xf32>, vector<128x128xf32> -> vector<128x128xf32>
    %get3A_438 = arith.constant 0 : index
    %get3A_439 = arith.constant 0 : index
    %get3A_440 = vector.load %arg8[%get3A_438, %get3A_439] : memref<1x128xf32, #tpu.memory_space<vmem>>, vector<1x128xf32>
    %add3A_441 = vector.broadcast %get3A_440 : vector<1x128xf32> to vector<128x128xf32>
    %add3A_442 = arith.addf %dot_general3A_437, %add3A_441 : vector<128x128xf32>
    %swap3A = arith.constant 0 : index
    %swap3A_443 = arith.constant 0 : index
    %swap3A_444 = vector.load %arg11[%swap3A, %swap3A_443] : memref<128x128xf32, #tpu.memory_space<vmem>>, vector<128x128xf32>
    tpu.vector_store %arg11[%swap3A, %swap3A_443], %add3A_442 {strides = array<i32>} : memref<128x128xf32, #tpu.memory_space<vmem>>, vector<128x128xf32>,
    %get3A_445 = arith.constant 0 : index
    %get3A_446 = arith.constant 0 : index
    %get3A_447 = vector.load %arg9[%get3A_445, %get3A_446] : memref<128x128xf32, #tpu.memory_space<vmem>>, vector<128x128xf32>
    %dot_general3A_448 = arith.constant dense<0.000000e+00> : vector<128x128xf32>
    %dot_general3A_449 = tpu.matmul %add3A_442, %get3A_447, %dot_general3A_448 {dimension_numbers = #tpu.dot_dimension_numbers<[1], [0], [0], [1], [0, 0, 1, 1], [], []>, transpose_lhs_hint = false} : vector<128x128xf32>, vector<128x128xf32>, vector<128x128xf32> -> vector<128x128xf32>
    %swap3A_450 = arith.constant 0 : index
    %swap3A_451 = arith.constant 0 : index
    %swap3A_452 = vector.load %arg12[%swap3A_450, %swap3A_451] : memref<128x256xf32, #tpu.memory_space<vmem>>, vector<128x128xf32>
    tpu.vector_store %arg12[%swap3A_450, %swap3A_451], %dot_general3A_449 {strides = array<i32>} : memref<128x256xf32, #tpu.memory_space<vmem>>, vector<128x128xf32>,
    %get3A_453 = arith.constant 0 : index
    %get3A_454 = arith.constant 0 : index
    %get3A_455 = vector.load %arg10[%get3A_453, %get3A_454] : memref<128x128xf32, #tpu.memory_space<vmem>>, vector<128x128xf32>
    %dot_general3A_456 = arith.constant dense<0.000000e+00> : vector<128x128xf32>
    %dot_general3A_457 = tpu.matmul %add3A_442, %get3A_455, %dot_general3A_456 {dimension_numbers = #tpu.dot_dimension_numbers<[1], [0], [0], [1], [0, 0, 1, 1], [], []>, transpose_lhs_hint = false} : vector<128x128xf32>, vector<128x128xf32>, vector<128x128xf32> -> vector<128x128xf32>
    %swap3A_458 = arith.constant 0 : index
    %swap3A_459 = arith.constant 128 : index
    %swap3A_460 = vector.load %arg12[%swap3A_458, %swap3A_459] : memref<128x256xf32, #tpu.memory_space<vmem>>, vector<128x128xf32>
    tpu.vector_store %arg12[%swap3A_458, %swap3A_459], %dot_general3A_457 {strides = array<i32>} : memref<128x256xf32, #tpu.memory_space<vmem>>, vector<128x128xf32>,
    return
  }
  func.func @transform_0(%arg0: i32, %arg1: i32) -> (i32, i32, i32, i32) {
    %c0_i32 = arith.constant 0 : i32
    %c0_i32_0 = arith.constant 0 : i32
    %c0_i32_1 = arith.constant 0 : i32
    return %arg0, %c0_i32, %arg1, %c0_i32_0 : i32, i32, i32, i32
  }
  func.func @transform_1(%arg0: i32, %arg1: i32) -> (i32, i32) {
    %c0_i32 = arith.constant 0 : i32
    %c0_i32_0 = arith.constant 0 : i32
    %c0_i32_1 = arith.constant 0 : i32
    return %c0_i32, %c0_i32_0 : i32, i32
  }
  func.func @transform_2(%arg0: i32, %arg1: i32) -> (i32, i32) {
    %c0_i32 = arith.constant 0 : i32
    %c0_i32_0 = arith.constant 0 : i32
    %c0_i32_1 = arith.constant 0 : i32
    return %c0_i32, %c0_i32_0 : i32, i32
  }
  func.func @transform_3(%arg0: i32, %arg1: i32) -> (i32, i32) {
    %c0_i32 = arith.constant 0 : i32
    %c0_i32_0 = arith.constant 0 : i32
    %c0_i32_1 = arith.constant 0 : i32
    return %c0_i32, %c0_i32_0 : i32, i32
  }
  func.func @transform_4(%arg0: i32, %arg1: i32) -> (i32, i32) {
    %c0_i32 = arith.constant 0 : i32
    %c0_i32_0 = arith.constant 0 : i32
    %c0_i32_1 = arith.constant 0 : i32
    return %c0_i32, %c0_i32_0 : i32, i32
  }
  func.func @transform_5(%arg0: i32, %arg1: i32) -> (i32, i32) {
    %c0_i32 = arith.constant 0 : i32
    %c0_i32_0 = arith.constant 0 : i32
    %c0_i32_1 = arith.constant 0 : i32
    return %c0_i32, %c0_i32_0 : i32, i32
  }
  func.func @transform_6(%arg0: i32, %arg1: i32) -> (i32, i32) {
    %c0_i32 = arith.constant 0 : i32
    %c0_i32_0 = arith.constant 0 : i32
    %c0_i32_1 = arith.constant 0 : i32
    return %c0_i32, %c0_i32_0 : i32, i32
  }
  func.func @transform_7(%arg0: i32, %arg1: i32) -> (i32, i32) {
    %c0_i32 = arith.constant 0 : i32
    %c0_i32_0 = arith.constant 0 : i32
    %c0_i32_1 = arith.constant 0 : i32
    return %c0_i32, %c0_i32_0 : i32, i32
  }
  func.func @transform_8(%arg0: i32, %arg1: i32) -> (i32, i32) {
    %c0_i32 = arith.constant 0 : i32
    %c0_i32_0 = arith.constant 0 : i32
    %c0_i32_1 = arith.constant 0 : i32
    return %c0_i32, %c0_i32_0 : i32, i32
  }
  func.func @transform_9(%arg0: i32, %arg1: i32) -> (i32, i32) {
    %mul3A = arith.constant 8 : i32
    %mul3A_0 = arith.muli %arg0, %mul3A : i32
    %add3A = arith.addi %mul3A_0, %arg1 : i32
    %c0_i32 = arith.constant 0 : i32
    %c0_i32_1 = arith.constant 0 : i32
    return %add3A, %c0_i32 : i32, i32
  }
  func.func @transform_10(%arg0: i32, %arg1: i32) -> (i32, i32) {
    %mul3A = arith.constant 8 : i32
    %mul3A_0 = arith.muli %arg0, %mul3A : i32
    %add3A = arith.addi %mul3A_0, %arg1 : i32
    %c0_i32 = arith.constant 0 : i32
    %c0_i32_1 = arith.constant 0 : i32
    return %add3A, %c0_i32 : i32, i32
  }
}

module attributes {stable_mosaic.version = 14 : i64} {
  func.func @_attn_kernel(%arg0: i32, %arg1: memref<128x128xf32, #tpu.memory_space<vmem>>, %arg2: memref<4096x256xf32, #tpu.memory_space<vmem>>, %arg3: memref<4096x4xf32, #tpu.memory_space<vmem>>, %arg4: memref<128x128xf32, #tpu.memory_space<vmem>>, %arg5: memref<128x128xf32, #tpu.memory_space<vmem>>, %arg6: memref<1x128xf32, #tpu.memory_space<vmem>>, %arg7: memref<1x128xf32, #tpu.memory_space<vmem>>, %arg8: memref<128x512xf32, #tpu.memory_space<vmem>>, %arg9: memref<1x512xf32, #tpu.memory_space<vmem>>, %arg10: memref<512x128xf32, #tpu.memory_space<vmem>>, %arg11: memref<1x128xf32, #tpu.memory_space<vmem>>, %arg12: memref<1x128xf32, #tpu.memory_space<vmem>>, %arg13: memref<1x128xf32, #tpu.memory_space<vmem>>, %arg14: memref<4x128xf32, #tpu.memory_space<vmem>>, %arg15: memref<1x128xf32, #tpu.memory_space<vmem>>, %arg16: memref<128x128xf32, #tpu.memory_space<vmem>>, %arg17: memref<1x128xf32, #tpu.memory_space<vmem>>, %arg18: memref<128x128xf32, #tpu.memory_space<vmem>>, %arg19: memref<128x128xf32, #tpu.memory_space<vmem>>, %arg20: memref<128x8xf32, #tpu.memory_space<vmem>>, %arg21: memref<8x128xf32, #tpu.memory_space<vmem>>, %arg22: memref<128x128xf32, #tpu.memory_space<vmem>>, %arg23: memref<128x256xf32, #tpu.memory_space<vmem>>) attributes {dimension_semantics = [#tpu.dimension_semantics<parallel>], iteration_bounds = array<i64: 32>, scalar_prefetch = 0 : i64, scratch_operands = 0 : i64, tpu.core_type = #tpu.core_type<tc>, window_params = [{transform_indices = @transform_0, window_bounds = array<i64: 128, 128>}, {transform_indices = @transform_1, window_bounds = array<i64: 4096, 256>}, {transform_indices = @transform_2, window_bounds = array<i64: 4096, 4>}, {pipeline_mode = #tpu.pipeline_mode<synchronous>, transform_indices = @transform_3, window_bounds = array<i64: 128, 128>}, {pipeline_mode = #tpu.pipeline_mode<synchronous>, transform_indices = @transform_4, window_bounds = array<i64: 128, 128>}, {pipeline_mode = #tpu.pipeline_mode<synchronous>, transform_indices = @transform_5, window_bounds = array<i64: 1, 128>}, {pipeline_mode = #tpu.pipeline_mode<synchronous>, transform_indices = @transform_6, window_bounds = array<i64: 1, 128>}, {pipeline_mode = #tpu.pipeline_mode<synchronous>, transform_indices = @transform_7, window_bounds = array<i64: 128, 512>}, {pipeline_mode = #tpu.pipeline_mode<synchronous>, transform_indices = @transform_8, window_bounds = array<i64: 1, 512>}, {pipeline_mode = #tpu.pipeline_mode<synchronous>, transform_indices = @transform_9, window_bounds = array<i64: 512, 128>}, {pipeline_mode = #tpu.pipeline_mode<synchronous>, transform_indices = @transform_10, window_bounds = array<i64: 1, 128>}, {pipeline_mode = #tpu.pipeline_mode<synchronous>, transform_indices = @transform_11, window_bounds = array<i64: 1, 128>}, {pipeline_mode = #tpu.pipeline_mode<synchronous>, transform_indices = @transform_12, window_bounds = array<i64: 1, 128>}, {pipeline_mode = #tpu.pipeline_mode<synchronous>, transform_indices = @transform_13, window_bounds = array<i64: 4, 128>}, {pipeline_mode = #tpu.pipeline_mode<synchronous>, transform_indices = @transform_14, window_bounds = array<i64: 1, 128>}, {pipeline_mode = #tpu.pipeline_mode<synchronous>, transform_indices = @transform_15, window_bounds = array<i64: 128, 128>}, {pipeline_mode = #tpu.pipeline_mode<synchronous>, transform_indices = @transform_16, window_bounds = array<i64: 1, 128>}, {pipeline_mode = #tpu.pipeline_mode<synchronous>, transform_indices = @transform_17, window_bounds = array<i64: 128, 128>}, {pipeline_mode = #tpu.pipeline_mode<synchronous>, transform_indices = @transform_18, window_bounds = array<i64: 128, 128>}, {pipeline_mode = #tpu.pipeline_mode<synchronous>, transform_indices = @transform_19, window_bounds = array<i64: 128, 8>}, {pipeline_mode = #tpu.pipeline_mode<synchronous>, transform_indices = @transform_20, window_bounds = array<i64: 8, 128>}, {transform_indices = @transform_21, window_bounds = array<i64: 128, 128>}, {transform_indices = @transform_22, window_bounds = array<i64: 128, 256>}]} {
    %get3A = arith.constant 0 : index
    %get3A_0 = arith.constant 0 : index
    %get3A_1 = vector.load %arg1[%get3A, %get3A_0] : memref<128x128xf32, #tpu.memory_space<vmem>>, vector<128x128xf32>
    %get3A_2 = arith.constant 0 : index
    %get3A_3 = arith.constant 0 : index
    %get3A_4 = vector.load %arg4[%get3A_2, %get3A_3] : memref<128x128xf32, #tpu.memory_space<vmem>>, vector<128x128xf32>
    %dot_general3A = arith.constant dense<0.000000e+00> : vector<128x128xf32>
    %dot_general3A_5 = tpu.matmul %get3A_1, %get3A_4, %dot_general3A {dimension_numbers = #tpu.dot_dimension_numbers<[1], [0], [0], [1], [0, 0, 1, 1], [], []>, transpose_lhs_hint = false} : vector<128x128xf32>, vector<128x128xf32>, vector<128x128xf32> -> vector<128x128xf32>
    %get3A_6 = arith.constant 0 : index
    %get3A_7 = arith.constant 0 : index
    %get3A_8 = vector.load %arg3[%get3A_6, %get3A_7] : memref<4096x4xf32, #tpu.memory_space<vmem>>, vector<4096x4xf32>
    %get3A_9 = arith.constant 0 : index
    %get3A_10 = arith.constant 0 : index
    %get3A_11 = vector.load %arg14[%get3A_9, %get3A_10] : memref<4x128xf32, #tpu.memory_space<vmem>>, vector<4x128xf32>
    %dot_general3A_12 = arith.constant dense<0.000000e+00> : vector<4096x128xf32>
    %dot_general3A_13 = tpu.matmul %get3A_8, %get3A_11, %dot_general3A_12 {dimension_numbers = #tpu.dot_dimension_numbers<[1], [0], [0], [1], [0, 0, 1, 1], [], []>, transpose_lhs_hint = false} : vector<4096x4xf32>, vector<4x128xf32>, vector<4096x128xf32> -> vector<4096x128xf32>
    %get3A_14 = arith.constant 0 : index
    %get3A_15 = arith.constant 0 : index
    %get3A_16 = vector.load %arg15[%get3A_14, %get3A_15] : memref<1x128xf32, #tpu.memory_space<vmem>>, vector<1x128xf32>
    %add3A = vector.broadcast %get3A_16 : vector<1x128xf32> to vector<4096x128xf32>
    %add3A_17 = arith.addf %dot_general3A_13, %add3A : vector<4096x128xf32>
    %max3A = arith.constant 0.000000e+00 : f32
    %max3A_18 = vector.broadcast %max3A : f32 to vector<4096x128xf32>
    %max3A_19 = arith.maximumf %add3A_17, %max3A_18 : vector<4096x128xf32>
    %get3A_20 = arith.constant 0 : index
    %get3A_21 = arith.constant 0 : index
    %get3A_22 = vector.load %arg16[%get3A_20, %get3A_21] : memref<128x128xf32, #tpu.memory_space<vmem>>, vector<128x128xf32>
    %dot_general3A_23 = arith.constant dense<0.000000e+00> : vector<4096x128xf32>
    %dot_general3A_24 = tpu.matmul %max3A_19, %get3A_22, %dot_general3A_23 {dimension_numbers = #tpu.dot_dimension_numbers<[1], [0], [0], [1], [0, 0, 1, 1], [], []>, transpose_lhs_hint = false} : vector<4096x128xf32>, vector<128x128xf32>, vector<4096x128xf32> -> vector<4096x128xf32>
    %get3A_25 = arith.constant 0 : index
    %get3A_26 = arith.constant 0 : index
    %get3A_27 = vector.load %arg17[%get3A_25, %get3A_26] : memref<1x128xf32, #tpu.memory_space<vmem>>, vector<1x128xf32>
    %add3A_28 = vector.broadcast %get3A_27 : vector<1x128xf32> to vector<4096x128xf32>
    %add3A_29 = arith.addf %dot_general3A_24, %add3A_28 : vector<4096x128xf32>
    %get3A_30 = arith.constant 0 : index
    %get3A_31 = arith.constant 0 : index
    %get3A_32 = vector.load %arg20[%get3A_30, %get3A_31] : memref<128x8xf32, #tpu.memory_space<vmem>>, vector<128x8xf32>
    %get3A_33 = arith.constant 0 : index
    %get3A_34 = arith.constant 0 : index
    %get3A_35 = vector.load %arg21[%get3A_33, %get3A_34] : memref<8x128xf32, #tpu.memory_space<vmem>>, vector<8x128xf32>
    %get3A_36 = arith.constant 0 : index
    %get3A_37 = arith.constant 0 : index
    %get3A_38 = vector.load %arg2[%get3A_36, %get3A_37] : memref<4096x256xf32, #tpu.memory_space<vmem>>, vector<4096x256xf32>
    %slice3A = vector.extract_strided_slice %get3A_38 {offsets = [0, 0], sizes = [128, 128], strides = [1, 1]} : vector<4096x256xf32> to vector<128x128xf32>
    %slice3A_39 = vector.extract_strided_slice %add3A_29 {offsets = [0, 0], sizes = [128, 128], strides = [1, 1]} : vector<4096x128xf32> to vector<128x128xf32>
    %add3A_40 = arith.addf %slice3A, %slice3A_39 : vector<128x128xf32>
    %mul3A = arith.mulf %add3A_40, %dot_general3A_5 : vector<128x128xf32>
    %dot_general3A_41 = arith.constant dense<0.000000e+00> : vector<128x8xf32>
    %dot_general3A_42 = tpu.matmul %mul3A, %get3A_32, %dot_general3A_41 {dimension_numbers = #tpu.dot_dimension_numbers<[1], [0], [0], [1], [0, 0, 1, 1], [], []>, transpose_lhs_hint = false} : vector<128x128xf32>, vector<128x8xf32>, vector<128x8xf32> -> vector<128x8xf32>
    %mul3A_43 = arith.constant 2.500000e-01 : f32
    %mul3A_44 = vector.broadcast %mul3A_43 : f32 to vector<128x8xf32>
    %mul3A_45 = arith.mulf %dot_general3A_42, %mul3A_44 : vector<128x8xf32>
    %slice3A_46 = vector.extract_strided_slice %get3A_8 {offsets = [0, 3], sizes = [128, 1], strides = [1, 1]} : vector<4096x4xf32> to vector<128x1xf32>
    %lt3A = arith.constant 5.000000e+01 : f32
    %lt3A_47 = vector.broadcast %lt3A : f32 to vector<128x1xf32>
    %lt3A_48 = arith.cmpf olt, %slice3A_46, %lt3A_47 : vector<128x1xf32>
    %jit3A = arith.constant -1.000000e+09 : f32
    %broadcast_in_dim3A = vector.shape_cast %lt3A_48 : vector<128x1xi1> to vector<128x1xi1>
    %broadcast_in_dim3A_49 = vector.broadcast %broadcast_in_dim3A : vector<128x1xi1> to vector<128x8xi1>
    %broadcast_in_dim3A_50 = vector.broadcast %jit3A : f32 to vector<128x8xf32>
    %select_n3A = arith.select %broadcast_in_dim3A_49, %mul3A_45, %broadcast_in_dim3A_50 : vector<128x8xi1>, vector<128x8xf32>
    %slice3A_51 = vector.extract_strided_slice %get3A_38 {offsets = [128, 0], sizes = [128, 128], strides = [1, 1]} : vector<4096x256xf32> to vector<128x128xf32>
    %slice3A_52 = vector.extract_strided_slice %add3A_29 {offsets = [128, 0], sizes = [128, 128], strides = [1, 1]} : vector<4096x128xf32> to vector<128x128xf32>
    %add3A_53 = arith.addf %slice3A_51, %slice3A_52 : vector<128x128xf32>
    %mul3A_54 = arith.mulf %add3A_53, %dot_general3A_5 : vector<128x128xf32>
    %dot_general3A_55 = arith.constant dense<0.000000e+00> : vector<128x8xf32>
    %dot_general3A_56 = tpu.matmul %mul3A_54, %get3A_32, %dot_general3A_55 {dimension_numbers = #tpu.dot_dimension_numbers<[1], [0], [0], [1], [0, 0, 1, 1], [], []>, transpose_lhs_hint = false} : vector<128x128xf32>, vector<128x8xf32>, vector<128x8xf32> -> vector<128x8xf32>
    %mul3A_57 = arith.constant 2.500000e-01 : f32
    %mul3A_58 = vector.broadcast %mul3A_57 : f32 to vector<128x8xf32>
    %mul3A_59 = arith.mulf %dot_general3A_56, %mul3A_58 : vector<128x8xf32>
    %slice3A_60 = vector.extract_strided_slice %get3A_8 {offsets = [128, 3], sizes = [128, 1], strides = [1, 1]} : vector<4096x4xf32> to vector<128x1xf32>
    %lt3A_61 = arith.constant 5.000000e+01 : f32
    %lt3A_62 = vector.broadcast %lt3A_61 : f32 to vector<128x1xf32>
    %lt3A_63 = arith.cmpf olt, %slice3A_60, %lt3A_62 : vector<128x1xf32>
    %jit3A_64 = arith.constant -1.000000e+09 : f32
    %broadcast_in_dim3A_65 = vector.shape_cast %lt3A_63 : vector<128x1xi1> to vector<128x1xi1>
    %broadcast_in_dim3A_66 = vector.broadcast %broadcast_in_dim3A_65 : vector<128x1xi1> to vector<128x8xi1>
    %broadcast_in_dim3A_67 = vector.broadcast %jit3A_64 : f32 to vector<128x8xf32>
    %select_n3A_68 = arith.select %broadcast_in_dim3A_66, %mul3A_59, %broadcast_in_dim3A_67 : vector<128x8xi1>, vector<128x8xf32>
    %max3A_69 = arith.maximumf %select_n3A, %select_n3A_68 : vector<128x8xf32>
    %slice3A_70 = vector.extract_strided_slice %get3A_38 {offsets = [256, 0], sizes = [128, 128], strides = [1, 1]} : vector<4096x256xf32> to vector<128x128xf32>
    %slice3A_71 = vector.extract_strided_slice %add3A_29 {offsets = [256, 0], sizes = [128, 128], strides = [1, 1]} : vector<4096x128xf32> to vector<128x128xf32>
    %add3A_72 = arith.addf %slice3A_70, %slice3A_71 : vector<128x128xf32>
    %mul3A_73 = arith.mulf %add3A_72, %dot_general3A_5 : vector<128x128xf32>
    %dot_general3A_74 = arith.constant dense<0.000000e+00> : vector<128x8xf32>
    %dot_general3A_75 = tpu.matmul %mul3A_73, %get3A_32, %dot_general3A_74 {dimension_numbers = #tpu.dot_dimension_numbers<[1], [0], [0], [1], [0, 0, 1, 1], [], []>, transpose_lhs_hint = false} : vector<128x128xf32>, vector<128x8xf32>, vector<128x8xf32> -> vector<128x8xf32>
    %mul3A_76 = arith.constant 2.500000e-01 : f32
    %mul3A_77 = vector.broadcast %mul3A_76 : f32 to vector<128x8xf32>
    %mul3A_78 = arith.mulf %dot_general3A_75, %mul3A_77 : vector<128x8xf32>
    %slice3A_79 = vector.extract_strided_slice %get3A_8 {offsets = [256, 3], sizes = [128, 1], strides = [1, 1]} : vector<4096x4xf32> to vector<128x1xf32>
    %lt3A_80 = arith.constant 5.000000e+01 : f32
    %lt3A_81 = vector.broadcast %lt3A_80 : f32 to vector<128x1xf32>
    %lt3A_82 = arith.cmpf olt, %slice3A_79, %lt3A_81 : vector<128x1xf32>
    %jit3A_83 = arith.constant -1.000000e+09 : f32
    %broadcast_in_dim3A_84 = vector.shape_cast %lt3A_82 : vector<128x1xi1> to vector<128x1xi1>
    %broadcast_in_dim3A_85 = vector.broadcast %broadcast_in_dim3A_84 : vector<128x1xi1> to vector<128x8xi1>
    %broadcast_in_dim3A_86 = vector.broadcast %jit3A_83 : f32 to vector<128x8xf32>
    %select_n3A_87 = arith.select %broadcast_in_dim3A_85, %mul3A_78, %broadcast_in_dim3A_86 : vector<128x8xi1>, vector<128x8xf32>
    %max3A_88 = arith.maximumf %max3A_69, %select_n3A_87 : vector<128x8xf32>
    %slice3A_89 = vector.extract_strided_slice %get3A_38 {offsets = [384, 0], sizes = [128, 128], strides = [1, 1]} : vector<4096x256xf32> to vector<128x128xf32>
    %slice3A_90 = vector.extract_strided_slice %add3A_29 {offsets = [384, 0], sizes = [128, 128], strides = [1, 1]} : vector<4096x128xf32> to vector<128x128xf32>
    %add3A_91 = arith.addf %slice3A_89, %slice3A_90 : vector<128x128xf32>
    %mul3A_92 = arith.mulf %add3A_91, %dot_general3A_5 : vector<128x128xf32>
    %dot_general3A_93 = arith.constant dense<0.000000e+00> : vector<128x8xf32>
    %dot_general3A_94 = tpu.matmul %mul3A_92, %get3A_32, %dot_general3A_93 {dimension_numbers = #tpu.dot_dimension_numbers<[1], [0], [0], [1], [0, 0, 1, 1], [], []>, transpose_lhs_hint = false} : vector<128x128xf32>, vector<128x8xf32>, vector<128x8xf32> -> vector<128x8xf32>
    %mul3A_95 = arith.constant 2.500000e-01 : f32
    %mul3A_96 = vector.broadcast %mul3A_95 : f32 to vector<128x8xf32>
    %mul3A_97 = arith.mulf %dot_general3A_94, %mul3A_96 : vector<128x8xf32>
    %slice3A_98 = vector.extract_strided_slice %get3A_8 {offsets = [384, 3], sizes = [128, 1], strides = [1, 1]} : vector<4096x4xf32> to vector<128x1xf32>
    %lt3A_99 = arith.constant 5.000000e+01 : f32
    %lt3A_100 = vector.broadcast %lt3A_99 : f32 to vector<128x1xf32>
    %lt3A_101 = arith.cmpf olt, %slice3A_98, %lt3A_100 : vector<128x1xf32>
    %jit3A_102 = arith.constant -1.000000e+09 : f32
    %broadcast_in_dim3A_103 = vector.shape_cast %lt3A_101 : vector<128x1xi1> to vector<128x1xi1>
    %broadcast_in_dim3A_104 = vector.broadcast %broadcast_in_dim3A_103 : vector<128x1xi1> to vector<128x8xi1>
    %broadcast_in_dim3A_105 = vector.broadcast %jit3A_102 : f32 to vector<128x8xf32>
    %select_n3A_106 = arith.select %broadcast_in_dim3A_104, %mul3A_97, %broadcast_in_dim3A_105 : vector<128x8xi1>, vector<128x8xf32>
    %max3A_107 = arith.maximumf %max3A_88, %select_n3A_106 : vector<128x8xf32>
    %slice3A_108 = vector.extract_strided_slice %get3A_38 {offsets = [512, 0], sizes = [128, 128], strides = [1, 1]} : vector<4096x256xf32> to vector<128x128xf32>
    %slice3A_109 = vector.extract_strided_slice %add3A_29 {offsets = [512, 0], sizes = [128, 128], strides = [1, 1]} : vector<4096x128xf32> to vector<128x128xf32>
    %add3A_110 = arith.addf %slice3A_108, %slice3A_109 : vector<128x128xf32>
    %mul3A_111 = arith.mulf %add3A_110, %dot_general3A_5 : vector<128x128xf32>
    %dot_general3A_112 = arith.constant dense<0.000000e+00> : vector<128x8xf32>
    %dot_general3A_113 = tpu.matmul %mul3A_111, %get3A_32, %dot_general3A_112 {dimension_numbers = #tpu.dot_dimension_numbers<[1], [0], [0], [1], [0, 0, 1, 1], [], []>, transpose_lhs_hint = false} : vector<128x128xf32>, vector<128x8xf32>, vector<128x8xf32> -> vector<128x8xf32>
    %mul3A_114 = arith.constant 2.500000e-01 : f32
    %mul3A_115 = vector.broadcast %mul3A_114 : f32 to vector<128x8xf32>
    %mul3A_116 = arith.mulf %dot_general3A_113, %mul3A_115 : vector<128x8xf32>
    %slice3A_117 = vector.extract_strided_slice %get3A_8 {offsets = [512, 3], sizes = [128, 1], strides = [1, 1]} : vector<4096x4xf32> to vector<128x1xf32>
    %lt3A_118 = arith.constant 5.000000e+01 : f32
    %lt3A_119 = vector.broadcast %lt3A_118 : f32 to vector<128x1xf32>
    %lt3A_120 = arith.cmpf olt, %slice3A_117, %lt3A_119 : vector<128x1xf32>
    %jit3A_121 = arith.constant -1.000000e+09 : f32
    %broadcast_in_dim3A_122 = vector.shape_cast %lt3A_120 : vector<128x1xi1> to vector<128x1xi1>
    %broadcast_in_dim3A_123 = vector.broadcast %broadcast_in_dim3A_122 : vector<128x1xi1> to vector<128x8xi1>
    %broadcast_in_dim3A_124 = vector.broadcast %jit3A_121 : f32 to vector<128x8xf32>
    %select_n3A_125 = arith.select %broadcast_in_dim3A_123, %mul3A_116, %broadcast_in_dim3A_124 : vector<128x8xi1>, vector<128x8xf32>
    %max3A_126 = arith.maximumf %max3A_107, %select_n3A_125 : vector<128x8xf32>
    %slice3A_127 = vector.extract_strided_slice %get3A_38 {offsets = [640, 0], sizes = [128, 128], strides = [1, 1]} : vector<4096x256xf32> to vector<128x128xf32>
    %slice3A_128 = vector.extract_strided_slice %add3A_29 {offsets = [640, 0], sizes = [128, 128], strides = [1, 1]} : vector<4096x128xf32> to vector<128x128xf32>
    %add3A_129 = arith.addf %slice3A_127, %slice3A_128 : vector<128x128xf32>
    %mul3A_130 = arith.mulf %add3A_129, %dot_general3A_5 : vector<128x128xf32>
    %dot_general3A_131 = arith.constant dense<0.000000e+00> : vector<128x8xf32>
    %dot_general3A_132 = tpu.matmul %mul3A_130, %get3A_32, %dot_general3A_131 {dimension_numbers = #tpu.dot_dimension_numbers<[1], [0], [0], [1], [0, 0, 1, 1], [], []>, transpose_lhs_hint = false} : vector<128x128xf32>, vector<128x8xf32>, vector<128x8xf32> -> vector<128x8xf32>
    %mul3A_133 = arith.constant 2.500000e-01 : f32
    %mul3A_134 = vector.broadcast %mul3A_133 : f32 to vector<128x8xf32>
    %mul3A_135 = arith.mulf %dot_general3A_132, %mul3A_134 : vector<128x8xf32>
    %slice3A_136 = vector.extract_strided_slice %get3A_8 {offsets = [640, 3], sizes = [128, 1], strides = [1, 1]} : vector<4096x4xf32> to vector<128x1xf32>
    %lt3A_137 = arith.constant 5.000000e+01 : f32
    %lt3A_138 = vector.broadcast %lt3A_137 : f32 to vector<128x1xf32>
    %lt3A_139 = arith.cmpf olt, %slice3A_136, %lt3A_138 : vector<128x1xf32>
    %jit3A_140 = arith.constant -1.000000e+09 : f32
    %broadcast_in_dim3A_141 = vector.shape_cast %lt3A_139 : vector<128x1xi1> to vector<128x1xi1>
    %broadcast_in_dim3A_142 = vector.broadcast %broadcast_in_dim3A_141 : vector<128x1xi1> to vector<128x8xi1>
    %broadcast_in_dim3A_143 = vector.broadcast %jit3A_140 : f32 to vector<128x8xf32>
    %select_n3A_144 = arith.select %broadcast_in_dim3A_142, %mul3A_135, %broadcast_in_dim3A_143 : vector<128x8xi1>, vector<128x8xf32>
    %max3A_145 = arith.maximumf %max3A_126, %select_n3A_144 : vector<128x8xf32>
    %slice3A_146 = vector.extract_strided_slice %get3A_38 {offsets = [768, 0], sizes = [128, 128], strides = [1, 1]} : vector<4096x256xf32> to vector<128x128xf32>
    %slice3A_147 = vector.extract_strided_slice %add3A_29 {offsets = [768, 0], sizes = [128, 128], strides = [1, 1]} : vector<4096x128xf32> to vector<128x128xf32>
    %add3A_148 = arith.addf %slice3A_146, %slice3A_147 : vector<128x128xf32>
    %mul3A_149 = arith.mulf %add3A_148, %dot_general3A_5 : vector<128x128xf32>
    %dot_general3A_150 = arith.constant dense<0.000000e+00> : vector<128x8xf32>
    %dot_general3A_151 = tpu.matmul %mul3A_149, %get3A_32, %dot_general3A_150 {dimension_numbers = #tpu.dot_dimension_numbers<[1], [0], [0], [1], [0, 0, 1, 1], [], []>, transpose_lhs_hint = false} : vector<128x128xf32>, vector<128x8xf32>, vector<128x8xf32> -> vector<128x8xf32>
    %mul3A_152 = arith.constant 2.500000e-01 : f32
    %mul3A_153 = vector.broadcast %mul3A_152 : f32 to vector<128x8xf32>
    %mul3A_154 = arith.mulf %dot_general3A_151, %mul3A_153 : vector<128x8xf32>
    %slice3A_155 = vector.extract_strided_slice %get3A_8 {offsets = [768, 3], sizes = [128, 1], strides = [1, 1]} : vector<4096x4xf32> to vector<128x1xf32>
    %lt3A_156 = arith.constant 5.000000e+01 : f32
    %lt3A_157 = vector.broadcast %lt3A_156 : f32 to vector<128x1xf32>
    %lt3A_158 = arith.cmpf olt, %slice3A_155, %lt3A_157 : vector<128x1xf32>
    %jit3A_159 = arith.constant -1.000000e+09 : f32
    %broadcast_in_dim3A_160 = vector.shape_cast %lt3A_158 : vector<128x1xi1> to vector<128x1xi1>
    %broadcast_in_dim3A_161 = vector.broadcast %broadcast_in_dim3A_160 : vector<128x1xi1> to vector<128x8xi1>
    %broadcast_in_dim3A_162 = vector.broadcast %jit3A_159 : f32 to vector<128x8xf32>
    %select_n3A_163 = arith.select %broadcast_in_dim3A_161, %mul3A_154, %broadcast_in_dim3A_162 : vector<128x8xi1>, vector<128x8xf32>
    %max3A_164 = arith.maximumf %max3A_145, %select_n3A_163 : vector<128x8xf32>
    %slice3A_165 = vector.extract_strided_slice %get3A_38 {offsets = [896, 0], sizes = [128, 128], strides = [1, 1]} : vector<4096x256xf32> to vector<128x128xf32>
    %slice3A_166 = vector.extract_strided_slice %add3A_29 {offsets = [896, 0], sizes = [128, 128], strides = [1, 1]} : vector<4096x128xf32> to vector<128x128xf32>
    %add3A_167 = arith.addf %slice3A_165, %slice3A_166 : vector<128x128xf32>
    %mul3A_168 = arith.mulf %add3A_167, %dot_general3A_5 : vector<128x128xf32>
    %dot_general3A_169 = arith.constant dense<0.000000e+00> : vector<128x8xf32>
    %dot_general3A_170 = tpu.matmul %mul3A_168, %get3A_32, %dot_general3A_169 {dimension_numbers = #tpu.dot_dimension_numbers<[1], [0], [0], [1], [0, 0, 1, 1], [], []>, transpose_lhs_hint = false} : vector<128x128xf32>, vector<128x8xf32>, vector<128x8xf32> -> vector<128x8xf32>
    %mul3A_171 = arith.constant 2.500000e-01 : f32
    %mul3A_172 = vector.broadcast %mul3A_171 : f32 to vector<128x8xf32>
    %mul3A_173 = arith.mulf %dot_general3A_170, %mul3A_172 : vector<128x8xf32>
    %slice3A_174 = vector.extract_strided_slice %get3A_8 {offsets = [896, 3], sizes = [128, 1], strides = [1, 1]} : vector<4096x4xf32> to vector<128x1xf32>
    %lt3A_175 = arith.constant 5.000000e+01 : f32
    %lt3A_176 = vector.broadcast %lt3A_175 : f32 to vector<128x1xf32>
    %lt3A_177 = arith.cmpf olt, %slice3A_174, %lt3A_176 : vector<128x1xf32>
    %jit3A_178 = arith.constant -1.000000e+09 : f32
    %broadcast_in_dim3A_179 = vector.shape_cast %lt3A_177 : vector<128x1xi1> to vector<128x1xi1>
    %broadcast_in_dim3A_180 = vector.broadcast %broadcast_in_dim3A_179 : vector<128x1xi1> to vector<128x8xi1>
    %broadcast_in_dim3A_181 = vector.broadcast %jit3A_178 : f32 to vector<128x8xf32>
    %select_n3A_182 = arith.select %broadcast_in_dim3A_180, %mul3A_173, %broadcast_in_dim3A_181 : vector<128x8xi1>, vector<128x8xf32>
    %max3A_183 = arith.maximumf %max3A_164, %select_n3A_182 : vector<128x8xf32>
    %slice3A_184 = vector.extract_strided_slice %get3A_38 {offsets = [1024, 0], sizes = [128, 128], strides = [1, 1]} : vector<4096x256xf32> to vector<128x128xf32>
    %slice3A_185 = vector.extract_strided_slice %add3A_29 {offsets = [1024, 0], sizes = [128, 128], strides = [1, 1]} : vector<4096x128xf32> to vector<128x128xf32>
    %add3A_186 = arith.addf %slice3A_184, %slice3A_185 : vector<128x128xf32>
    %mul3A_187 = arith.mulf %add3A_186, %dot_general3A_5 : vector<128x128xf32>
    %dot_general3A_188 = arith.constant dense<0.000000e+00> : vector<128x8xf32>
    %dot_general3A_189 = tpu.matmul %mul3A_187, %get3A_32, %dot_general3A_188 {dimension_numbers = #tpu.dot_dimension_numbers<[1], [0], [0], [1], [0, 0, 1, 1], [], []>, transpose_lhs_hint = false} : vector<128x128xf32>, vector<128x8xf32>, vector<128x8xf32> -> vector<128x8xf32>
    %mul3A_190 = arith.constant 2.500000e-01 : f32
    %mul3A_191 = vector.broadcast %mul3A_190 : f32 to vector<128x8xf32>
    %mul3A_192 = arith.mulf %dot_general3A_189, %mul3A_191 : vector<128x8xf32>
    %slice3A_193 = vector.extract_strided_slice %get3A_8 {offsets = [1024, 3], sizes = [128, 1], strides = [1, 1]} : vector<4096x4xf32> to vector<128x1xf32>
    %lt3A_194 = arith.constant 5.000000e+01 : f32
    %lt3A_195 = vector.broadcast %lt3A_194 : f32 to vector<128x1xf32>
    %lt3A_196 = arith.cmpf olt, %slice3A_193, %lt3A_195 : vector<128x1xf32>
    %jit3A_197 = arith.constant -1.000000e+09 : f32
    %broadcast_in_dim3A_198 = vector.shape_cast %lt3A_196 : vector<128x1xi1> to vector<128x1xi1>
    %broadcast_in_dim3A_199 = vector.broadcast %broadcast_in_dim3A_198 : vector<128x1xi1> to vector<128x8xi1>
    %broadcast_in_dim3A_200 = vector.broadcast %jit3A_197 : f32 to vector<128x8xf32>
    %select_n3A_201 = arith.select %broadcast_in_dim3A_199, %mul3A_192, %broadcast_in_dim3A_200 : vector<128x8xi1>, vector<128x8xf32>
    %max3A_202 = arith.maximumf %max3A_183, %select_n3A_201 : vector<128x8xf32>
    %slice3A_203 = vector.extract_strided_slice %get3A_38 {offsets = [1152, 0], sizes = [128, 128], strides = [1, 1]} : vector<4096x256xf32> to vector<128x128xf32>
    %slice3A_204 = vector.extract_strided_slice %add3A_29 {offsets = [1152, 0], sizes = [128, 128], strides = [1, 1]} : vector<4096x128xf32> to vector<128x128xf32>
    %add3A_205 = arith.addf %slice3A_203, %slice3A_204 : vector<128x128xf32>
    %mul3A_206 = arith.mulf %add3A_205, %dot_general3A_5 : vector<128x128xf32>
    %dot_general3A_207 = arith.constant dense<0.000000e+00> : vector<128x8xf32>
    %dot_general3A_208 = tpu.matmul %mul3A_206, %get3A_32, %dot_general3A_207 {dimension_numbers = #tpu.dot_dimension_numbers<[1], [0], [0], [1], [0, 0, 1, 1], [], []>, transpose_lhs_hint = false} : vector<128x128xf32>, vector<128x8xf32>, vector<128x8xf32> -> vector<128x8xf32>
    %mul3A_209 = arith.constant 2.500000e-01 : f32
    %mul3A_210 = vector.broadcast %mul3A_209 : f32 to vector<128x8xf32>
    %mul3A_211 = arith.mulf %dot_general3A_208, %mul3A_210 : vector<128x8xf32>
    %slice3A_212 = vector.extract_strided_slice %get3A_8 {offsets = [1152, 3], sizes = [128, 1], strides = [1, 1]} : vector<4096x4xf32> to vector<128x1xf32>
    %lt3A_213 = arith.constant 5.000000e+01 : f32
    %lt3A_214 = vector.broadcast %lt3A_213 : f32 to vector<128x1xf32>
    %lt3A_215 = arith.cmpf olt, %slice3A_212, %lt3A_214 : vector<128x1xf32>
    %jit3A_216 = arith.constant -1.000000e+09 : f32
    %broadcast_in_dim3A_217 = vector.shape_cast %lt3A_215 : vector<128x1xi1> to vector<128x1xi1>
    %broadcast_in_dim3A_218 = vector.broadcast %broadcast_in_dim3A_217 : vector<128x1xi1> to vector<128x8xi1>
    %broadcast_in_dim3A_219 = vector.broadcast %jit3A_216 : f32 to vector<128x8xf32>
    %select_n3A_220 = arith.select %broadcast_in_dim3A_218, %mul3A_211, %broadcast_in_dim3A_219 : vector<128x8xi1>, vector<128x8xf32>
    %max3A_221 = arith.maximumf %max3A_202, %select_n3A_220 : vector<128x8xf32>
    %slice3A_222 = vector.extract_strided_slice %get3A_38 {offsets = [1280, 0], sizes = [128, 128], strides = [1, 1]} : vector<4096x256xf32> to vector<128x128xf32>
    %slice3A_223 = vector.extract_strided_slice %add3A_29 {offsets = [1280, 0], sizes = [128, 128], strides = [1, 1]} : vector<4096x128xf32> to vector<128x128xf32>
    %add3A_224 = arith.addf %slice3A_222, %slice3A_223 : vector<128x128xf32>
    %mul3A_225 = arith.mulf %add3A_224, %dot_general3A_5 : vector<128x128xf32>
    %dot_general3A_226 = arith.constant dense<0.000000e+00> : vector<128x8xf32>
    %dot_general3A_227 = tpu.matmul %mul3A_225, %get3A_32, %dot_general3A_226 {dimension_numbers = #tpu.dot_dimension_numbers<[1], [0], [0], [1], [0, 0, 1, 1], [], []>, transpose_lhs_hint = false} : vector<128x128xf32>, vector<128x8xf32>, vector<128x8xf32> -> vector<128x8xf32>
    %mul3A_228 = arith.constant 2.500000e-01 : f32
    %mul3A_229 = vector.broadcast %mul3A_228 : f32 to vector<128x8xf32>
    %mul3A_230 = arith.mulf %dot_general3A_227, %mul3A_229 : vector<128x8xf32>
    %slice3A_231 = vector.extract_strided_slice %get3A_8 {offsets = [1280, 3], sizes = [128, 1], strides = [1, 1]} : vector<4096x4xf32> to vector<128x1xf32>
    %lt3A_232 = arith.constant 5.000000e+01 : f32
    %lt3A_233 = vector.broadcast %lt3A_232 : f32 to vector<128x1xf32>
    %lt3A_234 = arith.cmpf olt, %slice3A_231, %lt3A_233 : vector<128x1xf32>
    %jit3A_235 = arith.constant -1.000000e+09 : f32
    %broadcast_in_dim3A_236 = vector.shape_cast %lt3A_234 : vector<128x1xi1> to vector<128x1xi1>
    %broadcast_in_dim3A_237 = vector.broadcast %broadcast_in_dim3A_236 : vector<128x1xi1> to vector<128x8xi1>
    %broadcast_in_dim3A_238 = vector.broadcast %jit3A_235 : f32 to vector<128x8xf32>
    %select_n3A_239 = arith.select %broadcast_in_dim3A_237, %mul3A_230, %broadcast_in_dim3A_238 : vector<128x8xi1>, vector<128x8xf32>
    %max3A_240 = arith.maximumf %max3A_221, %select_n3A_239 : vector<128x8xf32>
    %slice3A_241 = vector.extract_strided_slice %get3A_38 {offsets = [1408, 0], sizes = [128, 128], strides = [1, 1]} : vector<4096x256xf32> to vector<128x128xf32>
    %slice3A_242 = vector.extract_strided_slice %add3A_29 {offsets = [1408, 0], sizes = [128, 128], strides = [1, 1]} : vector<4096x128xf32> to vector<128x128xf32>
    %add3A_243 = arith.addf %slice3A_241, %slice3A_242 : vector<128x128xf32>
    %mul3A_244 = arith.mulf %add3A_243, %dot_general3A_5 : vector<128x128xf32>
    %dot_general3A_245 = arith.constant dense<0.000000e+00> : vector<128x8xf32>
    %dot_general3A_246 = tpu.matmul %mul3A_244, %get3A_32, %dot_general3A_245 {dimension_numbers = #tpu.dot_dimension_numbers<[1], [0], [0], [1], [0, 0, 1, 1], [], []>, transpose_lhs_hint = false} : vector<128x128xf32>, vector<128x8xf32>, vector<128x8xf32> -> vector<128x8xf32>
    %mul3A_247 = arith.constant 2.500000e-01 : f32
    %mul3A_248 = vector.broadcast %mul3A_247 : f32 to vector<128x8xf32>
    %mul3A_249 = arith.mulf %dot_general3A_246, %mul3A_248 : vector<128x8xf32>
    %slice3A_250 = vector.extract_strided_slice %get3A_8 {offsets = [1408, 3], sizes = [128, 1], strides = [1, 1]} : vector<4096x4xf32> to vector<128x1xf32>
    %lt3A_251 = arith.constant 5.000000e+01 : f32
    %lt3A_252 = vector.broadcast %lt3A_251 : f32 to vector<128x1xf32>
    %lt3A_253 = arith.cmpf olt, %slice3A_250, %lt3A_252 : vector<128x1xf32>
    %jit3A_254 = arith.constant -1.000000e+09 : f32
    %broadcast_in_dim3A_255 = vector.shape_cast %lt3A_253 : vector<128x1xi1> to vector<128x1xi1>
    %broadcast_in_dim3A_256 = vector.broadcast %broadcast_in_dim3A_255 : vector<128x1xi1> to vector<128x8xi1>
    %broadcast_in_dim3A_257 = vector.broadcast %jit3A_254 : f32 to vector<128x8xf32>
    %select_n3A_258 = arith.select %broadcast_in_dim3A_256, %mul3A_249, %broadcast_in_dim3A_257 : vector<128x8xi1>, vector<128x8xf32>
    %max3A_259 = arith.maximumf %max3A_240, %select_n3A_258 : vector<128x8xf32>
    %slice3A_260 = vector.extract_strided_slice %get3A_38 {offsets = [1536, 0], sizes = [128, 128], strides = [1, 1]} : vector<4096x256xf32> to vector<128x128xf32>
    %slice3A_261 = vector.extract_strided_slice %add3A_29 {offsets = [1536, 0], sizes = [128, 128], strides = [1, 1]} : vector<4096x128xf32> to vector<128x128xf32>
    %add3A_262 = arith.addf %slice3A_260, %slice3A_261 : vector<128x128xf32>
    %mul3A_263 = arith.mulf %add3A_262, %dot_general3A_5 : vector<128x128xf32>
    %dot_general3A_264 = arith.constant dense<0.000000e+00> : vector<128x8xf32>
    %dot_general3A_265 = tpu.matmul %mul3A_263, %get3A_32, %dot_general3A_264 {dimension_numbers = #tpu.dot_dimension_numbers<[1], [0], [0], [1], [0, 0, 1, 1], [], []>, transpose_lhs_hint = false} : vector<128x128xf32>, vector<128x8xf32>, vector<128x8xf32> -> vector<128x8xf32>
    %mul3A_266 = arith.constant 2.500000e-01 : f32
    %mul3A_267 = vector.broadcast %mul3A_266 : f32 to vector<128x8xf32>
    %mul3A_268 = arith.mulf %dot_general3A_265, %mul3A_267 : vector<128x8xf32>
    %slice3A_269 = vector.extract_strided_slice %get3A_8 {offsets = [1536, 3], sizes = [128, 1], strides = [1, 1]} : vector<4096x4xf32> to vector<128x1xf32>
    %lt3A_270 = arith.constant 5.000000e+01 : f32
    %lt3A_271 = vector.broadcast %lt3A_270 : f32 to vector<128x1xf32>
    %lt3A_272 = arith.cmpf olt, %slice3A_269, %lt3A_271 : vector<128x1xf32>
    %jit3A_273 = arith.constant -1.000000e+09 : f32
    %broadcast_in_dim3A_274 = vector.shape_cast %lt3A_272 : vector<128x1xi1> to vector<128x1xi1>
    %broadcast_in_dim3A_275 = vector.broadcast %broadcast_in_dim3A_274 : vector<128x1xi1> to vector<128x8xi1>
    %broadcast_in_dim3A_276 = vector.broadcast %jit3A_273 : f32 to vector<128x8xf32>
    %select_n3A_277 = arith.select %broadcast_in_dim3A_275, %mul3A_268, %broadcast_in_dim3A_276 : vector<128x8xi1>, vector<128x8xf32>
    %max3A_278 = arith.maximumf %max3A_259, %select_n3A_277 : vector<128x8xf32>
    %slice3A_279 = vector.extract_strided_slice %get3A_38 {offsets = [1664, 0], sizes = [128, 128], strides = [1, 1]} : vector<4096x256xf32> to vector<128x128xf32>
    %slice3A_280 = vector.extract_strided_slice %add3A_29 {offsets = [1664, 0], sizes = [128, 128], strides = [1, 1]} : vector<4096x128xf32> to vector<128x128xf32>
    %add3A_281 = arith.addf %slice3A_279, %slice3A_280 : vector<128x128xf32>
    %mul3A_282 = arith.mulf %add3A_281, %dot_general3A_5 : vector<128x128xf32>
    %dot_general3A_283 = arith.constant dense<0.000000e+00> : vector<128x8xf32>
    %dot_general3A_284 = tpu.matmul %mul3A_282, %get3A_32, %dot_general3A_283 {dimension_numbers = #tpu.dot_dimension_numbers<[1], [0], [0], [1], [0, 0, 1, 1], [], []>, transpose_lhs_hint = false} : vector<128x128xf32>, vector<128x8xf32>, vector<128x8xf32> -> vector<128x8xf32>
    %mul3A_285 = arith.constant 2.500000e-01 : f32
    %mul3A_286 = vector.broadcast %mul3A_285 : f32 to vector<128x8xf32>
    %mul3A_287 = arith.mulf %dot_general3A_284, %mul3A_286 : vector<128x8xf32>
    %slice3A_288 = vector.extract_strided_slice %get3A_8 {offsets = [1664, 3], sizes = [128, 1], strides = [1, 1]} : vector<4096x4xf32> to vector<128x1xf32>
    %lt3A_289 = arith.constant 5.000000e+01 : f32
    %lt3A_290 = vector.broadcast %lt3A_289 : f32 to vector<128x1xf32>
    %lt3A_291 = arith.cmpf olt, %slice3A_288, %lt3A_290 : vector<128x1xf32>
    %jit3A_292 = arith.constant -1.000000e+09 : f32
    %broadcast_in_dim3A_293 = vector.shape_cast %lt3A_291 : vector<128x1xi1> to vector<128x1xi1>
    %broadcast_in_dim3A_294 = vector.broadcast %broadcast_in_dim3A_293 : vector<128x1xi1> to vector<128x8xi1>
    %broadcast_in_dim3A_295 = vector.broadcast %jit3A_292 : f32 to vector<128x8xf32>
    %select_n3A_296 = arith.select %broadcast_in_dim3A_294, %mul3A_287, %broadcast_in_dim3A_295 : vector<128x8xi1>, vector<128x8xf32>
    %max3A_297 = arith.maximumf %max3A_278, %select_n3A_296 : vector<128x8xf32>
    %slice3A_298 = vector.extract_strided_slice %get3A_38 {offsets = [1792, 0], sizes = [128, 128], strides = [1, 1]} : vector<4096x256xf32> to vector<128x128xf32>
    %slice3A_299 = vector.extract_strided_slice %add3A_29 {offsets = [1792, 0], sizes = [128, 128], strides = [1, 1]} : vector<4096x128xf32> to vector<128x128xf32>
    %add3A_300 = arith.addf %slice3A_298, %slice3A_299 : vector<128x128xf32>
    %mul3A_301 = arith.mulf %add3A_300, %dot_general3A_5 : vector<128x128xf32>
    %dot_general3A_302 = arith.constant dense<0.000000e+00> : vector<128x8xf32>
    %dot_general3A_303 = tpu.matmul %mul3A_301, %get3A_32, %dot_general3A_302 {dimension_numbers = #tpu.dot_dimension_numbers<[1], [0], [0], [1], [0, 0, 1, 1], [], []>, transpose_lhs_hint = false} : vector<128x128xf32>, vector<128x8xf32>, vector<128x8xf32> -> vector<128x8xf32>
    %mul3A_304 = arith.constant 2.500000e-01 : f32
    %mul3A_305 = vector.broadcast %mul3A_304 : f32 to vector<128x8xf32>
    %mul3A_306 = arith.mulf %dot_general3A_303, %mul3A_305 : vector<128x8xf32>
    %slice3A_307 = vector.extract_strided_slice %get3A_8 {offsets = [1792, 3], sizes = [128, 1], strides = [1, 1]} : vector<4096x4xf32> to vector<128x1xf32>
    %lt3A_308 = arith.constant 5.000000e+01 : f32
    %lt3A_309 = vector.broadcast %lt3A_308 : f32 to vector<128x1xf32>
    %lt3A_310 = arith.cmpf olt, %slice3A_307, %lt3A_309 : vector<128x1xf32>
    %jit3A_311 = arith.constant -1.000000e+09 : f32
    %broadcast_in_dim3A_312 = vector.shape_cast %lt3A_310 : vector<128x1xi1> to vector<128x1xi1>
    %broadcast_in_dim3A_313 = vector.broadcast %broadcast_in_dim3A_312 : vector<128x1xi1> to vector<128x8xi1>
    %broadcast_in_dim3A_314 = vector.broadcast %jit3A_311 : f32 to vector<128x8xf32>
    %select_n3A_315 = arith.select %broadcast_in_dim3A_313, %mul3A_306, %broadcast_in_dim3A_314 : vector<128x8xi1>, vector<128x8xf32>
    %max3A_316 = arith.maximumf %max3A_297, %select_n3A_315 : vector<128x8xf32>
    %slice3A_317 = vector.extract_strided_slice %get3A_38 {offsets = [1920, 0], sizes = [128, 128], strides = [1, 1]} : vector<4096x256xf32> to vector<128x128xf32>
    %slice3A_318 = vector.extract_strided_slice %add3A_29 {offsets = [1920, 0], sizes = [128, 128], strides = [1, 1]} : vector<4096x128xf32> to vector<128x128xf32>
    %add3A_319 = arith.addf %slice3A_317, %slice3A_318 : vector<128x128xf32>
    %mul3A_320 = arith.mulf %add3A_319, %dot_general3A_5 : vector<128x128xf32>
    %dot_general3A_321 = arith.constant dense<0.000000e+00> : vector<128x8xf32>
    %dot_general3A_322 = tpu.matmul %mul3A_320, %get3A_32, %dot_general3A_321 {dimension_numbers = #tpu.dot_dimension_numbers<[1], [0], [0], [1], [0, 0, 1, 1], [], []>, transpose_lhs_hint = false} : vector<128x128xf32>, vector<128x8xf32>, vector<128x8xf32> -> vector<128x8xf32>
    %mul3A_323 = arith.constant 2.500000e-01 : f32
    %mul3A_324 = vector.broadcast %mul3A_323 : f32 to vector<128x8xf32>
    %mul3A_325 = arith.mulf %dot_general3A_322, %mul3A_324 : vector<128x8xf32>
    %slice3A_326 = vector.extract_strided_slice %get3A_8 {offsets = [1920, 3], sizes = [128, 1], strides = [1, 1]} : vector<4096x4xf32> to vector<128x1xf32>
    %lt3A_327 = arith.constant 5.000000e+01 : f32
    %lt3A_328 = vector.broadcast %lt3A_327 : f32 to vector<128x1xf32>
    %lt3A_329 = arith.cmpf olt, %slice3A_326, %lt3A_328 : vector<128x1xf32>
    %jit3A_330 = arith.constant -1.000000e+09 : f32
    %broadcast_in_dim3A_331 = vector.shape_cast %lt3A_329 : vector<128x1xi1> to vector<128x1xi1>
    %broadcast_in_dim3A_332 = vector.broadcast %broadcast_in_dim3A_331 : vector<128x1xi1> to vector<128x8xi1>
    %broadcast_in_dim3A_333 = vector.broadcast %jit3A_330 : f32 to vector<128x8xf32>
    %select_n3A_334 = arith.select %broadcast_in_dim3A_332, %mul3A_325, %broadcast_in_dim3A_333 : vector<128x8xi1>, vector<128x8xf32>
    %max3A_335 = arith.maximumf %max3A_316, %select_n3A_334 : vector<128x8xf32>
    %slice3A_336 = vector.extract_strided_slice %get3A_38 {offsets = [2048, 0], sizes = [128, 128], strides = [1, 1]} : vector<4096x256xf32> to vector<128x128xf32>
    %slice3A_337 = vector.extract_strided_slice %add3A_29 {offsets = [2048, 0], sizes = [128, 128], strides = [1, 1]} : vector<4096x128xf32> to vector<128x128xf32>
    %add3A_338 = arith.addf %slice3A_336, %slice3A_337 : vector<128x128xf32>
    %mul3A_339 = arith.mulf %add3A_338, %dot_general3A_5 : vector<128x128xf32>
    %dot_general3A_340 = arith.constant dense<0.000000e+00> : vector<128x8xf32>
    %dot_general3A_341 = tpu.matmul %mul3A_339, %get3A_32, %dot_general3A_340 {dimension_numbers = #tpu.dot_dimension_numbers<[1], [0], [0], [1], [0, 0, 1, 1], [], []>, transpose_lhs_hint = false} : vector<128x128xf32>, vector<128x8xf32>, vector<128x8xf32> -> vector<128x8xf32>
    %mul3A_342 = arith.constant 2.500000e-01 : f32
    %mul3A_343 = vector.broadcast %mul3A_342 : f32 to vector<128x8xf32>
    %mul3A_344 = arith.mulf %dot_general3A_341, %mul3A_343 : vector<128x8xf32>
    %slice3A_345 = vector.extract_strided_slice %get3A_8 {offsets = [2048, 3], sizes = [128, 1], strides = [1, 1]} : vector<4096x4xf32> to vector<128x1xf32>
    %lt3A_346 = arith.constant 5.000000e+01 : f32
    %lt3A_347 = vector.broadcast %lt3A_346 : f32 to vector<128x1xf32>
    %lt3A_348 = arith.cmpf olt, %slice3A_345, %lt3A_347 : vector<128x1xf32>
    %jit3A_349 = arith.constant -1.000000e+09 : f32
    %broadcast_in_dim3A_350 = vector.shape_cast %lt3A_348 : vector<128x1xi1> to vector<128x1xi1>
    %broadcast_in_dim3A_351 = vector.broadcast %broadcast_in_dim3A_350 : vector<128x1xi1> to vector<128x8xi1>
    %broadcast_in_dim3A_352 = vector.broadcast %jit3A_349 : f32 to vector<128x8xf32>
    %select_n3A_353 = arith.select %broadcast_in_dim3A_351, %mul3A_344, %broadcast_in_dim3A_352 : vector<128x8xi1>, vector<128x8xf32>
    %max3A_354 = arith.maximumf %max3A_335, %select_n3A_353 : vector<128x8xf32>
    %slice3A_355 = vector.extract_strided_slice %get3A_38 {offsets = [2176, 0], sizes = [128, 128], strides = [1, 1]} : vector<4096x256xf32> to vector<128x128xf32>
    %slice3A_356 = vector.extract_strided_slice %add3A_29 {offsets = [2176, 0], sizes = [128, 128], strides = [1, 1]} : vector<4096x128xf32> to vector<128x128xf32>
    %add3A_357 = arith.addf %slice3A_355, %slice3A_356 : vector<128x128xf32>
    %mul3A_358 = arith.mulf %add3A_357, %dot_general3A_5 : vector<128x128xf32>
    %dot_general3A_359 = arith.constant dense<0.000000e+00> : vector<128x8xf32>
    %dot_general3A_360 = tpu.matmul %mul3A_358, %get3A_32, %dot_general3A_359 {dimension_numbers = #tpu.dot_dimension_numbers<[1], [0], [0], [1], [0, 0, 1, 1], [], []>, transpose_lhs_hint = false} : vector<128x128xf32>, vector<128x8xf32>, vector<128x8xf32> -> vector<128x8xf32>
    %mul3A_361 = arith.constant 2.500000e-01 : f32
    %mul3A_362 = vector.broadcast %mul3A_361 : f32 to vector<128x8xf32>
    %mul3A_363 = arith.mulf %dot_general3A_360, %mul3A_362 : vector<128x8xf32>
    %slice3A_364 = vector.extract_strided_slice %get3A_8 {offsets = [2176, 3], sizes = [128, 1], strides = [1, 1]} : vector<4096x4xf32> to vector<128x1xf32>
    %lt3A_365 = arith.constant 5.000000e+01 : f32
    %lt3A_366 = vector.broadcast %lt3A_365 : f32 to vector<128x1xf32>
    %lt3A_367 = arith.cmpf olt, %slice3A_364, %lt3A_366 : vector<128x1xf32>
    %jit3A_368 = arith.constant -1.000000e+09 : f32
    %broadcast_in_dim3A_369 = vector.shape_cast %lt3A_367 : vector<128x1xi1> to vector<128x1xi1>
    %broadcast_in_dim3A_370 = vector.broadcast %broadcast_in_dim3A_369 : vector<128x1xi1> to vector<128x8xi1>
    %broadcast_in_dim3A_371 = vector.broadcast %jit3A_368 : f32 to vector<128x8xf32>
    %select_n3A_372 = arith.select %broadcast_in_dim3A_370, %mul3A_363, %broadcast_in_dim3A_371 : vector<128x8xi1>, vector<128x8xf32>
    %max3A_373 = arith.maximumf %max3A_354, %select_n3A_372 : vector<128x8xf32>
    %slice3A_374 = vector.extract_strided_slice %get3A_38 {offsets = [2304, 0], sizes = [128, 128], strides = [1, 1]} : vector<4096x256xf32> to vector<128x128xf32>
    %slice3A_375 = vector.extract_strided_slice %add3A_29 {offsets = [2304, 0], sizes = [128, 128], strides = [1, 1]} : vector<4096x128xf32> to vector<128x128xf32>
    %add3A_376 = arith.addf %slice3A_374, %slice3A_375 : vector<128x128xf32>
    %mul3A_377 = arith.mulf %add3A_376, %dot_general3A_5 : vector<128x128xf32>
    %dot_general3A_378 = arith.constant dense<0.000000e+00> : vector<128x8xf32>
    %dot_general3A_379 = tpu.matmul %mul3A_377, %get3A_32, %dot_general3A_378 {dimension_numbers = #tpu.dot_dimension_numbers<[1], [0], [0], [1], [0, 0, 1, 1], [], []>, transpose_lhs_hint = false} : vector<128x128xf32>, vector<128x8xf32>, vector<128x8xf32> -> vector<128x8xf32>
    %mul3A_380 = arith.constant 2.500000e-01 : f32
    %mul3A_381 = vector.broadcast %mul3A_380 : f32 to vector<128x8xf32>
    %mul3A_382 = arith.mulf %dot_general3A_379, %mul3A_381 : vector<128x8xf32>
    %slice3A_383 = vector.extract_strided_slice %get3A_8 {offsets = [2304, 3], sizes = [128, 1], strides = [1, 1]} : vector<4096x4xf32> to vector<128x1xf32>
    %lt3A_384 = arith.constant 5.000000e+01 : f32
    %lt3A_385 = vector.broadcast %lt3A_384 : f32 to vector<128x1xf32>
    %lt3A_386 = arith.cmpf olt, %slice3A_383, %lt3A_385 : vector<128x1xf32>
    %jit3A_387 = arith.constant -1.000000e+09 : f32
    %broadcast_in_dim3A_388 = vector.shape_cast %lt3A_386 : vector<128x1xi1> to vector<128x1xi1>
    %broadcast_in_dim3A_389 = vector.broadcast %broadcast_in_dim3A_388 : vector<128x1xi1> to vector<128x8xi1>
    %broadcast_in_dim3A_390 = vector.broadcast %jit3A_387 : f32 to vector<128x8xf32>
    %select_n3A_391 = arith.select %broadcast_in_dim3A_389, %mul3A_382, %broadcast_in_dim3A_390 : vector<128x8xi1>, vector<128x8xf32>
    %max3A_392 = arith.maximumf %max3A_373, %select_n3A_391 : vector<128x8xf32>
    %slice3A_393 = vector.extract_strided_slice %get3A_38 {offsets = [2432, 0], sizes = [128, 128], strides = [1, 1]} : vector<4096x256xf32> to vector<128x128xf32>
    %slice3A_394 = vector.extract_strided_slice %add3A_29 {offsets = [2432, 0], sizes = [128, 128], strides = [1, 1]} : vector<4096x128xf32> to vector<128x128xf32>
    %add3A_395 = arith.addf %slice3A_393, %slice3A_394 : vector<128x128xf32>
    %mul3A_396 = arith.mulf %add3A_395, %dot_general3A_5 : vector<128x128xf32>
    %dot_general3A_397 = arith.constant dense<0.000000e+00> : vector<128x8xf32>
    %dot_general3A_398 = tpu.matmul %mul3A_396, %get3A_32, %dot_general3A_397 {dimension_numbers = #tpu.dot_dimension_numbers<[1], [0], [0], [1], [0, 0, 1, 1], [], []>, transpose_lhs_hint = false} : vector<128x128xf32>, vector<128x8xf32>, vector<128x8xf32> -> vector<128x8xf32>
    %mul3A_399 = arith.constant 2.500000e-01 : f32
    %mul3A_400 = vector.broadcast %mul3A_399 : f32 to vector<128x8xf32>
    %mul3A_401 = arith.mulf %dot_general3A_398, %mul3A_400 : vector<128x8xf32>
    %slice3A_402 = vector.extract_strided_slice %get3A_8 {offsets = [2432, 3], sizes = [128, 1], strides = [1, 1]} : vector<4096x4xf32> to vector<128x1xf32>
    %lt3A_403 = arith.constant 5.000000e+01 : f32
    %lt3A_404 = vector.broadcast %lt3A_403 : f32 to vector<128x1xf32>
    %lt3A_405 = arith.cmpf olt, %slice3A_402, %lt3A_404 : vector<128x1xf32>
    %jit3A_406 = arith.constant -1.000000e+09 : f32
    %broadcast_in_dim3A_407 = vector.shape_cast %lt3A_405 : vector<128x1xi1> to vector<128x1xi1>
    %broadcast_in_dim3A_408 = vector.broadcast %broadcast_in_dim3A_407 : vector<128x1xi1> to vector<128x8xi1>
    %broadcast_in_dim3A_409 = vector.broadcast %jit3A_406 : f32 to vector<128x8xf32>
    %select_n3A_410 = arith.select %broadcast_in_dim3A_408, %mul3A_401, %broadcast_in_dim3A_409 : vector<128x8xi1>, vector<128x8xf32>
    %max3A_411 = arith.maximumf %max3A_392, %select_n3A_410 : vector<128x8xf32>
    %slice3A_412 = vector.extract_strided_slice %get3A_38 {offsets = [2560, 0], sizes = [128, 128], strides = [1, 1]} : vector<4096x256xf32> to vector<128x128xf32>
    %slice3A_413 = vector.extract_strided_slice %add3A_29 {offsets = [2560, 0], sizes = [128, 128], strides = [1, 1]} : vector<4096x128xf32> to vector<128x128xf32>
    %add3A_414 = arith.addf %slice3A_412, %slice3A_413 : vector<128x128xf32>
    %mul3A_415 = arith.mulf %add3A_414, %dot_general3A_5 : vector<128x128xf32>
    %dot_general3A_416 = arith.constant dense<0.000000e+00> : vector<128x8xf32>
    %dot_general3A_417 = tpu.matmul %mul3A_415, %get3A_32, %dot_general3A_416 {dimension_numbers = #tpu.dot_dimension_numbers<[1], [0], [0], [1], [0, 0, 1, 1], [], []>, transpose_lhs_hint = false} : vector<128x128xf32>, vector<128x8xf32>, vector<128x8xf32> -> vector<128x8xf32>
    %mul3A_418 = arith.constant 2.500000e-01 : f32
    %mul3A_419 = vector.broadcast %mul3A_418 : f32 to vector<128x8xf32>
    %mul3A_420 = arith.mulf %dot_general3A_417, %mul3A_419 : vector<128x8xf32>
    %slice3A_421 = vector.extract_strided_slice %get3A_8 {offsets = [2560, 3], sizes = [128, 1], strides = [1, 1]} : vector<4096x4xf32> to vector<128x1xf32>
    %lt3A_422 = arith.constant 5.000000e+01 : f32
    %lt3A_423 = vector.broadcast %lt3A_422 : f32 to vector<128x1xf32>
    %lt3A_424 = arith.cmpf olt, %slice3A_421, %lt3A_423 : vector<128x1xf32>
    %jit3A_425 = arith.constant -1.000000e+09 : f32
    %broadcast_in_dim3A_426 = vector.shape_cast %lt3A_424 : vector<128x1xi1> to vector<128x1xi1>
    %broadcast_in_dim3A_427 = vector.broadcast %broadcast_in_dim3A_426 : vector<128x1xi1> to vector<128x8xi1>
    %broadcast_in_dim3A_428 = vector.broadcast %jit3A_425 : f32 to vector<128x8xf32>
    %select_n3A_429 = arith.select %broadcast_in_dim3A_427, %mul3A_420, %broadcast_in_dim3A_428 : vector<128x8xi1>, vector<128x8xf32>
    %max3A_430 = arith.maximumf %max3A_411, %select_n3A_429 : vector<128x8xf32>
    %slice3A_431 = vector.extract_strided_slice %get3A_38 {offsets = [2688, 0], sizes = [128, 128], strides = [1, 1]} : vector<4096x256xf32> to vector<128x128xf32>
    %slice3A_432 = vector.extract_strided_slice %add3A_29 {offsets = [2688, 0], sizes = [128, 128], strides = [1, 1]} : vector<4096x128xf32> to vector<128x128xf32>
    %add3A_433 = arith.addf %slice3A_431, %slice3A_432 : vector<128x128xf32>
    %mul3A_434 = arith.mulf %add3A_433, %dot_general3A_5 : vector<128x128xf32>
    %dot_general3A_435 = arith.constant dense<0.000000e+00> : vector<128x8xf32>
    %dot_general3A_436 = tpu.matmul %mul3A_434, %get3A_32, %dot_general3A_435 {dimension_numbers = #tpu.dot_dimension_numbers<[1], [0], [0], [1], [0, 0, 1, 1], [], []>, transpose_lhs_hint = false} : vector<128x128xf32>, vector<128x8xf32>, vector<128x8xf32> -> vector<128x8xf32>
    %mul3A_437 = arith.constant 2.500000e-01 : f32
    %mul3A_438 = vector.broadcast %mul3A_437 : f32 to vector<128x8xf32>
    %mul3A_439 = arith.mulf %dot_general3A_436, %mul3A_438 : vector<128x8xf32>
    %slice3A_440 = vector.extract_strided_slice %get3A_8 {offsets = [2688, 3], sizes = [128, 1], strides = [1, 1]} : vector<4096x4xf32> to vector<128x1xf32>
    %lt3A_441 = arith.constant 5.000000e+01 : f32
    %lt3A_442 = vector.broadcast %lt3A_441 : f32 to vector<128x1xf32>
    %lt3A_443 = arith.cmpf olt, %slice3A_440, %lt3A_442 : vector<128x1xf32>
    %jit3A_444 = arith.constant -1.000000e+09 : f32
    %broadcast_in_dim3A_445 = vector.shape_cast %lt3A_443 : vector<128x1xi1> to vector<128x1xi1>
    %broadcast_in_dim3A_446 = vector.broadcast %broadcast_in_dim3A_445 : vector<128x1xi1> to vector<128x8xi1>
    %broadcast_in_dim3A_447 = vector.broadcast %jit3A_444 : f32 to vector<128x8xf32>
    %select_n3A_448 = arith.select %broadcast_in_dim3A_446, %mul3A_439, %broadcast_in_dim3A_447 : vector<128x8xi1>, vector<128x8xf32>
    %max3A_449 = arith.maximumf %max3A_430, %select_n3A_448 : vector<128x8xf32>
    %slice3A_450 = vector.extract_strided_slice %get3A_38 {offsets = [2816, 0], sizes = [128, 128], strides = [1, 1]} : vector<4096x256xf32> to vector<128x128xf32>
    %slice3A_451 = vector.extract_strided_slice %add3A_29 {offsets = [2816, 0], sizes = [128, 128], strides = [1, 1]} : vector<4096x128xf32> to vector<128x128xf32>
    %add3A_452 = arith.addf %slice3A_450, %slice3A_451 : vector<128x128xf32>
    %mul3A_453 = arith.mulf %add3A_452, %dot_general3A_5 : vector<128x128xf32>
    %dot_general3A_454 = arith.constant dense<0.000000e+00> : vector<128x8xf32>
    %dot_general3A_455 = tpu.matmul %mul3A_453, %get3A_32, %dot_general3A_454 {dimension_numbers = #tpu.dot_dimension_numbers<[1], [0], [0], [1], [0, 0, 1, 1], [], []>, transpose_lhs_hint = false} : vector<128x128xf32>, vector<128x8xf32>, vector<128x8xf32> -> vector<128x8xf32>
    %mul3A_456 = arith.constant 2.500000e-01 : f32
    %mul3A_457 = vector.broadcast %mul3A_456 : f32 to vector<128x8xf32>
    %mul3A_458 = arith.mulf %dot_general3A_455, %mul3A_457 : vector<128x8xf32>
    %slice3A_459 = vector.extract_strided_slice %get3A_8 {offsets = [2816, 3], sizes = [128, 1], strides = [1, 1]} : vector<4096x4xf32> to vector<128x1xf32>
    %lt3A_460 = arith.constant 5.000000e+01 : f32
    %lt3A_461 = vector.broadcast %lt3A_460 : f32 to vector<128x1xf32>
    %lt3A_462 = arith.cmpf olt, %slice3A_459, %lt3A_461 : vector<128x1xf32>
    %jit3A_463 = arith.constant -1.000000e+09 : f32
    %broadcast_in_dim3A_464 = vector.shape_cast %lt3A_462 : vector<128x1xi1> to vector<128x1xi1>
    %broadcast_in_dim3A_465 = vector.broadcast %broadcast_in_dim3A_464 : vector<128x1xi1> to vector<128x8xi1>
    %broadcast_in_dim3A_466 = vector.broadcast %jit3A_463 : f32 to vector<128x8xf32>
    %select_n3A_467 = arith.select %broadcast_in_dim3A_465, %mul3A_458, %broadcast_in_dim3A_466 : vector<128x8xi1>, vector<128x8xf32>
    %max3A_468 = arith.maximumf %max3A_449, %select_n3A_467 : vector<128x8xf32>
    %slice3A_469 = vector.extract_strided_slice %get3A_38 {offsets = [2944, 0], sizes = [128, 128], strides = [1, 1]} : vector<4096x256xf32> to vector<128x128xf32>
    %slice3A_470 = vector.extract_strided_slice %add3A_29 {offsets = [2944, 0], sizes = [128, 128], strides = [1, 1]} : vector<4096x128xf32> to vector<128x128xf32>
    %add3A_471 = arith.addf %slice3A_469, %slice3A_470 : vector<128x128xf32>
    %mul3A_472 = arith.mulf %add3A_471, %dot_general3A_5 : vector<128x128xf32>
    %dot_general3A_473 = arith.constant dense<0.000000e+00> : vector<128x8xf32>
    %dot_general3A_474 = tpu.matmul %mul3A_472, %get3A_32, %dot_general3A_473 {dimension_numbers = #tpu.dot_dimension_numbers<[1], [0], [0], [1], [0, 0, 1, 1], [], []>, transpose_lhs_hint = false} : vector<128x128xf32>, vector<128x8xf32>, vector<128x8xf32> -> vector<128x8xf32>
    %mul3A_475 = arith.constant 2.500000e-01 : f32
    %mul3A_476 = vector.broadcast %mul3A_475 : f32 to vector<128x8xf32>
    %mul3A_477 = arith.mulf %dot_general3A_474, %mul3A_476 : vector<128x8xf32>
    %slice3A_478 = vector.extract_strided_slice %get3A_8 {offsets = [2944, 3], sizes = [128, 1], strides = [1, 1]} : vector<4096x4xf32> to vector<128x1xf32>
    %lt3A_479 = arith.constant 5.000000e+01 : f32
    %lt3A_480 = vector.broadcast %lt3A_479 : f32 to vector<128x1xf32>
    %lt3A_481 = arith.cmpf olt, %slice3A_478, %lt3A_480 : vector<128x1xf32>
    %jit3A_482 = arith.constant -1.000000e+09 : f32
    %broadcast_in_dim3A_483 = vector.shape_cast %lt3A_481 : vector<128x1xi1> to vector<128x1xi1>
    %broadcast_in_dim3A_484 = vector.broadcast %broadcast_in_dim3A_483 : vector<128x1xi1> to vector<128x8xi1>
    %broadcast_in_dim3A_485 = vector.broadcast %jit3A_482 : f32 to vector<128x8xf32>
    %select_n3A_486 = arith.select %broadcast_in_dim3A_484, %mul3A_477, %broadcast_in_dim3A_485 : vector<128x8xi1>, vector<128x8xf32>
    %max3A_487 = arith.maximumf %max3A_468, %select_n3A_486 : vector<128x8xf32>
    %slice3A_488 = vector.extract_strided_slice %get3A_38 {offsets = [3072, 0], sizes = [128, 128], strides = [1, 1]} : vector<4096x256xf32> to vector<128x128xf32>
    %slice3A_489 = vector.extract_strided_slice %add3A_29 {offsets = [3072, 0], sizes = [128, 128], strides = [1, 1]} : vector<4096x128xf32> to vector<128x128xf32>
    %add3A_490 = arith.addf %slice3A_488, %slice3A_489 : vector<128x128xf32>
    %mul3A_491 = arith.mulf %add3A_490, %dot_general3A_5 : vector<128x128xf32>
    %dot_general3A_492 = arith.constant dense<0.000000e+00> : vector<128x8xf32>
    %dot_general3A_493 = tpu.matmul %mul3A_491, %get3A_32, %dot_general3A_492 {dimension_numbers = #tpu.dot_dimension_numbers<[1], [0], [0], [1], [0, 0, 1, 1], [], []>, transpose_lhs_hint = false} : vector<128x128xf32>, vector<128x8xf32>, vector<128x8xf32> -> vector<128x8xf32>
    %mul3A_494 = arith.constant 2.500000e-01 : f32
    %mul3A_495 = vector.broadcast %mul3A_494 : f32 to vector<128x8xf32>
    %mul3A_496 = arith.mulf %dot_general3A_493, %mul3A_495 : vector<128x8xf32>
    %slice3A_497 = vector.extract_strided_slice %get3A_8 {offsets = [3072, 3], sizes = [128, 1], strides = [1, 1]} : vector<4096x4xf32> to vector<128x1xf32>
    %lt3A_498 = arith.constant 5.000000e+01 : f32
    %lt3A_499 = vector.broadcast %lt3A_498 : f32 to vector<128x1xf32>
    %lt3A_500 = arith.cmpf olt, %slice3A_497, %lt3A_499 : vector<128x1xf32>
    %jit3A_501 = arith.constant -1.000000e+09 : f32
    %broadcast_in_dim3A_502 = vector.shape_cast %lt3A_500 : vector<128x1xi1> to vector<128x1xi1>
    %broadcast_in_dim3A_503 = vector.broadcast %broadcast_in_dim3A_502 : vector<128x1xi1> to vector<128x8xi1>
    %broadcast_in_dim3A_504 = vector.broadcast %jit3A_501 : f32 to vector<128x8xf32>
    %select_n3A_505 = arith.select %broadcast_in_dim3A_503, %mul3A_496, %broadcast_in_dim3A_504 : vector<128x8xi1>, vector<128x8xf32>
    %max3A_506 = arith.maximumf %max3A_487, %select_n3A_505 : vector<128x8xf32>
    %slice3A_507 = vector.extract_strided_slice %get3A_38 {offsets = [3200, 0], sizes = [128, 128], strides = [1, 1]} : vector<4096x256xf32> to vector<128x128xf32>
    %slice3A_508 = vector.extract_strided_slice %add3A_29 {offsets = [3200, 0], sizes = [128, 128], strides = [1, 1]} : vector<4096x128xf32> to vector<128x128xf32>
    %add3A_509 = arith.addf %slice3A_507, %slice3A_508 : vector<128x128xf32>
    %mul3A_510 = arith.mulf %add3A_509, %dot_general3A_5 : vector<128x128xf32>
    %dot_general3A_511 = arith.constant dense<0.000000e+00> : vector<128x8xf32>
    %dot_general3A_512 = tpu.matmul %mul3A_510, %get3A_32, %dot_general3A_511 {dimension_numbers = #tpu.dot_dimension_numbers<[1], [0], [0], [1], [0, 0, 1, 1], [], []>, transpose_lhs_hint = false} : vector<128x128xf32>, vector<128x8xf32>, vector<128x8xf32> -> vector<128x8xf32>
    %mul3A_513 = arith.constant 2.500000e-01 : f32
    %mul3A_514 = vector.broadcast %mul3A_513 : f32 to vector<128x8xf32>
    %mul3A_515 = arith.mulf %dot_general3A_512, %mul3A_514 : vector<128x8xf32>
    %slice3A_516 = vector.extract_strided_slice %get3A_8 {offsets = [3200, 3], sizes = [128, 1], strides = [1, 1]} : vector<4096x4xf32> to vector<128x1xf32>
    %lt3A_517 = arith.constant 5.000000e+01 : f32
    %lt3A_518 = vector.broadcast %lt3A_517 : f32 to vector<128x1xf32>
    %lt3A_519 = arith.cmpf olt, %slice3A_516, %lt3A_518 : vector<128x1xf32>
    %jit3A_520 = arith.constant -1.000000e+09 : f32
    %broadcast_in_dim3A_521 = vector.shape_cast %lt3A_519 : vector<128x1xi1> to vector<128x1xi1>
    %broadcast_in_dim3A_522 = vector.broadcast %broadcast_in_dim3A_521 : vector<128x1xi1> to vector<128x8xi1>
    %broadcast_in_dim3A_523 = vector.broadcast %jit3A_520 : f32 to vector<128x8xf32>
    %select_n3A_524 = arith.select %broadcast_in_dim3A_522, %mul3A_515, %broadcast_in_dim3A_523 : vector<128x8xi1>, vector<128x8xf32>
    %max3A_525 = arith.maximumf %max3A_506, %select_n3A_524 : vector<128x8xf32>
    %slice3A_526 = vector.extract_strided_slice %get3A_38 {offsets = [3328, 0], sizes = [128, 128], strides = [1, 1]} : vector<4096x256xf32> to vector<128x128xf32>
    %slice3A_527 = vector.extract_strided_slice %add3A_29 {offsets = [3328, 0], sizes = [128, 128], strides = [1, 1]} : vector<4096x128xf32> to vector<128x128xf32>
    %add3A_528 = arith.addf %slice3A_526, %slice3A_527 : vector<128x128xf32>
    %mul3A_529 = arith.mulf %add3A_528, %dot_general3A_5 : vector<128x128xf32>
    %dot_general3A_530 = arith.constant dense<0.000000e+00> : vector<128x8xf32>
    %dot_general3A_531 = tpu.matmul %mul3A_529, %get3A_32, %dot_general3A_530 {dimension_numbers = #tpu.dot_dimension_numbers<[1], [0], [0], [1], [0, 0, 1, 1], [], []>, transpose_lhs_hint = false} : vector<128x128xf32>, vector<128x8xf32>, vector<128x8xf32> -> vector<128x8xf32>
    %mul3A_532 = arith.constant 2.500000e-01 : f32
    %mul3A_533 = vector.broadcast %mul3A_532 : f32 to vector<128x8xf32>
    %mul3A_534 = arith.mulf %dot_general3A_531, %mul3A_533 : vector<128x8xf32>
    %slice3A_535 = vector.extract_strided_slice %get3A_8 {offsets = [3328, 3], sizes = [128, 1], strides = [1, 1]} : vector<4096x4xf32> to vector<128x1xf32>
    %lt3A_536 = arith.constant 5.000000e+01 : f32
    %lt3A_537 = vector.broadcast %lt3A_536 : f32 to vector<128x1xf32>
    %lt3A_538 = arith.cmpf olt, %slice3A_535, %lt3A_537 : vector<128x1xf32>
    %jit3A_539 = arith.constant -1.000000e+09 : f32
    %broadcast_in_dim3A_540 = vector.shape_cast %lt3A_538 : vector<128x1xi1> to vector<128x1xi1>
    %broadcast_in_dim3A_541 = vector.broadcast %broadcast_in_dim3A_540 : vector<128x1xi1> to vector<128x8xi1>
    %broadcast_in_dim3A_542 = vector.broadcast %jit3A_539 : f32 to vector<128x8xf32>
    %select_n3A_543 = arith.select %broadcast_in_dim3A_541, %mul3A_534, %broadcast_in_dim3A_542 : vector<128x8xi1>, vector<128x8xf32>
    %max3A_544 = arith.maximumf %max3A_525, %select_n3A_543 : vector<128x8xf32>
    %slice3A_545 = vector.extract_strided_slice %get3A_38 {offsets = [3456, 0], sizes = [128, 128], strides = [1, 1]} : vector<4096x256xf32> to vector<128x128xf32>
    %slice3A_546 = vector.extract_strided_slice %add3A_29 {offsets = [3456, 0], sizes = [128, 128], strides = [1, 1]} : vector<4096x128xf32> to vector<128x128xf32>
    %add3A_547 = arith.addf %slice3A_545, %slice3A_546 : vector<128x128xf32>
    %mul3A_548 = arith.mulf %add3A_547, %dot_general3A_5 : vector<128x128xf32>
    %dot_general3A_549 = arith.constant dense<0.000000e+00> : vector<128x8xf32>
    %dot_general3A_550 = tpu.matmul %mul3A_548, %get3A_32, %dot_general3A_549 {dimension_numbers = #tpu.dot_dimension_numbers<[1], [0], [0], [1], [0, 0, 1, 1], [], []>, transpose_lhs_hint = false} : vector<128x128xf32>, vector<128x8xf32>, vector<128x8xf32> -> vector<128x8xf32>
    %mul3A_551 = arith.constant 2.500000e-01 : f32
    %mul3A_552 = vector.broadcast %mul3A_551 : f32 to vector<128x8xf32>
    %mul3A_553 = arith.mulf %dot_general3A_550, %mul3A_552 : vector<128x8xf32>
    %slice3A_554 = vector.extract_strided_slice %get3A_8 {offsets = [3456, 3], sizes = [128, 1], strides = [1, 1]} : vector<4096x4xf32> to vector<128x1xf32>
    %lt3A_555 = arith.constant 5.000000e+01 : f32
    %lt3A_556 = vector.broadcast %lt3A_555 : f32 to vector<128x1xf32>
    %lt3A_557 = arith.cmpf olt, %slice3A_554, %lt3A_556 : vector<128x1xf32>
    %jit3A_558 = arith.constant -1.000000e+09 : f32
    %broadcast_in_dim3A_559 = vector.shape_cast %lt3A_557 : vector<128x1xi1> to vector<128x1xi1>
    %broadcast_in_dim3A_560 = vector.broadcast %broadcast_in_dim3A_559 : vector<128x1xi1> to vector<128x8xi1>
    %broadcast_in_dim3A_561 = vector.broadcast %jit3A_558 : f32 to vector<128x8xf32>
    %select_n3A_562 = arith.select %broadcast_in_dim3A_560, %mul3A_553, %broadcast_in_dim3A_561 : vector<128x8xi1>, vector<128x8xf32>
    %max3A_563 = arith.maximumf %max3A_544, %select_n3A_562 : vector<128x8xf32>
    %slice3A_564 = vector.extract_strided_slice %get3A_38 {offsets = [3584, 0], sizes = [128, 128], strides = [1, 1]} : vector<4096x256xf32> to vector<128x128xf32>
    %slice3A_565 = vector.extract_strided_slice %add3A_29 {offsets = [3584, 0], sizes = [128, 128], strides = [1, 1]} : vector<4096x128xf32> to vector<128x128xf32>
    %add3A_566 = arith.addf %slice3A_564, %slice3A_565 : vector<128x128xf32>
    %mul3A_567 = arith.mulf %add3A_566, %dot_general3A_5 : vector<128x128xf32>
    %dot_general3A_568 = arith.constant dense<0.000000e+00> : vector<128x8xf32>
    %dot_general3A_569 = tpu.matmul %mul3A_567, %get3A_32, %dot_general3A_568 {dimension_numbers = #tpu.dot_dimension_numbers<[1], [0], [0], [1], [0, 0, 1, 1], [], []>, transpose_lhs_hint = false} : vector<128x128xf32>, vector<128x8xf32>, vector<128x8xf32> -> vector<128x8xf32>
    %mul3A_570 = arith.constant 2.500000e-01 : f32
    %mul3A_571 = vector.broadcast %mul3A_570 : f32 to vector<128x8xf32>
    %mul3A_572 = arith.mulf %dot_general3A_569, %mul3A_571 : vector<128x8xf32>
    %slice3A_573 = vector.extract_strided_slice %get3A_8 {offsets = [3584, 3], sizes = [128, 1], strides = [1, 1]} : vector<4096x4xf32> to vector<128x1xf32>
    %lt3A_574 = arith.constant 5.000000e+01 : f32
    %lt3A_575 = vector.broadcast %lt3A_574 : f32 to vector<128x1xf32>
    %lt3A_576 = arith.cmpf olt, %slice3A_573, %lt3A_575 : vector<128x1xf32>
    %jit3A_577 = arith.constant -1.000000e+09 : f32
    %broadcast_in_dim3A_578 = vector.shape_cast %lt3A_576 : vector<128x1xi1> to vector<128x1xi1>
    %broadcast_in_dim3A_579 = vector.broadcast %broadcast_in_dim3A_578 : vector<128x1xi1> to vector<128x8xi1>
    %broadcast_in_dim3A_580 = vector.broadcast %jit3A_577 : f32 to vector<128x8xf32>
    %select_n3A_581 = arith.select %broadcast_in_dim3A_579, %mul3A_572, %broadcast_in_dim3A_580 : vector<128x8xi1>, vector<128x8xf32>
    %max3A_582 = arith.maximumf %max3A_563, %select_n3A_581 : vector<128x8xf32>
    %slice3A_583 = vector.extract_strided_slice %get3A_38 {offsets = [3712, 0], sizes = [128, 128], strides = [1, 1]} : vector<4096x256xf32> to vector<128x128xf32>
    %slice3A_584 = vector.extract_strided_slice %add3A_29 {offsets = [3712, 0], sizes = [128, 128], strides = [1, 1]} : vector<4096x128xf32> to vector<128x128xf32>
    %add3A_585 = arith.addf %slice3A_583, %slice3A_584 : vector<128x128xf32>
    %mul3A_586 = arith.mulf %add3A_585, %dot_general3A_5 : vector<128x128xf32>
    %dot_general3A_587 = arith.constant dense<0.000000e+00> : vector<128x8xf32>
    %dot_general3A_588 = tpu.matmul %mul3A_586, %get3A_32, %dot_general3A_587 {dimension_numbers = #tpu.dot_dimension_numbers<[1], [0], [0], [1], [0, 0, 1, 1], [], []>, transpose_lhs_hint = false} : vector<128x128xf32>, vector<128x8xf32>, vector<128x8xf32> -> vector<128x8xf32>
    %mul3A_589 = arith.constant 2.500000e-01 : f32
    %mul3A_590 = vector.broadcast %mul3A_589 : f32 to vector<128x8xf32>
    %mul3A_591 = arith.mulf %dot_general3A_588, %mul3A_590 : vector<128x8xf32>
    %slice3A_592 = vector.extract_strided_slice %get3A_8 {offsets = [3712, 3], sizes = [128, 1], strides = [1, 1]} : vector<4096x4xf32> to vector<128x1xf32>
    %lt3A_593 = arith.constant 5.000000e+01 : f32
    %lt3A_594 = vector.broadcast %lt3A_593 : f32 to vector<128x1xf32>
    %lt3A_595 = arith.cmpf olt, %slice3A_592, %lt3A_594 : vector<128x1xf32>
    %jit3A_596 = arith.constant -1.000000e+09 : f32
    %broadcast_in_dim3A_597 = vector.shape_cast %lt3A_595 : vector<128x1xi1> to vector<128x1xi1>
    %broadcast_in_dim3A_598 = vector.broadcast %broadcast_in_dim3A_597 : vector<128x1xi1> to vector<128x8xi1>
    %broadcast_in_dim3A_599 = vector.broadcast %jit3A_596 : f32 to vector<128x8xf32>
    %select_n3A_600 = arith.select %broadcast_in_dim3A_598, %mul3A_591, %broadcast_in_dim3A_599 : vector<128x8xi1>, vector<128x8xf32>
    %max3A_601 = arith.maximumf %max3A_582, %select_n3A_600 : vector<128x8xf32>
    %slice3A_602 = vector.extract_strided_slice %get3A_38 {offsets = [3840, 0], sizes = [128, 128], strides = [1, 1]} : vector<4096x256xf32> to vector<128x128xf32>
    %slice3A_603 = vector.extract_strided_slice %add3A_29 {offsets = [3840, 0], sizes = [128, 128], strides = [1, 1]} : vector<4096x128xf32> to vector<128x128xf32>
    %add3A_604 = arith.addf %slice3A_602, %slice3A_603 : vector<128x128xf32>
    %mul3A_605 = arith.mulf %add3A_604, %dot_general3A_5 : vector<128x128xf32>
    %dot_general3A_606 = arith.constant dense<0.000000e+00> : vector<128x8xf32>
    %dot_general3A_607 = tpu.matmul %mul3A_605, %get3A_32, %dot_general3A_606 {dimension_numbers = #tpu.dot_dimension_numbers<[1], [0], [0], [1], [0, 0, 1, 1], [], []>, transpose_lhs_hint = false} : vector<128x128xf32>, vector<128x8xf32>, vector<128x8xf32> -> vector<128x8xf32>
    %mul3A_608 = arith.constant 2.500000e-01 : f32
    %mul3A_609 = vector.broadcast %mul3A_608 : f32 to vector<128x8xf32>
    %mul3A_610 = arith.mulf %dot_general3A_607, %mul3A_609 : vector<128x8xf32>
    %slice3A_611 = vector.extract_strided_slice %get3A_8 {offsets = [3840, 3], sizes = [128, 1], strides = [1, 1]} : vector<4096x4xf32> to vector<128x1xf32>
    %lt3A_612 = arith.constant 5.000000e+01 : f32
    %lt3A_613 = vector.broadcast %lt3A_612 : f32 to vector<128x1xf32>
    %lt3A_614 = arith.cmpf olt, %slice3A_611, %lt3A_613 : vector<128x1xf32>
    %jit3A_615 = arith.constant -1.000000e+09 : f32
    %broadcast_in_dim3A_616 = vector.shape_cast %lt3A_614 : vector<128x1xi1> to vector<128x1xi1>
    %broadcast_in_dim3A_617 = vector.broadcast %broadcast_in_dim3A_616 : vector<128x1xi1> to vector<128x8xi1>
    %broadcast_in_dim3A_618 = vector.broadcast %jit3A_615 : f32 to vector<128x8xf32>
    %select_n3A_619 = arith.select %broadcast_in_dim3A_617, %mul3A_610, %broadcast_in_dim3A_618 : vector<128x8xi1>, vector<128x8xf32>
    %max3A_620 = arith.maximumf %max3A_601, %select_n3A_619 : vector<128x8xf32>
    %slice3A_621 = vector.extract_strided_slice %get3A_38 {offsets = [3968, 0], sizes = [128, 128], strides = [1, 1]} : vector<4096x256xf32> to vector<128x128xf32>
    %slice3A_622 = vector.extract_strided_slice %add3A_29 {offsets = [3968, 0], sizes = [128, 128], strides = [1, 1]} : vector<4096x128xf32> to vector<128x128xf32>
    %add3A_623 = arith.addf %slice3A_621, %slice3A_622 : vector<128x128xf32>
    %mul3A_624 = arith.mulf %add3A_623, %dot_general3A_5 : vector<128x128xf32>
    %dot_general3A_625 = arith.constant dense<0.000000e+00> : vector<128x8xf32>
    %dot_general3A_626 = tpu.matmul %mul3A_624, %get3A_32, %dot_general3A_625 {dimension_numbers = #tpu.dot_dimension_numbers<[1], [0], [0], [1], [0, 0, 1, 1], [], []>, transpose_lhs_hint = false} : vector<128x128xf32>, vector<128x8xf32>, vector<128x8xf32> -> vector<128x8xf32>
    %mul3A_627 = arith.constant 2.500000e-01 : f32
    %mul3A_628 = vector.broadcast %mul3A_627 : f32 to vector<128x8xf32>
    %mul3A_629 = arith.mulf %dot_general3A_626, %mul3A_628 : vector<128x8xf32>
    %slice3A_630 = vector.extract_strided_slice %get3A_8 {offsets = [3968, 3], sizes = [128, 1], strides = [1, 1]} : vector<4096x4xf32> to vector<128x1xf32>
    %lt3A_631 = arith.constant 5.000000e+01 : f32
    %lt3A_632 = vector.broadcast %lt3A_631 : f32 to vector<128x1xf32>
    %lt3A_633 = arith.cmpf olt, %slice3A_630, %lt3A_632 : vector<128x1xf32>
    %jit3A_634 = arith.constant -1.000000e+09 : f32
    %broadcast_in_dim3A_635 = vector.shape_cast %lt3A_633 : vector<128x1xi1> to vector<128x1xi1>
    %broadcast_in_dim3A_636 = vector.broadcast %broadcast_in_dim3A_635 : vector<128x1xi1> to vector<128x8xi1>
    %broadcast_in_dim3A_637 = vector.broadcast %jit3A_634 : f32 to vector<128x8xf32>
    %select_n3A_638 = arith.select %broadcast_in_dim3A_636, %mul3A_629, %broadcast_in_dim3A_637 : vector<128x8xi1>, vector<128x8xf32>
    %max3A_639 = arith.maximumf %max3A_620, %select_n3A_638 : vector<128x8xf32>
    %sub3A = arith.subf %select_n3A, %max3A_639 : vector<128x8xf32>
    %exp3A = math.exp %sub3A : vector<128x8xf32>
    %slice3A_640 = vector.extract_strided_slice %get3A_38 {offsets = [0, 128], sizes = [128, 128], strides = [1, 1]} : vector<4096x256xf32> to vector<128x128xf32>
    %dot_general3A_641 = arith.constant dense<0.000000e+00> : vector<128x128xf32>
    %dot_general3A_642 = tpu.matmul %exp3A, %get3A_35, %dot_general3A_641 {dimension_numbers = #tpu.dot_dimension_numbers<[1], [0], [0], [1], [0, 0, 1, 1], [], []>, transpose_lhs_hint = false} : vector<128x8xf32>, vector<8x128xf32>, vector<128x128xf32> -> vector<128x128xf32>
    %mul3A_643 = arith.mulf %dot_general3A_642, %slice3A_640 : vector<128x128xf32>
    %sub3A_644 = arith.subf %select_n3A_68, %max3A_639 : vector<128x8xf32>
    %exp3A_645 = math.exp %sub3A_644 : vector<128x8xf32>
    %add3A_646 = arith.addf %exp3A, %exp3A_645 : vector<128x8xf32>
    %slice3A_647 = vector.extract_strided_slice %get3A_38 {offsets = [128, 128], sizes = [128, 128], strides = [1, 1]} : vector<4096x256xf32> to vector<128x128xf32>
    %dot_general3A_648 = arith.constant dense<0.000000e+00> : vector<128x128xf32>
    %dot_general3A_649 = tpu.matmul %exp3A_645, %get3A_35, %dot_general3A_648 {dimension_numbers = #tpu.dot_dimension_numbers<[1], [0], [0], [1], [0, 0, 1, 1], [], []>, transpose_lhs_hint = false} : vector<128x8xf32>, vector<8x128xf32>, vector<128x128xf32> -> vector<128x128xf32>
    %mul3A_650 = arith.mulf %dot_general3A_649, %slice3A_647 : vector<128x128xf32>
    %add3A_651 = arith.addf %mul3A_643, %mul3A_650 : vector<128x128xf32>
    %sub3A_652 = arith.subf %select_n3A_87, %max3A_639 : vector<128x8xf32>
    %exp3A_653 = math.exp %sub3A_652 : vector<128x8xf32>
    %add3A_654 = arith.addf %add3A_646, %exp3A_653 : vector<128x8xf32>
    %slice3A_655 = vector.extract_strided_slice %get3A_38 {offsets = [256, 128], sizes = [128, 128], strides = [1, 1]} : vector<4096x256xf32> to vector<128x128xf32>
    %dot_general3A_656 = arith.constant dense<0.000000e+00> : vector<128x128xf32>
    %dot_general3A_657 = tpu.matmul %exp3A_653, %get3A_35, %dot_general3A_656 {dimension_numbers = #tpu.dot_dimension_numbers<[1], [0], [0], [1], [0, 0, 1, 1], [], []>, transpose_lhs_hint = false} : vector<128x8xf32>, vector<8x128xf32>, vector<128x128xf32> -> vector<128x128xf32>
    %mul3A_658 = arith.mulf %dot_general3A_657, %slice3A_655 : vector<128x128xf32>
    %add3A_659 = arith.addf %add3A_651, %mul3A_658 : vector<128x128xf32>
    %sub3A_660 = arith.subf %select_n3A_106, %max3A_639 : vector<128x8xf32>
    %exp3A_661 = math.exp %sub3A_660 : vector<128x8xf32>
    %add3A_662 = arith.addf %add3A_654, %exp3A_661 : vector<128x8xf32>
    %slice3A_663 = vector.extract_strided_slice %get3A_38 {offsets = [384, 128], sizes = [128, 128], strides = [1, 1]} : vector<4096x256xf32> to vector<128x128xf32>
    %dot_general3A_664 = arith.constant dense<0.000000e+00> : vector<128x128xf32>
    %dot_general3A_665 = tpu.matmul %exp3A_661, %get3A_35, %dot_general3A_664 {dimension_numbers = #tpu.dot_dimension_numbers<[1], [0], [0], [1], [0, 0, 1, 1], [], []>, transpose_lhs_hint = false} : vector<128x8xf32>, vector<8x128xf32>, vector<128x128xf32> -> vector<128x128xf32>
    %mul3A_666 = arith.mulf %dot_general3A_665, %slice3A_663 : vector<128x128xf32>
    %add3A_667 = arith.addf %add3A_659, %mul3A_666 : vector<128x128xf32>
    %sub3A_668 = arith.subf %select_n3A_125, %max3A_639 : vector<128x8xf32>
    %exp3A_669 = math.exp %sub3A_668 : vector<128x8xf32>
    %add3A_670 = arith.addf %add3A_662, %exp3A_669 : vector<128x8xf32>
    %slice3A_671 = vector.extract_strided_slice %get3A_38 {offsets = [512, 128], sizes = [128, 128], strides = [1, 1]} : vector<4096x256xf32> to vector<128x128xf32>
    %dot_general3A_672 = arith.constant dense<0.000000e+00> : vector<128x128xf32>
    %dot_general3A_673 = tpu.matmul %exp3A_669, %get3A_35, %dot_general3A_672 {dimension_numbers = #tpu.dot_dimension_numbers<[1], [0], [0], [1], [0, 0, 1, 1], [], []>, transpose_lhs_hint = false} : vector<128x8xf32>, vector<8x128xf32>, vector<128x128xf32> -> vector<128x128xf32>
    %mul3A_674 = arith.mulf %dot_general3A_673, %slice3A_671 : vector<128x128xf32>
    %add3A_675 = arith.addf %add3A_667, %mul3A_674 : vector<128x128xf32>
    %sub3A_676 = arith.subf %select_n3A_144, %max3A_639 : vector<128x8xf32>
    %exp3A_677 = math.exp %sub3A_676 : vector<128x8xf32>
    %add3A_678 = arith.addf %add3A_670, %exp3A_677 : vector<128x8xf32>
    %slice3A_679 = vector.extract_strided_slice %get3A_38 {offsets = [640, 128], sizes = [128, 128], strides = [1, 1]} : vector<4096x256xf32> to vector<128x128xf32>
    %dot_general3A_680 = arith.constant dense<0.000000e+00> : vector<128x128xf32>
    %dot_general3A_681 = tpu.matmul %exp3A_677, %get3A_35, %dot_general3A_680 {dimension_numbers = #tpu.dot_dimension_numbers<[1], [0], [0], [1], [0, 0, 1, 1], [], []>, transpose_lhs_hint = false} : vector<128x8xf32>, vector<8x128xf32>, vector<128x128xf32> -> vector<128x128xf32>
    %mul3A_682 = arith.mulf %dot_general3A_681, %slice3A_679 : vector<128x128xf32>
    %add3A_683 = arith.addf %add3A_675, %mul3A_682 : vector<128x128xf32>
    %sub3A_684 = arith.subf %select_n3A_163, %max3A_639 : vector<128x8xf32>
    %exp3A_685 = math.exp %sub3A_684 : vector<128x8xf32>
    %add3A_686 = arith.addf %add3A_678, %exp3A_685 : vector<128x8xf32>
    %slice3A_687 = vector.extract_strided_slice %get3A_38 {offsets = [768, 128], sizes = [128, 128], strides = [1, 1]} : vector<4096x256xf32> to vector<128x128xf32>
    %dot_general3A_688 = arith.constant dense<0.000000e+00> : vector<128x128xf32>
    %dot_general3A_689 = tpu.matmul %exp3A_685, %get3A_35, %dot_general3A_688 {dimension_numbers = #tpu.dot_dimension_numbers<[1], [0], [0], [1], [0, 0, 1, 1], [], []>, transpose_lhs_hint = false} : vector<128x8xf32>, vector<8x128xf32>, vector<128x128xf32> -> vector<128x128xf32>
    %mul3A_690 = arith.mulf %dot_general3A_689, %slice3A_687 : vector<128x128xf32>
    %add3A_691 = arith.addf %add3A_683, %mul3A_690 : vector<128x128xf32>
    %sub3A_692 = arith.subf %select_n3A_182, %max3A_639 : vector<128x8xf32>
    %exp3A_693 = math.exp %sub3A_692 : vector<128x8xf32>
    %add3A_694 = arith.addf %add3A_686, %exp3A_693 : vector<128x8xf32>
    %slice3A_695 = vector.extract_strided_slice %get3A_38 {offsets = [896, 128], sizes = [128, 128], strides = [1, 1]} : vector<4096x256xf32> to vector<128x128xf32>
    %dot_general3A_696 = arith.constant dense<0.000000e+00> : vector<128x128xf32>
    %dot_general3A_697 = tpu.matmul %exp3A_693, %get3A_35, %dot_general3A_696 {dimension_numbers = #tpu.dot_dimension_numbers<[1], [0], [0], [1], [0, 0, 1, 1], [], []>, transpose_lhs_hint = false} : vector<128x8xf32>, vector<8x128xf32>, vector<128x128xf32> -> vector<128x128xf32>
    %mul3A_698 = arith.mulf %dot_general3A_697, %slice3A_695 : vector<128x128xf32>
    %add3A_699 = arith.addf %add3A_691, %mul3A_698 : vector<128x128xf32>
    %sub3A_700 = arith.subf %select_n3A_201, %max3A_639 : vector<128x8xf32>
    %exp3A_701 = math.exp %sub3A_700 : vector<128x8xf32>
    %add3A_702 = arith.addf %add3A_694, %exp3A_701 : vector<128x8xf32>
    %slice3A_703 = vector.extract_strided_slice %get3A_38 {offsets = [1024, 128], sizes = [128, 128], strides = [1, 1]} : vector<4096x256xf32> to vector<128x128xf32>
    %dot_general3A_704 = arith.constant dense<0.000000e+00> : vector<128x128xf32>
    %dot_general3A_705 = tpu.matmul %exp3A_701, %get3A_35, %dot_general3A_704 {dimension_numbers = #tpu.dot_dimension_numbers<[1], [0], [0], [1], [0, 0, 1, 1], [], []>, transpose_lhs_hint = false} : vector<128x8xf32>, vector<8x128xf32>, vector<128x128xf32> -> vector<128x128xf32>
    %mul3A_706 = arith.mulf %dot_general3A_705, %slice3A_703 : vector<128x128xf32>
    %add3A_707 = arith.addf %add3A_699, %mul3A_706 : vector<128x128xf32>
    %sub3A_708 = arith.subf %select_n3A_220, %max3A_639 : vector<128x8xf32>
    %exp3A_709 = math.exp %sub3A_708 : vector<128x8xf32>
    %add3A_710 = arith.addf %add3A_702, %exp3A_709 : vector<128x8xf32>
    %slice3A_711 = vector.extract_strided_slice %get3A_38 {offsets = [1152, 128], sizes = [128, 128], strides = [1, 1]} : vector<4096x256xf32> to vector<128x128xf32>
    %dot_general3A_712 = arith.constant dense<0.000000e+00> : vector<128x128xf32>
    %dot_general3A_713 = tpu.matmul %exp3A_709, %get3A_35, %dot_general3A_712 {dimension_numbers = #tpu.dot_dimension_numbers<[1], [0], [0], [1], [0, 0, 1, 1], [], []>, transpose_lhs_hint = false} : vector<128x8xf32>, vector<8x128xf32>, vector<128x128xf32> -> vector<128x128xf32>
    %mul3A_714 = arith.mulf %dot_general3A_713, %slice3A_711 : vector<128x128xf32>
    %add3A_715 = arith.addf %add3A_707, %mul3A_714 : vector<128x128xf32>
    %sub3A_716 = arith.subf %select_n3A_239, %max3A_639 : vector<128x8xf32>
    %exp3A_717 = math.exp %sub3A_716 : vector<128x8xf32>
    %add3A_718 = arith.addf %add3A_710, %exp3A_717 : vector<128x8xf32>
    %slice3A_719 = vector.extract_strided_slice %get3A_38 {offsets = [1280, 128], sizes = [128, 128], strides = [1, 1]} : vector<4096x256xf32> to vector<128x128xf32>
    %dot_general3A_720 = arith.constant dense<0.000000e+00> : vector<128x128xf32>
    %dot_general3A_721 = tpu.matmul %exp3A_717, %get3A_35, %dot_general3A_720 {dimension_numbers = #tpu.dot_dimension_numbers<[1], [0], [0], [1], [0, 0, 1, 1], [], []>, transpose_lhs_hint = false} : vector<128x8xf32>, vector<8x128xf32>, vector<128x128xf32> -> vector<128x128xf32>
    %mul3A_722 = arith.mulf %dot_general3A_721, %slice3A_719 : vector<128x128xf32>
    %add3A_723 = arith.addf %add3A_715, %mul3A_722 : vector<128x128xf32>
    %sub3A_724 = arith.subf %select_n3A_258, %max3A_639 : vector<128x8xf32>
    %exp3A_725 = math.exp %sub3A_724 : vector<128x8xf32>
    %add3A_726 = arith.addf %add3A_718, %exp3A_725 : vector<128x8xf32>
    %slice3A_727 = vector.extract_strided_slice %get3A_38 {offsets = [1408, 128], sizes = [128, 128], strides = [1, 1]} : vector<4096x256xf32> to vector<128x128xf32>
    %dot_general3A_728 = arith.constant dense<0.000000e+00> : vector<128x128xf32>
    %dot_general3A_729 = tpu.matmul %exp3A_725, %get3A_35, %dot_general3A_728 {dimension_numbers = #tpu.dot_dimension_numbers<[1], [0], [0], [1], [0, 0, 1, 1], [], []>, transpose_lhs_hint = false} : vector<128x8xf32>, vector<8x128xf32>, vector<128x128xf32> -> vector<128x128xf32>
    %mul3A_730 = arith.mulf %dot_general3A_729, %slice3A_727 : vector<128x128xf32>
    %add3A_731 = arith.addf %add3A_723, %mul3A_730 : vector<128x128xf32>
    %sub3A_732 = arith.subf %select_n3A_277, %max3A_639 : vector<128x8xf32>
    %exp3A_733 = math.exp %sub3A_732 : vector<128x8xf32>
    %add3A_734 = arith.addf %add3A_726, %exp3A_733 : vector<128x8xf32>
    %slice3A_735 = vector.extract_strided_slice %get3A_38 {offsets = [1536, 128], sizes = [128, 128], strides = [1, 1]} : vector<4096x256xf32> to vector<128x128xf32>
    %dot_general3A_736 = arith.constant dense<0.000000e+00> : vector<128x128xf32>
    %dot_general3A_737 = tpu.matmul %exp3A_733, %get3A_35, %dot_general3A_736 {dimension_numbers = #tpu.dot_dimension_numbers<[1], [0], [0], [1], [0, 0, 1, 1], [], []>, transpose_lhs_hint = false} : vector<128x8xf32>, vector<8x128xf32>, vector<128x128xf32> -> vector<128x128xf32>
    %mul3A_738 = arith.mulf %dot_general3A_737, %slice3A_735 : vector<128x128xf32>
    %add3A_739 = arith.addf %add3A_731, %mul3A_738 : vector<128x128xf32>
    %sub3A_740 = arith.subf %select_n3A_296, %max3A_639 : vector<128x8xf32>
    %exp3A_741 = math.exp %sub3A_740 : vector<128x8xf32>
    %add3A_742 = arith.addf %add3A_734, %exp3A_741 : vector<128x8xf32>
    %slice3A_743 = vector.extract_strided_slice %get3A_38 {offsets = [1664, 128], sizes = [128, 128], strides = [1, 1]} : vector<4096x256xf32> to vector<128x128xf32>
    %dot_general3A_744 = arith.constant dense<0.000000e+00> : vector<128x128xf32>
    %dot_general3A_745 = tpu.matmul %exp3A_741, %get3A_35, %dot_general3A_744 {dimension_numbers = #tpu.dot_dimension_numbers<[1], [0], [0], [1], [0, 0, 1, 1], [], []>, transpose_lhs_hint = false} : vector<128x8xf32>, vector<8x128xf32>, vector<128x128xf32> -> vector<128x128xf32>
    %mul3A_746 = arith.mulf %dot_general3A_745, %slice3A_743 : vector<128x128xf32>
    %add3A_747 = arith.addf %add3A_739, %mul3A_746 : vector<128x128xf32>
    %sub3A_748 = arith.subf %select_n3A_315, %max3A_639 : vector<128x8xf32>
    %exp3A_749 = math.exp %sub3A_748 : vector<128x8xf32>
    %add3A_750 = arith.addf %add3A_742, %exp3A_749 : vector<128x8xf32>
    %slice3A_751 = vector.extract_strided_slice %get3A_38 {offsets = [1792, 128], sizes = [128, 128], strides = [1, 1]} : vector<4096x256xf32> to vector<128x128xf32>
    %dot_general3A_752 = arith.constant dense<0.000000e+00> : vector<128x128xf32>
    %dot_general3A_753 = tpu.matmul %exp3A_749, %get3A_35, %dot_general3A_752 {dimension_numbers = #tpu.dot_dimension_numbers<[1], [0], [0], [1], [0, 0, 1, 1], [], []>, transpose_lhs_hint = false} : vector<128x8xf32>, vector<8x128xf32>, vector<128x128xf32> -> vector<128x128xf32>
    %mul3A_754 = arith.mulf %dot_general3A_753, %slice3A_751 : vector<128x128xf32>
    %add3A_755 = arith.addf %add3A_747, %mul3A_754 : vector<128x128xf32>
    %sub3A_756 = arith.subf %select_n3A_334, %max3A_639 : vector<128x8xf32>
    %exp3A_757 = math.exp %sub3A_756 : vector<128x8xf32>
    %add3A_758 = arith.addf %add3A_750, %exp3A_757 : vector<128x8xf32>
    %slice3A_759 = vector.extract_strided_slice %get3A_38 {offsets = [1920, 128], sizes = [128, 128], strides = [1, 1]} : vector<4096x256xf32> to vector<128x128xf32>
    %dot_general3A_760 = arith.constant dense<0.000000e+00> : vector<128x128xf32>
    %dot_general3A_761 = tpu.matmul %exp3A_757, %get3A_35, %dot_general3A_760 {dimension_numbers = #tpu.dot_dimension_numbers<[1], [0], [0], [1], [0, 0, 1, 1], [], []>, transpose_lhs_hint = false} : vector<128x8xf32>, vector<8x128xf32>, vector<128x128xf32> -> vector<128x128xf32>
    %mul3A_762 = arith.mulf %dot_general3A_761, %slice3A_759 : vector<128x128xf32>
    %add3A_763 = arith.addf %add3A_755, %mul3A_762 : vector<128x128xf32>
    %sub3A_764 = arith.subf %select_n3A_353, %max3A_639 : vector<128x8xf32>
    %exp3A_765 = math.exp %sub3A_764 : vector<128x8xf32>
    %add3A_766 = arith.addf %add3A_758, %exp3A_765 : vector<128x8xf32>
    %slice3A_767 = vector.extract_strided_slice %get3A_38 {offsets = [2048, 128], sizes = [128, 128], strides = [1, 1]} : vector<4096x256xf32> to vector<128x128xf32>
    %dot_general3A_768 = arith.constant dense<0.000000e+00> : vector<128x128xf32>
    %dot_general3A_769 = tpu.matmul %exp3A_765, %get3A_35, %dot_general3A_768 {dimension_numbers = #tpu.dot_dimension_numbers<[1], [0], [0], [1], [0, 0, 1, 1], [], []>, transpose_lhs_hint = false} : vector<128x8xf32>, vector<8x128xf32>, vector<128x128xf32> -> vector<128x128xf32>
    %mul3A_770 = arith.mulf %dot_general3A_769, %slice3A_767 : vector<128x128xf32>
    %add3A_771 = arith.addf %add3A_763, %mul3A_770 : vector<128x128xf32>
    %sub3A_772 = arith.subf %select_n3A_372, %max3A_639 : vector<128x8xf32>
    %exp3A_773 = math.exp %sub3A_772 : vector<128x8xf32>
    %add3A_774 = arith.addf %add3A_766, %exp3A_773 : vector<128x8xf32>
    %slice3A_775 = vector.extract_strided_slice %get3A_38 {offsets = [2176, 128], sizes = [128, 128], strides = [1, 1]} : vector<4096x256xf32> to vector<128x128xf32>
    %dot_general3A_776 = arith.constant dense<0.000000e+00> : vector<128x128xf32>
    %dot_general3A_777 = tpu.matmul %exp3A_773, %get3A_35, %dot_general3A_776 {dimension_numbers = #tpu.dot_dimension_numbers<[1], [0], [0], [1], [0, 0, 1, 1], [], []>, transpose_lhs_hint = false} : vector<128x8xf32>, vector<8x128xf32>, vector<128x128xf32> -> vector<128x128xf32>
    %mul3A_778 = arith.mulf %dot_general3A_777, %slice3A_775 : vector<128x128xf32>
    %add3A_779 = arith.addf %add3A_771, %mul3A_778 : vector<128x128xf32>
    %sub3A_780 = arith.subf %select_n3A_391, %max3A_639 : vector<128x8xf32>
    %exp3A_781 = math.exp %sub3A_780 : vector<128x8xf32>
    %add3A_782 = arith.addf %add3A_774, %exp3A_781 : vector<128x8xf32>
    %slice3A_783 = vector.extract_strided_slice %get3A_38 {offsets = [2304, 128], sizes = [128, 128], strides = [1, 1]} : vector<4096x256xf32> to vector<128x128xf32>
    %dot_general3A_784 = arith.constant dense<0.000000e+00> : vector<128x128xf32>
    %dot_general3A_785 = tpu.matmul %exp3A_781, %get3A_35, %dot_general3A_784 {dimension_numbers = #tpu.dot_dimension_numbers<[1], [0], [0], [1], [0, 0, 1, 1], [], []>, transpose_lhs_hint = false} : vector<128x8xf32>, vector<8x128xf32>, vector<128x128xf32> -> vector<128x128xf32>
    %mul3A_786 = arith.mulf %dot_general3A_785, %slice3A_783 : vector<128x128xf32>
    %add3A_787 = arith.addf %add3A_779, %mul3A_786 : vector<128x128xf32>
    %sub3A_788 = arith.subf %select_n3A_410, %max3A_639 : vector<128x8xf32>
    %exp3A_789 = math.exp %sub3A_788 : vector<128x8xf32>
    %add3A_790 = arith.addf %add3A_782, %exp3A_789 : vector<128x8xf32>
    %slice3A_791 = vector.extract_strided_slice %get3A_38 {offsets = [2432, 128], sizes = [128, 128], strides = [1, 1]} : vector<4096x256xf32> to vector<128x128xf32>
    %dot_general3A_792 = arith.constant dense<0.000000e+00> : vector<128x128xf32>
    %dot_general3A_793 = tpu.matmul %exp3A_789, %get3A_35, %dot_general3A_792 {dimension_numbers = #tpu.dot_dimension_numbers<[1], [0], [0], [1], [0, 0, 1, 1], [], []>, transpose_lhs_hint = false} : vector<128x8xf32>, vector<8x128xf32>, vector<128x128xf32> -> vector<128x128xf32>
    %mul3A_794 = arith.mulf %dot_general3A_793, %slice3A_791 : vector<128x128xf32>
    %add3A_795 = arith.addf %add3A_787, %mul3A_794 : vector<128x128xf32>
    %sub3A_796 = arith.subf %select_n3A_429, %max3A_639 : vector<128x8xf32>
    %exp3A_797 = math.exp %sub3A_796 : vector<128x8xf32>
    %add3A_798 = arith.addf %add3A_790, %exp3A_797 : vector<128x8xf32>
    %slice3A_799 = vector.extract_strided_slice %get3A_38 {offsets = [2560, 128], sizes = [128, 128], strides = [1, 1]} : vector<4096x256xf32> to vector<128x128xf32>
    %dot_general3A_800 = arith.constant dense<0.000000e+00> : vector<128x128xf32>
    %dot_general3A_801 = tpu.matmul %exp3A_797, %get3A_35, %dot_general3A_800 {dimension_numbers = #tpu.dot_dimension_numbers<[1], [0], [0], [1], [0, 0, 1, 1], [], []>, transpose_lhs_hint = false} : vector<128x8xf32>, vector<8x128xf32>, vector<128x128xf32> -> vector<128x128xf32>
    %mul3A_802 = arith.mulf %dot_general3A_801, %slice3A_799 : vector<128x128xf32>
    %add3A_803 = arith.addf %add3A_795, %mul3A_802 : vector<128x128xf32>
    %sub3A_804 = arith.subf %select_n3A_448, %max3A_639 : vector<128x8xf32>
    %exp3A_805 = math.exp %sub3A_804 : vector<128x8xf32>
    %add3A_806 = arith.addf %add3A_798, %exp3A_805 : vector<128x8xf32>
    %slice3A_807 = vector.extract_strided_slice %get3A_38 {offsets = [2688, 128], sizes = [128, 128], strides = [1, 1]} : vector<4096x256xf32> to vector<128x128xf32>
    %dot_general3A_808 = arith.constant dense<0.000000e+00> : vector<128x128xf32>
    %dot_general3A_809 = tpu.matmul %exp3A_805, %get3A_35, %dot_general3A_808 {dimension_numbers = #tpu.dot_dimension_numbers<[1], [0], [0], [1], [0, 0, 1, 1], [], []>, transpose_lhs_hint = false} : vector<128x8xf32>, vector<8x128xf32>, vector<128x128xf32> -> vector<128x128xf32>
    %mul3A_810 = arith.mulf %dot_general3A_809, %slice3A_807 : vector<128x128xf32>
    %add3A_811 = arith.addf %add3A_803, %mul3A_810 : vector<128x128xf32>
    %sub3A_812 = arith.subf %select_n3A_467, %max3A_639 : vector<128x8xf32>
    %exp3A_813 = math.exp %sub3A_812 : vector<128x8xf32>
    %add3A_814 = arith.addf %add3A_806, %exp3A_813 : vector<128x8xf32>
    %slice3A_815 = vector.extract_strided_slice %get3A_38 {offsets = [2816, 128], sizes = [128, 128], strides = [1, 1]} : vector<4096x256xf32> to vector<128x128xf32>
    %dot_general3A_816 = arith.constant dense<0.000000e+00> : vector<128x128xf32>
    %dot_general3A_817 = tpu.matmul %exp3A_813, %get3A_35, %dot_general3A_816 {dimension_numbers = #tpu.dot_dimension_numbers<[1], [0], [0], [1], [0, 0, 1, 1], [], []>, transpose_lhs_hint = false} : vector<128x8xf32>, vector<8x128xf32>, vector<128x128xf32> -> vector<128x128xf32>
    %mul3A_818 = arith.mulf %dot_general3A_817, %slice3A_815 : vector<128x128xf32>
    %add3A_819 = arith.addf %add3A_811, %mul3A_818 : vector<128x128xf32>
    %sub3A_820 = arith.subf %select_n3A_486, %max3A_639 : vector<128x8xf32>
    %exp3A_821 = math.exp %sub3A_820 : vector<128x8xf32>
    %add3A_822 = arith.addf %add3A_814, %exp3A_821 : vector<128x8xf32>
    %slice3A_823 = vector.extract_strided_slice %get3A_38 {offsets = [2944, 128], sizes = [128, 128], strides = [1, 1]} : vector<4096x256xf32> to vector<128x128xf32>
    %dot_general3A_824 = arith.constant dense<0.000000e+00> : vector<128x128xf32>
    %dot_general3A_825 = tpu.matmul %exp3A_821, %get3A_35, %dot_general3A_824 {dimension_numbers = #tpu.dot_dimension_numbers<[1], [0], [0], [1], [0, 0, 1, 1], [], []>, transpose_lhs_hint = false} : vector<128x8xf32>, vector<8x128xf32>, vector<128x128xf32> -> vector<128x128xf32>
    %mul3A_826 = arith.mulf %dot_general3A_825, %slice3A_823 : vector<128x128xf32>
    %add3A_827 = arith.addf %add3A_819, %mul3A_826 : vector<128x128xf32>
    %sub3A_828 = arith.subf %select_n3A_505, %max3A_639 : vector<128x8xf32>
    %exp3A_829 = math.exp %sub3A_828 : vector<128x8xf32>
    %add3A_830 = arith.addf %add3A_822, %exp3A_829 : vector<128x8xf32>
    %slice3A_831 = vector.extract_strided_slice %get3A_38 {offsets = [3072, 128], sizes = [128, 128], strides = [1, 1]} : vector<4096x256xf32> to vector<128x128xf32>
    %dot_general3A_832 = arith.constant dense<0.000000e+00> : vector<128x128xf32>
    %dot_general3A_833 = tpu.matmul %exp3A_829, %get3A_35, %dot_general3A_832 {dimension_numbers = #tpu.dot_dimension_numbers<[1], [0], [0], [1], [0, 0, 1, 1], [], []>, transpose_lhs_hint = false} : vector<128x8xf32>, vector<8x128xf32>, vector<128x128xf32> -> vector<128x128xf32>
    %mul3A_834 = arith.mulf %dot_general3A_833, %slice3A_831 : vector<128x128xf32>
    %add3A_835 = arith.addf %add3A_827, %mul3A_834 : vector<128x128xf32>
    %sub3A_836 = arith.subf %select_n3A_524, %max3A_639 : vector<128x8xf32>
    %exp3A_837 = math.exp %sub3A_836 : vector<128x8xf32>
    %add3A_838 = arith.addf %add3A_830, %exp3A_837 : vector<128x8xf32>
    %slice3A_839 = vector.extract_strided_slice %get3A_38 {offsets = [3200, 128], sizes = [128, 128], strides = [1, 1]} : vector<4096x256xf32> to vector<128x128xf32>
    %dot_general3A_840 = arith.constant dense<0.000000e+00> : vector<128x128xf32>
    %dot_general3A_841 = tpu.matmul %exp3A_837, %get3A_35, %dot_general3A_840 {dimension_numbers = #tpu.dot_dimension_numbers<[1], [0], [0], [1], [0, 0, 1, 1], [], []>, transpose_lhs_hint = false} : vector<128x8xf32>, vector<8x128xf32>, vector<128x128xf32> -> vector<128x128xf32>
    %mul3A_842 = arith.mulf %dot_general3A_841, %slice3A_839 : vector<128x128xf32>
    %add3A_843 = arith.addf %add3A_835, %mul3A_842 : vector<128x128xf32>
    %sub3A_844 = arith.subf %select_n3A_543, %max3A_639 : vector<128x8xf32>
    %exp3A_845 = math.exp %sub3A_844 : vector<128x8xf32>
    %add3A_846 = arith.addf %add3A_838, %exp3A_845 : vector<128x8xf32>
    %slice3A_847 = vector.extract_strided_slice %get3A_38 {offsets = [3328, 128], sizes = [128, 128], strides = [1, 1]} : vector<4096x256xf32> to vector<128x128xf32>
    %dot_general3A_848 = arith.constant dense<0.000000e+00> : vector<128x128xf32>
    %dot_general3A_849 = tpu.matmul %exp3A_845, %get3A_35, %dot_general3A_848 {dimension_numbers = #tpu.dot_dimension_numbers<[1], [0], [0], [1], [0, 0, 1, 1], [], []>, transpose_lhs_hint = false} : vector<128x8xf32>, vector<8x128xf32>, vector<128x128xf32> -> vector<128x128xf32>
    %mul3A_850 = arith.mulf %dot_general3A_849, %slice3A_847 : vector<128x128xf32>
    %add3A_851 = arith.addf %add3A_843, %mul3A_850 : vector<128x128xf32>
    %sub3A_852 = arith.subf %select_n3A_562, %max3A_639 : vector<128x8xf32>
    %exp3A_853 = math.exp %sub3A_852 : vector<128x8xf32>
    %add3A_854 = arith.addf %add3A_846, %exp3A_853 : vector<128x8xf32>
    %slice3A_855 = vector.extract_strided_slice %get3A_38 {offsets = [3456, 128], sizes = [128, 128], strides = [1, 1]} : vector<4096x256xf32> to vector<128x128xf32>
    %dot_general3A_856 = arith.constant dense<0.000000e+00> : vector<128x128xf32>
    %dot_general3A_857 = tpu.matmul %exp3A_853, %get3A_35, %dot_general3A_856 {dimension_numbers = #tpu.dot_dimension_numbers<[1], [0], [0], [1], [0, 0, 1, 1], [], []>, transpose_lhs_hint = false} : vector<128x8xf32>, vector<8x128xf32>, vector<128x128xf32> -> vector<128x128xf32>
    %mul3A_858 = arith.mulf %dot_general3A_857, %slice3A_855 : vector<128x128xf32>
    %add3A_859 = arith.addf %add3A_851, %mul3A_858 : vector<128x128xf32>
    %sub3A_860 = arith.subf %select_n3A_581, %max3A_639 : vector<128x8xf32>
    %exp3A_861 = math.exp %sub3A_860 : vector<128x8xf32>
    %add3A_862 = arith.addf %add3A_854, %exp3A_861 : vector<128x8xf32>
    %slice3A_863 = vector.extract_strided_slice %get3A_38 {offsets = [3584, 128], sizes = [128, 128], strides = [1, 1]} : vector<4096x256xf32> to vector<128x128xf32>
    %dot_general3A_864 = arith.constant dense<0.000000e+00> : vector<128x128xf32>
    %dot_general3A_865 = tpu.matmul %exp3A_861, %get3A_35, %dot_general3A_864 {dimension_numbers = #tpu.dot_dimension_numbers<[1], [0], [0], [1], [0, 0, 1, 1], [], []>, transpose_lhs_hint = false} : vector<128x8xf32>, vector<8x128xf32>, vector<128x128xf32> -> vector<128x128xf32>
    %mul3A_866 = arith.mulf %dot_general3A_865, %slice3A_863 : vector<128x128xf32>
    %add3A_867 = arith.addf %add3A_859, %mul3A_866 : vector<128x128xf32>
    %sub3A_868 = arith.subf %select_n3A_600, %max3A_639 : vector<128x8xf32>
    %exp3A_869 = math.exp %sub3A_868 : vector<128x8xf32>
    %add3A_870 = arith.addf %add3A_862, %exp3A_869 : vector<128x8xf32>
    %slice3A_871 = vector.extract_strided_slice %get3A_38 {offsets = [3712, 128], sizes = [128, 128], strides = [1, 1]} : vector<4096x256xf32> to vector<128x128xf32>
    %dot_general3A_872 = arith.constant dense<0.000000e+00> : vector<128x128xf32>
    %dot_general3A_873 = tpu.matmul %exp3A_869, %get3A_35, %dot_general3A_872 {dimension_numbers = #tpu.dot_dimension_numbers<[1], [0], [0], [1], [0, 0, 1, 1], [], []>, transpose_lhs_hint = false} : vector<128x8xf32>, vector<8x128xf32>, vector<128x128xf32> -> vector<128x128xf32>
    %mul3A_874 = arith.mulf %dot_general3A_873, %slice3A_871 : vector<128x128xf32>
    %add3A_875 = arith.addf %add3A_867, %mul3A_874 : vector<128x128xf32>
    %sub3A_876 = arith.subf %select_n3A_619, %max3A_639 : vector<128x8xf32>
    %exp3A_877 = math.exp %sub3A_876 : vector<128x8xf32>
    %add3A_878 = arith.addf %add3A_870, %exp3A_877 : vector<128x8xf32>
    %slice3A_879 = vector.extract_strided_slice %get3A_38 {offsets = [3840, 128], sizes = [128, 128], strides = [1, 1]} : vector<4096x256xf32> to vector<128x128xf32>
    %dot_general3A_880 = arith.constant dense<0.000000e+00> : vector<128x128xf32>
    %dot_general3A_881 = tpu.matmul %exp3A_877, %get3A_35, %dot_general3A_880 {dimension_numbers = #tpu.dot_dimension_numbers<[1], [0], [0], [1], [0, 0, 1, 1], [], []>, transpose_lhs_hint = false} : vector<128x8xf32>, vector<8x128xf32>, vector<128x128xf32> -> vector<128x128xf32>
    %mul3A_882 = arith.mulf %dot_general3A_881, %slice3A_879 : vector<128x128xf32>
    %add3A_883 = arith.addf %add3A_875, %mul3A_882 : vector<128x128xf32>
    %sub3A_884 = arith.subf %select_n3A_638, %max3A_639 : vector<128x8xf32>
    %exp3A_885 = math.exp %sub3A_884 : vector<128x8xf32>
    %add3A_886 = arith.addf %add3A_878, %exp3A_885 : vector<128x8xf32>
    %slice3A_887 = vector.extract_strided_slice %get3A_38 {offsets = [3968, 128], sizes = [128, 128], strides = [1, 1]} : vector<4096x256xf32> to vector<128x128xf32>
    %dot_general3A_888 = arith.constant dense<0.000000e+00> : vector<128x128xf32>
    %dot_general3A_889 = tpu.matmul %exp3A_885, %get3A_35, %dot_general3A_888 {dimension_numbers = #tpu.dot_dimension_numbers<[1], [0], [0], [1], [0, 0, 1, 1], [], []>, transpose_lhs_hint = false} : vector<128x8xf32>, vector<8x128xf32>, vector<128x128xf32> -> vector<128x128xf32>
    %mul3A_890 = arith.mulf %dot_general3A_889, %slice3A_887 : vector<128x128xf32>
    %add3A_891 = arith.addf %add3A_883, %mul3A_890 : vector<128x128xf32>
    %dot_general3A_892 = arith.constant dense<0.000000e+00> : vector<128x128xf32>
    %dot_general3A_893 = tpu.matmul %add3A_886, %get3A_35, %dot_general3A_892 {dimension_numbers = #tpu.dot_dimension_numbers<[1], [0], [0], [1], [0, 0, 1, 1], [], []>, transpose_lhs_hint = false} : vector<128x8xf32>, vector<8x128xf32>, vector<128x128xf32> -> vector<128x128xf32>
    %div3A = arith.divf %add3A_891, %dot_general3A_893 : vector<128x128xf32>
    %get3A_894 = arith.constant 0 : index
    %get3A_895 = arith.constant 0 : index
    %get3A_896 = vector.load %arg5[%get3A_894, %get3A_895] : memref<128x128xf32, #tpu.memory_space<vmem>>, vector<128x128xf32>
    %dot_general3A_897 = arith.constant dense<0.000000e+00> : vector<128x128xf32>
    %dot_general3A_898 = tpu.matmul %div3A, %get3A_896, %dot_general3A_897 {dimension_numbers = #tpu.dot_dimension_numbers<[1], [0], [0], [1], [0, 0, 1, 1], [], []>, transpose_lhs_hint = false} : vector<128x128xf32>, vector<128x128xf32>, vector<128x128xf32> -> vector<128x128xf32>
    %add3A_899 = arith.addf %get3A_1, %dot_general3A_898 : vector<128x128xf32>
    %get3A_900 = arith.constant 0 : index
    %get3A_901 = arith.constant 0 : index
    %get3A_902 = vector.load %arg6[%get3A_900, %get3A_901] : memref<1x128xf32, #tpu.memory_space<vmem>>, vector<1x128xf32>
    %get3A_903 = arith.constant 0 : index
    %get3A_904 = arith.constant 0 : index
    %get3A_905 = vector.load %arg7[%get3A_903, %get3A_904] : memref<1x128xf32, #tpu.memory_space<vmem>>, vector<1x128xf32>
    %reduce_sum3A = arith.constant dense<0.000000e+00> : vector<128xf32>
    %reduce_sum3A_906 = vector.multi_reduction <add>, %add3A_899, %reduce_sum3A [1] : vector<128x128xf32> to vector<128xf32>
    %broadcast_in_dim3A_907 = vector.shape_cast %reduce_sum3A_906 : vector<128xf32> to vector<128x1xf32>
    %div3A_908 = arith.constant 1.280000e+02 : f32
    %div3A_909 = vector.broadcast %div3A_908 : f32 to vector<128x1xf32>
    %div3A_910 = arith.divf %broadcast_in_dim3A_907, %div3A_909 : vector<128x1xf32>
    %sub3A_911 = vector.broadcast %div3A_910 : vector<128x1xf32> to vector<128x128xf32>
    %sub3A_912 = arith.subf %add3A_899, %sub3A_911 : vector<128x128xf32>
    %integer_pow3A = arith.mulf %sub3A_912, %sub3A_912 : vector<128x128xf32>
    %reduce_sum3A_913 = arith.constant dense<0.000000e+00> : vector<128xf32>
    %reduce_sum3A_914 = vector.multi_reduction <add>, %integer_pow3A, %reduce_sum3A_913 [1] : vector<128x128xf32> to vector<128xf32>
    %broadcast_in_dim3A_915 = vector.shape_cast %reduce_sum3A_914 : vector<128xf32> to vector<128x1xf32>
    %div3A_916 = arith.constant 1.280000e+02 : f32
    %div3A_917 = vector.broadcast %div3A_916 : f32 to vector<128x1xf32>
    %div3A_918 = arith.divf %broadcast_in_dim3A_915, %div3A_917 : vector<128x1xf32>
    %sub3A_919 = vector.broadcast %div3A_910 : vector<128x1xf32> to vector<128x128xf32>
    %sub3A_920 = arith.subf %add3A_899, %sub3A_919 : vector<128x128xf32>
    %add3A_921 = arith.constant 9.99999974E-6 : f32
    %add3A_922 = vector.broadcast %add3A_921 : f32 to vector<128x1xf32>
    %add3A_923 = arith.addf %div3A_918, %add3A_922 : vector<128x1xf32>
    %sqrt3A = math.sqrt %add3A_923 : vector<128x1xf32>
    %div3A_924 = vector.broadcast %sqrt3A : vector<128x1xf32> to vector<128x128xf32>
    %div3A_925 = arith.divf %sub3A_920, %div3A_924 : vector<128x128xf32>
    %mul3A_926 = vector.broadcast %get3A_902 : vector<1x128xf32> to vector<128x128xf32>
    %mul3A_927 = arith.mulf %div3A_925, %mul3A_926 : vector<128x128xf32>
    %add3A_928 = vector.broadcast %get3A_905 : vector<1x128xf32> to vector<128x128xf32>
    %add3A_929 = arith.addf %mul3A_927, %add3A_928 : vector<128x128xf32>
    %get3A_930 = arith.constant 0 : index
    %get3A_931 = arith.constant 0 : index
    %get3A_932 = vector.load %arg8[%get3A_930, %get3A_931] : memref<128x512xf32, #tpu.memory_space<vmem>>, vector<128x512xf32>
    %dot_general3A_933 = arith.constant dense<0.000000e+00> : vector<128x512xf32>
    %dot_general3A_934 = tpu.matmul %add3A_929, %get3A_932, %dot_general3A_933 {dimension_numbers = #tpu.dot_dimension_numbers<[1], [0], [0], [1], [0, 0, 1, 1], [], []>, transpose_lhs_hint = false} : vector<128x128xf32>, vector<128x512xf32>, vector<128x512xf32> -> vector<128x512xf32>
    %get3A_935 = arith.constant 0 : index
    %get3A_936 = arith.constant 0 : index
    %get3A_937 = vector.load %arg9[%get3A_935, %get3A_936] : memref<1x512xf32, #tpu.memory_space<vmem>>, vector<1x512xf32>
    %add3A_938 = vector.broadcast %get3A_937 : vector<1x512xf32> to vector<128x512xf32>
    %add3A_939 = arith.addf %dot_general3A_934, %add3A_938 : vector<128x512xf32>
    %max3A_940 = arith.constant 0.000000e+00 : f32
    %max3A_941 = vector.broadcast %max3A_940 : f32 to vector<128x512xf32>
    %max3A_942 = arith.maximumf %add3A_939, %max3A_941 : vector<128x512xf32>
    %get3A_943 = arith.constant 0 : index
    %get3A_944 = arith.constant 0 : index
    %get3A_945 = vector.load %arg10[%get3A_943, %get3A_944] : memref<512x128xf32, #tpu.memory_space<vmem>>, vector<512x128xf32>
    %dot_general3A_946 = arith.constant dense<0.000000e+00> : vector<128x128xf32>
    %dot_general3A_947 = tpu.matmul %max3A_942, %get3A_945, %dot_general3A_946 {dimension_numbers = #tpu.dot_dimension_numbers<[1], [0], [0], [1], [0, 0, 1, 1], [], []>, transpose_lhs_hint = false} : vector<128x512xf32>, vector<512x128xf32>, vector<128x128xf32> -> vector<128x128xf32>
    %get3A_948 = arith.constant 0 : index
    %get3A_949 = arith.constant 0 : index
    %get3A_950 = vector.load %arg11[%get3A_948, %get3A_949] : memref<1x128xf32, #tpu.memory_space<vmem>>, vector<1x128xf32>
    %add3A_951 = vector.broadcast %get3A_950 : vector<1x128xf32> to vector<128x128xf32>
    %add3A_952 = arith.addf %dot_general3A_947, %add3A_951 : vector<128x128xf32>
    %add3A_953 = arith.addf %add3A_929, %add3A_952 : vector<128x128xf32>
    %get3A_954 = arith.constant 0 : index
    %get3A_955 = arith.constant 0 : index
    %get3A_956 = vector.load %arg12[%get3A_954, %get3A_955] : memref<1x128xf32, #tpu.memory_space<vmem>>, vector<1x128xf32>
    %get3A_957 = arith.constant 0 : index
    %get3A_958 = arith.constant 0 : index
    %get3A_959 = vector.load %arg13[%get3A_957, %get3A_958] : memref<1x128xf32, #tpu.memory_space<vmem>>, vector<1x128xf32>
    %reduce_sum3A_960 = arith.constant dense<0.000000e+00> : vector<128xf32>
    %reduce_sum3A_961 = vector.multi_reduction <add>, %add3A_953, %reduce_sum3A_960 [1] : vector<128x128xf32> to vector<128xf32>
    %broadcast_in_dim3A_962 = vector.shape_cast %reduce_sum3A_961 : vector<128xf32> to vector<128x1xf32>
    %div3A_963 = arith.constant 1.280000e+02 : f32
    %div3A_964 = vector.broadcast %div3A_963 : f32 to vector<128x1xf32>
    %div3A_965 = arith.divf %broadcast_in_dim3A_962, %div3A_964 : vector<128x1xf32>
    %sub3A_966 = vector.broadcast %div3A_965 : vector<128x1xf32> to vector<128x128xf32>
    %sub3A_967 = arith.subf %add3A_953, %sub3A_966 : vector<128x128xf32>
    %integer_pow3A_968 = arith.mulf %sub3A_967, %sub3A_967 : vector<128x128xf32>
    %reduce_sum3A_969 = arith.constant dense<0.000000e+00> : vector<128xf32>
    %reduce_sum3A_970 = vector.multi_reduction <add>, %integer_pow3A_968, %reduce_sum3A_969 [1] : vector<128x128xf32> to vector<128xf32>
    %broadcast_in_dim3A_971 = vector.shape_cast %reduce_sum3A_970 : vector<128xf32> to vector<128x1xf32>
    %div3A_972 = arith.constant 1.280000e+02 : f32
    %div3A_973 = vector.broadcast %div3A_972 : f32 to vector<128x1xf32>
    %div3A_974 = arith.divf %broadcast_in_dim3A_971, %div3A_973 : vector<128x1xf32>
    %sub3A_975 = vector.broadcast %div3A_965 : vector<128x1xf32> to vector<128x128xf32>
    %sub3A_976 = arith.subf %add3A_953, %sub3A_975 : vector<128x128xf32>
    %add3A_977 = arith.constant 9.99999974E-6 : f32
    %add3A_978 = vector.broadcast %add3A_977 : f32 to vector<128x1xf32>
    %add3A_979 = arith.addf %div3A_974, %add3A_978 : vector<128x1xf32>
    %sqrt3A_980 = math.sqrt %add3A_979 : vector<128x1xf32>
    %div3A_981 = vector.broadcast %sqrt3A_980 : vector<128x1xf32> to vector<128x128xf32>
    %div3A_982 = arith.divf %sub3A_976, %div3A_981 : vector<128x128xf32>
    %mul3A_983 = vector.broadcast %get3A_956 : vector<1x128xf32> to vector<128x128xf32>
    %mul3A_984 = arith.mulf %div3A_982, %mul3A_983 : vector<128x128xf32>
    %add3A_985 = vector.broadcast %get3A_959 : vector<1x128xf32> to vector<128x128xf32>
    %add3A_986 = arith.addf %mul3A_984, %add3A_985 : vector<128x128xf32>
    %swap3A = arith.constant 0 : index
    %swap3A_987 = arith.constant 0 : index
    %swap3A_988 = vector.load %arg22[%swap3A, %swap3A_987] : memref<128x128xf32, #tpu.memory_space<vmem>>, vector<128x128xf32>
    tpu.vector_store %arg22[%swap3A, %swap3A_987], %add3A_986 {strides = array<i32>} : memref<128x128xf32, #tpu.memory_space<vmem>>, vector<128x128xf32>,
    %get3A_989 = arith.constant 0 : index
    %get3A_990 = arith.constant 0 : index
    %get3A_991 = vector.load %arg18[%get3A_989, %get3A_990] : memref<128x128xf32, #tpu.memory_space<vmem>>, vector<128x128xf32>
    %dot_general3A_992 = arith.constant dense<0.000000e+00> : vector<128x128xf32>
    %dot_general3A_993 = tpu.matmul %add3A_986, %get3A_991, %dot_general3A_992 {dimension_numbers = #tpu.dot_dimension_numbers<[1], [0], [0], [1], [0, 0, 1, 1], [], []>, transpose_lhs_hint = false} : vector<128x128xf32>, vector<128x128xf32>, vector<128x128xf32> -> vector<128x128xf32>
    %swap3A_994 = arith.constant 0 : index
    %swap3A_995 = arith.constant 0 : index
    %swap3A_996 = vector.load %arg23[%swap3A_994, %swap3A_995] : memref<128x256xf32, #tpu.memory_space<vmem>>, vector<128x128xf32>
    tpu.vector_store %arg23[%swap3A_994, %swap3A_995], %dot_general3A_993 {strides = array<i32>} : memref<128x256xf32, #tpu.memory_space<vmem>>, vector<128x128xf32>,
    %get3A_997 = arith.constant 0 : index
    %get3A_998 = arith.constant 0 : index
    %get3A_999 = vector.load %arg19[%get3A_997, %get3A_998] : memref<128x128xf32, #tpu.memory_space<vmem>>, vector<128x128xf32>
    %dot_general3A_1000 = arith.constant dense<0.000000e+00> : vector<128x128xf32>
    %dot_general3A_1001 = tpu.matmul %add3A_986, %get3A_999, %dot_general3A_1000 {dimension_numbers = #tpu.dot_dimension_numbers<[1], [0], [0], [1], [0, 0, 1, 1], [], []>, transpose_lhs_hint = false} : vector<128x128xf32>, vector<128x128xf32>, vector<128x128xf32> -> vector<128x128xf32>
    %swap3A_1002 = arith.constant 0 : index
    %swap3A_1003 = arith.constant 128 : index
    %swap3A_1004 = vector.load %arg23[%swap3A_1002, %swap3A_1003] : memref<128x256xf32, #tpu.memory_space<vmem>>, vector<128x128xf32>
    tpu.vector_store %arg23[%swap3A_1002, %swap3A_1003], %dot_general3A_1001 {strides = array<i32>} : memref<128x256xf32, #tpu.memory_space<vmem>>, vector<128x128xf32>,
    return
  }
  func.func @transform_0(%arg0: i32) -> (i32, i32) {
    %c0_i32 = arith.constant 0 : i32
    %c0_i32_0 = arith.constant 0 : i32
    return %arg0, %c0_i32 : i32, i32
  }
  func.func @transform_1(%arg0: i32) -> (i32, i32) {
    %c0_i32 = arith.constant 0 : i32
    %c0_i32_0 = arith.constant 0 : i32
    return %arg0, %c0_i32 : i32, i32
  }
  func.func @transform_2(%arg0: i32) -> (i32, i32) {
    %c0_i32 = arith.constant 0 : i32
    %c0_i32_0 = arith.constant 0 : i32
    return %arg0, %c0_i32 : i32, i32
  }
  func.func @transform_3(%arg0: i32) -> (i32, i32) {
    %c0_i32 = arith.constant 0 : i32
    %c0_i32_0 = arith.constant 0 : i32
    %c0_i32_1 = arith.constant 0 : i32
    return %c0_i32, %c0_i32_0 : i32, i32
  }
  func.func @transform_4(%arg0: i32) -> (i32, i32) {
    %c0_i32 = arith.constant 0 : i32
    %c0_i32_0 = arith.constant 0 : i32
    %c0_i32_1 = arith.constant 0 : i32
    return %c0_i32, %c0_i32_0 : i32, i32
  }
  func.func @transform_5(%arg0: i32) -> (i32, i32) {
    %c0_i32 = arith.constant 0 : i32
    %c0_i32_0 = arith.constant 0 : i32
    %c0_i32_1 = arith.constant 0 : i32
    return %c0_i32, %c0_i32_0 : i32, i32
  }
  func.func @transform_6(%arg0: i32) -> (i32, i32) {
    %c0_i32 = arith.constant 0 : i32
    %c0_i32_0 = arith.constant 0 : i32
    %c0_i32_1 = arith.constant 0 : i32
    return %c0_i32, %c0_i32_0 : i32, i32
  }
  func.func @transform_7(%arg0: i32) -> (i32, i32) {
    %c0_i32 = arith.constant 0 : i32
    %c0_i32_0 = arith.constant 0 : i32
    %c0_i32_1 = arith.constant 0 : i32
    return %c0_i32, %c0_i32_0 : i32, i32
  }
  func.func @transform_8(%arg0: i32) -> (i32, i32) {
    %c0_i32 = arith.constant 0 : i32
    %c0_i32_0 = arith.constant 0 : i32
    %c0_i32_1 = arith.constant 0 : i32
    return %c0_i32, %c0_i32_0 : i32, i32
  }
  func.func @transform_9(%arg0: i32) -> (i32, i32) {
    %c0_i32 = arith.constant 0 : i32
    %c0_i32_0 = arith.constant 0 : i32
    %c0_i32_1 = arith.constant 0 : i32
    return %c0_i32, %c0_i32_0 : i32, i32
  }
  func.func @transform_10(%arg0: i32) -> (i32, i32) {
    %c0_i32 = arith.constant 0 : i32
    %c0_i32_0 = arith.constant 0 : i32
    %c0_i32_1 = arith.constant 0 : i32
    return %c0_i32, %c0_i32_0 : i32, i32
  }
  func.func @transform_11(%arg0: i32) -> (i32, i32) {
    %c0_i32 = arith.constant 0 : i32
    %c0_i32_0 = arith.constant 0 : i32
    %c0_i32_1 = arith.constant 0 : i32
    return %c0_i32, %c0_i32_0 : i32, i32
  }
  func.func @transform_12(%arg0: i32) -> (i32, i32) {
    %c0_i32 = arith.constant 0 : i32
    %c0_i32_0 = arith.constant 0 : i32
    %c0_i32_1 = arith.constant 0 : i32
    return %c0_i32, %c0_i32_0 : i32, i32
  }
  func.func @transform_13(%arg0: i32) -> (i32, i32) {
    %c0_i32 = arith.constant 0 : i32
    %c0_i32_0 = arith.constant 0 : i32
    %c0_i32_1 = arith.constant 0 : i32
    return %c0_i32, %c0_i32_0 : i32, i32
  }
  func.func @transform_14(%arg0: i32) -> (i32, i32) {
    %c0_i32 = arith.constant 0 : i32
    %c0_i32_0 = arith.constant 0 : i32
    %c0_i32_1 = arith.constant 0 : i32
    return %c0_i32, %c0_i32_0 : i32, i32
  }
  func.func @transform_15(%arg0: i32) -> (i32, i32) {
    %c0_i32 = arith.constant 0 : i32
    %c0_i32_0 = arith.constant 0 : i32
    %c0_i32_1 = arith.constant 0 : i32
    return %c0_i32, %c0_i32_0 : i32, i32
  }
  func.func @transform_16(%arg0: i32) -> (i32, i32) {
    %c0_i32 = arith.constant 0 : i32
    %c0_i32_0 = arith.constant 0 : i32
    %c0_i32_1 = arith.constant 0 : i32
    return %c0_i32, %c0_i32_0 : i32, i32
  }
  func.func @transform_17(%arg0: i32) -> (i32, i32) {
    %c0_i32 = arith.constant 0 : i32
    %c0_i32_0 = arith.constant 0 : i32
    %c0_i32_1 = arith.constant 0 : i32
    return %c0_i32, %c0_i32_0 : i32, i32
  }
  func.func @transform_18(%arg0: i32) -> (i32, i32) {
    %c0_i32 = arith.constant 0 : i32
    %c0_i32_0 = arith.constant 0 : i32
    %c0_i32_1 = arith.constant 0 : i32
    return %c0_i32, %c0_i32_0 : i32, i32
  }
  func.func @transform_19(%arg0: i32) -> (i32, i32) {
    %c0_i32 = arith.constant 0 : i32
    %c0_i32_0 = arith.constant 0 : i32
    %c0_i32_1 = arith.constant 0 : i32
    return %c0_i32, %c0_i32_0 : i32, i32
  }
  func.func @transform_20(%arg0: i32) -> (i32, i32) {
    %c0_i32 = arith.constant 0 : i32
    %c0_i32_0 = arith.constant 0 : i32
    %c0_i32_1 = arith.constant 0 : i32
    return %c0_i32, %c0_i32_0 : i32, i32
  }
  func.func @transform_21(%arg0: i32) -> (i32, i32) {
    %c0_i32 = arith.constant 0 : i32
    %c0_i32_0 = arith.constant 0 : i32
    return %arg0, %c0_i32 : i32, i32
  }
  func.func @transform_22(%arg0: i32) -> (i32, i32) {
    %c0_i32 = arith.constant 0 : i32
    %c0_i32_0 = arith.constant 0 : i32
    return %arg0, %c0_i32 : i32, i32
  }
}

module attributes {stable_mosaic.version = 14 : i64} {
  func.func @_attn_kernel(%arg0: i32, %arg1: memref<128x128xf32, #tpu.memory_space<vmem>>, %arg2: memref<4096x256xf32, #tpu.memory_space<vmem>>, %arg3: memref<4096x4xf32, #tpu.memory_space<vmem>>, %arg4: memref<128x128xf32, #tpu.memory_space<vmem>>, %arg5: memref<128x128xf32, #tpu.memory_space<vmem>>, %arg6: memref<1x128xf32, #tpu.memory_space<vmem>>, %arg7: memref<1x128xf32, #tpu.memory_space<vmem>>, %arg8: memref<128x512xf32, #tpu.memory_space<vmem>>, %arg9: memref<1x512xf32, #tpu.memory_space<vmem>>, %arg10: memref<512x128xf32, #tpu.memory_space<vmem>>, %arg11: memref<1x128xf32, #tpu.memory_space<vmem>>, %arg12: memref<1x128xf32, #tpu.memory_space<vmem>>, %arg13: memref<1x128xf32, #tpu.memory_space<vmem>>, %arg14: memref<4x128xf32, #tpu.memory_space<vmem>>, %arg15: memref<1x128xf32, #tpu.memory_space<vmem>>, %arg16: memref<128x128xf32, #tpu.memory_space<vmem>>, %arg17: memref<1x128xf32, #tpu.memory_space<vmem>>, %arg18: memref<128x128xf32, #tpu.memory_space<vmem>>, %arg19: memref<128x128xf32, #tpu.memory_space<vmem>>, %arg20: memref<128x8xf32, #tpu.memory_space<vmem>>, %arg21: memref<8x128xf32, #tpu.memory_space<vmem>>, %arg22: memref<128x128xf32, #tpu.memory_space<vmem>>, %arg23: memref<128x256xf32, #tpu.memory_space<vmem>>) attributes {dimension_semantics = [#tpu.dimension_semantics<parallel>], iteration_bounds = array<i64: 32>, scalar_prefetch = 0 : i64, scratch_operands = 0 : i64, tpu.core_type = #tpu.core_type<tc>, window_params = [{transform_indices = @transform_0, window_bounds = array<i64: 128, 128>}, {transform_indices = @transform_1, window_bounds = array<i64: 4096, 256>}, {transform_indices = @transform_2, window_bounds = array<i64: 4096, 4>}, {pipeline_mode = #tpu.pipeline_mode<synchronous>, transform_indices = @transform_3, window_bounds = array<i64: 128, 128>}, {pipeline_mode = #tpu.pipeline_mode<synchronous>, transform_indices = @transform_4, window_bounds = array<i64: 128, 128>}, {pipeline_mode = #tpu.pipeline_mode<synchronous>, transform_indices = @transform_5, window_bounds = array<i64: 1, 128>}, {pipeline_mode = #tpu.pipeline_mode<synchronous>, transform_indices = @transform_6, window_bounds = array<i64: 1, 128>}, {pipeline_mode = #tpu.pipeline_mode<synchronous>, transform_indices = @transform_7, window_bounds = array<i64: 128, 512>}, {pipeline_mode = #tpu.pipeline_mode<synchronous>, transform_indices = @transform_8, window_bounds = array<i64: 1, 512>}, {pipeline_mode = #tpu.pipeline_mode<synchronous>, transform_indices = @transform_9, window_bounds = array<i64: 512, 128>}, {pipeline_mode = #tpu.pipeline_mode<synchronous>, transform_indices = @transform_10, window_bounds = array<i64: 1, 128>}, {pipeline_mode = #tpu.pipeline_mode<synchronous>, transform_indices = @transform_11, window_bounds = array<i64: 1, 128>}, {pipeline_mode = #tpu.pipeline_mode<synchronous>, transform_indices = @transform_12, window_bounds = array<i64: 1, 128>}, {pipeline_mode = #tpu.pipeline_mode<synchronous>, transform_indices = @transform_13, window_bounds = array<i64: 4, 128>}, {pipeline_mode = #tpu.pipeline_mode<synchronous>, transform_indices = @transform_14, window_bounds = array<i64: 1, 128>}, {pipeline_mode = #tpu.pipeline_mode<synchronous>, transform_indices = @transform_15, window_bounds = array<i64: 128, 128>}, {pipeline_mode = #tpu.pipeline_mode<synchronous>, transform_indices = @transform_16, window_bounds = array<i64: 1, 128>}, {pipeline_mode = #tpu.pipeline_mode<synchronous>, transform_indices = @transform_17, window_bounds = array<i64: 128, 128>}, {pipeline_mode = #tpu.pipeline_mode<synchronous>, transform_indices = @transform_18, window_bounds = array<i64: 128, 128>}, {pipeline_mode = #tpu.pipeline_mode<synchronous>, transform_indices = @transform_19, window_bounds = array<i64: 128, 8>}, {pipeline_mode = #tpu.pipeline_mode<synchronous>, transform_indices = @transform_20, window_bounds = array<i64: 8, 128>}, {transform_indices = @transform_21, window_bounds = array<i64: 128, 128>}, {transform_indices = @transform_22, window_bounds = array<i64: 128, 256>}]} {
    %get3A = arith.constant 0 : index
    %get3A_0 = arith.constant 0 : index
    %get3A_1 = vector.load %arg1[%get3A, %get3A_0] : memref<128x128xf32, #tpu.memory_space<vmem>>, vector<128x128xf32>
    %get3A_2 = arith.constant 0 : index
    %get3A_3 = arith.constant 0 : index
    %get3A_4 = vector.load %arg4[%get3A_2, %get3A_3] : memref<128x128xf32, #tpu.memory_space<vmem>>, vector<128x128xf32>
    %dot_general3A = arith.constant dense<0.000000e+00> : vector<128x128xf32>
    %dot_general3A_5 = tpu.matmul %get3A_1, %get3A_4, %dot_general3A {dimension_numbers = #tpu.dot_dimension_numbers<[1], [0], [0], [1], [0, 0, 1, 1], [], []>, transpose_lhs_hint = false} : vector<128x128xf32>, vector<128x128xf32>, vector<128x128xf32> -> vector<128x128xf32>
    %get3A_6 = arith.constant 0 : index
    %get3A_7 = arith.constant 0 : index
    %get3A_8 = vector.load %arg3[%get3A_6, %get3A_7] : memref<4096x4xf32, #tpu.memory_space<vmem>>, vector<4096x4xf32>
    %get3A_9 = arith.constant 0 : index
    %get3A_10 = arith.constant 0 : index
    %get3A_11 = vector.load %arg14[%get3A_9, %get3A_10] : memref<4x128xf32, #tpu.memory_space<vmem>>, vector<4x128xf32>
    %dot_general3A_12 = arith.constant dense<0.000000e+00> : vector<4096x128xf32>
    %dot_general3A_13 = tpu.matmul %get3A_8, %get3A_11, %dot_general3A_12 {dimension_numbers = #tpu.dot_dimension_numbers<[1], [0], [0], [1], [0, 0, 1, 1], [], []>, transpose_lhs_hint = false} : vector<4096x4xf32>, vector<4x128xf32>, vector<4096x128xf32> -> vector<4096x128xf32>
    %get3A_14 = arith.constant 0 : index
    %get3A_15 = arith.constant 0 : index
    %get3A_16 = vector.load %arg15[%get3A_14, %get3A_15] : memref<1x128xf32, #tpu.memory_space<vmem>>, vector<1x128xf32>
    %add3A = vector.broadcast %get3A_16 : vector<1x128xf32> to vector<4096x128xf32>
    %add3A_17 = arith.addf %dot_general3A_13, %add3A : vector<4096x128xf32>
    %max3A = arith.constant 0.000000e+00 : f32
    %max3A_18 = vector.broadcast %max3A : f32 to vector<4096x128xf32>
    %max3A_19 = arith.maximumf %add3A_17, %max3A_18 : vector<4096x128xf32>
    %get3A_20 = arith.constant 0 : index
    %get3A_21 = arith.constant 0 : index
    %get3A_22 = vector.load %arg16[%get3A_20, %get3A_21] : memref<128x128xf32, #tpu.memory_space<vmem>>, vector<128x128xf32>
    %dot_general3A_23 = arith.constant dense<0.000000e+00> : vector<4096x128xf32>
    %dot_general3A_24 = tpu.matmul %max3A_19, %get3A_22, %dot_general3A_23 {dimension_numbers = #tpu.dot_dimension_numbers<[1], [0], [0], [1], [0, 0, 1, 1], [], []>, transpose_lhs_hint = false} : vector<4096x128xf32>, vector<128x128xf32>, vector<4096x128xf32> -> vector<4096x128xf32>
    %get3A_25 = arith.constant 0 : index
    %get3A_26 = arith.constant 0 : index
    %get3A_27 = vector.load %arg17[%get3A_25, %get3A_26] : memref<1x128xf32, #tpu.memory_space<vmem>>, vector<1x128xf32>
    %add3A_28 = vector.broadcast %get3A_27 : vector<1x128xf32> to vector<4096x128xf32>
    %add3A_29 = arith.addf %dot_general3A_24, %add3A_28 : vector<4096x128xf32>
    %get3A_30 = arith.constant 0 : index
    %get3A_31 = arith.constant 0 : index
    %get3A_32 = vector.load %arg20[%get3A_30, %get3A_31] : memref<128x8xf32, #tpu.memory_space<vmem>>, vector<128x8xf32>
    %get3A_33 = arith.constant 0 : index
    %get3A_34 = arith.constant 0 : index
    %get3A_35 = vector.load %arg21[%get3A_33, %get3A_34] : memref<8x128xf32, #tpu.memory_space<vmem>>, vector<8x128xf32>
    %get3A_36 = arith.constant 0 : index
    %get3A_37 = arith.constant 0 : index
    %get3A_38 = vector.load %arg2[%get3A_36, %get3A_37] : memref<4096x256xf32, #tpu.memory_space<vmem>>, vector<4096x256xf32>
    %slice3A = vector.extract_strided_slice %get3A_38 {offsets = [0, 0], sizes = [128, 128], strides = [1, 1]} : vector<4096x256xf32> to vector<128x128xf32>
    %slice3A_39 = vector.extract_strided_slice %add3A_29 {offsets = [0, 0], sizes = [128, 128], strides = [1, 1]} : vector<4096x128xf32> to vector<128x128xf32>
    %add3A_40 = arith.addf %slice3A, %slice3A_39 : vector<128x128xf32>
    %mul3A = arith.mulf %add3A_40, %dot_general3A_5 : vector<128x128xf32>
    %dot_general3A_41 = arith.constant dense<0.000000e+00> : vector<128x8xf32>
    %dot_general3A_42 = tpu.matmul %mul3A, %get3A_32, %dot_general3A_41 {dimension_numbers = #tpu.dot_dimension_numbers<[1], [0], [0], [1], [0, 0, 1, 1], [], []>, transpose_lhs_hint = false} : vector<128x128xf32>, vector<128x8xf32>, vector<128x8xf32> -> vector<128x8xf32>
    %mul3A_43 = arith.constant 2.500000e-01 : f32
    %mul3A_44 = vector.broadcast %mul3A_43 : f32 to vector<128x8xf32>
    %mul3A_45 = arith.mulf %dot_general3A_42, %mul3A_44 : vector<128x8xf32>
    %slice3A_46 = vector.extract_strided_slice %get3A_8 {offsets = [0, 3], sizes = [128, 1], strides = [1, 1]} : vector<4096x4xf32> to vector<128x1xf32>
    %lt3A = arith.constant 5.000000e+01 : f32
    %lt3A_47 = vector.broadcast %lt3A : f32 to vector<128x1xf32>
    %lt3A_48 = arith.cmpf olt, %slice3A_46, %lt3A_47 : vector<128x1xf32>
    %jit3A = arith.constant -1.000000e+09 : f32
    %broadcast_in_dim3A = vector.shape_cast %lt3A_48 : vector<128x1xi1> to vector<128x1xi1>
    %broadcast_in_dim3A_49 = vector.broadcast %broadcast_in_dim3A : vector<128x1xi1> to vector<128x8xi1>
    %broadcast_in_dim3A_50 = vector.broadcast %jit3A : f32 to vector<128x8xf32>
    %select_n3A = arith.select %broadcast_in_dim3A_49, %mul3A_45, %broadcast_in_dim3A_50 : vector<128x8xi1>, vector<128x8xf32>
    %slice3A_51 = vector.extract_strided_slice %get3A_38 {offsets = [128, 0], sizes = [128, 128], strides = [1, 1]} : vector<4096x256xf32> to vector<128x128xf32>
    %slice3A_52 = vector.extract_strided_slice %add3A_29 {offsets = [128, 0], sizes = [128, 128], strides = [1, 1]} : vector<4096x128xf32> to vector<128x128xf32>
    %add3A_53 = arith.addf %slice3A_51, %slice3A_52 : vector<128x128xf32>
    %mul3A_54 = arith.mulf %add3A_53, %dot_general3A_5 : vector<128x128xf32>
    %dot_general3A_55 = arith.constant dense<0.000000e+00> : vector<128x8xf32>
    %dot_general3A_56 = tpu.matmul %mul3A_54, %get3A_32, %dot_general3A_55 {dimension_numbers = #tpu.dot_dimension_numbers<[1], [0], [0], [1], [0, 0, 1, 1], [], []>, transpose_lhs_hint = false} : vector<128x128xf32>, vector<128x8xf32>, vector<128x8xf32> -> vector<128x8xf32>
    %mul3A_57 = arith.constant 2.500000e-01 : f32
    %mul3A_58 = vector.broadcast %mul3A_57 : f32 to vector<128x8xf32>
    %mul3A_59 = arith.mulf %dot_general3A_56, %mul3A_58 : vector<128x8xf32>
    %slice3A_60 = vector.extract_strided_slice %get3A_8 {offsets = [128, 3], sizes = [128, 1], strides = [1, 1]} : vector<4096x4xf32> to vector<128x1xf32>
    %lt3A_61 = arith.constant 5.000000e+01 : f32
    %lt3A_62 = vector.broadcast %lt3A_61 : f32 to vector<128x1xf32>
    %lt3A_63 = arith.cmpf olt, %slice3A_60, %lt3A_62 : vector<128x1xf32>
    %jit3A_64 = arith.constant -1.000000e+09 : f32
    %broadcast_in_dim3A_65 = vector.shape_cast %lt3A_63 : vector<128x1xi1> to vector<128x1xi1>
    %broadcast_in_dim3A_66 = vector.broadcast %broadcast_in_dim3A_65 : vector<128x1xi1> to vector<128x8xi1>
    %broadcast_in_dim3A_67 = vector.broadcast %jit3A_64 : f32 to vector<128x8xf32>
    %select_n3A_68 = arith.select %broadcast_in_dim3A_66, %mul3A_59, %broadcast_in_dim3A_67 : vector<128x8xi1>, vector<128x8xf32>
    %max3A_69 = arith.maximumf %select_n3A, %select_n3A_68 : vector<128x8xf32>
    %slice3A_70 = vector.extract_strided_slice %get3A_38 {offsets = [256, 0], sizes = [128, 128], strides = [1, 1]} : vector<4096x256xf32> to vector<128x128xf32>
    %slice3A_71 = vector.extract_strided_slice %add3A_29 {offsets = [256, 0], sizes = [128, 128], strides = [1, 1]} : vector<4096x128xf32> to vector<128x128xf32>
    %add3A_72 = arith.addf %slice3A_70, %slice3A_71 : vector<128x128xf32>
    %mul3A_73 = arith.mulf %add3A_72, %dot_general3A_5 : vector<128x128xf32>
    %dot_general3A_74 = arith.constant dense<0.000000e+00> : vector<128x8xf32>
    %dot_general3A_75 = tpu.matmul %mul3A_73, %get3A_32, %dot_general3A_74 {dimension_numbers = #tpu.dot_dimension_numbers<[1], [0], [0], [1], [0, 0, 1, 1], [], []>, transpose_lhs_hint = false} : vector<128x128xf32>, vector<128x8xf32>, vector<128x8xf32> -> vector<128x8xf32>
    %mul3A_76 = arith.constant 2.500000e-01 : f32
    %mul3A_77 = vector.broadcast %mul3A_76 : f32 to vector<128x8xf32>
    %mul3A_78 = arith.mulf %dot_general3A_75, %mul3A_77 : vector<128x8xf32>
    %slice3A_79 = vector.extract_strided_slice %get3A_8 {offsets = [256, 3], sizes = [128, 1], strides = [1, 1]} : vector<4096x4xf32> to vector<128x1xf32>
    %lt3A_80 = arith.constant 5.000000e+01 : f32
    %lt3A_81 = vector.broadcast %lt3A_80 : f32 to vector<128x1xf32>
    %lt3A_82 = arith.cmpf olt, %slice3A_79, %lt3A_81 : vector<128x1xf32>
    %jit3A_83 = arith.constant -1.000000e+09 : f32
    %broadcast_in_dim3A_84 = vector.shape_cast %lt3A_82 : vector<128x1xi1> to vector<128x1xi1>
    %broadcast_in_dim3A_85 = vector.broadcast %broadcast_in_dim3A_84 : vector<128x1xi1> to vector<128x8xi1>
    %broadcast_in_dim3A_86 = vector.broadcast %jit3A_83 : f32 to vector<128x8xf32>
    %select_n3A_87 = arith.select %broadcast_in_dim3A_85, %mul3A_78, %broadcast_in_dim3A_86 : vector<128x8xi1>, vector<128x8xf32>
    %max3A_88 = arith.maximumf %max3A_69, %select_n3A_87 : vector<128x8xf32>
    %slice3A_89 = vector.extract_strided_slice %get3A_38 {offsets = [384, 0], sizes = [128, 128], strides = [1, 1]} : vector<4096x256xf32> to vector<128x128xf32>
    %slice3A_90 = vector.extract_strided_slice %add3A_29 {offsets = [384, 0], sizes = [128, 128], strides = [1, 1]} : vector<4096x128xf32> to vector<128x128xf32>
    %add3A_91 = arith.addf %slice3A_89, %slice3A_90 : vector<128x128xf32>
    %mul3A_92 = arith.mulf %add3A_91, %dot_general3A_5 : vector<128x128xf32>
    %dot_general3A_93 = arith.constant dense<0.000000e+00> : vector<128x8xf32>
    %dot_general3A_94 = tpu.matmul %mul3A_92, %get3A_32, %dot_general3A_93 {dimension_numbers = #tpu.dot_dimension_numbers<[1], [0], [0], [1], [0, 0, 1, 1], [], []>, transpose_lhs_hint = false} : vector<128x128xf32>, vector<128x8xf32>, vector<128x8xf32> -> vector<128x8xf32>
    %mul3A_95 = arith.constant 2.500000e-01 : f32
    %mul3A_96 = vector.broadcast %mul3A_95 : f32 to vector<128x8xf32>
    %mul3A_97 = arith.mulf %dot_general3A_94, %mul3A_96 : vector<128x8xf32>
    %slice3A_98 = vector.extract_strided_slice %get3A_8 {offsets = [384, 3], sizes = [128, 1], strides = [1, 1]} : vector<4096x4xf32> to vector<128x1xf32>
    %lt3A_99 = arith.constant 5.000000e+01 : f32
    %lt3A_100 = vector.broadcast %lt3A_99 : f32 to vector<128x1xf32>
    %lt3A_101 = arith.cmpf olt, %slice3A_98, %lt3A_100 : vector<128x1xf32>
    %jit3A_102 = arith.constant -1.000000e+09 : f32
    %broadcast_in_dim3A_103 = vector.shape_cast %lt3A_101 : vector<128x1xi1> to vector<128x1xi1>
    %broadcast_in_dim3A_104 = vector.broadcast %broadcast_in_dim3A_103 : vector<128x1xi1> to vector<128x8xi1>
    %broadcast_in_dim3A_105 = vector.broadcast %jit3A_102 : f32 to vector<128x8xf32>
    %select_n3A_106 = arith.select %broadcast_in_dim3A_104, %mul3A_97, %broadcast_in_dim3A_105 : vector<128x8xi1>, vector<128x8xf32>
    %max3A_107 = arith.maximumf %max3A_88, %select_n3A_106 : vector<128x8xf32>
    %slice3A_108 = vector.extract_strided_slice %get3A_38 {offsets = [512, 0], sizes = [128, 128], strides = [1, 1]} : vector<4096x256xf32> to vector<128x128xf32>
    %slice3A_109 = vector.extract_strided_slice %add3A_29 {offsets = [512, 0], sizes = [128, 128], strides = [1, 1]} : vector<4096x128xf32> to vector<128x128xf32>
    %add3A_110 = arith.addf %slice3A_108, %slice3A_109 : vector<128x128xf32>
    %mul3A_111 = arith.mulf %add3A_110, %dot_general3A_5 : vector<128x128xf32>
    %dot_general3A_112 = arith.constant dense<0.000000e+00> : vector<128x8xf32>
    %dot_general3A_113 = tpu.matmul %mul3A_111, %get3A_32, %dot_general3A_112 {dimension_numbers = #tpu.dot_dimension_numbers<[1], [0], [0], [1], [0, 0, 1, 1], [], []>, transpose_lhs_hint = false} : vector<128x128xf32>, vector<128x8xf32>, vector<128x8xf32> -> vector<128x8xf32>
    %mul3A_114 = arith.constant 2.500000e-01 : f32
    %mul3A_115 = vector.broadcast %mul3A_114 : f32 to vector<128x8xf32>
    %mul3A_116 = arith.mulf %dot_general3A_113, %mul3A_115 : vector<128x8xf32>
    %slice3A_117 = vector.extract_strided_slice %get3A_8 {offsets = [512, 3], sizes = [128, 1], strides = [1, 1]} : vector<4096x4xf32> to vector<128x1xf32>
    %lt3A_118 = arith.constant 5.000000e+01 : f32
    %lt3A_119 = vector.broadcast %lt3A_118 : f32 to vector<128x1xf32>
    %lt3A_120 = arith.cmpf olt, %slice3A_117, %lt3A_119 : vector<128x1xf32>
    %jit3A_121 = arith.constant -1.000000e+09 : f32
    %broadcast_in_dim3A_122 = vector.shape_cast %lt3A_120 : vector<128x1xi1> to vector<128x1xi1>
    %broadcast_in_dim3A_123 = vector.broadcast %broadcast_in_dim3A_122 : vector<128x1xi1> to vector<128x8xi1>
    %broadcast_in_dim3A_124 = vector.broadcast %jit3A_121 : f32 to vector<128x8xf32>
    %select_n3A_125 = arith.select %broadcast_in_dim3A_123, %mul3A_116, %broadcast_in_dim3A_124 : vector<128x8xi1>, vector<128x8xf32>
    %max3A_126 = arith.maximumf %max3A_107, %select_n3A_125 : vector<128x8xf32>
    %slice3A_127 = vector.extract_strided_slice %get3A_38 {offsets = [640, 0], sizes = [128, 128], strides = [1, 1]} : vector<4096x256xf32> to vector<128x128xf32>
    %slice3A_128 = vector.extract_strided_slice %add3A_29 {offsets = [640, 0], sizes = [128, 128], strides = [1, 1]} : vector<4096x128xf32> to vector<128x128xf32>
    %add3A_129 = arith.addf %slice3A_127, %slice3A_128 : vector<128x128xf32>
    %mul3A_130 = arith.mulf %add3A_129, %dot_general3A_5 : vector<128x128xf32>
    %dot_general3A_131 = arith.constant dense<0.000000e+00> : vector<128x8xf32>
    %dot_general3A_132 = tpu.matmul %mul3A_130, %get3A_32, %dot_general3A_131 {dimension_numbers = #tpu.dot_dimension_numbers<[1], [0], [0], [1], [0, 0, 1, 1], [], []>, transpose_lhs_hint = false} : vector<128x128xf32>, vector<128x8xf32>, vector<128x8xf32> -> vector<128x8xf32>
    %mul3A_133 = arith.constant 2.500000e-01 : f32
    %mul3A_134 = vector.broadcast %mul3A_133 : f32 to vector<128x8xf32>
    %mul3A_135 = arith.mulf %dot_general3A_132, %mul3A_134 : vector<128x8xf32>
    %slice3A_136 = vector.extract_strided_slice %get3A_8 {offsets = [640, 3], sizes = [128, 1], strides = [1, 1]} : vector<4096x4xf32> to vector<128x1xf32>
    %lt3A_137 = arith.constant 5.000000e+01 : f32
    %lt3A_138 = vector.broadcast %lt3A_137 : f32 to vector<128x1xf32>
    %lt3A_139 = arith.cmpf olt, %slice3A_136, %lt3A_138 : vector<128x1xf32>
    %jit3A_140 = arith.constant -1.000000e+09 : f32
    %broadcast_in_dim3A_141 = vector.shape_cast %lt3A_139 : vector<128x1xi1> to vector<128x1xi1>
    %broadcast_in_dim3A_142 = vector.broadcast %broadcast_in_dim3A_141 : vector<128x1xi1> to vector<128x8xi1>
    %broadcast_in_dim3A_143 = vector.broadcast %jit3A_140 : f32 to vector<128x8xf32>
    %select_n3A_144 = arith.select %broadcast_in_dim3A_142, %mul3A_135, %broadcast_in_dim3A_143 : vector<128x8xi1>, vector<128x8xf32>
    %max3A_145 = arith.maximumf %max3A_126, %select_n3A_144 : vector<128x8xf32>
    %slice3A_146 = vector.extract_strided_slice %get3A_38 {offsets = [768, 0], sizes = [128, 128], strides = [1, 1]} : vector<4096x256xf32> to vector<128x128xf32>
    %slice3A_147 = vector.extract_strided_slice %add3A_29 {offsets = [768, 0], sizes = [128, 128], strides = [1, 1]} : vector<4096x128xf32> to vector<128x128xf32>
    %add3A_148 = arith.addf %slice3A_146, %slice3A_147 : vector<128x128xf32>
    %mul3A_149 = arith.mulf %add3A_148, %dot_general3A_5 : vector<128x128xf32>
    %dot_general3A_150 = arith.constant dense<0.000000e+00> : vector<128x8xf32>
    %dot_general3A_151 = tpu.matmul %mul3A_149, %get3A_32, %dot_general3A_150 {dimension_numbers = #tpu.dot_dimension_numbers<[1], [0], [0], [1], [0, 0, 1, 1], [], []>, transpose_lhs_hint = false} : vector<128x128xf32>, vector<128x8xf32>, vector<128x8xf32> -> vector<128x8xf32>
    %mul3A_152 = arith.constant 2.500000e-01 : f32
    %mul3A_153 = vector.broadcast %mul3A_152 : f32 to vector<128x8xf32>
    %mul3A_154 = arith.mulf %dot_general3A_151, %mul3A_153 : vector<128x8xf32>
    %slice3A_155 = vector.extract_strided_slice %get3A_8 {offsets = [768, 3], sizes = [128, 1], strides = [1, 1]} : vector<4096x4xf32> to vector<128x1xf32>
    %lt3A_156 = arith.constant 5.000000e+01 : f32
    %lt3A_157 = vector.broadcast %lt3A_156 : f32 to vector<128x1xf32>
    %lt3A_158 = arith.cmpf olt, %slice3A_155, %lt3A_157 : vector<128x1xf32>
    %jit3A_159 = arith.constant -1.000000e+09 : f32
    %broadcast_in_dim3A_160 = vector.shape_cast %lt3A_158 : vector<128x1xi1> to vector<128x1xi1>
    %broadcast_in_dim3A_161 = vector.broadcast %broadcast_in_dim3A_160 : vector<128x1xi1> to vector<128x8xi1>
    %broadcast_in_dim3A_162 = vector.broadcast %jit3A_159 : f32 to vector<128x8xf32>
    %select_n3A_163 = arith.select %broadcast_in_dim3A_161, %mul3A_154, %broadcast_in_dim3A_162 : vector<128x8xi1>, vector<128x8xf32>
    %max3A_164 = arith.maximumf %max3A_145, %select_n3A_163 : vector<128x8xf32>
    %slice3A_165 = vector.extract_strided_slice %get3A_38 {offsets = [896, 0], sizes = [128, 128], strides = [1, 1]} : vector<4096x256xf32> to vector<128x128xf32>
    %slice3A_166 = vector.extract_strided_slice %add3A_29 {offsets = [896, 0], sizes = [128, 128], strides = [1, 1]} : vector<4096x128xf32> to vector<128x128xf32>
    %add3A_167 = arith.addf %slice3A_165, %slice3A_166 : vector<128x128xf32>
    %mul3A_168 = arith.mulf %add3A_167, %dot_general3A_5 : vector<128x128xf32>
    %dot_general3A_169 = arith.constant dense<0.000000e+00> : vector<128x8xf32>
    %dot_general3A_170 = tpu.matmul %mul3A_168, %get3A_32, %dot_general3A_169 {dimension_numbers = #tpu.dot_dimension_numbers<[1], [0], [0], [1], [0, 0, 1, 1], [], []>, transpose_lhs_hint = false} : vector<128x128xf32>, vector<128x8xf32>, vector<128x8xf32> -> vector<128x8xf32>
    %mul3A_171 = arith.constant 2.500000e-01 : f32
    %mul3A_172 = vector.broadcast %mul3A_171 : f32 to vector<128x8xf32>
    %mul3A_173 = arith.mulf %dot_general3A_170, %mul3A_172 : vector<128x8xf32>
    %slice3A_174 = vector.extract_strided_slice %get3A_8 {offsets = [896, 3], sizes = [128, 1], strides = [1, 1]} : vector<4096x4xf32> to vector<128x1xf32>
    %lt3A_175 = arith.constant 5.000000e+01 : f32
    %lt3A_176 = vector.broadcast %lt3A_175 : f32 to vector<128x1xf32>
    %lt3A_177 = arith.cmpf olt, %slice3A_174, %lt3A_176 : vector<128x1xf32>
    %jit3A_178 = arith.constant -1.000000e+09 : f32
    %broadcast_in_dim3A_179 = vector.shape_cast %lt3A_177 : vector<128x1xi1> to vector<128x1xi1>
    %broadcast_in_dim3A_180 = vector.broadcast %broadcast_in_dim3A_179 : vector<128x1xi1> to vector<128x8xi1>
    %broadcast_in_dim3A_181 = vector.broadcast %jit3A_178 : f32 to vector<128x8xf32>
    %select_n3A_182 = arith.select %broadcast_in_dim3A_180, %mul3A_173, %broadcast_in_dim3A_181 : vector<128x8xi1>, vector<128x8xf32>
    %max3A_183 = arith.maximumf %max3A_164, %select_n3A_182 : vector<128x8xf32>
    %slice3A_184 = vector.extract_strided_slice %get3A_38 {offsets = [1024, 0], sizes = [128, 128], strides = [1, 1]} : vector<4096x256xf32> to vector<128x128xf32>
    %slice3A_185 = vector.extract_strided_slice %add3A_29 {offsets = [1024, 0], sizes = [128, 128], strides = [1, 1]} : vector<4096x128xf32> to vector<128x128xf32>
    %add3A_186 = arith.addf %slice3A_184, %slice3A_185 : vector<128x128xf32>
    %mul3A_187 = arith.mulf %add3A_186, %dot_general3A_5 : vector<128x128xf32>
    %dot_general3A_188 = arith.constant dense<0.000000e+00> : vector<128x8xf32>
    %dot_general3A_189 = tpu.matmul %mul3A_187, %get3A_32, %dot_general3A_188 {dimension_numbers = #tpu.dot_dimension_numbers<[1], [0], [0], [1], [0, 0, 1, 1], [], []>, transpose_lhs_hint = false} : vector<128x128xf32>, vector<128x8xf32>, vector<128x8xf32> -> vector<128x8xf32>
    %mul3A_190 = arith.constant 2.500000e-01 : f32
    %mul3A_191 = vector.broadcast %mul3A_190 : f32 to vector<128x8xf32>
    %mul3A_192 = arith.mulf %dot_general3A_189, %mul3A_191 : vector<128x8xf32>
    %slice3A_193 = vector.extract_strided_slice %get3A_8 {offsets = [1024, 3], sizes = [128, 1], strides = [1, 1]} : vector<4096x4xf32> to vector<128x1xf32>
    %lt3A_194 = arith.constant 5.000000e+01 : f32
    %lt3A_195 = vector.broadcast %lt3A_194 : f32 to vector<128x1xf32>
    %lt3A_196 = arith.cmpf olt, %slice3A_193, %lt3A_195 : vector<128x1xf32>
    %jit3A_197 = arith.constant -1.000000e+09 : f32
    %broadcast_in_dim3A_198 = vector.shape_cast %lt3A_196 : vector<128x1xi1> to vector<128x1xi1>
    %broadcast_in_dim3A_199 = vector.broadcast %broadcast_in_dim3A_198 : vector<128x1xi1> to vector<128x8xi1>
    %broadcast_in_dim3A_200 = vector.broadcast %jit3A_197 : f32 to vector<128x8xf32>
    %select_n3A_201 = arith.select %broadcast_in_dim3A_199, %mul3A_192, %broadcast_in_dim3A_200 : vector<128x8xi1>, vector<128x8xf32>
    %max3A_202 = arith.maximumf %max3A_183, %select_n3A_201 : vector<128x8xf32>
    %slice3A_203 = vector.extract_strided_slice %get3A_38 {offsets = [1152, 0], sizes = [128, 128], strides = [1, 1]} : vector<4096x256xf32> to vector<128x128xf32>
    %slice3A_204 = vector.extract_strided_slice %add3A_29 {offsets = [1152, 0], sizes = [128, 128], strides = [1, 1]} : vector<4096x128xf32> to vector<128x128xf32>
    %add3A_205 = arith.addf %slice3A_203, %slice3A_204 : vector<128x128xf32>
    %mul3A_206 = arith.mulf %add3A_205, %dot_general3A_5 : vector<128x128xf32>
    %dot_general3A_207 = arith.constant dense<0.000000e+00> : vector<128x8xf32>
    %dot_general3A_208 = tpu.matmul %mul3A_206, %get3A_32, %dot_general3A_207 {dimension_numbers = #tpu.dot_dimension_numbers<[1], [0], [0], [1], [0, 0, 1, 1], [], []>, transpose_lhs_hint = false} : vector<128x128xf32>, vector<128x8xf32>, vector<128x8xf32> -> vector<128x8xf32>
    %mul3A_209 = arith.constant 2.500000e-01 : f32
    %mul3A_210 = vector.broadcast %mul3A_209 : f32 to vector<128x8xf32>
    %mul3A_211 = arith.mulf %dot_general3A_208, %mul3A_210 : vector<128x8xf32>
    %slice3A_212 = vector.extract_strided_slice %get3A_8 {offsets = [1152, 3], sizes = [128, 1], strides = [1, 1]} : vector<4096x4xf32> to vector<128x1xf32>
    %lt3A_213 = arith.constant 5.000000e+01 : f32
    %lt3A_214 = vector.broadcast %lt3A_213 : f32 to vector<128x1xf32>
    %lt3A_215 = arith.cmpf olt, %slice3A_212, %lt3A_214 : vector<128x1xf32>
    %jit3A_216 = arith.constant -1.000000e+09 : f32
    %broadcast_in_dim3A_217 = vector.shape_cast %lt3A_215 : vector<128x1xi1> to vector<128x1xi1>
    %broadcast_in_dim3A_218 = vector.broadcast %broadcast_in_dim3A_217 : vector<128x1xi1> to vector<128x8xi1>
    %broadcast_in_dim3A_219 = vector.broadcast %jit3A_216 : f32 to vector<128x8xf32>
    %select_n3A_220 = arith.select %broadcast_in_dim3A_218, %mul3A_211, %broadcast_in_dim3A_219 : vector<128x8xi1>, vector<128x8xf32>
    %max3A_221 = arith.maximumf %max3A_202, %select_n3A_220 : vector<128x8xf32>
    %slice3A_222 = vector.extract_strided_slice %get3A_38 {offsets = [1280, 0], sizes = [128, 128], strides = [1, 1]} : vector<4096x256xf32> to vector<128x128xf32>
    %slice3A_223 = vector.extract_strided_slice %add3A_29 {offsets = [1280, 0], sizes = [128, 128], strides = [1, 1]} : vector<4096x128xf32> to vector<128x128xf32>
    %add3A_224 = arith.addf %slice3A_222, %slice3A_223 : vector<128x128xf32>
    %mul3A_225 = arith.mulf %add3A_224, %dot_general3A_5 : vector<128x128xf32>
    %dot_general3A_226 = arith.constant dense<0.000000e+00> : vector<128x8xf32>
    %dot_general3A_227 = tpu.matmul %mul3A_225, %get3A_32, %dot_general3A_226 {dimension_numbers = #tpu.dot_dimension_numbers<[1], [0], [0], [1], [0, 0, 1, 1], [], []>, transpose_lhs_hint = false} : vector<128x128xf32>, vector<128x8xf32>, vector<128x8xf32> -> vector<128x8xf32>
    %mul3A_228 = arith.constant 2.500000e-01 : f32
    %mul3A_229 = vector.broadcast %mul3A_228 : f32 to vector<128x8xf32>
    %mul3A_230 = arith.mulf %dot_general3A_227, %mul3A_229 : vector<128x8xf32>
    %slice3A_231 = vector.extract_strided_slice %get3A_8 {offsets = [1280, 3], sizes = [128, 1], strides = [1, 1]} : vector<4096x4xf32> to vector<128x1xf32>
    %lt3A_232 = arith.constant 5.000000e+01 : f32
    %lt3A_233 = vector.broadcast %lt3A_232 : f32 to vector<128x1xf32>
    %lt3A_234 = arith.cmpf olt, %slice3A_231, %lt3A_233 : vector<128x1xf32>
    %jit3A_235 = arith.constant -1.000000e+09 : f32
    %broadcast_in_dim3A_236 = vector.shape_cast %lt3A_234 : vector<128x1xi1> to vector<128x1xi1>
    %broadcast_in_dim3A_237 = vector.broadcast %broadcast_in_dim3A_236 : vector<128x1xi1> to vector<128x8xi1>
    %broadcast_in_dim3A_238 = vector.broadcast %jit3A_235 : f32 to vector<128x8xf32>
    %select_n3A_239 = arith.select %broadcast_in_dim3A_237, %mul3A_230, %broadcast_in_dim3A_238 : vector<128x8xi1>, vector<128x8xf32>
    %max3A_240 = arith.maximumf %max3A_221, %select_n3A_239 : vector<128x8xf32>
    %slice3A_241 = vector.extract_strided_slice %get3A_38 {offsets = [1408, 0], sizes = [128, 128], strides = [1, 1]} : vector<4096x256xf32> to vector<128x128xf32>
    %slice3A_242 = vector.extract_strided_slice %add3A_29 {offsets = [1408, 0], sizes = [128, 128], strides = [1, 1]} : vector<4096x128xf32> to vector<128x128xf32>
    %add3A_243 = arith.addf %slice3A_241, %slice3A_242 : vector<128x128xf32>
    %mul3A_244 = arith.mulf %add3A_243, %dot_general3A_5 : vector<128x128xf32>
    %dot_general3A_245 = arith.constant dense<0.000000e+00> : vector<128x8xf32>
    %dot_general3A_246 = tpu.matmul %mul3A_244, %get3A_32, %dot_general3A_245 {dimension_numbers = #tpu.dot_dimension_numbers<[1], [0], [0], [1], [0, 0, 1, 1], [], []>, transpose_lhs_hint = false} : vector<128x128xf32>, vector<128x8xf32>, vector<128x8xf32> -> vector<128x8xf32>
    %mul3A_247 = arith.constant 2.500000e-01 : f32
    %mul3A_248 = vector.broadcast %mul3A_247 : f32 to vector<128x8xf32>
    %mul3A_249 = arith.mulf %dot_general3A_246, %mul3A_248 : vector<128x8xf32>
    %slice3A_250 = vector.extract_strided_slice %get3A_8 {offsets = [1408, 3], sizes = [128, 1], strides = [1, 1]} : vector<4096x4xf32> to vector<128x1xf32>
    %lt3A_251 = arith.constant 5.000000e+01 : f32
    %lt3A_252 = vector.broadcast %lt3A_251 : f32 to vector<128x1xf32>
    %lt3A_253 = arith.cmpf olt, %slice3A_250, %lt3A_252 : vector<128x1xf32>
    %jit3A_254 = arith.constant -1.000000e+09 : f32
    %broadcast_in_dim3A_255 = vector.shape_cast %lt3A_253 : vector<128x1xi1> to vector<128x1xi1>
    %broadcast_in_dim3A_256 = vector.broadcast %broadcast_in_dim3A_255 : vector<128x1xi1> to vector<128x8xi1>
    %broadcast_in_dim3A_257 = vector.broadcast %jit3A_254 : f32 to vector<128x8xf32>
    %select_n3A_258 = arith.select %broadcast_in_dim3A_256, %mul3A_249, %broadcast_in_dim3A_257 : vector<128x8xi1>, vector<128x8xf32>
    %max3A_259 = arith.maximumf %max3A_240, %select_n3A_258 : vector<128x8xf32>
    %slice3A_260 = vector.extract_strided_slice %get3A_38 {offsets = [1536, 0], sizes = [128, 128], strides = [1, 1]} : vector<4096x256xf32> to vector<128x128xf32>
    %slice3A_261 = vector.extract_strided_slice %add3A_29 {offsets = [1536, 0], sizes = [128, 128], strides = [1, 1]} : vector<4096x128xf32> to vector<128x128xf32>
    %add3A_262 = arith.addf %slice3A_260, %slice3A_261 : vector<128x128xf32>
    %mul3A_263 = arith.mulf %add3A_262, %dot_general3A_5 : vector<128x128xf32>
    %dot_general3A_264 = arith.constant dense<0.000000e+00> : vector<128x8xf32>
    %dot_general3A_265 = tpu.matmul %mul3A_263, %get3A_32, %dot_general3A_264 {dimension_numbers = #tpu.dot_dimension_numbers<[1], [0], [0], [1], [0, 0, 1, 1], [], []>, transpose_lhs_hint = false} : vector<128x128xf32>, vector<128x8xf32>, vector<128x8xf32> -> vector<128x8xf32>
    %mul3A_266 = arith.constant 2.500000e-01 : f32
    %mul3A_267 = vector.broadcast %mul3A_266 : f32 to vector<128x8xf32>
    %mul3A_268 = arith.mulf %dot_general3A_265, %mul3A_267 : vector<128x8xf32>
    %slice3A_269 = vector.extract_strided_slice %get3A_8 {offsets = [1536, 3], sizes = [128, 1], strides = [1, 1]} : vector<4096x4xf32> to vector<128x1xf32>
    %lt3A_270 = arith.constant 5.000000e+01 : f32
    %lt3A_271 = vector.broadcast %lt3A_270 : f32 to vector<128x1xf32>
    %lt3A_272 = arith.cmpf olt, %slice3A_269, %lt3A_271 : vector<128x1xf32>
    %jit3A_273 = arith.constant -1.000000e+09 : f32
    %broadcast_in_dim3A_274 = vector.shape_cast %lt3A_272 : vector<128x1xi1> to vector<128x1xi1>
    %broadcast_in_dim3A_275 = vector.broadcast %broadcast_in_dim3A_274 : vector<128x1xi1> to vector<128x8xi1>
    %broadcast_in_dim3A_276 = vector.broadcast %jit3A_273 : f32 to vector<128x8xf32>
    %select_n3A_277 = arith.select %broadcast_in_dim3A_275, %mul3A_268, %broadcast_in_dim3A_276 : vector<128x8xi1>, vector<128x8xf32>
    %max3A_278 = arith.maximumf %max3A_259, %select_n3A_277 : vector<128x8xf32>
    %slice3A_279 = vector.extract_strided_slice %get3A_38 {offsets = [1664, 0], sizes = [128, 128], strides = [1, 1]} : vector<4096x256xf32> to vector<128x128xf32>
    %slice3A_280 = vector.extract_strided_slice %add3A_29 {offsets = [1664, 0], sizes = [128, 128], strides = [1, 1]} : vector<4096x128xf32> to vector<128x128xf32>
    %add3A_281 = arith.addf %slice3A_279, %slice3A_280 : vector<128x128xf32>
    %mul3A_282 = arith.mulf %add3A_281, %dot_general3A_5 : vector<128x128xf32>
    %dot_general3A_283 = arith.constant dense<0.000000e+00> : vector<128x8xf32>
    %dot_general3A_284 = tpu.matmul %mul3A_282, %get3A_32, %dot_general3A_283 {dimension_numbers = #tpu.dot_dimension_numbers<[1], [0], [0], [1], [0, 0, 1, 1], [], []>, transpose_lhs_hint = false} : vector<128x128xf32>, vector<128x8xf32>, vector<128x8xf32> -> vector<128x8xf32>
    %mul3A_285 = arith.constant 2.500000e-01 : f32
    %mul3A_286 = vector.broadcast %mul3A_285 : f32 to vector<128x8xf32>
    %mul3A_287 = arith.mulf %dot_general3A_284, %mul3A_286 : vector<128x8xf32>
    %slice3A_288 = vector.extract_strided_slice %get3A_8 {offsets = [1664, 3], sizes = [128, 1], strides = [1, 1]} : vector<4096x4xf32> to vector<128x1xf32>
    %lt3A_289 = arith.constant 5.000000e+01 : f32
    %lt3A_290 = vector.broadcast %lt3A_289 : f32 to vector<128x1xf32>
    %lt3A_291 = arith.cmpf olt, %slice3A_288, %lt3A_290 : vector<128x1xf32>
    %jit3A_292 = arith.constant -1.000000e+09 : f32
    %broadcast_in_dim3A_293 = vector.shape_cast %lt3A_291 : vector<128x1xi1> to vector<128x1xi1>
    %broadcast_in_dim3A_294 = vector.broadcast %broadcast_in_dim3A_293 : vector<128x1xi1> to vector<128x8xi1>
    %broadcast_in_dim3A_295 = vector.broadcast %jit3A_292 : f32 to vector<128x8xf32>
    %select_n3A_296 = arith.select %broadcast_in_dim3A_294, %mul3A_287, %broadcast_in_dim3A_295 : vector<128x8xi1>, vector<128x8xf32>
    %max3A_297 = arith.maximumf %max3A_278, %select_n3A_296 : vector<128x8xf32>
    %slice3A_298 = vector.extract_strided_slice %get3A_38 {offsets = [1792, 0], sizes = [128, 128], strides = [1, 1]} : vector<4096x256xf32> to vector<128x128xf32>
    %slice3A_299 = vector.extract_strided_slice %add3A_29 {offsets = [1792, 0], sizes = [128, 128], strides = [1, 1]} : vector<4096x128xf32> to vector<128x128xf32>
    %add3A_300 = arith.addf %slice3A_298, %slice3A_299 : vector<128x128xf32>
    %mul3A_301 = arith.mulf %add3A_300, %dot_general3A_5 : vector<128x128xf32>
    %dot_general3A_302 = arith.constant dense<0.000000e+00> : vector<128x8xf32>
    %dot_general3A_303 = tpu.matmul %mul3A_301, %get3A_32, %dot_general3A_302 {dimension_numbers = #tpu.dot_dimension_numbers<[1], [0], [0], [1], [0, 0, 1, 1], [], []>, transpose_lhs_hint = false} : vector<128x128xf32>, vector<128x8xf32>, vector<128x8xf32> -> vector<128x8xf32>
    %mul3A_304 = arith.constant 2.500000e-01 : f32
    %mul3A_305 = vector.broadcast %mul3A_304 : f32 to vector<128x8xf32>
    %mul3A_306 = arith.mulf %dot_general3A_303, %mul3A_305 : vector<128x8xf32>
    %slice3A_307 = vector.extract_strided_slice %get3A_8 {offsets = [1792, 3], sizes = [128, 1], strides = [1, 1]} : vector<4096x4xf32> to vector<128x1xf32>
    %lt3A_308 = arith.constant 5.000000e+01 : f32
    %lt3A_309 = vector.broadcast %lt3A_308 : f32 to vector<128x1xf32>
    %lt3A_310 = arith.cmpf olt, %slice3A_307, %lt3A_309 : vector<128x1xf32>
    %jit3A_311 = arith.constant -1.000000e+09 : f32
    %broadcast_in_dim3A_312 = vector.shape_cast %lt3A_310 : vector<128x1xi1> to vector<128x1xi1>
    %broadcast_in_dim3A_313 = vector.broadcast %broadcast_in_dim3A_312 : vector<128x1xi1> to vector<128x8xi1>
    %broadcast_in_dim3A_314 = vector.broadcast %jit3A_311 : f32 to vector<128x8xf32>
    %select_n3A_315 = arith.select %broadcast_in_dim3A_313, %mul3A_306, %broadcast_in_dim3A_314 : vector<128x8xi1>, vector<128x8xf32>
    %max3A_316 = arith.maximumf %max3A_297, %select_n3A_315 : vector<128x8xf32>
    %slice3A_317 = vector.extract_strided_slice %get3A_38 {offsets = [1920, 0], sizes = [128, 128], strides = [1, 1]} : vector<4096x256xf32> to vector<128x128xf32>
    %slice3A_318 = vector.extract_strided_slice %add3A_29 {offsets = [1920, 0], sizes = [128, 128], strides = [1, 1]} : vector<4096x128xf32> to vector<128x128xf32>
    %add3A_319 = arith.addf %slice3A_317, %slice3A_318 : vector<128x128xf32>
    %mul3A_320 = arith.mulf %add3A_319, %dot_general3A_5 : vector<128x128xf32>
    %dot_general3A_321 = arith.constant dense<0.000000e+00> : vector<128x8xf32>
    %dot_general3A_322 = tpu.matmul %mul3A_320, %get3A_32, %dot_general3A_321 {dimension_numbers = #tpu.dot_dimension_numbers<[1], [0], [0], [1], [0, 0, 1, 1], [], []>, transpose_lhs_hint = false} : vector<128x128xf32>, vector<128x8xf32>, vector<128x8xf32> -> vector<128x8xf32>
    %mul3A_323 = arith.constant 2.500000e-01 : f32
    %mul3A_324 = vector.broadcast %mul3A_323 : f32 to vector<128x8xf32>
    %mul3A_325 = arith.mulf %dot_general3A_322, %mul3A_324 : vector<128x8xf32>
    %slice3A_326 = vector.extract_strided_slice %get3A_8 {offsets = [1920, 3], sizes = [128, 1], strides = [1, 1]} : vector<4096x4xf32> to vector<128x1xf32>
    %lt3A_327 = arith.constant 5.000000e+01 : f32
    %lt3A_328 = vector.broadcast %lt3A_327 : f32 to vector<128x1xf32>
    %lt3A_329 = arith.cmpf olt, %slice3A_326, %lt3A_328 : vector<128x1xf32>
    %jit3A_330 = arith.constant -1.000000e+09 : f32
    %broadcast_in_dim3A_331 = vector.shape_cast %lt3A_329 : vector<128x1xi1> to vector<128x1xi1>
    %broadcast_in_dim3A_332 = vector.broadcast %broadcast_in_dim3A_331 : vector<128x1xi1> to vector<128x8xi1>
    %broadcast_in_dim3A_333 = vector.broadcast %jit3A_330 : f32 to vector<128x8xf32>
    %select_n3A_334 = arith.select %broadcast_in_dim3A_332, %mul3A_325, %broadcast_in_dim3A_333 : vector<128x8xi1>, vector<128x8xf32>
    %max3A_335 = arith.maximumf %max3A_316, %select_n3A_334 : vector<128x8xf32>
    %slice3A_336 = vector.extract_strided_slice %get3A_38 {offsets = [2048, 0], sizes = [128, 128], strides = [1, 1]} : vector<4096x256xf32> to vector<128x128xf32>
    %slice3A_337 = vector.extract_strided_slice %add3A_29 {offsets = [2048, 0], sizes = [128, 128], strides = [1, 1]} : vector<4096x128xf32> to vector<128x128xf32>
    %add3A_338 = arith.addf %slice3A_336, %slice3A_337 : vector<128x128xf32>
    %mul3A_339 = arith.mulf %add3A_338, %dot_general3A_5 : vector<128x128xf32>
    %dot_general3A_340 = arith.constant dense<0.000000e+00> : vector<128x8xf32>
    %dot_general3A_341 = tpu.matmul %mul3A_339, %get3A_32, %dot_general3A_340 {dimension_numbers = #tpu.dot_dimension_numbers<[1], [0], [0], [1], [0, 0, 1, 1], [], []>, transpose_lhs_hint = false} : vector<128x128xf32>, vector<128x8xf32>, vector<128x8xf32> -> vector<128x8xf32>
    %mul3A_342 = arith.constant 2.500000e-01 : f32
    %mul3A_343 = vector.broadcast %mul3A_342 : f32 to vector<128x8xf32>
    %mul3A_344 = arith.mulf %dot_general3A_341, %mul3A_343 : vector<128x8xf32>
    %slice3A_345 = vector.extract_strided_slice %get3A_8 {offsets = [2048, 3], sizes = [128, 1], strides = [1, 1]} : vector<4096x4xf32> to vector<128x1xf32>
    %lt3A_346 = arith.constant 5.000000e+01 : f32
    %lt3A_347 = vector.broadcast %lt3A_346 : f32 to vector<128x1xf32>
    %lt3A_348 = arith.cmpf olt, %slice3A_345, %lt3A_347 : vector<128x1xf32>
    %jit3A_349 = arith.constant -1.000000e+09 : f32
    %broadcast_in_dim3A_350 = vector.shape_cast %lt3A_348 : vector<128x1xi1> to vector<128x1xi1>
    %broadcast_in_dim3A_351 = vector.broadcast %broadcast_in_dim3A_350 : vector<128x1xi1> to vector<128x8xi1>
    %broadcast_in_dim3A_352 = vector.broadcast %jit3A_349 : f32 to vector<128x8xf32>
    %select_n3A_353 = arith.select %broadcast_in_dim3A_351, %mul3A_344, %broadcast_in_dim3A_352 : vector<128x8xi1>, vector<128x8xf32>
    %max3A_354 = arith.maximumf %max3A_335, %select_n3A_353 : vector<128x8xf32>
    %slice3A_355 = vector.extract_strided_slice %get3A_38 {offsets = [2176, 0], sizes = [128, 128], strides = [1, 1]} : vector<4096x256xf32> to vector<128x128xf32>
    %slice3A_356 = vector.extract_strided_slice %add3A_29 {offsets = [2176, 0], sizes = [128, 128], strides = [1, 1]} : vector<4096x128xf32> to vector<128x128xf32>
    %add3A_357 = arith.addf %slice3A_355, %slice3A_356 : vector<128x128xf32>
    %mul3A_358 = arith.mulf %add3A_357, %dot_general3A_5 : vector<128x128xf32>
    %dot_general3A_359 = arith.constant dense<0.000000e+00> : vector<128x8xf32>
    %dot_general3A_360 = tpu.matmul %mul3A_358, %get3A_32, %dot_general3A_359 {dimension_numbers = #tpu.dot_dimension_numbers<[1], [0], [0], [1], [0, 0, 1, 1], [], []>, transpose_lhs_hint = false} : vector<128x128xf32>, vector<128x8xf32>, vector<128x8xf32> -> vector<128x8xf32>
    %mul3A_361 = arith.constant 2.500000e-01 : f32
    %mul3A_362 = vector.broadcast %mul3A_361 : f32 to vector<128x8xf32>
    %mul3A_363 = arith.mulf %dot_general3A_360, %mul3A_362 : vector<128x8xf32>
    %slice3A_364 = vector.extract_strided_slice %get3A_8 {offsets = [2176, 3], sizes = [128, 1], strides = [1, 1]} : vector<4096x4xf32> to vector<128x1xf32>
    %lt3A_365 = arith.constant 5.000000e+01 : f32
    %lt3A_366 = vector.broadcast %lt3A_365 : f32 to vector<128x1xf32>
    %lt3A_367 = arith.cmpf olt, %slice3A_364, %lt3A_366 : vector<128x1xf32>
    %jit3A_368 = arith.constant -1.000000e+09 : f32
    %broadcast_in_dim3A_369 = vector.shape_cast %lt3A_367 : vector<128x1xi1> to vector<128x1xi1>
    %broadcast_in_dim3A_370 = vector.broadcast %broadcast_in_dim3A_369 : vector<128x1xi1> to vector<128x8xi1>
    %broadcast_in_dim3A_371 = vector.broadcast %jit3A_368 : f32 to vector<128x8xf32>
    %select_n3A_372 = arith.select %broadcast_in_dim3A_370, %mul3A_363, %broadcast_in_dim3A_371 : vector<128x8xi1>, vector<128x8xf32>
    %max3A_373 = arith.maximumf %max3A_354, %select_n3A_372 : vector<128x8xf32>
    %slice3A_374 = vector.extract_strided_slice %get3A_38 {offsets = [2304, 0], sizes = [128, 128], strides = [1, 1]} : vector<4096x256xf32> to vector<128x128xf32>
    %slice3A_375 = vector.extract_strided_slice %add3A_29 {offsets = [2304, 0], sizes = [128, 128], strides = [1, 1]} : vector<4096x128xf32> to vector<128x128xf32>
    %add3A_376 = arith.addf %slice3A_374, %slice3A_375 : vector<128x128xf32>
    %mul3A_377 = arith.mulf %add3A_376, %dot_general3A_5 : vector<128x128xf32>
    %dot_general3A_378 = arith.constant dense<0.000000e+00> : vector<128x8xf32>
    %dot_general3A_379 = tpu.matmul %mul3A_377, %get3A_32, %dot_general3A_378 {dimension_numbers = #tpu.dot_dimension_numbers<[1], [0], [0], [1], [0, 0, 1, 1], [], []>, transpose_lhs_hint = false} : vector<128x128xf32>, vector<128x8xf32>, vector<128x8xf32> -> vector<128x8xf32>
    %mul3A_380 = arith.constant 2.500000e-01 : f32
    %mul3A_381 = vector.broadcast %mul3A_380 : f32 to vector<128x8xf32>
    %mul3A_382 = arith.mulf %dot_general3A_379, %mul3A_381 : vector<128x8xf32>
    %slice3A_383 = vector.extract_strided_slice %get3A_8 {offsets = [2304, 3], sizes = [128, 1], strides = [1, 1]} : vector<4096x4xf32> to vector<128x1xf32>
    %lt3A_384 = arith.constant 5.000000e+01 : f32
    %lt3A_385 = vector.broadcast %lt3A_384 : f32 to vector<128x1xf32>
    %lt3A_386 = arith.cmpf olt, %slice3A_383, %lt3A_385 : vector<128x1xf32>
    %jit3A_387 = arith.constant -1.000000e+09 : f32
    %broadcast_in_dim3A_388 = vector.shape_cast %lt3A_386 : vector<128x1xi1> to vector<128x1xi1>
    %broadcast_in_dim3A_389 = vector.broadcast %broadcast_in_dim3A_388 : vector<128x1xi1> to vector<128x8xi1>
    %broadcast_in_dim3A_390 = vector.broadcast %jit3A_387 : f32 to vector<128x8xf32>
    %select_n3A_391 = arith.select %broadcast_in_dim3A_389, %mul3A_382, %broadcast_in_dim3A_390 : vector<128x8xi1>, vector<128x8xf32>
    %max3A_392 = arith.maximumf %max3A_373, %select_n3A_391 : vector<128x8xf32>
    %slice3A_393 = vector.extract_strided_slice %get3A_38 {offsets = [2432, 0], sizes = [128, 128], strides = [1, 1]} : vector<4096x256xf32> to vector<128x128xf32>
    %slice3A_394 = vector.extract_strided_slice %add3A_29 {offsets = [2432, 0], sizes = [128, 128], strides = [1, 1]} : vector<4096x128xf32> to vector<128x128xf32>
    %add3A_395 = arith.addf %slice3A_393, %slice3A_394 : vector<128x128xf32>
    %mul3A_396 = arith.mulf %add3A_395, %dot_general3A_5 : vector<128x128xf32>
    %dot_general3A_397 = arith.constant dense<0.000000e+00> : vector<128x8xf32>
    %dot_general3A_398 = tpu.matmul %mul3A_396, %get3A_32, %dot_general3A_397 {dimension_numbers = #tpu.dot_dimension_numbers<[1], [0], [0], [1], [0, 0, 1, 1], [], []>, transpose_lhs_hint = false} : vector<128x128xf32>, vector<128x8xf32>, vector<128x8xf32> -> vector<128x8xf32>
    %mul3A_399 = arith.constant 2.500000e-01 : f32
    %mul3A_400 = vector.broadcast %mul3A_399 : f32 to vector<128x8xf32>
    %mul3A_401 = arith.mulf %dot_general3A_398, %mul3A_400 : vector<128x8xf32>
    %slice3A_402 = vector.extract_strided_slice %get3A_8 {offsets = [2432, 3], sizes = [128, 1], strides = [1, 1]} : vector<4096x4xf32> to vector<128x1xf32>
    %lt3A_403 = arith.constant 5.000000e+01 : f32
    %lt3A_404 = vector.broadcast %lt3A_403 : f32 to vector<128x1xf32>
    %lt3A_405 = arith.cmpf olt, %slice3A_402, %lt3A_404 : vector<128x1xf32>
    %jit3A_406 = arith.constant -1.000000e+09 : f32
    %broadcast_in_dim3A_407 = vector.shape_cast %lt3A_405 : vector<128x1xi1> to vector<128x1xi1>
    %broadcast_in_dim3A_408 = vector.broadcast %broadcast_in_dim3A_407 : vector<128x1xi1> to vector<128x8xi1>
    %broadcast_in_dim3A_409 = vector.broadcast %jit3A_406 : f32 to vector<128x8xf32>
    %select_n3A_410 = arith.select %broadcast_in_dim3A_408, %mul3A_401, %broadcast_in_dim3A_409 : vector<128x8xi1>, vector<128x8xf32>
    %max3A_411 = arith.maximumf %max3A_392, %select_n3A_410 : vector<128x8xf32>
    %slice3A_412 = vector.extract_strided_slice %get3A_38 {offsets = [2560, 0], sizes = [128, 128], strides = [1, 1]} : vector<4096x256xf32> to vector<128x128xf32>
    %slice3A_413 = vector.extract_strided_slice %add3A_29 {offsets = [2560, 0], sizes = [128, 128], strides = [1, 1]} : vector<4096x128xf32> to vector<128x128xf32>
    %add3A_414 = arith.addf %slice3A_412, %slice3A_413 : vector<128x128xf32>
    %mul3A_415 = arith.mulf %add3A_414, %dot_general3A_5 : vector<128x128xf32>
    %dot_general3A_416 = arith.constant dense<0.000000e+00> : vector<128x8xf32>
    %dot_general3A_417 = tpu.matmul %mul3A_415, %get3A_32, %dot_general3A_416 {dimension_numbers = #tpu.dot_dimension_numbers<[1], [0], [0], [1], [0, 0, 1, 1], [], []>, transpose_lhs_hint = false} : vector<128x128xf32>, vector<128x8xf32>, vector<128x8xf32> -> vector<128x8xf32>
    %mul3A_418 = arith.constant 2.500000e-01 : f32
    %mul3A_419 = vector.broadcast %mul3A_418 : f32 to vector<128x8xf32>
    %mul3A_420 = arith.mulf %dot_general3A_417, %mul3A_419 : vector<128x8xf32>
    %slice3A_421 = vector.extract_strided_slice %get3A_8 {offsets = [2560, 3], sizes = [128, 1], strides = [1, 1]} : vector<4096x4xf32> to vector<128x1xf32>
    %lt3A_422 = arith.constant 5.000000e+01 : f32
    %lt3A_423 = vector.broadcast %lt3A_422 : f32 to vector<128x1xf32>
    %lt3A_424 = arith.cmpf olt, %slice3A_421, %lt3A_423 : vector<128x1xf32>
    %jit3A_425 = arith.constant -1.000000e+09 : f32
    %broadcast_in_dim3A_426 = vector.shape_cast %lt3A_424 : vector<128x1xi1> to vector<128x1xi1>
    %broadcast_in_dim3A_427 = vector.broadcast %broadcast_in_dim3A_426 : vector<128x1xi1> to vector<128x8xi1>
    %broadcast_in_dim3A_428 = vector.broadcast %jit3A_425 : f32 to vector<128x8xf32>
    %select_n3A_429 = arith.select %broadcast_in_dim3A_427, %mul3A_420, %broadcast_in_dim3A_428 : vector<128x8xi1>, vector<128x8xf32>
    %max3A_430 = arith.maximumf %max3A_411, %select_n3A_429 : vector<128x8xf32>
    %slice3A_431 = vector.extract_strided_slice %get3A_38 {offsets = [2688, 0], sizes = [128, 128], strides = [1, 1]} : vector<4096x256xf32> to vector<128x128xf32>
    %slice3A_432 = vector.extract_strided_slice %add3A_29 {offsets = [2688, 0], sizes = [128, 128], strides = [1, 1]} : vector<4096x128xf32> to vector<128x128xf32>
    %add3A_433 = arith.addf %slice3A_431, %slice3A_432 : vector<128x128xf32>
    %mul3A_434 = arith.mulf %add3A_433, %dot_general3A_5 : vector<128x128xf32>
    %dot_general3A_435 = arith.constant dense<0.000000e+00> : vector<128x8xf32>
    %dot_general3A_436 = tpu.matmul %mul3A_434, %get3A_32, %dot_general3A_435 {dimension_numbers = #tpu.dot_dimension_numbers<[1], [0], [0], [1], [0, 0, 1, 1], [], []>, transpose_lhs_hint = false} : vector<128x128xf32>, vector<128x8xf32>, vector<128x8xf32> -> vector<128x8xf32>
    %mul3A_437 = arith.constant 2.500000e-01 : f32
    %mul3A_438 = vector.broadcast %mul3A_437 : f32 to vector<128x8xf32>
    %mul3A_439 = arith.mulf %dot_general3A_436, %mul3A_438 : vector<128x8xf32>
    %slice3A_440 = vector.extract_strided_slice %get3A_8 {offsets = [2688, 3], sizes = [128, 1], strides = [1, 1]} : vector<4096x4xf32> to vector<128x1xf32>
    %lt3A_441 = arith.constant 5.000000e+01 : f32
    %lt3A_442 = vector.broadcast %lt3A_441 : f32 to vector<128x1xf32>
    %lt3A_443 = arith.cmpf olt, %slice3A_440, %lt3A_442 : vector<128x1xf32>
    %jit3A_444 = arith.constant -1.000000e+09 : f32
    %broadcast_in_dim3A_445 = vector.shape_cast %lt3A_443 : vector<128x1xi1> to vector<128x1xi1>
    %broadcast_in_dim3A_446 = vector.broadcast %broadcast_in_dim3A_445 : vector<128x1xi1> to vector<128x8xi1>
    %broadcast_in_dim3A_447 = vector.broadcast %jit3A_444 : f32 to vector<128x8xf32>
    %select_n3A_448 = arith.select %broadcast_in_dim3A_446, %mul3A_439, %broadcast_in_dim3A_447 : vector<128x8xi1>, vector<128x8xf32>
    %max3A_449 = arith.maximumf %max3A_430, %select_n3A_448 : vector<128x8xf32>
    %slice3A_450 = vector.extract_strided_slice %get3A_38 {offsets = [2816, 0], sizes = [128, 128], strides = [1, 1]} : vector<4096x256xf32> to vector<128x128xf32>
    %slice3A_451 = vector.extract_strided_slice %add3A_29 {offsets = [2816, 0], sizes = [128, 128], strides = [1, 1]} : vector<4096x128xf32> to vector<128x128xf32>
    %add3A_452 = arith.addf %slice3A_450, %slice3A_451 : vector<128x128xf32>
    %mul3A_453 = arith.mulf %add3A_452, %dot_general3A_5 : vector<128x128xf32>
    %dot_general3A_454 = arith.constant dense<0.000000e+00> : vector<128x8xf32>
    %dot_general3A_455 = tpu.matmul %mul3A_453, %get3A_32, %dot_general3A_454 {dimension_numbers = #tpu.dot_dimension_numbers<[1], [0], [0], [1], [0, 0, 1, 1], [], []>, transpose_lhs_hint = false} : vector<128x128xf32>, vector<128x8xf32>, vector<128x8xf32> -> vector<128x8xf32>
    %mul3A_456 = arith.constant 2.500000e-01 : f32
    %mul3A_457 = vector.broadcast %mul3A_456 : f32 to vector<128x8xf32>
    %mul3A_458 = arith.mulf %dot_general3A_455, %mul3A_457 : vector<128x8xf32>
    %slice3A_459 = vector.extract_strided_slice %get3A_8 {offsets = [2816, 3], sizes = [128, 1], strides = [1, 1]} : vector<4096x4xf32> to vector<128x1xf32>
    %lt3A_460 = arith.constant 5.000000e+01 : f32
    %lt3A_461 = vector.broadcast %lt3A_460 : f32 to vector<128x1xf32>
    %lt3A_462 = arith.cmpf olt, %slice3A_459, %lt3A_461 : vector<128x1xf32>
    %jit3A_463 = arith.constant -1.000000e+09 : f32
    %broadcast_in_dim3A_464 = vector.shape_cast %lt3A_462 : vector<128x1xi1> to vector<128x1xi1>
    %broadcast_in_dim3A_465 = vector.broadcast %broadcast_in_dim3A_464 : vector<128x1xi1> to vector<128x8xi1>
    %broadcast_in_dim3A_466 = vector.broadcast %jit3A_463 : f32 to vector<128x8xf32>
    %select_n3A_467 = arith.select %broadcast_in_dim3A_465, %mul3A_458, %broadcast_in_dim3A_466 : vector<128x8xi1>, vector<128x8xf32>
    %max3A_468 = arith.maximumf %max3A_449, %select_n3A_467 : vector<128x8xf32>
    %slice3A_469 = vector.extract_strided_slice %get3A_38 {offsets = [2944, 0], sizes = [128, 128], strides = [1, 1]} : vector<4096x256xf32> to vector<128x128xf32>
    %slice3A_470 = vector.extract_strided_slice %add3A_29 {offsets = [2944, 0], sizes = [128, 128], strides = [1, 1]} : vector<4096x128xf32> to vector<128x128xf32>
    %add3A_471 = arith.addf %slice3A_469, %slice3A_470 : vector<128x128xf32>
    %mul3A_472 = arith.mulf %add3A_471, %dot_general3A_5 : vector<128x128xf32>
    %dot_general3A_473 = arith.constant dense<0.000000e+00> : vector<128x8xf32>
    %dot_general3A_474 = tpu.matmul %mul3A_472, %get3A_32, %dot_general3A_473 {dimension_numbers = #tpu.dot_dimension_numbers<[1], [0], [0], [1], [0, 0, 1, 1], [], []>, transpose_lhs_hint = false} : vector<128x128xf32>, vector<128x8xf32>, vector<128x8xf32> -> vector<128x8xf32>
    %mul3A_475 = arith.constant 2.500000e-01 : f32
    %mul3A_476 = vector.broadcast %mul3A_475 : f32 to vector<128x8xf32>
    %mul3A_477 = arith.mulf %dot_general3A_474, %mul3A_476 : vector<128x8xf32>
    %slice3A_478 = vector.extract_strided_slice %get3A_8 {offsets = [2944, 3], sizes = [128, 1], strides = [1, 1]} : vector<4096x4xf32> to vector<128x1xf32>
    %lt3A_479 = arith.constant 5.000000e+01 : f32
    %lt3A_480 = vector.broadcast %lt3A_479 : f32 to vector<128x1xf32>
    %lt3A_481 = arith.cmpf olt, %slice3A_478, %lt3A_480 : vector<128x1xf32>
    %jit3A_482 = arith.constant -1.000000e+09 : f32
    %broadcast_in_dim3A_483 = vector.shape_cast %lt3A_481 : vector<128x1xi1> to vector<128x1xi1>
    %broadcast_in_dim3A_484 = vector.broadcast %broadcast_in_dim3A_483 : vector<128x1xi1> to vector<128x8xi1>
    %broadcast_in_dim3A_485 = vector.broadcast %jit3A_482 : f32 to vector<128x8xf32>
    %select_n3A_486 = arith.select %broadcast_in_dim3A_484, %mul3A_477, %broadcast_in_dim3A_485 : vector<128x8xi1>, vector<128x8xf32>
    %max3A_487 = arith.maximumf %max3A_468, %select_n3A_486 : vector<128x8xf32>
    %slice3A_488 = vector.extract_strided_slice %get3A_38 {offsets = [3072, 0], sizes = [128, 128], strides = [1, 1]} : vector<4096x256xf32> to vector<128x128xf32>
    %slice3A_489 = vector.extract_strided_slice %add3A_29 {offsets = [3072, 0], sizes = [128, 128], strides = [1, 1]} : vector<4096x128xf32> to vector<128x128xf32>
    %add3A_490 = arith.addf %slice3A_488, %slice3A_489 : vector<128x128xf32>
    %mul3A_491 = arith.mulf %add3A_490, %dot_general3A_5 : vector<128x128xf32>
    %dot_general3A_492 = arith.constant dense<0.000000e+00> : vector<128x8xf32>
    %dot_general3A_493 = tpu.matmul %mul3A_491, %get3A_32, %dot_general3A_492 {dimension_numbers = #tpu.dot_dimension_numbers<[1], [0], [0], [1], [0, 0, 1, 1], [], []>, transpose_lhs_hint = false} : vector<128x128xf32>, vector<128x8xf32>, vector<128x8xf32> -> vector<128x8xf32>
    %mul3A_494 = arith.constant 2.500000e-01 : f32
    %mul3A_495 = vector.broadcast %mul3A_494 : f32 to vector<128x8xf32>
    %mul3A_496 = arith.mulf %dot_general3A_493, %mul3A_495 : vector<128x8xf32>
    %slice3A_497 = vector.extract_strided_slice %get3A_8 {offsets = [3072, 3], sizes = [128, 1], strides = [1, 1]} : vector<4096x4xf32> to vector<128x1xf32>
    %lt3A_498 = arith.constant 5.000000e+01 : f32
    %lt3A_499 = vector.broadcast %lt3A_498 : f32 to vector<128x1xf32>
    %lt3A_500 = arith.cmpf olt, %slice3A_497, %lt3A_499 : vector<128x1xf32>
    %jit3A_501 = arith.constant -1.000000e+09 : f32
    %broadcast_in_dim3A_502 = vector.shape_cast %lt3A_500 : vector<128x1xi1> to vector<128x1xi1>
    %broadcast_in_dim3A_503 = vector.broadcast %broadcast_in_dim3A_502 : vector<128x1xi1> to vector<128x8xi1>
    %broadcast_in_dim3A_504 = vector.broadcast %jit3A_501 : f32 to vector<128x8xf32>
    %select_n3A_505 = arith.select %broadcast_in_dim3A_503, %mul3A_496, %broadcast_in_dim3A_504 : vector<128x8xi1>, vector<128x8xf32>
    %max3A_506 = arith.maximumf %max3A_487, %select_n3A_505 : vector<128x8xf32>
    %slice3A_507 = vector.extract_strided_slice %get3A_38 {offsets = [3200, 0], sizes = [128, 128], strides = [1, 1]} : vector<4096x256xf32> to vector<128x128xf32>
    %slice3A_508 = vector.extract_strided_slice %add3A_29 {offsets = [3200, 0], sizes = [128, 128], strides = [1, 1]} : vector<4096x128xf32> to vector<128x128xf32>
    %add3A_509 = arith.addf %slice3A_507, %slice3A_508 : vector<128x128xf32>
    %mul3A_510 = arith.mulf %add3A_509, %dot_general3A_5 : vector<128x128xf32>
    %dot_general3A_511 = arith.constant dense<0.000000e+00> : vector<128x8xf32>
    %dot_general3A_512 = tpu.matmul %mul3A_510, %get3A_32, %dot_general3A_511 {dimension_numbers = #tpu.dot_dimension_numbers<[1], [0], [0], [1], [0, 0, 1, 1], [], []>, transpose_lhs_hint = false} : vector<128x128xf32>, vector<128x8xf32>, vector<128x8xf32> -> vector<128x8xf32>
    %mul3A_513 = arith.constant 2.500000e-01 : f32
    %mul3A_514 = vector.broadcast %mul3A_513 : f32 to vector<128x8xf32>
    %mul3A_515 = arith.mulf %dot_general3A_512, %mul3A_514 : vector<128x8xf32>
    %slice3A_516 = vector.extract_strided_slice %get3A_8 {offsets = [3200, 3], sizes = [128, 1], strides = [1, 1]} : vector<4096x4xf32> to vector<128x1xf32>
    %lt3A_517 = arith.constant 5.000000e+01 : f32
    %lt3A_518 = vector.broadcast %lt3A_517 : f32 to vector<128x1xf32>
    %lt3A_519 = arith.cmpf olt, %slice3A_516, %lt3A_518 : vector<128x1xf32>
    %jit3A_520 = arith.constant -1.000000e+09 : f32
    %broadcast_in_dim3A_521 = vector.shape_cast %lt3A_519 : vector<128x1xi1> to vector<128x1xi1>
    %broadcast_in_dim3A_522 = vector.broadcast %broadcast_in_dim3A_521 : vector<128x1xi1> to vector<128x8xi1>
    %broadcast_in_dim3A_523 = vector.broadcast %jit3A_520 : f32 to vector<128x8xf32>
    %select_n3A_524 = arith.select %broadcast_in_dim3A_522, %mul3A_515, %broadcast_in_dim3A_523 : vector<128x8xi1>, vector<128x8xf32>
    %max3A_525 = arith.maximumf %max3A_506, %select_n3A_524 : vector<128x8xf32>
    %slice3A_526 = vector.extract_strided_slice %get3A_38 {offsets = [3328, 0], sizes = [128, 128], strides = [1, 1]} : vector<4096x256xf32> to vector<128x128xf32>
    %slice3A_527 = vector.extract_strided_slice %add3A_29 {offsets = [3328, 0], sizes = [128, 128], strides = [1, 1]} : vector<4096x128xf32> to vector<128x128xf32>
    %add3A_528 = arith.addf %slice3A_526, %slice3A_527 : vector<128x128xf32>
    %mul3A_529 = arith.mulf %add3A_528, %dot_general3A_5 : vector<128x128xf32>
    %dot_general3A_530 = arith.constant dense<0.000000e+00> : vector<128x8xf32>
    %dot_general3A_531 = tpu.matmul %mul3A_529, %get3A_32, %dot_general3A_530 {dimension_numbers = #tpu.dot_dimension_numbers<[1], [0], [0], [1], [0, 0, 1, 1], [], []>, transpose_lhs_hint = false} : vector<128x128xf32>, vector<128x8xf32>, vector<128x8xf32> -> vector<128x8xf32>
    %mul3A_532 = arith.constant 2.500000e-01 : f32
    %mul3A_533 = vector.broadcast %mul3A_532 : f32 to vector<128x8xf32>
    %mul3A_534 = arith.mulf %dot_general3A_531, %mul3A_533 : vector<128x8xf32>
    %slice3A_535 = vector.extract_strided_slice %get3A_8 {offsets = [3328, 3], sizes = [128, 1], strides = [1, 1]} : vector<4096x4xf32> to vector<128x1xf32>
    %lt3A_536 = arith.constant 5.000000e+01 : f32
    %lt3A_537 = vector.broadcast %lt3A_536 : f32 to vector<128x1xf32>
    %lt3A_538 = arith.cmpf olt, %slice3A_535, %lt3A_537 : vector<128x1xf32>
    %jit3A_539 = arith.constant -1.000000e+09 : f32
    %broadcast_in_dim3A_540 = vector.shape_cast %lt3A_538 : vector<128x1xi1> to vector<128x1xi1>
    %broadcast_in_dim3A_541 = vector.broadcast %broadcast_in_dim3A_540 : vector<128x1xi1> to vector<128x8xi1>
    %broadcast_in_dim3A_542 = vector.broadcast %jit3A_539 : f32 to vector<128x8xf32>
    %select_n3A_543 = arith.select %broadcast_in_dim3A_541, %mul3A_534, %broadcast_in_dim3A_542 : vector<128x8xi1>, vector<128x8xf32>
    %max3A_544 = arith.maximumf %max3A_525, %select_n3A_543 : vector<128x8xf32>
    %slice3A_545 = vector.extract_strided_slice %get3A_38 {offsets = [3456, 0], sizes = [128, 128], strides = [1, 1]} : vector<4096x256xf32> to vector<128x128xf32>
    %slice3A_546 = vector.extract_strided_slice %add3A_29 {offsets = [3456, 0], sizes = [128, 128], strides = [1, 1]} : vector<4096x128xf32> to vector<128x128xf32>
    %add3A_547 = arith.addf %slice3A_545, %slice3A_546 : vector<128x128xf32>
    %mul3A_548 = arith.mulf %add3A_547, %dot_general3A_5 : vector<128x128xf32>
    %dot_general3A_549 = arith.constant dense<0.000000e+00> : vector<128x8xf32>
    %dot_general3A_550 = tpu.matmul %mul3A_548, %get3A_32, %dot_general3A_549 {dimension_numbers = #tpu.dot_dimension_numbers<[1], [0], [0], [1], [0, 0, 1, 1], [], []>, transpose_lhs_hint = false} : vector<128x128xf32>, vector<128x8xf32>, vector<128x8xf32> -> vector<128x8xf32>
    %mul3A_551 = arith.constant 2.500000e-01 : f32
    %mul3A_552 = vector.broadcast %mul3A_551 : f32 to vector<128x8xf32>
    %mul3A_553 = arith.mulf %dot_general3A_550, %mul3A_552 : vector<128x8xf32>
    %slice3A_554 = vector.extract_strided_slice %get3A_8 {offsets = [3456, 3], sizes = [128, 1], strides = [1, 1]} : vector<4096x4xf32> to vector<128x1xf32>
    %lt3A_555 = arith.constant 5.000000e+01 : f32
    %lt3A_556 = vector.broadcast %lt3A_555 : f32 to vector<128x1xf32>
    %lt3A_557 = arith.cmpf olt, %slice3A_554, %lt3A_556 : vector<128x1xf32>
    %jit3A_558 = arith.constant -1.000000e+09 : f32
    %broadcast_in_dim3A_559 = vector.shape_cast %lt3A_557 : vector<128x1xi1> to vector<128x1xi1>
    %broadcast_in_dim3A_560 = vector.broadcast %broadcast_in_dim3A_559 : vector<128x1xi1> to vector<128x8xi1>
    %broadcast_in_dim3A_561 = vector.broadcast %jit3A_558 : f32 to vector<128x8xf32>
    %select_n3A_562 = arith.select %broadcast_in_dim3A_560, %mul3A_553, %broadcast_in_dim3A_561 : vector<128x8xi1>, vector<128x8xf32>
    %max3A_563 = arith.maximumf %max3A_544, %select_n3A_562 : vector<128x8xf32>
    %slice3A_564 = vector.extract_strided_slice %get3A_38 {offsets = [3584, 0], sizes = [128, 128], strides = [1, 1]} : vector<4096x256xf32> to vector<128x128xf32>
    %slice3A_565 = vector.extract_strided_slice %add3A_29 {offsets = [3584, 0], sizes = [128, 128], strides = [1, 1]} : vector<4096x128xf32> to vector<128x128xf32>
    %add3A_566 = arith.addf %slice3A_564, %slice3A_565 : vector<128x128xf32>
    %mul3A_567 = arith.mulf %add3A_566, %dot_general3A_5 : vector<128x128xf32>
    %dot_general3A_568 = arith.constant dense<0.000000e+00> : vector<128x8xf32>
    %dot_general3A_569 = tpu.matmul %mul3A_567, %get3A_32, %dot_general3A_568 {dimension_numbers = #tpu.dot_dimension_numbers<[1], [0], [0], [1], [0, 0, 1, 1], [], []>, transpose_lhs_hint = false} : vector<128x128xf32>, vector<128x8xf32>, vector<128x8xf32> -> vector<128x8xf32>
    %mul3A_570 = arith.constant 2.500000e-01 : f32
    %mul3A_571 = vector.broadcast %mul3A_570 : f32 to vector<128x8xf32>
    %mul3A_572 = arith.mulf %dot_general3A_569, %mul3A_571 : vector<128x8xf32>
    %slice3A_573 = vector.extract_strided_slice %get3A_8 {offsets = [3584, 3], sizes = [128, 1], strides = [1, 1]} : vector<4096x4xf32> to vector<128x1xf32>
    %lt3A_574 = arith.constant 5.000000e+01 : f32
    %lt3A_575 = vector.broadcast %lt3A_574 : f32 to vector<128x1xf32>
    %lt3A_576 = arith.cmpf olt, %slice3A_573, %lt3A_575 : vector<128x1xf32>
    %jit3A_577 = arith.constant -1.000000e+09 : f32
    %broadcast_in_dim3A_578 = vector.shape_cast %lt3A_576 : vector<128x1xi1> to vector<128x1xi1>
    %broadcast_in_dim3A_579 = vector.broadcast %broadcast_in_dim3A_578 : vector<128x1xi1> to vector<128x8xi1>
    %broadcast_in_dim3A_580 = vector.broadcast %jit3A_577 : f32 to vector<128x8xf32>
    %select_n3A_581 = arith.select %broadcast_in_dim3A_579, %mul3A_572, %broadcast_in_dim3A_580 : vector<128x8xi1>, vector<128x8xf32>
    %max3A_582 = arith.maximumf %max3A_563, %select_n3A_581 : vector<128x8xf32>
    %slice3A_583 = vector.extract_strided_slice %get3A_38 {offsets = [3712, 0], sizes = [128, 128], strides = [1, 1]} : vector<4096x256xf32> to vector<128x128xf32>
    %slice3A_584 = vector.extract_strided_slice %add3A_29 {offsets = [3712, 0], sizes = [128, 128], strides = [1, 1]} : vector<4096x128xf32> to vector<128x128xf32>
    %add3A_585 = arith.addf %slice3A_583, %slice3A_584 : vector<128x128xf32>
    %mul3A_586 = arith.mulf %add3A_585, %dot_general3A_5 : vector<128x128xf32>
    %dot_general3A_587 = arith.constant dense<0.000000e+00> : vector<128x8xf32>
    %dot_general3A_588 = tpu.matmul %mul3A_586, %get3A_32, %dot_general3A_587 {dimension_numbers = #tpu.dot_dimension_numbers<[1], [0], [0], [1], [0, 0, 1, 1], [], []>, transpose_lhs_hint = false} : vector<128x128xf32>, vector<128x8xf32>, vector<128x8xf32> -> vector<128x8xf32>
    %mul3A_589 = arith.constant 2.500000e-01 : f32
    %mul3A_590 = vector.broadcast %mul3A_589 : f32 to vector<128x8xf32>
    %mul3A_591 = arith.mulf %dot_general3A_588, %mul3A_590 : vector<128x8xf32>
    %slice3A_592 = vector.extract_strided_slice %get3A_8 {offsets = [3712, 3], sizes = [128, 1], strides = [1, 1]} : vector<4096x4xf32> to vector<128x1xf32>
    %lt3A_593 = arith.constant 5.000000e+01 : f32
    %lt3A_594 = vector.broadcast %lt3A_593 : f32 to vector<128x1xf32>
    %lt3A_595 = arith.cmpf olt, %slice3A_592, %lt3A_594 : vector<128x1xf32>
    %jit3A_596 = arith.constant -1.000000e+09 : f32
    %broadcast_in_dim3A_597 = vector.shape_cast %lt3A_595 : vector<128x1xi1> to vector<128x1xi1>
    %broadcast_in_dim3A_598 = vector.broadcast %broadcast_in_dim3A_597 : vector<128x1xi1> to vector<128x8xi1>
    %broadcast_in_dim3A_599 = vector.broadcast %jit3A_596 : f32 to vector<128x8xf32>
    %select_n3A_600 = arith.select %broadcast_in_dim3A_598, %mul3A_591, %broadcast_in_dim3A_599 : vector<128x8xi1>, vector<128x8xf32>
    %max3A_601 = arith.maximumf %max3A_582, %select_n3A_600 : vector<128x8xf32>
    %slice3A_602 = vector.extract_strided_slice %get3A_38 {offsets = [3840, 0], sizes = [128, 128], strides = [1, 1]} : vector<4096x256xf32> to vector<128x128xf32>
    %slice3A_603 = vector.extract_strided_slice %add3A_29 {offsets = [3840, 0], sizes = [128, 128], strides = [1, 1]} : vector<4096x128xf32> to vector<128x128xf32>
    %add3A_604 = arith.addf %slice3A_602, %slice3A_603 : vector<128x128xf32>
    %mul3A_605 = arith.mulf %add3A_604, %dot_general3A_5 : vector<128x128xf32>
    %dot_general3A_606 = arith.constant dense<0.000000e+00> : vector<128x8xf32>
    %dot_general3A_607 = tpu.matmul %mul3A_605, %get3A_32, %dot_general3A_606 {dimension_numbers = #tpu.dot_dimension_numbers<[1], [0], [0], [1], [0, 0, 1, 1], [], []>, transpose_lhs_hint = false} : vector<128x128xf32>, vector<128x8xf32>, vector<128x8xf32> -> vector<128x8xf32>
    %mul3A_608 = arith.constant 2.500000e-01 : f32
    %mul3A_609 = vector.broadcast %mul3A_608 : f32 to vector<128x8xf32>
    %mul3A_610 = arith.mulf %dot_general3A_607, %mul3A_609 : vector<128x8xf32>
    %slice3A_611 = vector.extract_strided_slice %get3A_8 {offsets = [3840, 3], sizes = [128, 1], strides = [1, 1]} : vector<4096x4xf32> to vector<128x1xf32>
    %lt3A_612 = arith.constant 5.000000e+01 : f32
    %lt3A_613 = vector.broadcast %lt3A_612 : f32 to vector<128x1xf32>
    %lt3A_614 = arith.cmpf olt, %slice3A_611, %lt3A_613 : vector<128x1xf32>
    %jit3A_615 = arith.constant -1.000000e+09 : f32
    %broadcast_in_dim3A_616 = vector.shape_cast %lt3A_614 : vector<128x1xi1> to vector<128x1xi1>
    %broadcast_in_dim3A_617 = vector.broadcast %broadcast_in_dim3A_616 : vector<128x1xi1> to vector<128x8xi1>
    %broadcast_in_dim3A_618 = vector.broadcast %jit3A_615 : f32 to vector<128x8xf32>
    %select_n3A_619 = arith.select %broadcast_in_dim3A_617, %mul3A_610, %broadcast_in_dim3A_618 : vector<128x8xi1>, vector<128x8xf32>
    %max3A_620 = arith.maximumf %max3A_601, %select_n3A_619 : vector<128x8xf32>
    %slice3A_621 = vector.extract_strided_slice %get3A_38 {offsets = [3968, 0], sizes = [128, 128], strides = [1, 1]} : vector<4096x256xf32> to vector<128x128xf32>
    %slice3A_622 = vector.extract_strided_slice %add3A_29 {offsets = [3968, 0], sizes = [128, 128], strides = [1, 1]} : vector<4096x128xf32> to vector<128x128xf32>
    %add3A_623 = arith.addf %slice3A_621, %slice3A_622 : vector<128x128xf32>
    %mul3A_624 = arith.mulf %add3A_623, %dot_general3A_5 : vector<128x128xf32>
    %dot_general3A_625 = arith.constant dense<0.000000e+00> : vector<128x8xf32>
    %dot_general3A_626 = tpu.matmul %mul3A_624, %get3A_32, %dot_general3A_625 {dimension_numbers = #tpu.dot_dimension_numbers<[1], [0], [0], [1], [0, 0, 1, 1], [], []>, transpose_lhs_hint = false} : vector<128x128xf32>, vector<128x8xf32>, vector<128x8xf32> -> vector<128x8xf32>
    %mul3A_627 = arith.constant 2.500000e-01 : f32
    %mul3A_628 = vector.broadcast %mul3A_627 : f32 to vector<128x8xf32>
    %mul3A_629 = arith.mulf %dot_general3A_626, %mul3A_628 : vector<128x8xf32>
    %slice3A_630 = vector.extract_strided_slice %get3A_8 {offsets = [3968, 3], sizes = [128, 1], strides = [1, 1]} : vector<4096x4xf32> to vector<128x1xf32>
    %lt3A_631 = arith.constant 5.000000e+01 : f32
    %lt3A_632 = vector.broadcast %lt3A_631 : f32 to vector<128x1xf32>
    %lt3A_633 = arith.cmpf olt, %slice3A_630, %lt3A_632 : vector<128x1xf32>
    %jit3A_634 = arith.constant -1.000000e+09 : f32
    %broadcast_in_dim3A_635 = vector.shape_cast %lt3A_633 : vector<128x1xi1> to vector<128x1xi1>
    %broadcast_in_dim3A_636 = vector.broadcast %broadcast_in_dim3A_635 : vector<128x1xi1> to vector<128x8xi1>
    %broadcast_in_dim3A_637 = vector.broadcast %jit3A_634 : f32 to vector<128x8xf32>
    %select_n3A_638 = arith.select %broadcast_in_dim3A_636, %mul3A_629, %broadcast_in_dim3A_637 : vector<128x8xi1>, vector<128x8xf32>
    %max3A_639 = arith.maximumf %max3A_620, %select_n3A_638 : vector<128x8xf32>
    %sub3A = arith.subf %select_n3A, %max3A_639 : vector<128x8xf32>
    %exp3A = math.exp %sub3A : vector<128x8xf32>
    %slice3A_640 = vector.extract_strided_slice %get3A_38 {offsets = [0, 128], sizes = [128, 128], strides = [1, 1]} : vector<4096x256xf32> to vector<128x128xf32>
    %dot_general3A_641 = arith.constant dense<0.000000e+00> : vector<128x128xf32>
    %dot_general3A_642 = tpu.matmul %exp3A, %get3A_35, %dot_general3A_641 {dimension_numbers = #tpu.dot_dimension_numbers<[1], [0], [0], [1], [0, 0, 1, 1], [], []>, transpose_lhs_hint = false} : vector<128x8xf32>, vector<8x128xf32>, vector<128x128xf32> -> vector<128x128xf32>
    %mul3A_643 = arith.mulf %dot_general3A_642, %slice3A_640 : vector<128x128xf32>
    %sub3A_644 = arith.subf %select_n3A_68, %max3A_639 : vector<128x8xf32>
    %exp3A_645 = math.exp %sub3A_644 : vector<128x8xf32>
    %add3A_646 = arith.addf %exp3A, %exp3A_645 : vector<128x8xf32>
    %slice3A_647 = vector.extract_strided_slice %get3A_38 {offsets = [128, 128], sizes = [128, 128], strides = [1, 1]} : vector<4096x256xf32> to vector<128x128xf32>
    %dot_general3A_648 = arith.constant dense<0.000000e+00> : vector<128x128xf32>
    %dot_general3A_649 = tpu.matmul %exp3A_645, %get3A_35, %dot_general3A_648 {dimension_numbers = #tpu.dot_dimension_numbers<[1], [0], [0], [1], [0, 0, 1, 1], [], []>, transpose_lhs_hint = false} : vector<128x8xf32>, vector<8x128xf32>, vector<128x128xf32> -> vector<128x128xf32>
    %mul3A_650 = arith.mulf %dot_general3A_649, %slice3A_647 : vector<128x128xf32>
    %add3A_651 = arith.addf %mul3A_643, %mul3A_650 : vector<128x128xf32>
    %sub3A_652 = arith.subf %select_n3A_87, %max3A_639 : vector<128x8xf32>
    %exp3A_653 = math.exp %sub3A_652 : vector<128x8xf32>
    %add3A_654 = arith.addf %add3A_646, %exp3A_653 : vector<128x8xf32>
    %slice3A_655 = vector.extract_strided_slice %get3A_38 {offsets = [256, 128], sizes = [128, 128], strides = [1, 1]} : vector<4096x256xf32> to vector<128x128xf32>
    %dot_general3A_656 = arith.constant dense<0.000000e+00> : vector<128x128xf32>
    %dot_general3A_657 = tpu.matmul %exp3A_653, %get3A_35, %dot_general3A_656 {dimension_numbers = #tpu.dot_dimension_numbers<[1], [0], [0], [1], [0, 0, 1, 1], [], []>, transpose_lhs_hint = false} : vector<128x8xf32>, vector<8x128xf32>, vector<128x128xf32> -> vector<128x128xf32>
    %mul3A_658 = arith.mulf %dot_general3A_657, %slice3A_655 : vector<128x128xf32>
    %add3A_659 = arith.addf %add3A_651, %mul3A_658 : vector<128x128xf32>
    %sub3A_660 = arith.subf %select_n3A_106, %max3A_639 : vector<128x8xf32>
    %exp3A_661 = math.exp %sub3A_660 : vector<128x8xf32>
    %add3A_662 = arith.addf %add3A_654, %exp3A_661 : vector<128x8xf32>
    %slice3A_663 = vector.extract_strided_slice %get3A_38 {offsets = [384, 128], sizes = [128, 128], strides = [1, 1]} : vector<4096x256xf32> to vector<128x128xf32>
    %dot_general3A_664 = arith.constant dense<0.000000e+00> : vector<128x128xf32>
    %dot_general3A_665 = tpu.matmul %exp3A_661, %get3A_35, %dot_general3A_664 {dimension_numbers = #tpu.dot_dimension_numbers<[1], [0], [0], [1], [0, 0, 1, 1], [], []>, transpose_lhs_hint = false} : vector<128x8xf32>, vector<8x128xf32>, vector<128x128xf32> -> vector<128x128xf32>
    %mul3A_666 = arith.mulf %dot_general3A_665, %slice3A_663 : vector<128x128xf32>
    %add3A_667 = arith.addf %add3A_659, %mul3A_666 : vector<128x128xf32>
    %sub3A_668 = arith.subf %select_n3A_125, %max3A_639 : vector<128x8xf32>
    %exp3A_669 = math.exp %sub3A_668 : vector<128x8xf32>
    %add3A_670 = arith.addf %add3A_662, %exp3A_669 : vector<128x8xf32>
    %slice3A_671 = vector.extract_strided_slice %get3A_38 {offsets = [512, 128], sizes = [128, 128], strides = [1, 1]} : vector<4096x256xf32> to vector<128x128xf32>
    %dot_general3A_672 = arith.constant dense<0.000000e+00> : vector<128x128xf32>
    %dot_general3A_673 = tpu.matmul %exp3A_669, %get3A_35, %dot_general3A_672 {dimension_numbers = #tpu.dot_dimension_numbers<[1], [0], [0], [1], [0, 0, 1, 1], [], []>, transpose_lhs_hint = false} : vector<128x8xf32>, vector<8x128xf32>, vector<128x128xf32> -> vector<128x128xf32>
    %mul3A_674 = arith.mulf %dot_general3A_673, %slice3A_671 : vector<128x128xf32>
    %add3A_675 = arith.addf %add3A_667, %mul3A_674 : vector<128x128xf32>
    %sub3A_676 = arith.subf %select_n3A_144, %max3A_639 : vector<128x8xf32>
    %exp3A_677 = math.exp %sub3A_676 : vector<128x8xf32>
    %add3A_678 = arith.addf %add3A_670, %exp3A_677 : vector<128x8xf32>
    %slice3A_679 = vector.extract_strided_slice %get3A_38 {offsets = [640, 128], sizes = [128, 128], strides = [1, 1]} : vector<4096x256xf32> to vector<128x128xf32>
    %dot_general3A_680 = arith.constant dense<0.000000e+00> : vector<128x128xf32>
    %dot_general3A_681 = tpu.matmul %exp3A_677, %get3A_35, %dot_general3A_680 {dimension_numbers = #tpu.dot_dimension_numbers<[1], [0], [0], [1], [0, 0, 1, 1], [], []>, transpose_lhs_hint = false} : vector<128x8xf32>, vector<8x128xf32>, vector<128x128xf32> -> vector<128x128xf32>
    %mul3A_682 = arith.mulf %dot_general3A_681, %slice3A_679 : vector<128x128xf32>
    %add3A_683 = arith.addf %add3A_675, %mul3A_682 : vector<128x128xf32>
    %sub3A_684 = arith.subf %select_n3A_163, %max3A_639 : vector<128x8xf32>
    %exp3A_685 = math.exp %sub3A_684 : vector<128x8xf32>
    %add3A_686 = arith.addf %add3A_678, %exp3A_685 : vector<128x8xf32>
    %slice3A_687 = vector.extract_strided_slice %get3A_38 {offsets = [768, 128], sizes = [128, 128], strides = [1, 1]} : vector<4096x256xf32> to vector<128x128xf32>
    %dot_general3A_688 = arith.constant dense<0.000000e+00> : vector<128x128xf32>
    %dot_general3A_689 = tpu.matmul %exp3A_685, %get3A_35, %dot_general3A_688 {dimension_numbers = #tpu.dot_dimension_numbers<[1], [0], [0], [1], [0, 0, 1, 1], [], []>, transpose_lhs_hint = false} : vector<128x8xf32>, vector<8x128xf32>, vector<128x128xf32> -> vector<128x128xf32>
    %mul3A_690 = arith.mulf %dot_general3A_689, %slice3A_687 : vector<128x128xf32>
    %add3A_691 = arith.addf %add3A_683, %mul3A_690 : vector<128x128xf32>
    %sub3A_692 = arith.subf %select_n3A_182, %max3A_639 : vector<128x8xf32>
    %exp3A_693 = math.exp %sub3A_692 : vector<128x8xf32>
    %add3A_694 = arith.addf %add3A_686, %exp3A_693 : vector<128x8xf32>
    %slice3A_695 = vector.extract_strided_slice %get3A_38 {offsets = [896, 128], sizes = [128, 128], strides = [1, 1]} : vector<4096x256xf32> to vector<128x128xf32>
    %dot_general3A_696 = arith.constant dense<0.000000e+00> : vector<128x128xf32>
    %dot_general3A_697 = tpu.matmul %exp3A_693, %get3A_35, %dot_general3A_696 {dimension_numbers = #tpu.dot_dimension_numbers<[1], [0], [0], [1], [0, 0, 1, 1], [], []>, transpose_lhs_hint = false} : vector<128x8xf32>, vector<8x128xf32>, vector<128x128xf32> -> vector<128x128xf32>
    %mul3A_698 = arith.mulf %dot_general3A_697, %slice3A_695 : vector<128x128xf32>
    %add3A_699 = arith.addf %add3A_691, %mul3A_698 : vector<128x128xf32>
    %sub3A_700 = arith.subf %select_n3A_201, %max3A_639 : vector<128x8xf32>
    %exp3A_701 = math.exp %sub3A_700 : vector<128x8xf32>
    %add3A_702 = arith.addf %add3A_694, %exp3A_701 : vector<128x8xf32>
    %slice3A_703 = vector.extract_strided_slice %get3A_38 {offsets = [1024, 128], sizes = [128, 128], strides = [1, 1]} : vector<4096x256xf32> to vector<128x128xf32>
    %dot_general3A_704 = arith.constant dense<0.000000e+00> : vector<128x128xf32>
    %dot_general3A_705 = tpu.matmul %exp3A_701, %get3A_35, %dot_general3A_704 {dimension_numbers = #tpu.dot_dimension_numbers<[1], [0], [0], [1], [0, 0, 1, 1], [], []>, transpose_lhs_hint = false} : vector<128x8xf32>, vector<8x128xf32>, vector<128x128xf32> -> vector<128x128xf32>
    %mul3A_706 = arith.mulf %dot_general3A_705, %slice3A_703 : vector<128x128xf32>
    %add3A_707 = arith.addf %add3A_699, %mul3A_706 : vector<128x128xf32>
    %sub3A_708 = arith.subf %select_n3A_220, %max3A_639 : vector<128x8xf32>
    %exp3A_709 = math.exp %sub3A_708 : vector<128x8xf32>
    %add3A_710 = arith.addf %add3A_702, %exp3A_709 : vector<128x8xf32>
    %slice3A_711 = vector.extract_strided_slice %get3A_38 {offsets = [1152, 128], sizes = [128, 128], strides = [1, 1]} : vector<4096x256xf32> to vector<128x128xf32>
    %dot_general3A_712 = arith.constant dense<0.000000e+00> : vector<128x128xf32>
    %dot_general3A_713 = tpu.matmul %exp3A_709, %get3A_35, %dot_general3A_712 {dimension_numbers = #tpu.dot_dimension_numbers<[1], [0], [0], [1], [0, 0, 1, 1], [], []>, transpose_lhs_hint = false} : vector<128x8xf32>, vector<8x128xf32>, vector<128x128xf32> -> vector<128x128xf32>
    %mul3A_714 = arith.mulf %dot_general3A_713, %slice3A_711 : vector<128x128xf32>
    %add3A_715 = arith.addf %add3A_707, %mul3A_714 : vector<128x128xf32>
    %sub3A_716 = arith.subf %select_n3A_239, %max3A_639 : vector<128x8xf32>
    %exp3A_717 = math.exp %sub3A_716 : vector<128x8xf32>
    %add3A_718 = arith.addf %add3A_710, %exp3A_717 : vector<128x8xf32>
    %slice3A_719 = vector.extract_strided_slice %get3A_38 {offsets = [1280, 128], sizes = [128, 128], strides = [1, 1]} : vector<4096x256xf32> to vector<128x128xf32>
    %dot_general3A_720 = arith.constant dense<0.000000e+00> : vector<128x128xf32>
    %dot_general3A_721 = tpu.matmul %exp3A_717, %get3A_35, %dot_general3A_720 {dimension_numbers = #tpu.dot_dimension_numbers<[1], [0], [0], [1], [0, 0, 1, 1], [], []>, transpose_lhs_hint = false} : vector<128x8xf32>, vector<8x128xf32>, vector<128x128xf32> -> vector<128x128xf32>
    %mul3A_722 = arith.mulf %dot_general3A_721, %slice3A_719 : vector<128x128xf32>
    %add3A_723 = arith.addf %add3A_715, %mul3A_722 : vector<128x128xf32>
    %sub3A_724 = arith.subf %select_n3A_258, %max3A_639 : vector<128x8xf32>
    %exp3A_725 = math.exp %sub3A_724 : vector<128x8xf32>
    %add3A_726 = arith.addf %add3A_718, %exp3A_725 : vector<128x8xf32>
    %slice3A_727 = vector.extract_strided_slice %get3A_38 {offsets = [1408, 128], sizes = [128, 128], strides = [1, 1]} : vector<4096x256xf32> to vector<128x128xf32>
    %dot_general3A_728 = arith.constant dense<0.000000e+00> : vector<128x128xf32>
    %dot_general3A_729 = tpu.matmul %exp3A_725, %get3A_35, %dot_general3A_728 {dimension_numbers = #tpu.dot_dimension_numbers<[1], [0], [0], [1], [0, 0, 1, 1], [], []>, transpose_lhs_hint = false} : vector<128x8xf32>, vector<8x128xf32>, vector<128x128xf32> -> vector<128x128xf32>
    %mul3A_730 = arith.mulf %dot_general3A_729, %slice3A_727 : vector<128x128xf32>
    %add3A_731 = arith.addf %add3A_723, %mul3A_730 : vector<128x128xf32>
    %sub3A_732 = arith.subf %select_n3A_277, %max3A_639 : vector<128x8xf32>
    %exp3A_733 = math.exp %sub3A_732 : vector<128x8xf32>
    %add3A_734 = arith.addf %add3A_726, %exp3A_733 : vector<128x8xf32>
    %slice3A_735 = vector.extract_strided_slice %get3A_38 {offsets = [1536, 128], sizes = [128, 128], strides = [1, 1]} : vector<4096x256xf32> to vector<128x128xf32>
    %dot_general3A_736 = arith.constant dense<0.000000e+00> : vector<128x128xf32>
    %dot_general3A_737 = tpu.matmul %exp3A_733, %get3A_35, %dot_general3A_736 {dimension_numbers = #tpu.dot_dimension_numbers<[1], [0], [0], [1], [0, 0, 1, 1], [], []>, transpose_lhs_hint = false} : vector<128x8xf32>, vector<8x128xf32>, vector<128x128xf32> -> vector<128x128xf32>
    %mul3A_738 = arith.mulf %dot_general3A_737, %slice3A_735 : vector<128x128xf32>
    %add3A_739 = arith.addf %add3A_731, %mul3A_738 : vector<128x128xf32>
    %sub3A_740 = arith.subf %select_n3A_296, %max3A_639 : vector<128x8xf32>
    %exp3A_741 = math.exp %sub3A_740 : vector<128x8xf32>
    %add3A_742 = arith.addf %add3A_734, %exp3A_741 : vector<128x8xf32>
    %slice3A_743 = vector.extract_strided_slice %get3A_38 {offsets = [1664, 128], sizes = [128, 128], strides = [1, 1]} : vector<4096x256xf32> to vector<128x128xf32>
    %dot_general3A_744 = arith.constant dense<0.000000e+00> : vector<128x128xf32>
    %dot_general3A_745 = tpu.matmul %exp3A_741, %get3A_35, %dot_general3A_744 {dimension_numbers = #tpu.dot_dimension_numbers<[1], [0], [0], [1], [0, 0, 1, 1], [], []>, transpose_lhs_hint = false} : vector<128x8xf32>, vector<8x128xf32>, vector<128x128xf32> -> vector<128x128xf32>
    %mul3A_746 = arith.mulf %dot_general3A_745, %slice3A_743 : vector<128x128xf32>
    %add3A_747 = arith.addf %add3A_739, %mul3A_746 : vector<128x128xf32>
    %sub3A_748 = arith.subf %select_n3A_315, %max3A_639 : vector<128x8xf32>
    %exp3A_749 = math.exp %sub3A_748 : vector<128x8xf32>
    %add3A_750 = arith.addf %add3A_742, %exp3A_749 : vector<128x8xf32>
    %slice3A_751 = vector.extract_strided_slice %get3A_38 {offsets = [1792, 128], sizes = [128, 128], strides = [1, 1]} : vector<4096x256xf32> to vector<128x128xf32>
    %dot_general3A_752 = arith.constant dense<0.000000e+00> : vector<128x128xf32>
    %dot_general3A_753 = tpu.matmul %exp3A_749, %get3A_35, %dot_general3A_752 {dimension_numbers = #tpu.dot_dimension_numbers<[1], [0], [0], [1], [0, 0, 1, 1], [], []>, transpose_lhs_hint = false} : vector<128x8xf32>, vector<8x128xf32>, vector<128x128xf32> -> vector<128x128xf32>
    %mul3A_754 = arith.mulf %dot_general3A_753, %slice3A_751 : vector<128x128xf32>
    %add3A_755 = arith.addf %add3A_747, %mul3A_754 : vector<128x128xf32>
    %sub3A_756 = arith.subf %select_n3A_334, %max3A_639 : vector<128x8xf32>
    %exp3A_757 = math.exp %sub3A_756 : vector<128x8xf32>
    %add3A_758 = arith.addf %add3A_750, %exp3A_757 : vector<128x8xf32>
    %slice3A_759 = vector.extract_strided_slice %get3A_38 {offsets = [1920, 128], sizes = [128, 128], strides = [1, 1]} : vector<4096x256xf32> to vector<128x128xf32>
    %dot_general3A_760 = arith.constant dense<0.000000e+00> : vector<128x128xf32>
    %dot_general3A_761 = tpu.matmul %exp3A_757, %get3A_35, %dot_general3A_760 {dimension_numbers = #tpu.dot_dimension_numbers<[1], [0], [0], [1], [0, 0, 1, 1], [], []>, transpose_lhs_hint = false} : vector<128x8xf32>, vector<8x128xf32>, vector<128x128xf32> -> vector<128x128xf32>
    %mul3A_762 = arith.mulf %dot_general3A_761, %slice3A_759 : vector<128x128xf32>
    %add3A_763 = arith.addf %add3A_755, %mul3A_762 : vector<128x128xf32>
    %sub3A_764 = arith.subf %select_n3A_353, %max3A_639 : vector<128x8xf32>
    %exp3A_765 = math.exp %sub3A_764 : vector<128x8xf32>
    %add3A_766 = arith.addf %add3A_758, %exp3A_765 : vector<128x8xf32>
    %slice3A_767 = vector.extract_strided_slice %get3A_38 {offsets = [2048, 128], sizes = [128, 128], strides = [1, 1]} : vector<4096x256xf32> to vector<128x128xf32>
    %dot_general3A_768 = arith.constant dense<0.000000e+00> : vector<128x128xf32>
    %dot_general3A_769 = tpu.matmul %exp3A_765, %get3A_35, %dot_general3A_768 {dimension_numbers = #tpu.dot_dimension_numbers<[1], [0], [0], [1], [0, 0, 1, 1], [], []>, transpose_lhs_hint = false} : vector<128x8xf32>, vector<8x128xf32>, vector<128x128xf32> -> vector<128x128xf32>
    %mul3A_770 = arith.mulf %dot_general3A_769, %slice3A_767 : vector<128x128xf32>
    %add3A_771 = arith.addf %add3A_763, %mul3A_770 : vector<128x128xf32>
    %sub3A_772 = arith.subf %select_n3A_372, %max3A_639 : vector<128x8xf32>
    %exp3A_773 = math.exp %sub3A_772 : vector<128x8xf32>
    %add3A_774 = arith.addf %add3A_766, %exp3A_773 : vector<128x8xf32>
    %slice3A_775 = vector.extract_strided_slice %get3A_38 {offsets = [2176, 128], sizes = [128, 128], strides = [1, 1]} : vector<4096x256xf32> to vector<128x128xf32>
    %dot_general3A_776 = arith.constant dense<0.000000e+00> : vector<128x128xf32>
    %dot_general3A_777 = tpu.matmul %exp3A_773, %get3A_35, %dot_general3A_776 {dimension_numbers = #tpu.dot_dimension_numbers<[1], [0], [0], [1], [0, 0, 1, 1], [], []>, transpose_lhs_hint = false} : vector<128x8xf32>, vector<8x128xf32>, vector<128x128xf32> -> vector<128x128xf32>
    %mul3A_778 = arith.mulf %dot_general3A_777, %slice3A_775 : vector<128x128xf32>
    %add3A_779 = arith.addf %add3A_771, %mul3A_778 : vector<128x128xf32>
    %sub3A_780 = arith.subf %select_n3A_391, %max3A_639 : vector<128x8xf32>
    %exp3A_781 = math.exp %sub3A_780 : vector<128x8xf32>
    %add3A_782 = arith.addf %add3A_774, %exp3A_781 : vector<128x8xf32>
    %slice3A_783 = vector.extract_strided_slice %get3A_38 {offsets = [2304, 128], sizes = [128, 128], strides = [1, 1]} : vector<4096x256xf32> to vector<128x128xf32>
    %dot_general3A_784 = arith.constant dense<0.000000e+00> : vector<128x128xf32>
    %dot_general3A_785 = tpu.matmul %exp3A_781, %get3A_35, %dot_general3A_784 {dimension_numbers = #tpu.dot_dimension_numbers<[1], [0], [0], [1], [0, 0, 1, 1], [], []>, transpose_lhs_hint = false} : vector<128x8xf32>, vector<8x128xf32>, vector<128x128xf32> -> vector<128x128xf32>
    %mul3A_786 = arith.mulf %dot_general3A_785, %slice3A_783 : vector<128x128xf32>
    %add3A_787 = arith.addf %add3A_779, %mul3A_786 : vector<128x128xf32>
    %sub3A_788 = arith.subf %select_n3A_410, %max3A_639 : vector<128x8xf32>
    %exp3A_789 = math.exp %sub3A_788 : vector<128x8xf32>
    %add3A_790 = arith.addf %add3A_782, %exp3A_789 : vector<128x8xf32>
    %slice3A_791 = vector.extract_strided_slice %get3A_38 {offsets = [2432, 128], sizes = [128, 128], strides = [1, 1]} : vector<4096x256xf32> to vector<128x128xf32>
    %dot_general3A_792 = arith.constant dense<0.000000e+00> : vector<128x128xf32>
    %dot_general3A_793 = tpu.matmul %exp3A_789, %get3A_35, %dot_general3A_792 {dimension_numbers = #tpu.dot_dimension_numbers<[1], [0], [0], [1], [0, 0, 1, 1], [], []>, transpose_lhs_hint = false} : vector<128x8xf32>, vector<8x128xf32>, vector<128x128xf32> -> vector<128x128xf32>
    %mul3A_794 = arith.mulf %dot_general3A_793, %slice3A_791 : vector<128x128xf32>
    %add3A_795 = arith.addf %add3A_787, %mul3A_794 : vector<128x128xf32>
    %sub3A_796 = arith.subf %select_n3A_429, %max3A_639 : vector<128x8xf32>
    %exp3A_797 = math.exp %sub3A_796 : vector<128x8xf32>
    %add3A_798 = arith.addf %add3A_790, %exp3A_797 : vector<128x8xf32>
    %slice3A_799 = vector.extract_strided_slice %get3A_38 {offsets = [2560, 128], sizes = [128, 128], strides = [1, 1]} : vector<4096x256xf32> to vector<128x128xf32>
    %dot_general3A_800 = arith.constant dense<0.000000e+00> : vector<128x128xf32>
    %dot_general3A_801 = tpu.matmul %exp3A_797, %get3A_35, %dot_general3A_800 {dimension_numbers = #tpu.dot_dimension_numbers<[1], [0], [0], [1], [0, 0, 1, 1], [], []>, transpose_lhs_hint = false} : vector<128x8xf32>, vector<8x128xf32>, vector<128x128xf32> -> vector<128x128xf32>
    %mul3A_802 = arith.mulf %dot_general3A_801, %slice3A_799 : vector<128x128xf32>
    %add3A_803 = arith.addf %add3A_795, %mul3A_802 : vector<128x128xf32>
    %sub3A_804 = arith.subf %select_n3A_448, %max3A_639 : vector<128x8xf32>
    %exp3A_805 = math.exp %sub3A_804 : vector<128x8xf32>
    %add3A_806 = arith.addf %add3A_798, %exp3A_805 : vector<128x8xf32>
    %slice3A_807 = vector.extract_strided_slice %get3A_38 {offsets = [2688, 128], sizes = [128, 128], strides = [1, 1]} : vector<4096x256xf32> to vector<128x128xf32>
    %dot_general3A_808 = arith.constant dense<0.000000e+00> : vector<128x128xf32>
    %dot_general3A_809 = tpu.matmul %exp3A_805, %get3A_35, %dot_general3A_808 {dimension_numbers = #tpu.dot_dimension_numbers<[1], [0], [0], [1], [0, 0, 1, 1], [], []>, transpose_lhs_hint = false} : vector<128x8xf32>, vector<8x128xf32>, vector<128x128xf32> -> vector<128x128xf32>
    %mul3A_810 = arith.mulf %dot_general3A_809, %slice3A_807 : vector<128x128xf32>
    %add3A_811 = arith.addf %add3A_803, %mul3A_810 : vector<128x128xf32>
    %sub3A_812 = arith.subf %select_n3A_467, %max3A_639 : vector<128x8xf32>
    %exp3A_813 = math.exp %sub3A_812 : vector<128x8xf32>
    %add3A_814 = arith.addf %add3A_806, %exp3A_813 : vector<128x8xf32>
    %slice3A_815 = vector.extract_strided_slice %get3A_38 {offsets = [2816, 128], sizes = [128, 128], strides = [1, 1]} : vector<4096x256xf32> to vector<128x128xf32>
    %dot_general3A_816 = arith.constant dense<0.000000e+00> : vector<128x128xf32>
    %dot_general3A_817 = tpu.matmul %exp3A_813, %get3A_35, %dot_general3A_816 {dimension_numbers = #tpu.dot_dimension_numbers<[1], [0], [0], [1], [0, 0, 1, 1], [], []>, transpose_lhs_hint = false} : vector<128x8xf32>, vector<8x128xf32>, vector<128x128xf32> -> vector<128x128xf32>
    %mul3A_818 = arith.mulf %dot_general3A_817, %slice3A_815 : vector<128x128xf32>
    %add3A_819 = arith.addf %add3A_811, %mul3A_818 : vector<128x128xf32>
    %sub3A_820 = arith.subf %select_n3A_486, %max3A_639 : vector<128x8xf32>
    %exp3A_821 = math.exp %sub3A_820 : vector<128x8xf32>
    %add3A_822 = arith.addf %add3A_814, %exp3A_821 : vector<128x8xf32>
    %slice3A_823 = vector.extract_strided_slice %get3A_38 {offsets = [2944, 128], sizes = [128, 128], strides = [1, 1]} : vector<4096x256xf32> to vector<128x128xf32>
    %dot_general3A_824 = arith.constant dense<0.000000e+00> : vector<128x128xf32>
    %dot_general3A_825 = tpu.matmul %exp3A_821, %get3A_35, %dot_general3A_824 {dimension_numbers = #tpu.dot_dimension_numbers<[1], [0], [0], [1], [0, 0, 1, 1], [], []>, transpose_lhs_hint = false} : vector<128x8xf32>, vector<8x128xf32>, vector<128x128xf32> -> vector<128x128xf32>
    %mul3A_826 = arith.mulf %dot_general3A_825, %slice3A_823 : vector<128x128xf32>
    %add3A_827 = arith.addf %add3A_819, %mul3A_826 : vector<128x128xf32>
    %sub3A_828 = arith.subf %select_n3A_505, %max3A_639 : vector<128x8xf32>
    %exp3A_829 = math.exp %sub3A_828 : vector<128x8xf32>
    %add3A_830 = arith.addf %add3A_822, %exp3A_829 : vector<128x8xf32>
    %slice3A_831 = vector.extract_strided_slice %get3A_38 {offsets = [3072, 128], sizes = [128, 128], strides = [1, 1]} : vector<4096x256xf32> to vector<128x128xf32>
    %dot_general3A_832 = arith.constant dense<0.000000e+00> : vector<128x128xf32>
    %dot_general3A_833 = tpu.matmul %exp3A_829, %get3A_35, %dot_general3A_832 {dimension_numbers = #tpu.dot_dimension_numbers<[1], [0], [0], [1], [0, 0, 1, 1], [], []>, transpose_lhs_hint = false} : vector<128x8xf32>, vector<8x128xf32>, vector<128x128xf32> -> vector<128x128xf32>
    %mul3A_834 = arith.mulf %dot_general3A_833, %slice3A_831 : vector<128x128xf32>
    %add3A_835 = arith.addf %add3A_827, %mul3A_834 : vector<128x128xf32>
    %sub3A_836 = arith.subf %select_n3A_524, %max3A_639 : vector<128x8xf32>
    %exp3A_837 = math.exp %sub3A_836 : vector<128x8xf32>
    %add3A_838 = arith.addf %add3A_830, %exp3A_837 : vector<128x8xf32>
    %slice3A_839 = vector.extract_strided_slice %get3A_38 {offsets = [3200, 128], sizes = [128, 128], strides = [1, 1]} : vector<4096x256xf32> to vector<128x128xf32>
    %dot_general3A_840 = arith.constant dense<0.000000e+00> : vector<128x128xf32>
    %dot_general3A_841 = tpu.matmul %exp3A_837, %get3A_35, %dot_general3A_840 {dimension_numbers = #tpu.dot_dimension_numbers<[1], [0], [0], [1], [0, 0, 1, 1], [], []>, transpose_lhs_hint = false} : vector<128x8xf32>, vector<8x128xf32>, vector<128x128xf32> -> vector<128x128xf32>
    %mul3A_842 = arith.mulf %dot_general3A_841, %slice3A_839 : vector<128x128xf32>
    %add3A_843 = arith.addf %add3A_835, %mul3A_842 : vector<128x128xf32>
    %sub3A_844 = arith.subf %select_n3A_543, %max3A_639 : vector<128x8xf32>
    %exp3A_845 = math.exp %sub3A_844 : vector<128x8xf32>
    %add3A_846 = arith.addf %add3A_838, %exp3A_845 : vector<128x8xf32>
    %slice3A_847 = vector.extract_strided_slice %get3A_38 {offsets = [3328, 128], sizes = [128, 128], strides = [1, 1]} : vector<4096x256xf32> to vector<128x128xf32>
    %dot_general3A_848 = arith.constant dense<0.000000e+00> : vector<128x128xf32>
    %dot_general3A_849 = tpu.matmul %exp3A_845, %get3A_35, %dot_general3A_848 {dimension_numbers = #tpu.dot_dimension_numbers<[1], [0], [0], [1], [0, 0, 1, 1], [], []>, transpose_lhs_hint = false} : vector<128x8xf32>, vector<8x128xf32>, vector<128x128xf32> -> vector<128x128xf32>
    %mul3A_850 = arith.mulf %dot_general3A_849, %slice3A_847 : vector<128x128xf32>
    %add3A_851 = arith.addf %add3A_843, %mul3A_850 : vector<128x128xf32>
    %sub3A_852 = arith.subf %select_n3A_562, %max3A_639 : vector<128x8xf32>
    %exp3A_853 = math.exp %sub3A_852 : vector<128x8xf32>
    %add3A_854 = arith.addf %add3A_846, %exp3A_853 : vector<128x8xf32>
    %slice3A_855 = vector.extract_strided_slice %get3A_38 {offsets = [3456, 128], sizes = [128, 128], strides = [1, 1]} : vector<4096x256xf32> to vector<128x128xf32>
    %dot_general3A_856 = arith.constant dense<0.000000e+00> : vector<128x128xf32>
    %dot_general3A_857 = tpu.matmul %exp3A_853, %get3A_35, %dot_general3A_856 {dimension_numbers = #tpu.dot_dimension_numbers<[1], [0], [0], [1], [0, 0, 1, 1], [], []>, transpose_lhs_hint = false} : vector<128x8xf32>, vector<8x128xf32>, vector<128x128xf32> -> vector<128x128xf32>
    %mul3A_858 = arith.mulf %dot_general3A_857, %slice3A_855 : vector<128x128xf32>
    %add3A_859 = arith.addf %add3A_851, %mul3A_858 : vector<128x128xf32>
    %sub3A_860 = arith.subf %select_n3A_581, %max3A_639 : vector<128x8xf32>
    %exp3A_861 = math.exp %sub3A_860 : vector<128x8xf32>
    %add3A_862 = arith.addf %add3A_854, %exp3A_861 : vector<128x8xf32>
    %slice3A_863 = vector.extract_strided_slice %get3A_38 {offsets = [3584, 128], sizes = [128, 128], strides = [1, 1]} : vector<4096x256xf32> to vector<128x128xf32>
    %dot_general3A_864 = arith.constant dense<0.000000e+00> : vector<128x128xf32>
    %dot_general3A_865 = tpu.matmul %exp3A_861, %get3A_35, %dot_general3A_864 {dimension_numbers = #tpu.dot_dimension_numbers<[1], [0], [0], [1], [0, 0, 1, 1], [], []>, transpose_lhs_hint = false} : vector<128x8xf32>, vector<8x128xf32>, vector<128x128xf32> -> vector<128x128xf32>
    %mul3A_866 = arith.mulf %dot_general3A_865, %slice3A_863 : vector<128x128xf32>
    %add3A_867 = arith.addf %add3A_859, %mul3A_866 : vector<128x128xf32>
    %sub3A_868 = arith.subf %select_n3A_600, %max3A_639 : vector<128x8xf32>
    %exp3A_869 = math.exp %sub3A_868 : vector<128x8xf32>
    %add3A_870 = arith.addf %add3A_862, %exp3A_869 : vector<128x8xf32>
    %slice3A_871 = vector.extract_strided_slice %get3A_38 {offsets = [3712, 128], sizes = [128, 128], strides = [1, 1]} : vector<4096x256xf32> to vector<128x128xf32>
    %dot_general3A_872 = arith.constant dense<0.000000e+00> : vector<128x128xf32>
    %dot_general3A_873 = tpu.matmul %exp3A_869, %get3A_35, %dot_general3A_872 {dimension_numbers = #tpu.dot_dimension_numbers<[1], [0], [0], [1], [0, 0, 1, 1], [], []>, transpose_lhs_hint = false} : vector<128x8xf32>, vector<8x128xf32>, vector<128x128xf32> -> vector<128x128xf32>
    %mul3A_874 = arith.mulf %dot_general3A_873, %slice3A_871 : vector<128x128xf32>
    %add3A_875 = arith.addf %add3A_867, %mul3A_874 : vector<128x128xf32>
    %sub3A_876 = arith.subf %select_n3A_619, %max3A_639 : vector<128x8xf32>
    %exp3A_877 = math.exp %sub3A_876 : vector<128x8xf32>
    %add3A_878 = arith.addf %add3A_870, %exp3A_877 : vector<128x8xf32>
    %slice3A_879 = vector.extract_strided_slice %get3A_38 {offsets = [3840, 128], sizes = [128, 128], strides = [1, 1]} : vector<4096x256xf32> to vector<128x128xf32>
    %dot_general3A_880 = arith.constant dense<0.000000e+00> : vector<128x128xf32>
    %dot_general3A_881 = tpu.matmul %exp3A_877, %get3A_35, %dot_general3A_880 {dimension_numbers = #tpu.dot_dimension_numbers<[1], [0], [0], [1], [0, 0, 1, 1], [], []>, transpose_lhs_hint = false} : vector<128x8xf32>, vector<8x128xf32>, vector<128x128xf32> -> vector<128x128xf32>
    %mul3A_882 = arith.mulf %dot_general3A_881, %slice3A_879 : vector<128x128xf32>
    %add3A_883 = arith.addf %add3A_875, %mul3A_882 : vector<128x128xf32>
    %sub3A_884 = arith.subf %select_n3A_638, %max3A_639 : vector<128x8xf32>
    %exp3A_885 = math.exp %sub3A_884 : vector<128x8xf32>
    %add3A_886 = arith.addf %add3A_878, %exp3A_885 : vector<128x8xf32>
    %slice3A_887 = vector.extract_strided_slice %get3A_38 {offsets = [3968, 128], sizes = [128, 128], strides = [1, 1]} : vector<4096x256xf32> to vector<128x128xf32>
    %dot_general3A_888 = arith.constant dense<0.000000e+00> : vector<128x128xf32>
    %dot_general3A_889 = tpu.matmul %exp3A_885, %get3A_35, %dot_general3A_888 {dimension_numbers = #tpu.dot_dimension_numbers<[1], [0], [0], [1], [0, 0, 1, 1], [], []>, transpose_lhs_hint = false} : vector<128x8xf32>, vector<8x128xf32>, vector<128x128xf32> -> vector<128x128xf32>
    %mul3A_890 = arith.mulf %dot_general3A_889, %slice3A_887 : vector<128x128xf32>
    %add3A_891 = arith.addf %add3A_883, %mul3A_890 : vector<128x128xf32>
    %dot_general3A_892 = arith.constant dense<0.000000e+00> : vector<128x128xf32>
    %dot_general3A_893 = tpu.matmul %add3A_886, %get3A_35, %dot_general3A_892 {dimension_numbers = #tpu.dot_dimension_numbers<[1], [0], [0], [1], [0, 0, 1, 1], [], []>, transpose_lhs_hint = false} : vector<128x8xf32>, vector<8x128xf32>, vector<128x128xf32> -> vector<128x128xf32>
    %div3A = arith.divf %add3A_891, %dot_general3A_893 : vector<128x128xf32>
    %get3A_894 = arith.constant 0 : index
    %get3A_895 = arith.constant 0 : index
    %get3A_896 = vector.load %arg5[%get3A_894, %get3A_895] : memref<128x128xf32, #tpu.memory_space<vmem>>, vector<128x128xf32>
    %dot_general3A_897 = arith.constant dense<0.000000e+00> : vector<128x128xf32>
    %dot_general3A_898 = tpu.matmul %div3A, %get3A_896, %dot_general3A_897 {dimension_numbers = #tpu.dot_dimension_numbers<[1], [0], [0], [1], [0, 0, 1, 1], [], []>, transpose_lhs_hint = false} : vector<128x128xf32>, vector<128x128xf32>, vector<128x128xf32> -> vector<128x128xf32>
    %add3A_899 = arith.addf %get3A_1, %dot_general3A_898 : vector<128x128xf32>
    %get3A_900 = arith.constant 0 : index
    %get3A_901 = arith.constant 0 : index
    %get3A_902 = vector.load %arg6[%get3A_900, %get3A_901] : memref<1x128xf32, #tpu.memory_space<vmem>>, vector<1x128xf32>
    %get3A_903 = arith.constant 0 : index
    %get3A_904 = arith.constant 0 : index
    %get3A_905 = vector.load %arg7[%get3A_903, %get3A_904] : memref<1x128xf32, #tpu.memory_space<vmem>>, vector<1x128xf32>
    %reduce_sum3A = arith.constant dense<0.000000e+00> : vector<128xf32>
    %reduce_sum3A_906 = vector.multi_reduction <add>, %add3A_899, %reduce_sum3A [1] : vector<128x128xf32> to vector<128xf32>
    %broadcast_in_dim3A_907 = vector.shape_cast %reduce_sum3A_906 : vector<128xf32> to vector<128x1xf32>
    %div3A_908 = arith.constant 1.280000e+02 : f32
    %div3A_909 = vector.broadcast %div3A_908 : f32 to vector<128x1xf32>
    %div3A_910 = arith.divf %broadcast_in_dim3A_907, %div3A_909 : vector<128x1xf32>
    %sub3A_911 = vector.broadcast %div3A_910 : vector<128x1xf32> to vector<128x128xf32>
    %sub3A_912 = arith.subf %add3A_899, %sub3A_911 : vector<128x128xf32>
    %integer_pow3A = arith.mulf %sub3A_912, %sub3A_912 : vector<128x128xf32>
    %reduce_sum3A_913 = arith.constant dense<0.000000e+00> : vector<128xf32>
    %reduce_sum3A_914 = vector.multi_reduction <add>, %integer_pow3A, %reduce_sum3A_913 [1] : vector<128x128xf32> to vector<128xf32>
    %broadcast_in_dim3A_915 = vector.shape_cast %reduce_sum3A_914 : vector<128xf32> to vector<128x1xf32>
    %div3A_916 = arith.constant 1.280000e+02 : f32
    %div3A_917 = vector.broadcast %div3A_916 : f32 to vector<128x1xf32>
    %div3A_918 = arith.divf %broadcast_in_dim3A_915, %div3A_917 : vector<128x1xf32>
    %sub3A_919 = vector.broadcast %div3A_910 : vector<128x1xf32> to vector<128x128xf32>
    %sub3A_920 = arith.subf %add3A_899, %sub3A_919 : vector<128x128xf32>
    %add3A_921 = arith.constant 9.99999974E-6 : f32
    %add3A_922 = vector.broadcast %add3A_921 : f32 to vector<128x1xf32>
    %add3A_923 = arith.addf %div3A_918, %add3A_922 : vector<128x1xf32>
    %sqrt3A = math.sqrt %add3A_923 : vector<128x1xf32>
    %div3A_924 = vector.broadcast %sqrt3A : vector<128x1xf32> to vector<128x128xf32>
    %div3A_925 = arith.divf %sub3A_920, %div3A_924 : vector<128x128xf32>
    %mul3A_926 = vector.broadcast %get3A_902 : vector<1x128xf32> to vector<128x128xf32>
    %mul3A_927 = arith.mulf %div3A_925, %mul3A_926 : vector<128x128xf32>
    %add3A_928 = vector.broadcast %get3A_905 : vector<1x128xf32> to vector<128x128xf32>
    %add3A_929 = arith.addf %mul3A_927, %add3A_928 : vector<128x128xf32>
    %get3A_930 = arith.constant 0 : index
    %get3A_931 = arith.constant 0 : index
    %get3A_932 = vector.load %arg8[%get3A_930, %get3A_931] : memref<128x512xf32, #tpu.memory_space<vmem>>, vector<128x512xf32>
    %dot_general3A_933 = arith.constant dense<0.000000e+00> : vector<128x512xf32>
    %dot_general3A_934 = tpu.matmul %add3A_929, %get3A_932, %dot_general3A_933 {dimension_numbers = #tpu.dot_dimension_numbers<[1], [0], [0], [1], [0, 0, 1, 1], [], []>, transpose_lhs_hint = false} : vector<128x128xf32>, vector<128x512xf32>, vector<128x512xf32> -> vector<128x512xf32>
    %get3A_935 = arith.constant 0 : index
    %get3A_936 = arith.constant 0 : index
    %get3A_937 = vector.load %arg9[%get3A_935, %get3A_936] : memref<1x512xf32, #tpu.memory_space<vmem>>, vector<1x512xf32>
    %add3A_938 = vector.broadcast %get3A_937 : vector<1x512xf32> to vector<128x512xf32>
    %add3A_939 = arith.addf %dot_general3A_934, %add3A_938 : vector<128x512xf32>
    %max3A_940 = arith.constant 0.000000e+00 : f32
    %max3A_941 = vector.broadcast %max3A_940 : f32 to vector<128x512xf32>
    %max3A_942 = arith.maximumf %add3A_939, %max3A_941 : vector<128x512xf32>
    %get3A_943 = arith.constant 0 : index
    %get3A_944 = arith.constant 0 : index
    %get3A_945 = vector.load %arg10[%get3A_943, %get3A_944] : memref<512x128xf32, #tpu.memory_space<vmem>>, vector<512x128xf32>
    %dot_general3A_946 = arith.constant dense<0.000000e+00> : vector<128x128xf32>
    %dot_general3A_947 = tpu.matmul %max3A_942, %get3A_945, %dot_general3A_946 {dimension_numbers = #tpu.dot_dimension_numbers<[1], [0], [0], [1], [0, 0, 1, 1], [], []>, transpose_lhs_hint = false} : vector<128x512xf32>, vector<512x128xf32>, vector<128x128xf32> -> vector<128x128xf32>
    %get3A_948 = arith.constant 0 : index
    %get3A_949 = arith.constant 0 : index
    %get3A_950 = vector.load %arg11[%get3A_948, %get3A_949] : memref<1x128xf32, #tpu.memory_space<vmem>>, vector<1x128xf32>
    %add3A_951 = vector.broadcast %get3A_950 : vector<1x128xf32> to vector<128x128xf32>
    %add3A_952 = arith.addf %dot_general3A_947, %add3A_951 : vector<128x128xf32>
    %add3A_953 = arith.addf %add3A_929, %add3A_952 : vector<128x128xf32>
    %get3A_954 = arith.constant 0 : index
    %get3A_955 = arith.constant 0 : index
    %get3A_956 = vector.load %arg12[%get3A_954, %get3A_955] : memref<1x128xf32, #tpu.memory_space<vmem>>, vector<1x128xf32>
    %get3A_957 = arith.constant 0 : index
    %get3A_958 = arith.constant 0 : index
    %get3A_959 = vector.load %arg13[%get3A_957, %get3A_958] : memref<1x128xf32, #tpu.memory_space<vmem>>, vector<1x128xf32>
    %reduce_sum3A_960 = arith.constant dense<0.000000e+00> : vector<128xf32>
    %reduce_sum3A_961 = vector.multi_reduction <add>, %add3A_953, %reduce_sum3A_960 [1] : vector<128x128xf32> to vector<128xf32>
    %broadcast_in_dim3A_962 = vector.shape_cast %reduce_sum3A_961 : vector<128xf32> to vector<128x1xf32>
    %div3A_963 = arith.constant 1.280000e+02 : f32
    %div3A_964 = vector.broadcast %div3A_963 : f32 to vector<128x1xf32>
    %div3A_965 = arith.divf %broadcast_in_dim3A_962, %div3A_964 : vector<128x1xf32>
    %sub3A_966 = vector.broadcast %div3A_965 : vector<128x1xf32> to vector<128x128xf32>
    %sub3A_967 = arith.subf %add3A_953, %sub3A_966 : vector<128x128xf32>
    %integer_pow3A_968 = arith.mulf %sub3A_967, %sub3A_967 : vector<128x128xf32>
    %reduce_sum3A_969 = arith.constant dense<0.000000e+00> : vector<128xf32>
    %reduce_sum3A_970 = vector.multi_reduction <add>, %integer_pow3A_968, %reduce_sum3A_969 [1] : vector<128x128xf32> to vector<128xf32>
    %broadcast_in_dim3A_971 = vector.shape_cast %reduce_sum3A_970 : vector<128xf32> to vector<128x1xf32>
    %div3A_972 = arith.constant 1.280000e+02 : f32
    %div3A_973 = vector.broadcast %div3A_972 : f32 to vector<128x1xf32>
    %div3A_974 = arith.divf %broadcast_in_dim3A_971, %div3A_973 : vector<128x1xf32>
    %sub3A_975 = vector.broadcast %div3A_965 : vector<128x1xf32> to vector<128x128xf32>
    %sub3A_976 = arith.subf %add3A_953, %sub3A_975 : vector<128x128xf32>
    %add3A_977 = arith.constant 9.99999974E-6 : f32
    %add3A_978 = vector.broadcast %add3A_977 : f32 to vector<128x1xf32>
    %add3A_979 = arith.addf %div3A_974, %add3A_978 : vector<128x1xf32>
    %sqrt3A_980 = math.sqrt %add3A_979 : vector<128x1xf32>
    %div3A_981 = vector.broadcast %sqrt3A_980 : vector<128x1xf32> to vector<128x128xf32>
    %div3A_982 = arith.divf %sub3A_976, %div3A_981 : vector<128x128xf32>
    %mul3A_983 = vector.broadcast %get3A_956 : vector<1x128xf32> to vector<128x128xf32>
    %mul3A_984 = arith.mulf %div3A_982, %mul3A_983 : vector<128x128xf32>
    %add3A_985 = vector.broadcast %get3A_959 : vector<1x128xf32> to vector<128x128xf32>
    %add3A_986 = arith.addf %mul3A_984, %add3A_985 : vector<128x128xf32>
    %swap3A = arith.constant 0 : index
    %swap3A_987 = arith.constant 0 : index
    %swap3A_988 = vector.load %arg22[%swap3A, %swap3A_987] : memref<128x128xf32, #tpu.memory_space<vmem>>, vector<128x128xf32>
    tpu.vector_store %arg22[%swap3A, %swap3A_987], %add3A_986 {strides = array<i32>} : memref<128x128xf32, #tpu.memory_space<vmem>>, vector<128x128xf32>,
    %get3A_989 = arith.constant 0 : index
    %get3A_990 = arith.constant 0 : index
    %get3A_991 = vector.load %arg18[%get3A_989, %get3A_990] : memref<128x128xf32, #tpu.memory_space<vmem>>, vector<128x128xf32>
    %dot_general3A_992 = arith.constant dense<0.000000e+00> : vector<128x128xf32>
    %dot_general3A_993 = tpu.matmul %add3A_986, %get3A_991, %dot_general3A_992 {dimension_numbers = #tpu.dot_dimension_numbers<[1], [0], [0], [1], [0, 0, 1, 1], [], []>, transpose_lhs_hint = false} : vector<128x128xf32>, vector<128x128xf32>, vector<128x128xf32> -> vector<128x128xf32>
    %swap3A_994 = arith.constant 0 : index
    %swap3A_995 = arith.constant 0 : index
    %swap3A_996 = vector.load %arg23[%swap3A_994, %swap3A_995] : memref<128x256xf32, #tpu.memory_space<vmem>>, vector<128x128xf32>
    tpu.vector_store %arg23[%swap3A_994, %swap3A_995], %dot_general3A_993 {strides = array<i32>} : memref<128x256xf32, #tpu.memory_space<vmem>>, vector<128x128xf32>,
    %get3A_997 = arith.constant 0 : index
    %get3A_998 = arith.constant 0 : index
    %get3A_999 = vector.load %arg19[%get3A_997, %get3A_998] : memref<128x128xf32, #tpu.memory_space<vmem>>, vector<128x128xf32>
    %dot_general3A_1000 = arith.constant dense<0.000000e+00> : vector<128x128xf32>
    %dot_general3A_1001 = tpu.matmul %add3A_986, %get3A_999, %dot_general3A_1000 {dimension_numbers = #tpu.dot_dimension_numbers<[1], [0], [0], [1], [0, 0, 1, 1], [], []>, transpose_lhs_hint = false} : vector<128x128xf32>, vector<128x128xf32>, vector<128x128xf32> -> vector<128x128xf32>
    %swap3A_1002 = arith.constant 0 : index
    %swap3A_1003 = arith.constant 128 : index
    %swap3A_1004 = vector.load %arg23[%swap3A_1002, %swap3A_1003] : memref<128x256xf32, #tpu.memory_space<vmem>>, vector<128x128xf32>
    tpu.vector_store %arg23[%swap3A_1002, %swap3A_1003], %dot_general3A_1001 {strides = array<i32>} : memref<128x256xf32, #tpu.memory_space<vmem>>, vector<128x128xf32>,
    return
  }
  func.func @transform_0(%arg0: i32) -> (i32, i32) {
    %c0_i32 = arith.constant 0 : i32
    %c0_i32_0 = arith.constant 0 : i32
    return %arg0, %c0_i32 : i32, i32
  }
  func.func @transform_1(%arg0: i32) -> (i32, i32) {
    %c0_i32 = arith.constant 0 : i32
    %c0_i32_0 = arith.constant 0 : i32
    return %arg0, %c0_i32 : i32, i32
  }
  func.func @transform_2(%arg0: i32) -> (i32, i32) {
    %c0_i32 = arith.constant 0 : i32
    %c0_i32_0 = arith.constant 0 : i32
    return %arg0, %c0_i32 : i32, i32
  }
  func.func @transform_3(%arg0: i32) -> (i32, i32) {
    %c0_i32 = arith.constant 0 : i32
    %c0_i32_0 = arith.constant 0 : i32
    %c0_i32_1 = arith.constant 0 : i32
    return %c0_i32, %c0_i32_0 : i32, i32
  }
  func.func @transform_4(%arg0: i32) -> (i32, i32) {
    %c0_i32 = arith.constant 0 : i32
    %c0_i32_0 = arith.constant 0 : i32
    %c0_i32_1 = arith.constant 0 : i32
    return %c0_i32, %c0_i32_0 : i32, i32
  }
  func.func @transform_5(%arg0: i32) -> (i32, i32) {
    %c0_i32 = arith.constant 0 : i32
    %c0_i32_0 = arith.constant 0 : i32
    %c0_i32_1 = arith.constant 0 : i32
    return %c0_i32, %c0_i32_0 : i32, i32
  }
  func.func @transform_6(%arg0: i32) -> (i32, i32) {
    %c0_i32 = arith.constant 0 : i32
    %c0_i32_0 = arith.constant 0 : i32
    %c0_i32_1 = arith.constant 0 : i32
    return %c0_i32, %c0_i32_0 : i32, i32
  }
  func.func @transform_7(%arg0: i32) -> (i32, i32) {
    %c0_i32 = arith.constant 0 : i32
    %c0_i32_0 = arith.constant 0 : i32
    %c0_i32_1 = arith.constant 0 : i32
    return %c0_i32, %c0_i32_0 : i32, i32
  }
  func.func @transform_8(%arg0: i32) -> (i32, i32) {
    %c0_i32 = arith.constant 0 : i32
    %c0_i32_0 = arith.constant 0 : i32
    %c0_i32_1 = arith.constant 0 : i32
    return %c0_i32, %c0_i32_0 : i32, i32
  }
  func.func @transform_9(%arg0: i32) -> (i32, i32) {
    %c0_i32 = arith.constant 0 : i32
    %c0_i32_0 = arith.constant 0 : i32
    %c0_i32_1 = arith.constant 0 : i32
    return %c0_i32, %c0_i32_0 : i32, i32
  }
  func.func @transform_10(%arg0: i32) -> (i32, i32) {
    %c0_i32 = arith.constant 0 : i32
    %c0_i32_0 = arith.constant 0 : i32
    %c0_i32_1 = arith.constant 0 : i32
    return %c0_i32, %c0_i32_0 : i32, i32
  }
  func.func @transform_11(%arg0: i32) -> (i32, i32) {
    %c0_i32 = arith.constant 0 : i32
    %c0_i32_0 = arith.constant 0 : i32
    %c0_i32_1 = arith.constant 0 : i32
    return %c0_i32, %c0_i32_0 : i32, i32
  }
  func.func @transform_12(%arg0: i32) -> (i32, i32) {
    %c0_i32 = arith.constant 0 : i32
    %c0_i32_0 = arith.constant 0 : i32
    %c0_i32_1 = arith.constant 0 : i32
    return %c0_i32, %c0_i32_0 : i32, i32
  }
  func.func @transform_13(%arg0: i32) -> (i32, i32) {
    %c0_i32 = arith.constant 0 : i32
    %c0_i32_0 = arith.constant 0 : i32
    %c0_i32_1 = arith.constant 0 : i32
    return %c0_i32, %c0_i32_0 : i32, i32
  }
  func.func @transform_14(%arg0: i32) -> (i32, i32) {
    %c0_i32 = arith.constant 0 : i32
    %c0_i32_0 = arith.constant 0 : i32
    %c0_i32_1 = arith.constant 0 : i32
    return %c0_i32, %c0_i32_0 : i32, i32
  }
  func.func @transform_15(%arg0: i32) -> (i32, i32) {
    %c0_i32 = arith.constant 0 : i32
    %c0_i32_0 = arith.constant 0 : i32
    %c0_i32_1 = arith.constant 0 : i32
    return %c0_i32, %c0_i32_0 : i32, i32
  }
  func.func @transform_16(%arg0: i32) -> (i32, i32) {
    %c0_i32 = arith.constant 0 : i32
    %c0_i32_0 = arith.constant 0 : i32
    %c0_i32_1 = arith.constant 0 : i32
    return %c0_i32, %c0_i32_0 : i32, i32
  }
  func.func @transform_17(%arg0: i32) -> (i32, i32) {
    %c0_i32 = arith.constant 0 : i32
    %c0_i32_0 = arith.constant 0 : i32
    %c0_i32_1 = arith.constant 0 : i32
    return %c0_i32, %c0_i32_0 : i32, i32
  }
  func.func @transform_18(%arg0: i32) -> (i32, i32) {
    %c0_i32 = arith.constant 0 : i32
    %c0_i32_0 = arith.constant 0 : i32
    %c0_i32_1 = arith.constant 0 : i32
    return %c0_i32, %c0_i32_0 : i32, i32
  }
  func.func @transform_19(%arg0: i32) -> (i32, i32) {
    %c0_i32 = arith.constant 0 : i32
    %c0_i32_0 = arith.constant 0 : i32
    %c0_i32_1 = arith.constant 0 : i32
    return %c0_i32, %c0_i32_0 : i32, i32
  }
  func.func @transform_20(%arg0: i32) -> (i32, i32) {
    %c0_i32 = arith.constant 0 : i32
    %c0_i32_0 = arith.constant 0 : i32
    %c0_i32_1 = arith.constant 0 : i32
    return %c0_i32, %c0_i32_0 : i32, i32
  }
  func.func @transform_21(%arg0: i32) -> (i32, i32) {
    %c0_i32 = arith.constant 0 : i32
    %c0_i32_0 = arith.constant 0 : i32
    return %arg0, %c0_i32 : i32, i32
  }
  func.func @transform_22(%arg0: i32) -> (i32, i32) {
    %c0_i32 = arith.constant 0 : i32
    %c0_i32_0 = arith.constant 0 : i32
    return %arg0, %c0_i32 : i32, i32
  }
}

module attributes {stable_mosaic.version = 14 : i64} {
  func.func @_final_kernel(%arg0: memref<4096x128xf32, #tpu.memory_space<vmem>>, %arg1: memref<1x128xf32, #tpu.memory_space<vmem>>, %arg2: memref<1x128xf32, #tpu.memory_space<vmem>>, %arg3: memref<128x128xf32, #tpu.memory_space<vmem>>, %arg4: memref<1x128xf32, #tpu.memory_space<vmem>>, %arg5: memref<4096x128xf32, #tpu.memory_space<vmem>>) attributes {dimension_semantics = [], scalar_prefetch = 0 : i64, scratch_operands = 0 : i64, tpu.core_type = #tpu.core_type<tc>} {
    %get3A = arith.constant 0 : index
    %get3A_0 = arith.constant 0 : index
    %get3A_1 = vector.load %arg0[%get3A, %get3A_0] : memref<4096x128xf32, #tpu.memory_space<vmem>>, vector<4096x128xf32>
    %get3A_2 = arith.constant 0 : index
    %get3A_3 = arith.constant 0 : index
    %get3A_4 = vector.load %arg1[%get3A_2, %get3A_3] : memref<1x128xf32, #tpu.memory_space<vmem>>, vector<1x128xf32>
    %get3A_5 = arith.constant 0 : index
    %get3A_6 = arith.constant 0 : index
    %get3A_7 = vector.load %arg2[%get3A_5, %get3A_6] : memref<1x128xf32, #tpu.memory_space<vmem>>, vector<1x128xf32>
    %reduce_sum3A = arith.constant dense<0.000000e+00> : vector<4096xf32>
    %reduce_sum3A_8 = vector.multi_reduction <add>, %get3A_1, %reduce_sum3A [1] : vector<4096x128xf32> to vector<4096xf32>
    %broadcast_in_dim3A = vector.shape_cast %reduce_sum3A_8 : vector<4096xf32> to vector<4096x1xf32>
    %div3A = arith.constant 1.280000e+02 : f32
    %div3A_9 = vector.broadcast %div3A : f32 to vector<4096x1xf32>
    %div3A_10 = arith.divf %broadcast_in_dim3A, %div3A_9 : vector<4096x1xf32>
    %sub3A = vector.broadcast %div3A_10 : vector<4096x1xf32> to vector<4096x128xf32>
    %sub3A_11 = arith.subf %get3A_1, %sub3A : vector<4096x128xf32>
    %integer_pow3A = arith.mulf %sub3A_11, %sub3A_11 : vector<4096x128xf32>
    %reduce_sum3A_12 = arith.constant dense<0.000000e+00> : vector<4096xf32>
    %reduce_sum3A_13 = vector.multi_reduction <add>, %integer_pow3A, %reduce_sum3A_12 [1] : vector<4096x128xf32> to vector<4096xf32>
    %broadcast_in_dim3A_14 = vector.shape_cast %reduce_sum3A_13 : vector<4096xf32> to vector<4096x1xf32>
    %div3A_15 = arith.constant 1.280000e+02 : f32
    %div3A_16 = vector.broadcast %div3A_15 : f32 to vector<4096x1xf32>
    %div3A_17 = arith.divf %broadcast_in_dim3A_14, %div3A_16 : vector<4096x1xf32>
    %sub3A_18 = vector.broadcast %div3A_10 : vector<4096x1xf32> to vector<4096x128xf32>
    %sub3A_19 = arith.subf %get3A_1, %sub3A_18 : vector<4096x128xf32>
    %add3A = arith.constant 9.99999974E-6 : f32
    %add3A_20 = vector.broadcast %add3A : f32 to vector<4096x1xf32>
    %add3A_21 = arith.addf %div3A_17, %add3A_20 : vector<4096x1xf32>
    %sqrt3A = math.sqrt %add3A_21 : vector<4096x1xf32>
    %div3A_22 = vector.broadcast %sqrt3A : vector<4096x1xf32> to vector<4096x128xf32>
    %div3A_23 = arith.divf %sub3A_19, %div3A_22 : vector<4096x128xf32>
    %mul3A = vector.broadcast %get3A_4 : vector<1x128xf32> to vector<4096x128xf32>
    %mul3A_24 = arith.mulf %div3A_23, %mul3A : vector<4096x128xf32>
    %add3A_25 = vector.broadcast %get3A_7 : vector<1x128xf32> to vector<4096x128xf32>
    %add3A_26 = arith.addf %mul3A_24, %add3A_25 : vector<4096x128xf32>
    %get3A_27 = arith.constant 0 : index
    %get3A_28 = arith.constant 0 : index
    %get3A_29 = vector.load %arg3[%get3A_27, %get3A_28] : memref<128x128xf32, #tpu.memory_space<vmem>>, vector<128x128xf32>
    %dot_general3A = arith.constant dense<0.000000e+00> : vector<4096x128xf32>
    %dot_general3A_30 = tpu.matmul %add3A_26, %get3A_29, %dot_general3A {dimension_numbers = #tpu.dot_dimension_numbers<[1], [0], [0], [1], [0, 0, 1, 1], [], []>, transpose_lhs_hint = false} : vector<4096x128xf32>, vector<128x128xf32>, vector<4096x128xf32> -> vector<4096x128xf32>
    %get3A_31 = arith.constant 0 : index
    %get3A_32 = arith.constant 0 : index
    %get3A_33 = vector.load %arg4[%get3A_31, %get3A_32] : memref<1x128xf32, #tpu.memory_space<vmem>>, vector<1x128xf32>
    %add3A_34 = vector.broadcast %get3A_33 : vector<1x128xf32> to vector<4096x128xf32>
    %add3A_35 = arith.addf %dot_general3A_30, %add3A_34 : vector<4096x128xf32>
    %swap3A = arith.constant 0 : index
    %swap3A_36 = arith.constant 0 : index
    %swap3A_37 = vector.load %arg5[%swap3A, %swap3A_36] : memref<4096x128xf32, #tpu.memory_space<vmem>>, vector<4096x128xf32>
    tpu.vector_store %arg5[%swap3A, %swap3A_36], %add3A_35 {strides = array<i32>} : memref<4096x128xf32, #tpu.memory_space<vmem>>, vector<4096x128xf32>,
    return
  }
}

</mosaic_0001>

<sc_bundles>
// kernel: kernel.12.cloned.1.call-start
scs
__scs_entry_jumppad:
0x0: {  	(pc) =	sbr.rel $0x88, $3  }
0x1: {  	(tag) =	ssettag $0x0;
	lr =	simm.s32 $0x1  }
0x2: {  	[smem:$0x3F78] =	sst lr;
	_ =	strace $0xD0000000  }
0x3: {  	_ = 	snop  }
0x4: {  	_ = 	snop  }
0x5: {  	_ = 	snop  }
0x6: {  	_ = 	snop  }
0x7: {  	_ = 	snop  }
__scs_overlays_trampoline_lowered:
0x8: {  	[smem:$0x3F87] =	sst s0  }
0x9: {  	[smem:$0x3F88] =	sst s1  }
0xa: {  	[smem:$0x3F89] =	sst s2  }
0xb: {  	[smem:$0x3F8A] =	sst s3  }
0xc: {  	[smem:$0x3F8B] =	sst s4  }
0xd: {  	[smem:$0x3F8C] =	sst s5  }
0xe: {  	[smem:$0x3F8D] =	sst s6  }
0xf: {  	[smem:$0x3F8E] =	sst s7  }
0x10: {  	[smem:$0x3F8F] =	sst s8  }
0x11: {  	[smem:$0x3F90] =	sst s9;
	s0 =	simm.s32 @!p0 $0x0  }
0x12: {  	s1 =	sld [smem:$0x3F76];
	s0 =	simm.s32 @p0 $0x1  }
0x13: {  	[smem:$0x3F91] =	sst s0;
	s0 =	simm.s32 @!p1 $0x0  }
0x14: {  	s2 =	sld [smem:$0x3F75];
	s0 =	simm.s32 @p1 $0x1  }
0x15: {  	[smem:$0x3F92] =	sst s0;
	s0 =	simm.s32 @!p2 $0x0  }
0x16: {  	s3 =	sld [smem:$0x3FDB];
	s0 =	simm.s32 @p2 $0x1  }
0x17: {  	s4 =	simm.s32 $0x1BF5;
	[smem:$0x3F94] =	sst s0  }
0x18: {  	s0 =	sld [smem:$0x3F77];
	_ =	swait.ge [sflag:s4], $0x0  }
0x19: {  	s7 =	sld [smem:$0x3F78]  }
0x1a: {  	s8 =	sadd.s32 $0xFFFFE003, lr  }
0x1b: {  	s9 =	sadd.s32 $0xFFFFFEF7, lr;
	s5 =	simm.s32 $0xFFFFFFFF;
	p2 =	slt.u32 s8, $0xFFFFF086  }
0x1c: {  	p1 =	slt.u32 s9, $0xF7A;
	s5 =	simm.s32 @!p2 $0x0  }
0x1d: {  	s5 =	simm.s32 @p1 $0x1;
	p0 =	seq.s32 s7, s2  }
0x1e: {  	s7 =	smul.u32 @!p0 $0xF7A, s2;
	p2 =	seq.s32 @!p0 s5, $0x0  }
0x1f: {  	s9 =	smul.u32 $0xF7A, s1;
	s8 =	simm.s32 @!p0 $0x1BF5;
	p2 =	por !p2, p0  }
0x20: {  	[sflag:s8] =	ssyncset.s32 @!p0 $0xFFFFF086;
	s6 =	sadd.s32 @!p0 s3, s7;
	s7 =	simm.s32 @!p0 $0x108  }
0x21: {  	s3 =	sadd.s32 s3, s9;
	s6 =	sadd.s32 @!p0 $0x88, s6;
	s7 =	simm.s32 @p2 $0x1082  }
0x22: {  	[simem:s7], [sflag:s8] =	dma.local @!p0 [hbm:s6], $0xF7A  }
0x23: {  	s9 =	sor.u32 $0xD0000000, s2;
	s6 =	simm.s32 $0x108;
	_ =	swait.ge @!p0 [sflag:s8], $0x0  }
0x24: {  	s3 =	sadd.s32 $0x88, s3;
	s6 =	simm.s32 @!p1 $0x1082;
	[sflag:s4] =	ssyncset.s32 $0xFFFFF086  }
0x25: {  	[simem:s6], [sflag:s4] =	dma.local [hbm:s3], $0xF7A  }
0x26: {  	[smem:$0x3F78] =	sst s1;
	(tag) =	ssettag s2;
	_ =	strace s9  }
0x27: {  	s1 =	sld [smem:$0x3F88]  }
0x28: {  	s2 =	sld [smem:$0x3F89]  }
0x29: {  	s4 =	sld [smem:$0x3F8B]  }
0x2a: {  	p0 =	seq.s32 s5, $0x0;
	s5 =	sld [smem:$0x3F8C]  }
0x2b: {  	s6 =	sld [smem:$0x3F8D]  }
0x2c: {  	s7 =	sld [smem:$0x3F8E]  }
0x2d: {  	s3 =	simm.s32 $0x108;
	s8 =	sld [smem:$0x3F8F]  }
0x2e: {  	s3 =	simm.s32 @!p0 $0x1082;
	s9 =	sld [smem:$0x3F90]  }
0x2f: {  	lr =	sadd.s32 s0, s3;
	s0 =	sld [smem:$0x3F87]  }
0x30: {  	s3 =	sld [smem:$0x3F8A]  }
0x31: {  	[smem:$0x3F93] =	sst s10  }
0x32: {  	s10 =	sld [smem:$0x3F91];
	_ =	sdelay $0x3  }
0x33: {  	p0 =	seq.s32 s10, $0x1;
	s10 =	sld [smem:$0x3F93];
	_ =	sdelay $0x3  }
0x34: {  	[smem:$0x3F93] =	sst s10  }
0x35: {  	s10 =	sld [smem:$0x3F92];
	_ =	sdelay $0x3  }
0x36: {  	p1 =	seq.s32 s10, $0x1;
	s10 =	sld [smem:$0x3F93];
	_ =	sdelay $0x3  }
0x37: {  	[smem:$0x3F93] =	sst s10  }
0x38: {  	s10 =	sld [smem:$0x3F94]  }
0x39: {  	_ = 	snop;
	(pc) =	sbr.ind lr, $3  }
0x3a: {  	_ = 	snop  }
0x3b: {  	_ = 	snop  }
0x3c: {  	p2 =	seq.s32 s10, $0x1;
	s10 =	sld [smem:$0x3F93]  }
0x3d: {  	_ =	shalt  }
0x3e: {  	_ =	shalt  }
0x3f: {  	_ =	shalt  }
0x40: {  	_ =	shalt  }
0x41: {  	_ =	shalt  }
0x42: {  	_ =	shalt  }
0x43: {  	_ =	shalt  }
0x44: {  	_ =	shalt  }
0x45: {  	_ =	shalt  }
0x46: {  	_ =	shalt  }
0x47: {  	_ =	shalt  }
0x48: {  	_ =	shalt  }
0x49: {  	_ =	shalt  }
0x4a: {  	_ =	shalt  }
0x4b: {  	_ =	shalt  }
0x4c: {  	_ =	shalt  }
0x4d: {  	_ =	shalt  }
0x4e: {  	_ =	shalt  }
0x4f: {  	_ =	shalt  }
0x50: {  	_ =	shalt  }
0x51: {  	_ =	shalt  }
0x52: {  	_ =	shalt  }
0x53: {  	_ =	shalt  }
0x54: {  	_ =	shalt  }
0x55: {  	_ =	shalt  }
0x56: {  	_ =	shalt  }
0x57: {  	_ =	shalt  }
0x58: {  	_ =	shalt  }
0x59: {  	_ =	shalt  }
0x5a: {  	_ =	shalt  }
0x5b: {  	_ =	shalt  }
0x5c: {  	_ =	shalt  }
0x5d: {  	_ =	shalt  }
0x5e: {  	_ =	shalt  }
0x5f: {  	_ =	shalt  }
0x60: {  	_ =	shalt  }
0x61: {  	_ =	shalt  }
0x62: {  	_ =	shalt  }
0x63: {  	_ =	shalt  }
0x64: {  	_ =	shalt  }
0x65: {  	_ =	shalt  }
0x66: {  	_ =	shalt  }
0x67: {  	_ =	shalt  }
0x68: {  	_ =	shalt  }
0x69: {  	_ =	shalt  }
0x6a: {  	_ =	shalt  }
0x6b: {  	_ =	shalt  }
0x6c: {  	_ =	shalt  }
0x6d: {  	_ =	shalt  }
0x6e: {  	_ =	shalt  }
0x6f: {  	_ =	shalt  }
0x70: {  	_ =	shalt  }
0x71: {  	_ =	shalt  }
0x72: {  	_ =	shalt  }
0x73: {  	_ =	shalt  }
0x74: {  	_ =	shalt  }
0x75: {  	_ =	shalt  }
0x76: {  	_ =	shalt  }
0x77: {  	_ =	shalt  }
0x78: {  	_ =	shalt  }
0x79: {  	_ =	shalt  }
0x7a: {  	_ =	shalt  }
0x7b: {  	_ =	shalt  }
0x7c: {  	_ =	shalt  }
0x7d: {  	_ =	shalt  }
0x7e: {  	_ =	shalt  }
0x7f: {  	_ =	shalt  }
0x80: {  	_ =	shalt  }
0x81: {  	_ =	shalt  }
0x82: {  	_ =	shalt  }
0x83: {  	_ =	shalt  }
0x84: {  	_ =	shalt  }
0x85: {  	_ =	shalt  }
0x86: {  	_ =	shalt  }
0x87: {  	_ =	shalt  }
.Lfunc_end0:
.L_simem_size_0:
called_computation.1_lowered:
.L_overlay_start_0:
0x88: {  	s2 =	sld [smem:$0x3FD9]  }
0x89: {  	s3 =	sld [smem:$0x3FFE];
	_ =	sdelay $0x1  }
0x8a: {  	s1 =	srdreg.scid  }
0x8b: {  	s0 =	sand.u32 $0x1, s1  }
0x8c: {  	s16 =	sshll.u32 s0, $0xA;
	s2 =	sadd.s32 s3, s2  }
0x8d: {  	s2 =	sadd.s32 s2, s16  }
0x8e: {  	[smem:$0x3F9F] =	sst s2  }
0x8f: {  	_ = 	snop  }
0x90: {  	(tm) =	ssettm $0x1  }
0x91: {  	s17 =	sld [smem:$0x3FFB];
	_ =	sdelay $0x3  }
0x92: {  	_ =	strace s17  }
0x93: {  	s2 =	sld [smem:$0x3FFC];
	_ =	sdelay $0x3  }
0x94: {  	_ =	strace s2  }
0x95: {  	s2 =	sld [smem:$0x3FFD];
	_ =	sdelay $0x3  }
0x96: {  	_ =	strace s2  }
0x97: {  	_ =	strace $0x8FFFFFFF  }
0x98: {  	s18 =	sld [smem:$0x3FDB];
	_ =	sdelay $0x1  }
0x99: {  	s19 =	simm.s32 $_scs_section_size  }
0x9a: {  	s4 =	simm.s32 $_size__tile_overlayer_lowered;
	s5 =	simm.s32 $_tile_overlayer_lowered  }
0x9b: {  	s22 =	simm.s32 $0x1BFF;
	s21 =	sshll.u32 s5, $0x1;
	s2 =	sadd.s32 s19, s18  }
0x9c: {  	s6 =	simm.s32 $0x0;
	s20 =	sshll.u32 s4, $0x1;
	s4 =	sadd.s32 s21, s2  }
0x9d: {  	[timem:s6], [sflag:s22] =	dma.local [hbm:s4], s20  }
0x9e: {  	_ =	swait.ge [sflag:s22], s20  }
0x9f: {  	s3 =	ssub.s32 $0x0, s20;
	[sflag:s22] =	ssyncset.done $0x0  }
0xa0: {  	[sflag:s22] =	ssyncadd.s32 s3;
	_ =	sdelay $0x1  }
0xa1: {  	s23 =	simm.s32 $0x1B8B  }
0xa2: {  	_ =	swait.ge [sflag:s23], $0x1  }
0xa3: {  	[sflag:s23] =	ssyncset.done $0x0  }
0xa4: {  	s25 =	simm.s32 $0x1B8E;
	s24 =	sld [smem:$0x3FFE];
	[sflag:s23] =	ssyncadd.s32 $0xFFFFFFFF  }
0xa5: {  	s26 =	simm.s32 $execute0_lowered;
	[smem:$0x3FD2] =	sst s25  }
0xa6: {  	s4 =	sshll.u32 s26, $0x1;
	_ =	strace $0x80000049;
	[dreg:$0x1] =	wrdreg $0xFFFFFFFF  }
0xa7: {  	s28 =	simm.s32 $_size_execute0_lowered;
	s2 =	sadd.s32 s2, s4;
	[dreg:$0x0] =	wrdreg $0x0  }
0xa8: {  	s4 =	sshll.u32 s28, $0x1;
	[dreg:$0x2] =	wrdreg s2  }
0xa9: {  	[dreg:$0x3] =	wrdreg s4  }
0xaa: {  	[dreg:$0x4] =	wrdreg $0xC0  }
0xab: {  	_ =	task [dreg:s6], $0x5FFFF  }
0xac: {  	[dreg:$0x1] =	wrdreg $0xFFFFFFFF  }
0xad: {  	[dreg:$0x0] =	wrdreg $0x60  }
0xae: {  	[dreg:$0x2] =	wrdreg s24  }
0xaf: {  	[dreg:$0x3] =	wrdreg $0x9  }
0xb0: {  	_ =	task.clear_ibuf [dreg:s6], $0x4FFFF;
	_ =	strace $0x90000049  }
0xb1: {  	s29 =	simm.s32 $0x9;
	_ =	strace $0x8000004B  }
0xb2: {  	_ =	swait.ge [sflag:s29], $0x1  }
0xb3: {  	[sflag:s29] =	ssyncadd.s32 $0xFFFFFFFF  }
0xb4: {  	_ =	strace $0x9000004B  }
0xb5: {  	_ =	sfence  }
0xb6: {  	s30 =	sld [smem:$0x0];
	_ =	sdelay $0x2  }
0xb7: {  	s31 =	sshll.u32 s1, $0xD;
	s1 =	sshrl.u32 s1, $0x2  }
0xb8: {  	s3 =	sand.u32 $0x4000, s31;
	s1 =	sadd.s32 s1, s30  }
0xb9: {  	s0 =	sor.u32 s3, s0;
	s1 =	sshll.u32 s1, $0x11  }
0xba: {  	s0 =	sor.u32 s1, s0  }
0xbb: {  	s0 =	sadd.s32 $0x8F2B, s0  }
0xbc: {  	[sflag:s0] =	ssyncadd.remote.s32 $0x1  }
0xbd: {  	_ =	sfence.sel $0xFFFF  }
0xbe: {  	[dreg:$0x0] =	wrdreg $0xFFFFFFFF;
	(pc) =	sbr.abs _section_cstart, $3  }
0xbf: {  	[dreg:$0x1] =	wrdreg $0xFFFFFFFF  }
0xc0: {  	_ =	task.clear_ibuf [dreg:s6], $0x2FFFF;
	_ =	strace $0x9FFFFFFF  }
0xc1: {  	(tm) =	ssettm $0x7FFFFFFF  }
tec
execute0_lowered:
.L_overlay_start_1:
0x0: {  	(tag) =	ssettag $0x1  }
0x1: {  	s4 =	rddreg [dreg:$0x0]  }
0x2: {  	s0 =	rddreg [dreg:$0x1];
	s2 =	simm.s32 $0x0;
	s3 =	srdreg.scid  }
0x3: {  	s1 =	stileid.u32;
	s10 =	simm.s32 $0x1080;
	s11 =	simm.s32 $0x1880  }
0x4: {  	s12 =	simm.s32 $0x2080;
	s13 =	simm.s32 $0x2880;
	s14 =	simm.s32 $0x3080  }
0x5: {  	s15 =	simm.s32 $0x3880;
	s16 =	simm.s32 $0x4080;
	s17 =	simm.s32 $0x4880  }
0x6: {  	s18 =	simm.s32 $0x5080;
	s19 =	simm.s32 $0x5880;
	s20 =	simm.s32 $0x6080  }
0x7: {  	s21 =	simm.s32 $0x6880;
	s22 =	simm.s32 $0x7080;
	s23 =	simm.s32 $0x7880  }
0x8: {  	s24 =	simm.s32 $0x1;
	s25 =	simm.s32 $0x0;
	[smem:$0x7FF] =	sst s2  }
0x9: {  	s5 =	sand.u32 $0x1, s3;
	s6 =	sshll.u32 s1, $0xD;
	s3 =	sadd.s32 $0x7A00, s4  }
0xa: {  	s8 =	sshll.u32 s1, $0x12;
	_ =	strace $0x8000004A;
	s7 =	sshll.u32 s5, $0xC  }
0xb: {  	s31 =	ssub.s32 $0x2, s5;
	s8 =	sadd.s32 s8, s4;
	s5 =	sshll.u32 s5, $0x11  }
0xc: {  	s6 =	sor.u32 s7, s6;
	s9 =	sshrl.u32 s31, $0x1;
	s5 =	sadd.s32 s5, s8  }
0xd: {  	v2 =	vlaneseq.u32;
	s8 =	simm.s32 $0x80;
	s6 =	sshrl.u32 s6, $0x3;
	s7 =	ssub.s32 s31, s9  }
0xe: {  	vm0 =	vmmov $0xffff;
	v1 =	vshrl.u32 v2, $0x3;
	s5 =	sadd.s32 $0x54BA00, s5;
	s9 =	simm.s32 $0x880;
	s6 =	sadd.s32 s6, s4  }
0xf: {  	v0 =	vand.u32 $0x7, v2;
	v2 =	vor.u32 $0x8, v2;
	v1 =	vmul.u32 $0x8, v1;
	s4 =	smax.u32 s7, $0x1;
	s7 =	simm.s32 $0x2;
	s6 =	sadd.s32 $0x547A00, s6  }
.LBB2_1:
0x10: {  	s26 =	smov.u32 s5;
	s28 =	simm.s32 $0x0  }
.LBB2_2:
0x11: {  	s29 =	sadd.s32 s28, s6  }
0x12: {  	[tilespmem:s2], [sflag:$0x2] =	stream.linear.gather [hbm4b:s29+s2], $0x80, $0x38;
	[tilespmem:$0x8080] =	vst v63  }
0x13: {  	_ =	swait.ge [sflag:s7], $0x80  }
0x14: {  	[sflag:s7] =	ssyncset.done $0x0  }
0x15: {  	[sflag:s7] =	ssyncadd.s32 $0xFFFFFF80  }
0x16: {  	v3 =	vld [tilespmem:$0x0];
	_ =	sdelay $0x4  }
0x17: {  	v4 =	vshll.u32 v3, $0x1  }
0x18: {  	v3 =	vand.u32 $0x7, v3;
	v4 =	vand.u32 $0xFFFFFFF0, v4  }
0x19: {  	v3 =	vor.u32 v3, v4  }
0x1a: {  	v4 =	vperm.xlane v3, v0;
	_ =	sdelay $0x1  }
0x1b: {  	v3 =	vperm.xlane v3, v2;
	v4 =	vadd.s32 v1, v4;
	_ =	sdelay $0x1  }
0x1c: {  	v3 =	vadd.s32 v1, v3;
	_ =	sdelay $0x2  }
0x1d: {  	[tilespmem:s8], [sflag:$0x1] =	stream.indirect_vreg.gather [hbm4b:s3+s2], $0x80, v4, vm0, $0xb8;
	[tilespmem:$0x8080] =	vst v63  }
0x1e: {  	_ = 	snop  }
0x1f: {  	[tilespmem:s9], [sflag:$0x1] =	stream.indirect_vreg.gather [hbm4b:s3+s2], $0x80, v3, vm0, $0xb8;
	[tilespmem:$0x8080] =	vst v63  }
0x20: {  	v3 =	vld [tilespmem:$0x10];
	_ =	sdelay $0x4  }
0x21: {  	v57 =	vshll.u32 v3, $0x1  }
0x22: {  	v3 =	vand.u32 $0x7, v3;
	v4 =	vand.u32 $0xFFFFFFF0, v57  }
0x23: {  	v3 =	vor.u32 v3, v4  }
0x24: {  	v4 =	vperm.xlane v3, v0;
	_ =	sdelay $0x1  }
0x25: {  	v3 =	vperm.xlane v3, v2;
	v4 =	vadd.s32 v1, v4;
	_ =	sdelay $0x1  }
0x26: {  	v3 =	vadd.s32 v1, v3;
	_ =	sdelay $0x2  }
0x27: {  	[tilespmem:s10], [sflag:$0x1] =	stream.indirect_vreg.gather [hbm4b:s3+s2], $0x80, v4, vm0, $0xb8;
	[tilespmem:$0x8080] =	vst v63  }
0x28: {  	_ = 	snop  }
0x29: {  	[tilespmem:s11], [sflag:$0x1] =	stream.indirect_vreg.gather [hbm4b:s3+s2], $0x80, v3, vm0, $0xb8;
	[tilespmem:$0x8080] =	vst v63  }
0x2a: {  	v3 =	vld [tilespmem:$0x20];
	_ =	sdelay $0x4  }
0x2b: {  	v58 =	vshll.u32 v3, $0x1  }
0x2c: {  	v3 =	vand.u32 $0x7, v3;
	v4 =	vand.u32 $0xFFFFFFF0, v58  }
0x2d: {  	v3 =	vor.u32 v3, v4  }
0x2e: {  	v4 =	vperm.xlane v3, v0;
	_ =	sdelay $0x1  }
0x2f: {  	v3 =	vperm.xlane v3, v2;
	v4 =	vadd.s32 v1, v4;
	_ =	sdelay $0x1  }
0x30: {  	v3 =	vadd.s32 v1, v3;
	_ =	sdelay $0x2  }
0x31: {  	[tilespmem:s12], [sflag:$0x1] =	stream.indirect_vreg.gather [hbm4b:s3+s2], $0x80, v4, vm0, $0xb8;
	[tilespmem:$0x8080] =	vst v63  }
0x32: {  	_ = 	snop  }
0x33: {  	[tilespmem:s13], [sflag:$0x1] =	stream.indirect_vreg.gather [hbm4b:s3+s2], $0x80, v3, vm0, $0xb8;
	[tilespmem:$0x8080] =	vst v63  }
0x34: {  	v3 =	vld [tilespmem:$0x30];
	_ =	sdelay $0x4  }
0x35: {  	v59 =	vshll.u32 v3, $0x1  }
0x36: {  	v3 =	vand.u32 $0x7, v3;
	v4 =	vand.u32 $0xFFFFFFF0, v59  }
0x37: {  	v3 =	vor.u32 v3, v4  }
0x38: {  	v4 =	vperm.xlane v3, v0;
	_ =	sdelay $0x1  }
0x39: {  	v3 =	vperm.xlane v3, v2;
	v4 =	vadd.s32 v1, v4;
	_ =	sdelay $0x1  }
0x3a: {  	v3 =	vadd.s32 v1, v3;
	_ =	sdelay $0x2  }
0x3b: {  	[tilespmem:s14], [sflag:$0x1] =	stream.indirect_vreg.gather [hbm4b:s3+s2], $0x80, v4, vm0, $0xb8;
	[tilespmem:$0x8080] =	vst v63  }
0x3c: {  	_ = 	snop  }
0x3d: {  	[tilespmem:s15], [sflag:$0x1] =	stream.indirect_vreg.gather [hbm4b:s3+s2], $0x80, v3, vm0, $0xb8;
	[tilespmem:$0x8080] =	vst v63  }
0x3e: {  	v3 =	vld [tilespmem:$0x40];
	_ =	sdelay $0x4  }
0x3f: {  	v60 =	vshll.u32 v3, $0x1  }
0x40: {  	v3 =	vand.u32 $0x7, v3;
	v4 =	vand.u32 $0xFFFFFFF0, v60  }
0x41: {  	v3 =	vor.u32 v3, v4  }
0x42: {  	v4 =	vperm.xlane v3, v0;
	_ =	sdelay $0x1  }
0x43: {  	v3 =	vperm.xlane v3, v2;
	v4 =	vadd.s32 v1, v4;
	_ =	sdelay $0x1  }
0x44: {  	v3 =	vadd.s32 v1, v3;
	_ =	sdelay $0x2  }
0x45: {  	[tilespmem:s16], [sflag:$0x1] =	stream.indirect_vreg.gather [hbm4b:s3+s2], $0x80, v4, vm0, $0xb8;
	[tilespmem:$0x8080] =	vst v63  }
0x46: {  	_ = 	snop  }
0x47: {  	[tilespmem:s17], [sflag:$0x1] =	stream.indirect_vreg.gather [hbm4b:s3+s2], $0x80, v3, vm0, $0xb8;
	[tilespmem:$0x8080] =	vst v63  }
0x48: {  	v3 =	vld [tilespmem:$0x50];
	_ =	sdelay $0x4  }
0x49: {  	v61 =	vshll.u32 v3, $0x1  }
0x4a: {  	v3 =	vand.u32 $0x7, v3;
	v4 =	vand.u32 $0xFFFFFFF0, v61  }
0x4b: {  	v3 =	vor.u32 v3, v4  }
0x4c: {  	v4 =	vperm.xlane v3, v0;
	_ =	sdelay $0x1  }
0x4d: {  	v3 =	vperm.xlane v3, v2;
	v4 =	vadd.s32 v1, v4;
	_ =	sdelay $0x1  }
0x4e: {  	v3 =	vadd.s32 v1, v3;
	_ =	sdelay $0x2  }
0x4f: {  	[tilespmem:s18], [sflag:$0x1] =	stream.indirect_vreg.gather [hbm4b:s3+s2], $0x80, v4, vm0, $0xb8;
	[tilespmem:$0x8080] =	vst v63  }
0x50: {  	_ = 	snop  }
0x51: {  	[tilespmem:s19], [sflag:$0x1] =	stream.indirect_vreg.gather [hbm4b:s3+s2], $0x80, v3, vm0, $0xb8;
	[tilespmem:$0x8080] =	vst v63  }
0x52: {  	v3 =	vld [tilespmem:$0x60];
	_ =	sdelay $0x4  }
0x53: {  	v62 =	vshll.u32 v3, $0x1  }
0x54: {  	v3 =	vand.u32 $0x7, v3;
	v4 =	vand.u32 $0xFFFFFFF0, v62  }
0x55: {  	v3 =	vor.u32 v3, v4  }
0x56: {  	v4 =	vperm.xlane v3, v0;
	_ =	sdelay $0x1  }
0x57: {  	v3 =	vperm.xlane v3, v2;
	v4 =	vadd.s32 v1, v4;
	_ =	sdelay $0x1  }
0x58: {  	v3 =	vadd.s32 v1, v3;
	_ =	sdelay $0x2  }
0x59: {  	[tilespmem:s20], [sflag:$0x1] =	stream.indirect_vreg.gather [hbm4b:s3+s2], $0x80, v4, vm0, $0xb8;
	[tilespmem:$0x8080] =	vst v63  }
0x5a: {  	_ = 	snop  }
0x5b: {  	[tilespmem:s21], [sflag:$0x1] =	stream.indirect_vreg.gather [hbm4b:s3+s2], $0x80, v3, vm0, $0xb8;
	[tilespmem:$0x8080] =	vst v63  }
0x5c: {  	v3 =	vld [tilespmem:$0x70];
	_ =	sdelay $0x4  }
0x5d: {  	v63 =	vshll.u32 v3, $0x1  }
0x5e: {  	v3 =	vand.u32 $0x7, v3;
	v4 =	vand.u32 $0xFFFFFFF0, v63  }
0x5f: {  	v3 =	vor.u32 v3, v4  }
0x60: {  	v4 =	vperm.xlane v3, v0;
	_ =	sdelay $0x1  }
0x61: {  	v3 =	vperm.xlane v3, v2;
	v4 =	vadd.s32 v1, v4;
	_ =	sdelay $0x1  }
0x62: {  	v3 =	vadd.s32 v1, v3;
	_ =	sdelay $0x2  }
0x63: {  	[tilespmem:s22], [sflag:$0x1] =	stream.indirect_vreg.gather [hbm4b:s3+s2], $0x80, v4, vm0, $0xb8;
	[tilespmem:$0x8080] =	vst v63  }
0x64: {  	_ = 	snop  }
0x65: {  	[tilespmem:s23], [sflag:$0x1] =	stream.indirect_vreg.gather [hbm4b:s3+s2], $0x80, v3, vm0, $0xb8;
	[tilespmem:$0x8080] =	vst v63  }
0x66: {  	_ =	swait.ge [sflag:s24], $0x8000  }
0x67: {  	p0 =	sne.s32 s28, $0x1F0;
	[sflag:s24] =	ssyncset.done $0x0  }
.Ltmp0:
0x68: {  	[sflag:s24] =	ssyncadd.s32 $0xFFFF8000;
	(pc) =	sbr.rel @p0 .LBB2_2-.Ltmp0, $4  }
0x69: {  	[hbm4b:s26+s2] =	stream.linear.scatter [tilespmem:s8], [sflag:$0x2], $0x8000, $0x38;
	[tilespmem:$0x8080] =	vst v63  }
0x6a: {  	_ =	swait.ge [sflag:s7], $0x8000  }
0x6b: {  	[sflag:s7] =	ssyncset.done $0x0  }
0x6c: {  	s28 =	sadd.s32 $0x10, s28;
	s26 =	sadd.s32 $0x1000, s26;
	[sflag:s7] =	ssyncadd.s32 $0xFFFF8000  }
0x6d: {  	s25 =	sadd.s32 $0x1, s25  }
0x6e: {  	p0 =	sne.s32 s25, s4  }
.Ltmp1:
0x6f: {  	_ = 	snop;
	(pc) =	sbr.rel @p0 .LBB2_1-.Ltmp1, $1  }
0x70: {  	_ =	sdelay $0x3  }
0x71: {  	_ =	sfence.sel $0x180000  }
0x72: {  	[bflag:$0x0] =	sbarrier.arrive $0xFFFF  }
0x73: {  	p0 =	sne.s32 s1, $0x0;
	_ =	strace $0x9000004A  }
0x74: {  	s0 =	sadd.s32 @!p0 $0x100000, s0;
	[bflag:$0x2] =	sbarrier.arrive $0xFFFF  }
0x75: {  	[sflag:s0] =	ssyncadd.tile.s32 @!p0 $0x1;
	_ =	shalt  }
.Lfunc_end2:
_tile_overlayer_lowered:
.L_overlay_start_2:
0x76: {  	(tag) =	ssettag $0x2  }
0x77: {  	s0 =	rddreg [dreg:$0x0];
	s2 =	stileid.u32  }
0x78: {  	s1 =	rddreg [dreg:$0x1];
	p0 =	sne.s32 s2, $0x0  }
0x79: {  	s3 =	rddreg [dreg:$0x2];
	[bflag:$0x3] =	sbarrier.arrive $0xFFFF;
	s2 =	simm.s32 @!p0 $0x1C02  }
0x7a: {  	[timem:s3], [sflag:s2] =	dma.local @!p0 [hbm:s0], s1  }
0x7b: {  	s0 =	simm.s32 @!p0 $0x2  }
0x7c: {  	_ =	swait.ge @!p0 [sflag:s0], s1  }
0x7d: {  	s1 =	ssub.s32 @!p0 $0x0, s1;
	[sflag:s0] =	ssyncset.done @!p0 $0x0  }
0x7e: {  	[sflag:s0] =	ssyncadd.s32 @!p0 s1  }
0x7f: {  	[bflag:$0x3] =	sbarrier.arrive $0xFFFF  }
0x80: {  	_ =	shalt  }

// kernel: kernel.9.cloned.1.call-start
scs
__scs_entry_jumppad:
0x0: {  	(pc) =	sbr.rel $0x88, $3  }
0x1: {  	(tag) =	ssettag $0x0;
	lr =	simm.s32 $0x1  }
0x2: {  	[smem:$0x3F78] =	sst lr;
	_ =	strace $0xD0000000  }
0x3: {  	_ = 	snop  }
0x4: {  	_ = 	snop  }
0x5: {  	_ = 	snop  }
0x6: {  	_ = 	snop  }
0x7: {  	_ = 	snop  }
__scs_overlays_trampoline_lowered:
0x8: {  	[smem:$0x3F87] =	sst s0  }
0x9: {  	[smem:$0x3F88] =	sst s1  }
0xa: {  	[smem:$0x3F89] =	sst s2  }
0xb: {  	[smem:$0x3F8A] =	sst s3  }
0xc: {  	[smem:$0x3F8B] =	sst s4  }
0xd: {  	[smem:$0x3F8C] =	sst s5  }
0xe: {  	[smem:$0x3F8D] =	sst s6  }
0xf: {  	[smem:$0x3F8E] =	sst s7  }
0x10: {  	[smem:$0x3F8F] =	sst s8  }
0x11: {  	[smem:$0x3F90] =	sst s9;
	s0 =	simm.s32 @!p0 $0x0  }
0x12: {  	s1 =	sld [smem:$0x3F76];
	s0 =	simm.s32 @p0 $0x1  }
0x13: {  	[smem:$0x3F91] =	sst s0;
	s0 =	simm.s32 @!p1 $0x0  }
0x14: {  	s2 =	sld [smem:$0x3F75];
	s0 =	simm.s32 @p1 $0x1  }
0x15: {  	[smem:$0x3F92] =	sst s0;
	s0 =	simm.s32 @!p2 $0x0  }
0x16: {  	s3 =	sld [smem:$0x3FDB];
	s0 =	simm.s32 @p2 $0x1  }
0x17: {  	s4 =	simm.s32 $0x1BF5;
	[smem:$0x3F94] =	sst s0  }
0x18: {  	s0 =	sld [smem:$0x3F77];
	_ =	swait.ge [sflag:s4], $0x0  }
0x19: {  	s7 =	sld [smem:$0x3F78]  }
0x1a: {  	s8 =	sadd.s32 $0xFFFFE003, lr  }
0x1b: {  	s9 =	sadd.s32 $0xFFFFFEF7, lr;
	s5 =	simm.s32 $0xFFFFFFFF;
	p2 =	slt.u32 s8, $0xFFFFF086  }
0x1c: {  	p1 =	slt.u32 s9, $0xF7A;
	s5 =	simm.s32 @!p2 $0x0  }
0x1d: {  	s5 =	simm.s32 @p1 $0x1;
	p0 =	seq.s32 s7, s2  }
0x1e: {  	s7 =	smul.u32 @!p0 $0xF7A, s2;
	p2 =	seq.s32 @!p0 s5, $0x0  }
0x1f: {  	s9 =	smul.u32 $0xF7A, s1;
	s8 =	simm.s32 @!p0 $0x1BF5;
	p2 =	por !p2, p0  }
0x20: {  	[sflag:s8] =	ssyncset.s32 @!p0 $0xFFFFF086;
	s6 =	sadd.s32 @!p0 s3, s7;
	s7 =	simm.s32 @!p0 $0x108  }
0x21: {  	s3 =	sadd.s32 s3, s9;
	s6 =	sadd.s32 @!p0 $0x88, s6;
	s7 =	simm.s32 @p2 $0x1082  }
0x22: {  	[simem:s7], [sflag:s8] =	dma.local @!p0 [hbm:s6], $0xF7A  }
0x23: {  	s9 =	sor.u32 $0xD0000000, s2;
	s6 =	simm.s32 $0x108;
	_ =	swait.ge @!p0 [sflag:s8], $0x0  }
0x24: {  	s3 =	sadd.s32 $0x88, s3;
	s6 =	simm.s32 @!p1 $0x1082;
	[sflag:s4] =	ssyncset.s32 $0xFFFFF086  }
0x25: {  	[simem:s6], [sflag:s4] =	dma.local [hbm:s3], $0xF7A  }
0x26: {  	[smem:$0x3F78] =	sst s1;
	(tag) =	ssettag s2;
	_ =	strace s9  }
0x27: {  	s1 =	sld [smem:$0x3F88]  }
0x28: {  	s2 =	sld [smem:$0x3F89]  }
0x29: {  	s4 =	sld [smem:$0x3F8B]  }
0x2a: {  	p0 =	seq.s32 s5, $0x0;
	s5 =	sld [smem:$0x3F8C]  }
0x2b: {  	s6 =	sld [smem:$0x3F8D]  }
0x2c: {  	s7 =	sld [smem:$0x3F8E]  }
0x2d: {  	s3 =	simm.s32 $0x108;
	s8 =	sld [smem:$0x3F8F]  }
0x2e: {  	s3 =	simm.s32 @!p0 $0x1082;
	s9 =	sld [smem:$0x3F90]  }
0x2f: {  	lr =	sadd.s32 s0, s3;
	s0 =	sld [smem:$0x3F87]  }
0x30: {  	s3 =	sld [smem:$0x3F8A]  }
0x31: {  	[smem:$0x3F93] =	sst s10  }
0x32: {  	s10 =	sld [smem:$0x3F91];
	_ =	sdelay $0x3  }
0x33: {  	p0 =	seq.s32 s10, $0x1;
	s10 =	sld [smem:$0x3F93];
	_ =	sdelay $0x3  }
0x34: {  	[smem:$0x3F93] =	sst s10  }
0x35: {  	s10 =	sld [smem:$0x3F92];
	_ =	sdelay $0x3  }
0x36: {  	p1 =	seq.s32 s10, $0x1;
	s10 =	sld [smem:$0x3F93];
	_ =	sdelay $0x3  }
0x37: {  	[smem:$0x3F93] =	sst s10  }
0x38: {  	s10 =	sld [smem:$0x3F94]  }
0x39: {  	_ = 	snop;
	(pc) =	sbr.ind lr, $3  }
0x3a: {  	_ = 	snop  }
0x3b: {  	_ = 	snop  }
0x3c: {  	p2 =	seq.s32 s10, $0x1;
	s10 =	sld [smem:$0x3F93]  }
0x3d: {  	_ =	shalt  }
0x3e: {  	_ =	shalt  }
0x3f: {  	_ =	shalt  }
0x40: {  	_ =	shalt  }
0x41: {  	_ =	shalt  }
0x42: {  	_ =	shalt  }
0x43: {  	_ =	shalt  }
0x44: {  	_ =	shalt  }
0x45: {  	_ =	shalt  }
0x46: {  	_ =	shalt  }
0x47: {  	_ =	shalt  }
0x48: {  	_ =	shalt  }
0x49: {  	_ =	shalt  }
0x4a: {  	_ =	shalt  }
0x4b: {  	_ =	shalt  }
0x4c: {  	_ =	shalt  }
0x4d: {  	_ =	shalt  }
0x4e: {  	_ =	shalt  }
0x4f: {  	_ =	shalt  }
0x50: {  	_ =	shalt  }
0x51: {  	_ =	shalt  }
0x52: {  	_ =	shalt  }
0x53: {  	_ =	shalt  }
0x54: {  	_ =	shalt  }
0x55: {  	_ =	shalt  }
0x56: {  	_ =	shalt  }
0x57: {  	_ =	shalt  }
0x58: {  	_ =	shalt  }
0x59: {  	_ =	shalt  }
0x5a: {  	_ =	shalt  }
0x5b: {  	_ =	shalt  }
0x5c: {  	_ =	shalt  }
0x5d: {  	_ =	shalt  }
0x5e: {  	_ =	shalt  }
0x5f: {  	_ =	shalt  }
0x60: {  	_ =	shalt  }
0x61: {  	_ =	shalt  }
0x62: {  	_ =	shalt  }
0x63: {  	_ =	shalt  }
0x64: {  	_ =	shalt  }
0x65: {  	_ =	shalt  }
0x66: {  	_ =	shalt  }
0x67: {  	_ =	shalt  }
0x68: {  	_ =	shalt  }
0x69: {  	_ =	shalt  }
0x6a: {  	_ =	shalt  }
0x6b: {  	_ =	shalt  }
0x6c: {  	_ =	shalt  }
0x6d: {  	_ =	shalt  }
0x6e: {  	_ =	shalt  }
0x6f: {  	_ =	shalt  }
0x70: {  	_ =	shalt  }
0x71: {  	_ =	shalt  }
0x72: {  	_ =	shalt  }
0x73: {  	_ =	shalt  }
0x74: {  	_ =	shalt  }
0x75: {  	_ =	shalt  }
0x76: {  	_ =	shalt  }
0x77: {  	_ =	shalt  }
0x78: {  	_ =	shalt  }
0x79: {  	_ =	shalt  }
0x7a: {  	_ =	shalt  }
0x7b: {  	_ =	shalt  }
0x7c: {  	_ =	shalt  }
0x7d: {  	_ =	shalt  }
0x7e: {  	_ =	shalt  }
0x7f: {  	_ =	shalt  }
0x80: {  	_ =	shalt  }
0x81: {  	_ =	shalt  }
0x82: {  	_ =	shalt  }
0x83: {  	_ =	shalt  }
0x84: {  	_ =	shalt  }
0x85: {  	_ =	shalt  }
0x86: {  	_ =	shalt  }
0x87: {  	_ =	shalt  }
.Lfunc_end0:
.L_simem_size_0:
called_computation_lowered:
.L_overlay_start_0:
0x88: {  	s2 =	sld [smem:$0x3FD9]  }
0x89: {  	s3 =	sld [smem:$0x3FFE];
	_ =	sdelay $0x1  }
0x8a: {  	s1 =	srdreg.scid  }
0x8b: {  	s0 =	sand.u32 $0x1, s1  }
0x8c: {  	s16 =	sshll.u32 s0, $0xA;
	s2 =	sadd.s32 s3, s2  }
0x8d: {  	s2 =	sadd.s32 s2, s16  }
0x8e: {  	[smem:$0x3F9F] =	sst s2  }
0x8f: {  	_ = 	snop  }
0x90: {  	(tm) =	ssettm $0x1  }
0x91: {  	s17 =	sld [smem:$0x3FFB];
	_ =	sdelay $0x3  }
0x92: {  	_ =	strace s17  }
0x93: {  	s2 =	sld [smem:$0x3FFC];
	_ =	sdelay $0x3  }
0x94: {  	_ =	strace s2  }
0x95: {  	s2 =	sld [smem:$0x3FFD];
	_ =	sdelay $0x3  }
0x96: {  	_ =	strace s2  }
0x97: {  	_ =	strace $0x8FFFFFFF  }
0x98: {  	s18 =	sld [smem:$0x3FDB];
	_ =	sdelay $0x1  }
0x99: {  	s19 =	simm.s32 $_scs_section_size  }
0x9a: {  	s4 =	simm.s32 $_size__tile_overlayer_lowered;
	s5 =	simm.s32 $_tile_overlayer_lowered  }
0x9b: {  	s22 =	simm.s32 $0x1BFF;
	s21 =	sshll.u32 s5, $0x1;
	s2 =	sadd.s32 s19, s18  }
0x9c: {  	s6 =	simm.s32 $0x0;
	s20 =	sshll.u32 s4, $0x1;
	s4 =	sadd.s32 s21, s2  }
0x9d: {  	[timem:s6], [sflag:s22] =	dma.local [hbm:s4], s20  }
0x9e: {  	_ =	swait.ge [sflag:s22], s20  }
0x9f: {  	s3 =	ssub.s32 $0x0, s20;
	[sflag:s22] =	ssyncset.done $0x0  }
0xa0: {  	[sflag:s22] =	ssyncadd.s32 s3;
	_ =	sdelay $0x1  }
0xa1: {  	s23 =	simm.s32 $0x1B8B  }
0xa2: {  	_ =	swait.ge [sflag:s23], $0x1  }
0xa3: {  	[sflag:s23] =	ssyncset.done $0x0  }
0xa4: {  	s25 =	simm.s32 $0x1B8E;
	s24 =	sld [smem:$0x3FFE];
	[sflag:s23] =	ssyncadd.s32 $0xFFFFFFFF  }
0xa5: {  	s26 =	simm.s32 $execute0_lowered;
	[smem:$0x3FD2] =	sst s25  }
0xa6: {  	s4 =	sshll.u32 s26, $0x1;
	_ =	strace $0x80000046;
	[dreg:$0x1] =	wrdreg $0xFFFFFFFF  }
0xa7: {  	s28 =	simm.s32 $_size_execute0_lowered;
	s2 =	sadd.s32 s2, s4;
	[dreg:$0x0] =	wrdreg $0x0  }
0xa8: {  	s4 =	sshll.u32 s28, $0x1;
	[dreg:$0x2] =	wrdreg s2  }
0xa9: {  	[dreg:$0x3] =	wrdreg s4  }
0xaa: {  	[dreg:$0x4] =	wrdreg $0xC0  }
0xab: {  	_ =	task [dreg:s6], $0x5FFFF  }
0xac: {  	[dreg:$0x1] =	wrdreg $0xFFFFFFFF  }
0xad: {  	[dreg:$0x0] =	wrdreg $0x60  }
0xae: {  	[dreg:$0x2] =	wrdreg s24  }
0xaf: {  	[dreg:$0x3] =	wrdreg $0x9  }
0xb0: {  	_ =	task.clear_ibuf [dreg:s6], $0x4FFFF;
	_ =	strace $0x90000046  }
0xb1: {  	s29 =	simm.s32 $0x9;
	_ =	strace $0x80000048  }
0xb2: {  	_ =	swait.ge [sflag:s29], $0x1  }
0xb3: {  	[sflag:s29] =	ssyncadd.s32 $0xFFFFFFFF  }
0xb4: {  	_ =	strace $0x90000048  }
0xb5: {  	_ =	sfence  }
0xb6: {  	s30 =	sld [smem:$0x0];
	_ =	sdelay $0x2  }
0xb7: {  	s31 =	sshll.u32 s1, $0xD;
	s1 =	sshrl.u32 s1, $0x2  }
0xb8: {  	s3 =	sand.u32 $0x4000, s31;
	s1 =	sadd.s32 s1, s30  }
0xb9: {  	s0 =	sor.u32 s3, s0;
	s1 =	sshll.u32 s1, $0x11  }
0xba: {  	s0 =	sor.u32 s1, s0  }
0xbb: {  	s0 =	sadd.s32 $0x8F2B, s0  }
0xbc: {  	[sflag:s0] =	ssyncadd.remote.s32 $0x1  }
0xbd: {  	_ =	sfence.sel $0xFFFF  }
0xbe: {  	[dreg:$0x0] =	wrdreg $0xFFFFFFFF;
	(pc) =	sbr.abs _section_cstart, $3  }
0xbf: {  	[dreg:$0x1] =	wrdreg $0xFFFFFFFF  }
0xc0: {  	_ =	task.clear_ibuf [dreg:s6], $0x2FFFF;
	_ =	strace $0x9FFFFFFF  }
0xc1: {  	(tm) =	ssettm $0x7FFFFFFF  }
tec
execute0_lowered:
.L_overlay_start_1:
0x0: {  	(tag) =	ssettag $0x1  }
0x1: {  	s4 =	rddreg [dreg:$0x0]  }
0x2: {  	s0 =	rddreg [dreg:$0x1];
	s2 =	simm.s32 $0x0;
	s3 =	srdreg.scid  }
0x3: {  	s1 =	stileid.u32;
	s10 =	simm.s32 $0x1080;
	s11 =	simm.s32 $0x1880  }
0x4: {  	s12 =	simm.s32 $0x2080;
	s13 =	simm.s32 $0x2880;
	s14 =	simm.s32 $0x3080  }
0x5: {  	s15 =	simm.s32 $0x3880;
	s16 =	simm.s32 $0x4080;
	s17 =	simm.s32 $0x4880  }
0x6: {  	s18 =	simm.s32 $0x5080;
	s19 =	simm.s32 $0x5880;
	s20 =	simm.s32 $0x6080  }
0x7: {  	s21 =	simm.s32 $0x6880;
	s22 =	simm.s32 $0x7080;
	s23 =	simm.s32 $0x7880  }
0x8: {  	s24 =	simm.s32 $0x1;
	s25 =	simm.s32 $0x0;
	[smem:$0x7FF] =	sst s2  }
0x9: {  	s5 =	sand.u32 $0x1, s3;
	s6 =	sshll.u32 s1, $0xD;
	s3 =	sadd.s32 $0x7A00, s4  }
0xa: {  	s8 =	sshll.u32 s1, $0x12;
	_ =	strace $0x80000047;
	s7 =	sshll.u32 s5, $0xC  }
0xb: {  	s31 =	ssub.s32 $0x2, s5;
	s8 =	sadd.s32 s8, s4;
	s5 =	sshll.u32 s5, $0x11  }
0xc: {  	s6 =	sor.u32 s7, s6;
	s9 =	sshrl.u32 s31, $0x1;
	s5 =	sadd.s32 s5, s8  }
0xd: {  	v2 =	vlaneseq.u32;
	s8 =	simm.s32 $0x80;
	s6 =	sshrl.u32 s6, $0x3;
	s7 =	ssub.s32 s31, s9  }
0xe: {  	vm0 =	vmmov $0xffff;
	v1 =	vshrl.u32 v2, $0x3;
	s5 =	sadd.s32 $0x54BA00, s5;
	s9 =	simm.s32 $0x880;
	s6 =	sadd.s32 s6, s4  }
0xf: {  	v0 =	vand.u32 $0x7, v2;
	v2 =	vor.u32 $0x8, v2;
	v1 =	vmul.u32 $0x8, v1;
	s4 =	smax.u32 s7, $0x1;
	s7 =	simm.s32 $0x2;
	s6 =	sadd.s32 $0x547A00, s6  }
.LBB2_1:
0x10: {  	s26 =	smov.u32 s5;
	s28 =	simm.s32 $0x0  }
.LBB2_2:
0x11: {  	s29 =	sadd.s32 s28, s6  }
0x12: {  	[tilespmem:s2], [sflag:$0x2] =	stream.linear.gather [hbm4b:s29+s2], $0x80, $0x38;
	[tilespmem:$0x8080] =	vst v63  }
0x13: {  	_ =	swait.ge [sflag:s7], $0x80  }
0x14: {  	[sflag:s7] =	ssyncset.done $0x0  }
0x15: {  	[sflag:s7] =	ssyncadd.s32 $0xFFFFFF80  }
0x16: {  	v3 =	vld [tilespmem:$0x0];
	_ =	sdelay $0x4  }
0x17: {  	v4 =	vshll.u32 v3, $0x1  }
0x18: {  	v3 =	vand.u32 $0x7, v3;
	v4 =	vand.u32 $0xFFFFFFF0, v4  }
0x19: {  	v3 =	vor.u32 v3, v4  }
0x1a: {  	v4 =	vperm.xlane v3, v0;
	_ =	sdelay $0x1  }
0x1b: {  	v3 =	vperm.xlane v3, v2;
	v4 =	vadd.s32 v1, v4;
	_ =	sdelay $0x1  }
0x1c: {  	v3 =	vadd.s32 v1, v3;
	_ =	sdelay $0x2  }
0x1d: {  	[tilespmem:s8], [sflag:$0x1] =	stream.indirect_vreg.gather [hbm4b:s3+s2], $0x80, v4, vm0, $0xb8;
	[tilespmem:$0x8080] =	vst v63  }
0x1e: {  	_ = 	snop  }
0x1f: {  	[tilespmem:s9], [sflag:$0x1] =	stream.indirect_vreg.gather [hbm4b:s3+s2], $0x80, v3, vm0, $0xb8;
	[tilespmem:$0x8080] =	vst v63  }
0x20: {  	v3 =	vld [tilespmem:$0x10];
	_ =	sdelay $0x4  }
0x21: {  	v57 =	vshll.u32 v3, $0x1  }
0x22: {  	v3 =	vand.u32 $0x7, v3;
	v4 =	vand.u32 $0xFFFFFFF0, v57  }
0x23: {  	v3 =	vor.u32 v3, v4  }
0x24: {  	v4 =	vperm.xlane v3, v0;
	_ =	sdelay $0x1  }
0x25: {  	v3 =	vperm.xlane v3, v2;
	v4 =	vadd.s32 v1, v4;
	_ =	sdelay $0x1  }
0x26: {  	v3 =	vadd.s32 v1, v3;
	_ =	sdelay $0x2  }
0x27: {  	[tilespmem:s10], [sflag:$0x1] =	stream.indirect_vreg.gather [hbm4b:s3+s2], $0x80, v4, vm0, $0xb8;
	[tilespmem:$0x8080] =	vst v63  }
0x28: {  	_ = 	snop  }
0x29: {  	[tilespmem:s11], [sflag:$0x1] =	stream.indirect_vreg.gather [hbm4b:s3+s2], $0x80, v3, vm0, $0xb8;
	[tilespmem:$0x8080] =	vst v63  }
0x2a: {  	v3 =	vld [tilespmem:$0x20];
	_ =	sdelay $0x4  }
0x2b: {  	v58 =	vshll.u32 v3, $0x1  }
0x2c: {  	v3 =	vand.u32 $0x7, v3;
	v4 =	vand.u32 $0xFFFFFFF0, v58  }
0x2d: {  	v3 =	vor.u32 v3, v4  }
0x2e: {  	v4 =	vperm.xlane v3, v0;
	_ =	sdelay $0x1  }
0x2f: {  	v3 =	vperm.xlane v3, v2;
	v4 =	vadd.s32 v1, v4;
	_ =	sdelay $0x1  }
0x30: {  	v3 =	vadd.s32 v1, v3;
	_ =	sdelay $0x2  }
0x31: {  	[tilespmem:s12], [sflag:$0x1] =	stream.indirect_vreg.gather [hbm4b:s3+s2], $0x80, v4, vm0, $0xb8;
	[tilespmem:$0x8080] =	vst v63  }
0x32: {  	_ = 	snop  }
0x33: {  	[tilespmem:s13], [sflag:$0x1] =	stream.indirect_vreg.gather [hbm4b:s3+s2], $0x80, v3, vm0, $0xb8;
	[tilespmem:$0x8080] =	vst v63  }
0x34: {  	v3 =	vld [tilespmem:$0x30];
	_ =	sdelay $0x4  }
0x35: {  	v59 =	vshll.u32 v3, $0x1  }
0x36: {  	v3 =	vand.u32 $0x7, v3;
	v4 =	vand.u32 $0xFFFFFFF0, v59  }
0x37: {  	v3 =	vor.u32 v3, v4  }
0x38: {  	v4 =	vperm.xlane v3, v0;
	_ =	sdelay $0x1  }
0x39: {  	v3 =	vperm.xlane v3, v2;
	v4 =	vadd.s32 v1, v4;
	_ =	sdelay $0x1  }
0x3a: {  	v3 =	vadd.s32 v1, v3;
	_ =	sdelay $0x2  }
0x3b: {  	[tilespmem:s14], [sflag:$0x1] =	stream.indirect_vreg.gather [hbm4b:s3+s2], $0x80, v4, vm0, $0xb8;
	[tilespmem:$0x8080] =	vst v63  }
0x3c: {  	_ = 	snop  }
0x3d: {  	[tilespmem:s15], [sflag:$0x1] =	stream.indirect_vreg.gather [hbm4b:s3+s2], $0x80, v3, vm0, $0xb8;
	[tilespmem:$0x8080] =	vst v63  }
0x3e: {  	v3 =	vld [tilespmem:$0x40];
	_ =	sdelay $0x4  }
0x3f: {  	v60 =	vshll.u32 v3, $0x1  }
0x40: {  	v3 =	vand.u32 $0x7, v3;
	v4 =	vand.u32 $0xFFFFFFF0, v60  }
0x41: {  	v3 =	vor.u32 v3, v4  }
0x42: {  	v4 =	vperm.xlane v3, v0;
	_ =	sdelay $0x1  }
0x43: {  	v3 =	vperm.xlane v3, v2;
	v4 =	vadd.s32 v1, v4;
	_ =	sdelay $0x1  }
0x44: {  	v3 =	vadd.s32 v1, v3;
	_ =	sdelay $0x2  }
0x45: {  	[tilespmem:s16], [sflag:$0x1] =	stream.indirect_vreg.gather [hbm4b:s3+s2], $0x80, v4, vm0, $0xb8;
	[tilespmem:$0x8080] =	vst v63  }
0x46: {  	_ = 	snop  }
0x47: {  	[tilespmem:s17], [sflag:$0x1] =	stream.indirect_vreg.gather [hbm4b:s3+s2], $0x80, v3, vm0, $0xb8;
	[tilespmem:$0x8080] =	vst v63  }
0x48: {  	v3 =	vld [tilespmem:$0x50];
	_ =	sdelay $0x4  }
0x49: {  	v61 =	vshll.u32 v3, $0x1  }
0x4a: {  	v3 =	vand.u32 $0x7, v3;
	v4 =	vand.u32 $0xFFFFFFF0, v61  }
0x4b: {  	v3 =	vor.u32 v3, v4  }
0x4c: {  	v4 =	vperm.xlane v3, v0;
	_ =	sdelay $0x1  }
0x4d: {  	v3 =	vperm.xlane v3, v2;
	v4 =	vadd.s32 v1, v4;
	_ =	sdelay $0x1  }
0x4e: {  	v3 =	vadd.s32 v1, v3;
	_ =	sdelay $0x2  }
0x4f: {  	[tilespmem:s18], [sflag:$0x1] =	stream.indirect_vreg.gather [hbm4b:s3+s2], $0x80, v4, vm0, $0xb8;
	[tilespmem:$0x8080] =	vst v63  }
0x50: {  	_ = 	snop  }
0x51: {  	[tilespmem:s19], [sflag:$0x1] =	stream.indirect_vreg.gather [hbm4b:s3+s2], $0x80, v3, vm0, $0xb8;
	[tilespmem:$0x8080] =	vst v63  }
0x52: {  	v3 =	vld [tilespmem:$0x60];
	_ =	sdelay $0x4  }
0x53: {  	v62 =	vshll.u32 v3, $0x1  }
0x54: {  	v3 =	vand.u32 $0x7, v3;
	v4 =	vand.u32 $0xFFFFFFF0, v62  }
0x55: {  	v3 =	vor.u32 v3, v4  }
0x56: {  	v4 =	vperm.xlane v3, v0;
	_ =	sdelay $0x1  }
0x57: {  	v3 =	vperm.xlane v3, v2;
	v4 =	vadd.s32 v1, v4;
	_ =	sdelay $0x1  }
0x58: {  	v3 =	vadd.s32 v1, v3;
	_ =	sdelay $0x2  }
0x59: {  	[tilespmem:s20], [sflag:$0x1] =	stream.indirect_vreg.gather [hbm4b:s3+s2], $0x80, v4, vm0, $0xb8;
	[tilespmem:$0x8080] =	vst v63  }
0x5a: {  	_ = 	snop  }
0x5b: {  	[tilespmem:s21], [sflag:$0x1] =	stream.indirect_vreg.gather [hbm4b:s3+s2], $0x80, v3, vm0, $0xb8;
	[tilespmem:$0x8080] =	vst v63  }
0x5c: {  	v3 =	vld [tilespmem:$0x70];
	_ =	sdelay $0x4  }
0x5d: {  	v63 =	vshll.u32 v3, $0x1  }
0x5e: {  	v3 =	vand.u32 $0x7, v3;
	v4 =	vand.u32 $0xFFFFFFF0, v63  }
0x5f: {  	v3 =	vor.u32 v3, v4  }
0x60: {  	v4 =	vperm.xlane v3, v0;
	_ =	sdelay $0x1  }
0x61: {  	v3 =	vperm.xlane v3, v2;
	v4 =	vadd.s32 v1, v4;
	_ =	sdelay $0x1  }
0x62: {  	v3 =	vadd.s32 v1, v3;
	_ =	sdelay $0x2  }
0x63: {  	[tilespmem:s22], [sflag:$0x1] =	stream.indirect_vreg.gather [hbm4b:s3+s2], $0x80, v4, vm0, $0xb8;
	[tilespmem:$0x8080] =	vst v63  }
0x64: {  	_ = 	snop  }
0x65: {  	[tilespmem:s23], [sflag:$0x1] =	stream.indirect_vreg.gather [hbm4b:s3+s2], $0x80, v3, vm0, $0xb8;
	[tilespmem:$0x8080] =	vst v63  }
0x66: {  	_ =	swait.ge [sflag:s24], $0x8000  }
0x67: {  	p0 =	sne.s32 s28, $0x1F0;
	[sflag:s24] =	ssyncset.done $0x0  }
.Ltmp0:
0x68: {  	[sflag:s24] =	ssyncadd.s32 $0xFFFF8000;
	(pc) =	sbr.rel @p0 .LBB2_2-.Ltmp0, $4  }
0x69: {  	[hbm4b:s26+s2] =	stream.linear.scatter [tilespmem:s8], [sflag:$0x2], $0x8000, $0x38;
	[tilespmem:$0x8080] =	vst v63  }
0x6a: {  	_ =	swait.ge [sflag:s7], $0x8000  }
0x6b: {  	[sflag:s7] =	ssyncset.done $0x0  }
0x6c: {  	s28 =	sadd.s32 $0x10, s28;
	s26 =	sadd.s32 $0x1000, s26;
	[sflag:s7] =	ssyncadd.s32 $0xFFFF8000  }
0x6d: {  	s25 =	sadd.s32 $0x1, s25  }
0x6e: {  	p0 =	sne.s32 s25, s4  }
.Ltmp1:
0x6f: {  	_ = 	snop;
	(pc) =	sbr.rel @p0 .LBB2_1-.Ltmp1, $1  }
0x70: {  	_ =	sdelay $0x3  }
0x71: {  	_ =	sfence.sel $0x180000  }
0x72: {  	[bflag:$0x0] =	sbarrier.arrive $0xFFFF  }
0x73: {  	p0 =	sne.s32 s1, $0x0;
	_ =	strace $0x90000047  }
0x74: {  	s0 =	sadd.s32 @!p0 $0x100000, s0;
	[bflag:$0x2] =	sbarrier.arrive $0xFFFF  }
0x75: {  	[sflag:s0] =	ssyncadd.tile.s32 @!p0 $0x1;
	_ =	shalt  }
.Lfunc_end2:
_tile_overlayer_lowered:
.L_overlay_start_2:
0x76: {  	(tag) =	ssettag $0x2  }
0x77: {  	s0 =	rddreg [dreg:$0x0];
	s2 =	stileid.u32  }
0x78: {  	s1 =	rddreg [dreg:$0x1];
	p0 =	sne.s32 s2, $0x0  }
0x79: {  	s3 =	rddreg [dreg:$0x2];
	[bflag:$0x3] =	sbarrier.arrive $0xFFFF;
	s2 =	simm.s32 @!p0 $0x1C02  }
0x7a: {  	[timem:s3], [sflag:s2] =	dma.local @!p0 [hbm:s0], s1  }
0x7b: {  	s0 =	simm.s32 @!p0 $0x2  }
0x7c: {  	_ =	swait.ge @!p0 [sflag:s0], s1  }
0x7d: {  	s1 =	ssub.s32 @!p0 $0x0, s1;
	[sflag:s0] =	ssyncset.done @!p0 $0x0  }
0x7e: {  	[sflag:s0] =	ssyncadd.s32 @!p0 s1  }
0x7f: {  	[bflag:$0x3] =	sbarrier.arrive $0xFFFF  }
0x80: {  	_ =	shalt  }

</sc_bundles>
